<compile_context>
chip_gen: v7x
topology: tpu7x:2x2x1
jax: 0.10.2.dev20260603
libtpu: 0.0.44.dev20260713+nightly
codegen_flags: <defaults>
</compile_context>

<pallas_src>
import jax
import jax.numpy as jnp
from jax import lax
from jax.experimental import pallas as pl
from jax.experimental.pallas import tpu as pltpu
from jax.experimental.pallas import tpu_sc as plsc

B, L, D, V, NB = 4096, 50, 128, 100000, 512
NC, NS = 2, 16
NW = NC * NS
BPW = B // NW
FLATW = BPW * L
BLK = 128
NBLK = FLATW // BLK
LANES = 16
DC = D // LANES
HW = LANES * NB


def _sread(ref, i, iota16):
    g = plsc.load_gather(ref, [jnp.full((LANES,), i, jnp.int32)])
    return jnp.sum(jnp.where(iota16 == 0, g, 0))


def _pool_kernel(arr_hbm, gt_hbm, gs_out, hist_out,
                 idg_lin, ide_lin, vali_lin, cidx, scnt, bbuf0, bbuf1,
                 bbuf2, bbuf3, sums_v, hbuf, semg, seme, semg2, seme2, semh):
    wid = lax.axis_index("s") * NC + lax.axis_index("c")
    base = wid * FLATW
    iota16 = lax.iota(jnp.int32, LANES)

    pltpu.sync_copy(arr_hbm.at[pl.ds(base, FLATW)], idg_lin)
    pltpu.sync_copy(arr_hbm.at[pl.ds(B * L + base, FLATW)], ide_lin)
    pltpu.sync_copy(arr_hbm.at[pl.ds(2 * B * L + base, FLATW)], vali_lin)

    def compact_body(k, pos):
        sl = pl.ds(k * LANES, LANES)
        cidx[sl] = k * LANES + iota16
        m = vali_lin[sl] != 0
        mi = m.astype(jnp.int32)
        excl = plsc.cumsum(mi) - mi
        plsc.store_scatter(cidx, [excl + pos], idg_lin[sl], mask=m)
        return pos + jnp.sum(mi)
    nc = lax.fori_loop(0, FLATW // LANES, compact_body, jnp.int32(0))

    BUFS = (bbuf0, bbuf1, bbuf2, bbuf3)
    SEMS = (semg, seme, semg2, seme2)

    def fire(blk, b):
        buf, sem = BUFS[b], SEMS[b]
        @pl.when(blk * BLK < nc)
        def _():
            pltpu.async_copy(gt_hbm.at[cidx.at[pl.ds(blk * BLK, BLK)]],
                             buf, sem)

    def drain(blk, b):
        buf, sem = BUFS[b], SEMS[b]
        @pl.when(blk * BLK < nc)
        def _():
            pltpu.make_async_copy(gt_hbm.at[cidx.at[pl.ds(blk * BLK, BLK)]],
                                  buf, sem).wait()

    for _b in range(4):
        fire(_b, _b)

    rbase = jnp.int32(0)
    for bc in range(BPW // LANES):
        bvec50 = (iota16 + bc * LANES) * L
        def cnt_body(l, cnt):
            return cnt + plsc.load_gather(vali_lin, [bvec50 + l])
        cnt = lax.fori_loop(0, L, cnt_body, jnp.zeros((LANES,), jnp.int32))
        excl = plsc.cumsum(cnt) - cnt
        scnt[pl.ds(bc * LANES, LANES)] = excl + rbase
        rbase = rbase + jnp.sum(cnt)
    scnt[pl.ds(BPW, LANES)] = jnp.full((LANES,), rbase, jnp.int32)

    zero16 = jnp.zeros((LANES,), jnp.float32)
    lanebase = iota16 * D
    for bc in range(BPW // LANES):
        pb = bc % 2
        hrow = hbuf.at[pl.ds(pb * HW, HW)]
        if bc >= 2:
            for j in range(NB // D):
                hb = j * (B * D) + (wid * BPW + (bc - 2) * LANES) * D
                pltpu.make_async_copy(
                    hbuf.at[pl.ds(pb * HW + j * (LANES * D), LANES * D)],
                    hist_out.at[pl.ds(hb, LANES * D)], semh).wait()
        def zero_body(k, carry):
            for u in range(8):
                hrow[pl.ds((k * 8 + u) * LANES, LANES)] = zero16
            return carry
        lax.fori_loop(0, HW // (8 * LANES), zero_body, 0)
        bvec50 = (iota16 + bc * LANES) * L
        def fill_body(l, carry):
            bins = plsc.load_gather(ide_lin, [bvec50 + l])
            vals = plsc.load_gather(vali_lin, [bvec50 + l]).astype(jnp.float32)
            j = lax.shift_right_logical(bins, 7)
            rem = lax.bitwise_and(bins, jnp.int32(127))
            plsc.addupdate_scatter(hrow, [j * (LANES * D) + lanebase + rem],
                                   vals)
            return carry
        lax.fori_loop(0, L, fill_body, 0)
        for j in range(NB // D):
            hb = j * (B * D) + (wid * BPW + bc * LANES) * D
            pltpu.async_copy(
                hbuf.at[pl.ds(pb * HW + j * (LANES * D), LANES * D)],
                hist_out.at[pl.ds(hb, LANES * D)], semh)
    for bc in (BPW // LANES - 2, BPW // LANES - 1):
        for j in range(NB // D):
            hb = j * (B * D) + (wid * BPW + bc * LANES) * D
            pltpu.make_async_copy(
                hbuf.at[pl.ds((bc % 2) * HW + j * (LANES * D), LANES * D)],
                hist_out.at[pl.ds(hb, LANES * D)], semh).wait()

    def zs_body(r, carry):
        for dc in range(DC):
            sums_v[r, pl.ds(dc * LANES, LANES)] = zero16
        return carry
    lax.fori_loop(0, BPW, zs_body, 0)

    zeros8 = tuple(jnp.zeros((LANES,), jnp.float32) for _ in range(DC))

    def pair_body(fbp, st):
        for b in (0, 1, 2, 3):
            fb = fbp * 4 + b
            buf = BUFS[b]
            drain(fb, b)
            blockend = jnp.minimum((fb + 1) * BLK, nc)
            fb0 = fb * BLK

            def wcond(s):
                return s[1] < blockend

            def wbody(s):
                r, p = s
                e_r = _sread(scnt, r + 1, iota16)
                pe = jnp.minimum(e_r, blockend)
                off0 = p - fb0

                def abody(i, accs):
                    return tuple(
                        accs[dc] + buf[off0 + i, pl.ds(dc * LANES, LANES)]
                        for dc in range(DC))
                accs = lax.fori_loop(0, pe - p, abody, zeros8)
                for dc in range(DC):
                    sl = pl.ds(dc * LANES, LANES)
                    sums_v[r, sl] = sums_v[r, sl] + accs[dc]
                return (jnp.where(pe == e_r, r + 1, r), pe)

            st = lax.while_loop(wcond, wbody, st)
            fire(fb + 4, b)
        return st
    st = lax.fori_loop(0, NBLK // 4, pair_body,
                       (jnp.int32(0), jnp.int32(0)))
    for b in range(NBLK % 4):
        fb = (NBLK // 4) * 4 + b
        buf = BUFS[b]
        drain(fb, b)
        blockend = jnp.minimum((fb + 1) * BLK, nc)
        fb0 = fb * BLK

        def wcond2(s):
            return s[1] < blockend

        def wbody2(s):
            r, p = s
            e_r = _sread(scnt, r + 1, iota16)
            pe = jnp.minimum(e_r, blockend)
            off0 = p - fb0

            def abody2(i, accs):
                return tuple(
                    accs[dc] + buf[off0 + i, pl.ds(dc * LANES, LANES)]
                    for dc in range(DC))
            accs = lax.fori_loop(0, pe - p, abody2, zeros8)
            for dc in range(DC):
                sl = pl.ds(dc * LANES, LANES)
                sums_v[r, sl] = sums_v[r, sl] + accs[dc]
            return (jnp.where(pe == e_r, r + 1, r), pe)

        st = lax.while_loop(wcond2, wbody2, st)

    pltpu.sync_copy(sums_v, gs_out.at[pl.ds(wid * BPW, BPW)])


@jax.jit
def _sc_gather_hist(arr, gene_table):
    mesh = plsc.VectorSubcoreMesh(core_axis_name="c", subcore_axis_name="s",
                                  num_cores=NC, num_subcores=NS)
    return pl.kernel(
        _pool_kernel,
        out_type=(jax.ShapeDtypeStruct((B, D), jnp.float32),
                  jax.ShapeDtypeStruct((B * NB,), jnp.float32)),
        mesh=mesh,
        scratch_types=[
            pltpu.VMEM((FLATW,), jnp.int32),
            pltpu.VMEM((FLATW,), jnp.int32),
            pltpu.VMEM((FLATW,), jnp.int32),
            pltpu.VMEM((FLATW,), jnp.int32),
            pltpu.VMEM((BPW + LANES,), jnp.int32),
            pltpu.VMEM((BLK, D), jnp.float32),
            pltpu.VMEM((BLK, D), jnp.float32),
            pltpu.VMEM((BLK, D), jnp.float32),
            pltpu.VMEM((BLK, D), jnp.float32),
            pltpu.VMEM((BPW, D), jnp.float32),
            pltpu.VMEM((2 * HW,), jnp.float32),
            pltpu.SemaphoreType.DMA,
            pltpu.SemaphoreType.DMA,
            pltpu.SemaphoreType.DMA,
            pltpu.SemaphoreType.DMA,
            pltpu.SemaphoreType.DMA,
        ],
        compiler_params=pltpu.CompilerParams(needs_layout_passes=False),
    )(arr, gene_table)


RB = 512


def _combine_body(gs_ref, h_ref, et_ref, o_ref):
    h3 = h_ref[...]
    cnt = jnp.sum(h3, axis=(0, 2))[:, None]
    acc = gs_ref[...]
    for j in range(NB // D):
        acc = acc + lax.dot_general(
            h3[j], et_ref[pl.ds(j * D, D), :],
            (((1,), (0,)), ((), ())), preferred_element_type=jnp.float32)
    o_ref[...] = acc / jnp.maximum(cnt, 1.0)


@jax.jit
def _tc_combine(gs, histf, expr_table):
    hist3 = histf.reshape(NB // D, B, D)
    return pl.pallas_call(
        _combine_body,
        out_shape=jax.ShapeDtypeStruct((B, D), jnp.float32),
        grid=(B // RB,),
        in_specs=[
            pl.BlockSpec((RB, D), lambda i: (i, 0)),
            pl.BlockSpec((NB // D, RB, D), lambda i: (0, i, 0)),
            pl.BlockSpec((NB, D), lambda i: (0, 0)),
        ],
        out_specs=pl.BlockSpec((RB, D), lambda i: (i, 0)),
    )(gs, hist3, expr_table)


def kernel(identity_inputs, expression_inputs, attention_mask, gene_table,
           expr_table):
    arr = jnp.concatenate([
        identity_inputs.astype(jnp.int32).reshape(-1),
        expression_inputs.astype(jnp.int32).reshape(-1),
        (~attention_mask).astype(jnp.int32).reshape(-1),
    ])
    gs, histf = _sc_gather_hist(arr, gene_table.astype(jnp.float32))
    return _tc_combine(gs, histf, expr_table.astype(jnp.float32))

# --- scband reference (transcript-rebuilt; emitter-appended) ---
"""Pipeline reference for scband-heimdall-linear-73469710565723 (READ-ONLY COPY).

The authoritative reference and input builder live on the scoring server;
editing this copy changes nothing except your own understanding.
"""

import jax, jax.numpy as jnp
import numpy as np

B, L, D, V, NB = 4096, 50, 128, 100000, 512

def setup_inputs(seed: int = 0) -> dict:
    key = jax.random.key(seed)
    k1, k2, k3, k4, k5 = jax.random.split(key, 5)
    identity_inputs = jax.random.randint(k1, (B, L), 0, V, dtype=jnp.int64) if jax.config.jax_enable_x64 else jax.random.randint(k1, (B, L), 0, V)
    expression_inputs = jax.random.randint(k2, (B, L), 0, NB)
    attention_mask = jax.random.randint(k3, (B, L), 0, 2).astype(bool)
    gene_table = jax.random.normal(k4, (V, D), dtype=jnp.float32) * 0.02
    expr_table = jax.random.normal(k5, (NB, D), dtype=jnp.float32) * 0.02
    return {
        "identity_inputs": identity_inputs,
        "expression_inputs": expression_inputs,
        "attention_mask": attention_mask,
        "gene_table": gene_table,
        "expr_table": expr_table,
    }

def reference(identity_inputs, expression_inputs, attention_mask, gene_table, expr_table):
    # fc.reduce: sum of gene-identity embedding lookup and expression-bin embedding lookup
    input_embeds = jnp.take(gene_table, identity_inputs, axis=0) + jnp.take(expr_table, expression_inputs, axis=0)
    # pos_enc == 'NONE' -> no positional embeddings added
    # HeimdallSimpleLinearEncoder.forward: masked mean pooling over the sequence dim
    valid_mask = ~attention_mask                      # True where attention should be used
    expanded_mask = valid_mask[..., None]             # [B, L, 1]
    masked_embeds = input_embeds * expanded_mask      # zero out padded positions
    sum_embeds = masked_embeds.sum(axis=1)            # [B, D]
    valid_counts = expanded_mask.sum(axis=1)          # [B, 1] int
    valid_counts = jnp.clip(valid_counts, 1, None).astype(jnp.float32)
    masked_avg = sum_embeds / valid_counts            # [B, D]
    return masked_avg

if __name__ == "__main__":
    import jax
    _d = setup_inputs()
    print(jax.jit(kernel)(*tuple(_d.values())))

</pallas_src>

<mosaic_0001>
#map = affine_map<(d0, d1) -> (0)>
#map1 = affine_map<(d0, d1) -> (0, 0)>
module attributes {stable_mosaic.version = 14 : i64} {
  func.func @_pool_kernel(%arg0: i32, %arg1: i32, %arg2: memref<614400xi32, #tpu.memory_space<hbm>>, %arg3: memref<100000x128xf32, #tpu.memory_space<hbm>>, %arg4: memref<4096x128xf32, #tpu.memory_space<hbm>>, %arg5: memref<2097152xf32, #tpu.memory_space<hbm>>, %arg6: memref<6400xi32, #tpu.memory_space<vmem>>, %arg7: memref<6400xi32, #tpu.memory_space<vmem>>, %arg8: memref<6400xi32, #tpu.memory_space<vmem>>, %arg9: memref<6400xi32, #tpu.memory_space<vmem>>, %arg10: memref<144xi32, #tpu.memory_space<vmem>>, %arg11: memref<128x128xf32, #tpu.memory_space<vmem>>, %arg12: memref<128x128xf32, #tpu.memory_space<vmem>>, %arg13: memref<128x128xf32, #tpu.memory_space<vmem>>, %arg14: memref<128x128xf32, #tpu.memory_space<vmem>>, %arg15: memref<128x128xf32, #tpu.memory_space<vmem>>, %arg16: memref<16384xf32, #tpu.memory_space<vmem>>, %arg17: memref<!tpu.dma_semaphore, #tpu.memory_space<semaphore_mem>>, %arg18: memref<!tpu.dma_semaphore, #tpu.memory_space<semaphore_mem>>, %arg19: memref<!tpu.dma_semaphore, #tpu.memory_space<semaphore_mem>>, %arg20: memref<!tpu.dma_semaphore, #tpu.memory_space<semaphore_mem>>, %arg21: memref<!tpu.dma_semaphore, #tpu.memory_space<semaphore_mem>>) attributes {dimension_semantics = [#tpu.dimension_semantics<core_parallel>, #tpu.dimension_semantics<subcore_parallel>], iteration_bounds = array<i64: 2, 16>, scalar_prefetch = 0 : i64, scratch_operands = 16 : i64, tpu.core_type = #tpu.core_type<sc_vector_subcore>, window_params = [{transform_indices = #map}, {transform_indices = #map1}, {transform_indices = #map1}, {transform_indices = #map}]} {
    %mul3A = arith.constant 2 : i32
    %mul3A_0 = arith.muli %arg1, %mul3A : i32
    %add3A = arith.addi %mul3A_0, %arg0 : i32
    %mul3A_1 = arith.constant 6400 : i32
    %mul3A_2 = arith.muli %add3A, %mul3A_1 : i32
    %iota3A = tpu.iota {dimensions = array<i32: 0>} : vector<16xi32>
    "tpu.region"() ({
      %run_scoped3A = tpu.sem_alloc : memref<!tpu.dma_semaphore, #tpu.memory_space<semaphore_mem>>
      %dma_start3A_1335 = tpu.memref_slice %arg2[%mul3A_2] : memref<614400xi32, #tpu.memory_space<hbm>> -> memref<6400xi32, #tpu.memory_space<hbm>>
      %dma_start3A_1336 = tpu.memref_slice %arg2[%mul3A_2] : memref<614400xi32, #tpu.memory_space<hbm>> -> memref<6400xi32, #tpu.memory_space<hbm>>
      tpu.enqueue_dma source(%dma_start3A_1336 : memref<6400xi32, #tpu.memory_space<hbm>>) target(%arg6 : memref<6400xi32, #tpu.memory_space<vmem>>) target_semaphore(%run_scoped3A : memref<!tpu.dma_semaphore, #tpu.memory_space<semaphore_mem>>)
      %dma_wait3A_1337 = tpu.memref_slice %arg2[%mul3A_2] : memref<614400xi32, #tpu.memory_space<hbm>> -> memref<6400xi32, #tpu.memory_space<hbm>>
      %dma_wait3A_1338 = tpu.memref_slice %arg2[%mul3A_2] : memref<614400xi32, #tpu.memory_space<hbm>> -> memref<6400xi32, #tpu.memory_space<hbm>>
      tpu.wait_dma2 semaphore(%run_scoped3A : memref<!tpu.dma_semaphore, #tpu.memory_space<semaphore_mem>>) src(%dma_wait3A_1338 : memref<6400xi32, #tpu.memory_space<hbm>>) dst(%arg6 : memref<6400xi32, #tpu.memory_space<vmem>>)
      tpu.yield
    }) : () -> ()
    %add3A_3 = arith.constant 204800 : i32
    %add3A_4 = arith.addi %add3A_3, %mul3A_2 : i32
    "tpu.region"() ({
      %run_scoped3A = tpu.sem_alloc : memref<!tpu.dma_semaphore, #tpu.memory_space<semaphore_mem>>
      %dma_start3A_1335 = tpu.memref_slice %arg2[%add3A_4] : memref<614400xi32, #tpu.memory_space<hbm>> -> memref<6400xi32, #tpu.memory_space<hbm>>
      %dma_start3A_1336 = tpu.memref_slice %arg2[%add3A_4] : memref<614400xi32, #tpu.memory_space<hbm>> -> memref<6400xi32, #tpu.memory_space<hbm>>
      tpu.enqueue_dma source(%dma_start3A_1336 : memref<6400xi32, #tpu.memory_space<hbm>>) target(%arg7 : memref<6400xi32, #tpu.memory_space<vmem>>) target_semaphore(%run_scoped3A : memref<!tpu.dma_semaphore, #tpu.memory_space<semaphore_mem>>)
      %dma_wait3A_1337 = tpu.memref_slice %arg2[%add3A_4] : memref<614400xi32, #tpu.memory_space<hbm>> -> memref<6400xi32, #tpu.memory_space<hbm>>
      %dma_wait3A_1338 = tpu.memref_slice %arg2[%add3A_4] : memref<614400xi32, #tpu.memory_space<hbm>> -> memref<6400xi32, #tpu.memory_space<hbm>>
      tpu.wait_dma2 semaphore(%run_scoped3A : memref<!tpu.dma_semaphore, #tpu.memory_space<semaphore_mem>>) src(%dma_wait3A_1338 : memref<6400xi32, #tpu.memory_space<hbm>>) dst(%arg7 : memref<6400xi32, #tpu.memory_space<vmem>>)
      tpu.yield
    }) : () -> ()
    %add3A_5 = arith.constant 409600 : i32
    %add3A_6 = arith.addi %add3A_5, %mul3A_2 : i32
    "tpu.region"() ({
      %run_scoped3A = tpu.sem_alloc : memref<!tpu.dma_semaphore, #tpu.memory_space<semaphore_mem>>
      %dma_start3A_1335 = tpu.memref_slice %arg2[%add3A_6] : memref<614400xi32, #tpu.memory_space<hbm>> -> memref<6400xi32, #tpu.memory_space<hbm>>
      %dma_start3A_1336 = tpu.memref_slice %arg2[%add3A_6] : memref<614400xi32, #tpu.memory_space<hbm>> -> memref<6400xi32, #tpu.memory_space<hbm>>
      tpu.enqueue_dma source(%dma_start3A_1336 : memref<6400xi32, #tpu.memory_space<hbm>>) target(%arg8 : memref<6400xi32, #tpu.memory_space<vmem>>) target_semaphore(%run_scoped3A : memref<!tpu.dma_semaphore, #tpu.memory_space<semaphore_mem>>)
      %dma_wait3A_1337 = tpu.memref_slice %arg2[%add3A_6] : memref<614400xi32, #tpu.memory_space<hbm>> -> memref<6400xi32, #tpu.memory_space<hbm>>
      %dma_wait3A_1338 = tpu.memref_slice %arg2[%add3A_6] : memref<614400xi32, #tpu.memory_space<hbm>> -> memref<6400xi32, #tpu.memory_space<hbm>>
      tpu.wait_dma2 semaphore(%run_scoped3A : memref<!tpu.dma_semaphore, #tpu.memory_space<semaphore_mem>>) src(%dma_wait3A_1338 : memref<6400xi32, #tpu.memory_space<hbm>>) dst(%arg8 : memref<6400xi32, #tpu.memory_space<vmem>>)
      tpu.yield
    }) : () -> ()
    %scan3A = arith.constant 0 : i32
    %scan3A_7 = arith.constant 0 : i32
    %scan3A_8 = arith.constant 400 : i32
    %scan3A_9 = arith.addi %scan3A_7, %scan3A_8 : i32
    %scan3A_10 = arith.constant 1 : i32
    %scan3A_11 = scf.for %scan3A_1335 = %scan3A_7 to %scan3A_9 step %scan3A_10 iter_args(%scan3A_1336 = %scan3A) -> (i32)  : i32 {
      %mul3A_1337 = arith.constant 16 : i32
      %mul3A_1338 = arith.muli %scan3A_1335, %mul3A_1337 : i32
      %mul3A_1339 = arith.constant 16 : i32
      %mul3A_1340 = arith.muli %scan3A_1335, %mul3A_1339 : i32
      %add3A_1341 = vector.broadcast %mul3A_1340 : i32 to vector<16xi32>
      %add3A_1342 = arith.addi %add3A_1341, %iota3A : vector<16xi32>
      %swap3A_1343 = arith.index_cast %mul3A_1338 : i32 to index
      %swap3A_1344 = tpu.vector_load %arg9[%swap3A_1343] {strides = array<i32>} : memref<6400xi32, #tpu.memory_space<vmem>>, vector<16xi32>,
      tpu.vector_store %arg9[%swap3A_1343], %add3A_1342 {strides = array<i32>} : memref<6400xi32, #tpu.memory_space<vmem>>, vector<16xi32>,
      %get3A = arith.index_cast %mul3A_1338 : i32 to index
      %get3A_1345 = tpu.vector_load %arg8[%get3A] {strides = array<i32>} : memref<6400xi32, #tpu.memory_space<vmem>>, vector<16xi32>,
      %ne3A = arith.constant 0 : i32
      %ne3A_1346 = vector.broadcast %ne3A : i32 to vector<16xi32>
      %ne3A_1347 = arith.cmpi ne, %get3A_1345, %ne3A_1346 : vector<16xi32>
      %convert_element_type3A_1348 = arith.extui %ne3A_1347 : vector<16xi1> to vector<16xi32>
      %broadcast_in_dim3A_1349 = arith.constant true
      %broadcast_in_dim3A_1350 = vector.broadcast %broadcast_in_dim3A_1349 : i1 to vector<16xi1>
      %masked_cumsum3A_1351 = tpu.scan <sum>, %convert_element_type3A_1348 masked %broadcast_in_dim3A_1350 : vector<16xi32>, vector<16xi1> -> vector<16xi32>
      %sub3A_1352 = arith.subi %masked_cumsum3A_1351, %convert_element_type3A_1348 : vector<16xi32>
      %add3A_1353 = vector.broadcast %scan3A_1336 : i32 to vector<16xi32>
      %add3A_1354 = arith.addi %sub3A_1352, %add3A_1353 : vector<16xi32>
      %get3A_1355 = arith.index_cast %mul3A_1338 : i32 to index
      %get3A_1356 = tpu.vector_load %arg6[%get3A_1355] {strides = array<i32>} : memref<6400xi32, #tpu.memory_space<vmem>>, vector<16xi32>,
      tpu.vector_store_idx %arg9[%add3A_1354], %get3A_1356 masked %ne3A_1347 : memref<6400xi32, #tpu.memory_space<vmem>>[vector<16xi32>], vector<16xi32>, vector<16xi1>
      %reduce_sum3A_1357 = arith.constant true
      %reduce_sum3A_1358 = vector.broadcast %reduce_sum3A_1357 : i1 to vector<16xi1>
      %reduce_sum3A_1359 = tpu.scan <sum>, %convert_element_type3A_1348 masked %reduce_sum3A_1358 : vector<16xi32>, vector<16xi1> -> vector<16xi32>
      %reduce_sum3A_1360 = vector.extract %reduce_sum3A_1359[15] : i32 from vector<16xi32>
      %add3A_1361 = arith.addi %scan3A_1336, %reduce_sum3A_1360 : i32
      scf.yield %add3A_1361 : i32
    }
    %scan3A_12 = arith.constant 400 : i32
    %gt3A = arith.constant 0 : i32
    %gt3A_13 = arith.cmpi sgt, %scan3A_11, %gt3A : i32
    %convert_element_type3A = arith.extui %gt3A_13 : i1 to i32
    %cond3A = arith.constant 0 : i32
    %cond3A_14 = arith.cmpi ne, %convert_element_type3A, %cond3A : i32
    scf.if %cond3A_14 {
      %dma_start3A_1335 = arith.constant 0 : i32
      %dma_start3A_1336 = tpu.memref_slice %arg9[%dma_start3A_1335] : memref<6400xi32, #tpu.memory_space<vmem>> -> memref<128xi32, #tpu.memory_space<vmem>>
      %dma_start3A_1337 = arith.constant 0 : i32
      %dma_start3A_1338 = arith.constant 0 : i32
      %dma_start3A_1339 = tpu.memref_slice %arg3[%dma_start3A_1337, %dma_start3A_1338] : memref<100000x128xf32, #tpu.memory_space<hbm>> -> memref<100000x128xf32, #tpu.memory_space<hbm>>
      tpu.enqueue_indirect_dma source(%dma_start3A_1339 : memref<100000x128xf32, #tpu.memory_space<hbm>>) target(%arg11 : memref<128x128xf32, #tpu.memory_space<vmem>>) offsets(%dma_start3A_1336 : memref<128xi32, #tpu.memory_space<vmem>>) semaphore(%arg17 : memref<!tpu.dma_semaphore, #tpu.memory_space<semaphore_mem>>)
    } else {
    }
    %gt3A_15 = arith.constant 128 : i32
    %gt3A_16 = arith.cmpi sgt, %scan3A_11, %gt3A_15 : i32
    %convert_element_type3A_17 = arith.extui %gt3A_16 : i1 to i32
    %cond3A_18 = arith.constant 0 : i32
    %cond3A_19 = arith.cmpi ne, %convert_element_type3A_17, %cond3A_18 : i32
    scf.if %cond3A_19 {
      %dma_start3A_1335 = arith.constant 128 : i32
      %dma_start3A_1336 = tpu.memref_slice %arg9[%dma_start3A_1335] : memref<6400xi32, #tpu.memory_space<vmem>> -> memref<128xi32, #tpu.memory_space<vmem>>
      %dma_start3A_1337 = arith.constant 0 : i32
      %dma_start3A_1338 = arith.constant 0 : i32
      %dma_start3A_1339 = tpu.memref_slice %arg3[%dma_start3A_1337, %dma_start3A_1338] : memref<100000x128xf32, #tpu.memory_space<hbm>> -> memref<100000x128xf32, #tpu.memory_space<hbm>>
      tpu.enqueue_indirect_dma source(%dma_start3A_1339 : memref<100000x128xf32, #tpu.memory_space<hbm>>) target(%arg12 : memref<128x128xf32, #tpu.memory_space<vmem>>) offsets(%dma_start3A_1336 : memref<128xi32, #tpu.memory_space<vmem>>) semaphore(%arg18 : memref<!tpu.dma_semaphore, #tpu.memory_space<semaphore_mem>>)
    } else {
    }
    %gt3A_20 = arith.constant 256 : i32
    %gt3A_21 = arith.cmpi sgt, %scan3A_11, %gt3A_20 : i32
    %convert_element_type3A_22 = arith.extui %gt3A_21 : i1 to i32
    %cond3A_23 = arith.constant 0 : i32
    %cond3A_24 = arith.cmpi ne, %convert_element_type3A_22, %cond3A_23 : i32
    scf.if %cond3A_24 {
      %dma_start3A_1335 = arith.constant 256 : i32
      %dma_start3A_1336 = tpu.memref_slice %arg9[%dma_start3A_1335] : memref<6400xi32, #tpu.memory_space<vmem>> -> memref<128xi32, #tpu.memory_space<vmem>>
      %dma_start3A_1337 = arith.constant 0 : i32
      %dma_start3A_1338 = arith.constant 0 : i32
      %dma_start3A_1339 = tpu.memref_slice %arg3[%dma_start3A_1337, %dma_start3A_1338] : memref<100000x128xf32, #tpu.memory_space<hbm>> -> memref<100000x128xf32, #tpu.memory_space<hbm>>
      tpu.enqueue_indirect_dma source(%dma_start3A_1339 : memref<100000x128xf32, #tpu.memory_space<hbm>>) target(%arg13 : memref<128x128xf32, #tpu.memory_space<vmem>>) offsets(%dma_start3A_1336 : memref<128xi32, #tpu.memory_space<vmem>>) semaphore(%arg19 : memref<!tpu.dma_semaphore, #tpu.memory_space<semaphore_mem>>)
    } else {
    }
    %gt3A_25 = arith.constant 384 : i32
    %gt3A_26 = arith.cmpi sgt, %scan3A_11, %gt3A_25 : i32
    %convert_element_type3A_27 = arith.extui %gt3A_26 : i1 to i32
    %cond3A_28 = arith.constant 0 : i32
    %cond3A_29 = arith.cmpi ne, %convert_element_type3A_27, %cond3A_28 : i32
    scf.if %cond3A_29 {
      %dma_start3A_1335 = arith.constant 384 : i32
      %dma_start3A_1336 = tpu.memref_slice %arg9[%dma_start3A_1335] : memref<6400xi32, #tpu.memory_space<vmem>> -> memref<128xi32, #tpu.memory_space<vmem>>
      %dma_start3A_1337 = arith.constant 0 : i32
      %dma_start3A_1338 = arith.constant 0 : i32
      %dma_start3A_1339 = tpu.memref_slice %arg3[%dma_start3A_1337, %dma_start3A_1338] : memref<100000x128xf32, #tpu.memory_space<hbm>> -> memref<100000x128xf32, #tpu.memory_space<hbm>>
      tpu.enqueue_indirect_dma source(%dma_start3A_1339 : memref<100000x128xf32, #tpu.memory_space<hbm>>) target(%arg14 : memref<128x128xf32, #tpu.memory_space<vmem>>) offsets(%dma_start3A_1336 : memref<128xi32, #tpu.memory_space<vmem>>) semaphore(%arg20 : memref<!tpu.dma_semaphore, #tpu.memory_space<semaphore_mem>>)
    } else {
    }
    %add3A_30 = arith.constant 0 : i32
    %add3A_31 = vector.broadcast %add3A_30 : i32 to vector<16xi32>
    %add3A_32 = arith.addi %iota3A, %add3A_31 : vector<16xi32>
    %mul3A_33 = arith.constant 50 : i32
    %mul3A_34 = vector.broadcast %mul3A_33 : i32 to vector<16xi32>
    %mul3A_35 = arith.muli %add3A_32, %mul3A_34 : vector<16xi32>
    %broadcast_in_dim3A = arith.constant 0 : i32
    %broadcast_in_dim3A_36 = vector.broadcast %broadcast_in_dim3A : i32 to vector<16xi32>
    %scan3A_37 = arith.constant 0 : i32
    %scan3A_38 = arith.constant 50 : i32
    %scan3A_39 = arith.addi %scan3A_37, %scan3A_38 : i32
    %scan3A_40 = arith.constant 1 : i32
    %scan3A_41 = scf.for %scan3A_1335 = %scan3A_37 to %scan3A_39 step %scan3A_40 iter_args(%scan3A_1336 = %broadcast_in_dim3A_36) -> (vector<16xi32>)  : i32 {
      %add3A_1337 = vector.broadcast %scan3A_1335 : i32 to vector<16xi32>
      %add3A_1338 = arith.addi %mul3A_35, %add3A_1337 : vector<16xi32>
      %gather3A = tpu.vector_load_idx %arg8[%add3A_1338] : memref<6400xi32, #tpu.memory_space<vmem>>[vector<16xi32>], vector<16xi32>,
      %add3A_1339 = arith.addi %scan3A_1336, %gather3A : vector<16xi32>
      scf.yield %add3A_1339 : vector<16xi32>
    }
    %scan3A_42 = arith.constant 50 : i32
    %broadcast_in_dim3A_43 = arith.constant true
    %broadcast_in_dim3A_44 = vector.broadcast %broadcast_in_dim3A_43 : i1 to vector<16xi1>
    %masked_cumsum3A = tpu.scan <sum>, %scan3A_41 masked %broadcast_in_dim3A_44 : vector<16xi32>, vector<16xi1> -> vector<16xi32>
    %sub3A = arith.subi %masked_cumsum3A, %scan3A_41 : vector<16xi32>
    %add3A_45 = arith.constant 0 : i32
    %add3A_46 = vector.broadcast %add3A_45 : i32 to vector<16xi32>
    %add3A_47 = arith.addi %sub3A, %add3A_46 : vector<16xi32>
    %swap3A = arith.constant 0 : index
    %swap3A_48 = tpu.vector_load %arg10[%swap3A] {strides = array<i32>} : memref<144xi32, #tpu.memory_space<vmem>>, vector<16xi32>,
    tpu.vector_store %arg10[%swap3A], %add3A_47 {strides = array<i32>} : memref<144xi32, #tpu.memory_space<vmem>>, vector<16xi32>,
    %reduce_sum3A = arith.constant true
    %reduce_sum3A_49 = vector.broadcast %reduce_sum3A : i1 to vector<16xi1>
    %reduce_sum3A_50 = tpu.scan <sum>, %scan3A_41 masked %reduce_sum3A_49 : vector<16xi32>, vector<16xi1> -> vector<16xi32>
    %reduce_sum3A_51 = vector.extract %reduce_sum3A_50[15] : i32 from vector<16xi32>
    %add3A_52 = arith.constant 0 : i32
    %add3A_53 = arith.addi %add3A_52, %reduce_sum3A_51 : i32
    %add3A_54 = arith.constant 16 : i32
    %add3A_55 = vector.broadcast %add3A_54 : i32 to vector<16xi32>
    %add3A_56 = arith.addi %iota3A, %add3A_55 : vector<16xi32>
    %mul3A_57 = arith.constant 50 : i32
    %mul3A_58 = vector.broadcast %mul3A_57 : i32 to vector<16xi32>
    %mul3A_59 = arith.muli %add3A_56, %mul3A_58 : vector<16xi32>
    %broadcast_in_dim3A_60 = arith.constant 0 : i32
    %broadcast_in_dim3A_61 = vector.broadcast %broadcast_in_dim3A_60 : i32 to vector<16xi32>
    %scan3A_62 = arith.constant 0 : i32
    %scan3A_63 = arith.constant 50 : i32
    %scan3A_64 = arith.addi %scan3A_62, %scan3A_63 : i32
    %scan3A_65 = arith.constant 1 : i32
    %scan3A_66 = scf.for %scan3A_1335 = %scan3A_62 to %scan3A_64 step %scan3A_65 iter_args(%scan3A_1336 = %broadcast_in_dim3A_61) -> (vector<16xi32>)  : i32 {
      %add3A_1337 = vector.broadcast %scan3A_1335 : i32 to vector<16xi32>
      %add3A_1338 = arith.addi %mul3A_59, %add3A_1337 : vector<16xi32>
      %gather3A = tpu.vector_load_idx %arg8[%add3A_1338] : memref<6400xi32, #tpu.memory_space<vmem>>[vector<16xi32>], vector<16xi32>,
      %add3A_1339 = arith.addi %scan3A_1336, %gather3A : vector<16xi32>
      scf.yield %add3A_1339 : vector<16xi32>
    }
    %scan3A_67 = arith.constant 50 : i32
    %broadcast_in_dim3A_68 = arith.constant true
    %broadcast_in_dim3A_69 = vector.broadcast %broadcast_in_dim3A_68 : i1 to vector<16xi1>
    %masked_cumsum3A_70 = tpu.scan <sum>, %scan3A_66 masked %broadcast_in_dim3A_69 : vector<16xi32>, vector<16xi1> -> vector<16xi32>
    %sub3A_71 = arith.subi %masked_cumsum3A_70, %scan3A_66 : vector<16xi32>
    %add3A_72 = vector.broadcast %add3A_53 : i32 to vector<16xi32>
    %add3A_73 = arith.addi %sub3A_71, %add3A_72 : vector<16xi32>
    %swap3A_74 = arith.constant 16 : index
    %swap3A_75 = tpu.vector_load %arg10[%swap3A_74] {strides = array<i32>} : memref<144xi32, #tpu.memory_space<vmem>>, vector<16xi32>,
    tpu.vector_store %arg10[%swap3A_74], %add3A_73 {strides = array<i32>} : memref<144xi32, #tpu.memory_space<vmem>>, vector<16xi32>,
    %reduce_sum3A_76 = arith.constant true
    %reduce_sum3A_77 = vector.broadcast %reduce_sum3A_76 : i1 to vector<16xi1>
    %reduce_sum3A_78 = tpu.scan <sum>, %scan3A_66 masked %reduce_sum3A_77 : vector<16xi32>, vector<16xi1> -> vector<16xi32>
    %reduce_sum3A_79 = vector.extract %reduce_sum3A_78[15] : i32 from vector<16xi32>
    %add3A_80 = arith.addi %add3A_53, %reduce_sum3A_79 : i32
    %add3A_81 = arith.constant 32 : i32
    %add3A_82 = vector.broadcast %add3A_81 : i32 to vector<16xi32>
    %add3A_83 = arith.addi %iota3A, %add3A_82 : vector<16xi32>
    %mul3A_84 = arith.constant 50 : i32
    %mul3A_85 = vector.broadcast %mul3A_84 : i32 to vector<16xi32>
    %mul3A_86 = arith.muli %add3A_83, %mul3A_85 : vector<16xi32>
    %broadcast_in_dim3A_87 = arith.constant 0 : i32
    %broadcast_in_dim3A_88 = vector.broadcast %broadcast_in_dim3A_87 : i32 to vector<16xi32>
    %scan3A_89 = arith.constant 0 : i32
    %scan3A_90 = arith.constant 50 : i32
    %scan3A_91 = arith.addi %scan3A_89, %scan3A_90 : i32
    %scan3A_92 = arith.constant 1 : i32
    %scan3A_93 = scf.for %scan3A_1335 = %scan3A_89 to %scan3A_91 step %scan3A_92 iter_args(%scan3A_1336 = %broadcast_in_dim3A_88) -> (vector<16xi32>)  : i32 {
      %add3A_1337 = vector.broadcast %scan3A_1335 : i32 to vector<16xi32>
      %add3A_1338 = arith.addi %mul3A_86, %add3A_1337 : vector<16xi32>
      %gather3A = tpu.vector_load_idx %arg8[%add3A_1338] : memref<6400xi32, #tpu.memory_space<vmem>>[vector<16xi32>], vector<16xi32>,
      %add3A_1339 = arith.addi %scan3A_1336, %gather3A : vector<16xi32>
      scf.yield %add3A_1339 : vector<16xi32>
    }
    %scan3A_94 = arith.constant 50 : i32
    %broadcast_in_dim3A_95 = arith.constant true
    %broadcast_in_dim3A_96 = vector.broadcast %broadcast_in_dim3A_95 : i1 to vector<16xi1>
    %masked_cumsum3A_97 = tpu.scan <sum>, %scan3A_93 masked %broadcast_in_dim3A_96 : vector<16xi32>, vector<16xi1> -> vector<16xi32>
    %sub3A_98 = arith.subi %masked_cumsum3A_97, %scan3A_93 : vector<16xi32>
    %add3A_99 = vector.broadcast %add3A_80 : i32 to vector<16xi32>
    %add3A_100 = arith.addi %sub3A_98, %add3A_99 : vector<16xi32>
    %swap3A_101 = arith.constant 32 : index
    %swap3A_102 = tpu.vector_load %arg10[%swap3A_101] {strides = array<i32>} : memref<144xi32, #tpu.memory_space<vmem>>, vector<16xi32>,
    tpu.vector_store %arg10[%swap3A_101], %add3A_100 {strides = array<i32>} : memref<144xi32, #tpu.memory_space<vmem>>, vector<16xi32>,
    %reduce_sum3A_103 = arith.constant true
    %reduce_sum3A_104 = vector.broadcast %reduce_sum3A_103 : i1 to vector<16xi1>
    %reduce_sum3A_105 = tpu.scan <sum>, %scan3A_93 masked %reduce_sum3A_104 : vector<16xi32>, vector<16xi1> -> vector<16xi32>
    %reduce_sum3A_106 = vector.extract %reduce_sum3A_105[15] : i32 from vector<16xi32>
    %add3A_107 = arith.addi %add3A_80, %reduce_sum3A_106 : i32
    %add3A_108 = arith.constant 48 : i32
    %add3A_109 = vector.broadcast %add3A_108 : i32 to vector<16xi32>
    %add3A_110 = arith.addi %iota3A, %add3A_109 : vector<16xi32>
    %mul3A_111 = arith.constant 50 : i32
    %mul3A_112 = vector.broadcast %mul3A_111 : i32 to vector<16xi32>
    %mul3A_113 = arith.muli %add3A_110, %mul3A_112 : vector<16xi32>
    %broadcast_in_dim3A_114 = arith.constant 0 : i32
    %broadcast_in_dim3A_115 = vector.broadcast %broadcast_in_dim3A_114 : i32 to vector<16xi32>
    %scan3A_116 = arith.constant 0 : i32
    %scan3A_117 = arith.constant 50 : i32
    %scan3A_118 = arith.addi %scan3A_116, %scan3A_117 : i32
    %scan3A_119 = arith.constant 1 : i32
    %scan3A_120 = scf.for %scan3A_1335 = %scan3A_116 to %scan3A_118 step %scan3A_119 iter_args(%scan3A_1336 = %broadcast_in_dim3A_115) -> (vector<16xi32>)  : i32 {
      %add3A_1337 = vector.broadcast %scan3A_1335 : i32 to vector<16xi32>
      %add3A_1338 = arith.addi %mul3A_113, %add3A_1337 : vector<16xi32>
      %gather3A = tpu.vector_load_idx %arg8[%add3A_1338] : memref<6400xi32, #tpu.memory_space<vmem>>[vector<16xi32>], vector<16xi32>,
      %add3A_1339 = arith.addi %scan3A_1336, %gather3A : vector<16xi32>
      scf.yield %add3A_1339 : vector<16xi32>
    }
    %scan3A_121 = arith.constant 50 : i32
    %broadcast_in_dim3A_122 = arith.constant true
    %broadcast_in_dim3A_123 = vector.broadcast %broadcast_in_dim3A_122 : i1 to vector<16xi1>
    %masked_cumsum3A_124 = tpu.scan <sum>, %scan3A_120 masked %broadcast_in_dim3A_123 : vector<16xi32>, vector<16xi1> -> vector<16xi32>
    %sub3A_125 = arith.subi %masked_cumsum3A_124, %scan3A_120 : vector<16xi32>
    %add3A_126 = vector.broadcast %add3A_107 : i32 to vector<16xi32>
    %add3A_127 = arith.addi %sub3A_125, %add3A_126 : vector<16xi32>
    %swap3A_128 = arith.constant 48 : index
    %swap3A_129 = tpu.vector_load %arg10[%swap3A_128] {strides = array<i32>} : memref<144xi32, #tpu.memory_space<vmem>>, vector<16xi32>,
    tpu.vector_store %arg10[%swap3A_128], %add3A_127 {strides = array<i32>} : memref<144xi32, #tpu.memory_space<vmem>>, vector<16xi32>,
    %reduce_sum3A_130 = arith.constant true
    %reduce_sum3A_131 = vector.broadcast %reduce_sum3A_130 : i1 to vector<16xi1>
    %reduce_sum3A_132 = tpu.scan <sum>, %scan3A_120 masked %reduce_sum3A_131 : vector<16xi32>, vector<16xi1> -> vector<16xi32>
    %reduce_sum3A_133 = vector.extract %reduce_sum3A_132[15] : i32 from vector<16xi32>
    %add3A_134 = arith.addi %add3A_107, %reduce_sum3A_133 : i32
    %add3A_135 = arith.constant 64 : i32
    %add3A_136 = vector.broadcast %add3A_135 : i32 to vector<16xi32>
    %add3A_137 = arith.addi %iota3A, %add3A_136 : vector<16xi32>
    %mul3A_138 = arith.constant 50 : i32
    %mul3A_139 = vector.broadcast %mul3A_138 : i32 to vector<16xi32>
    %mul3A_140 = arith.muli %add3A_137, %mul3A_139 : vector<16xi32>
    %broadcast_in_dim3A_141 = arith.constant 0 : i32
    %broadcast_in_dim3A_142 = vector.broadcast %broadcast_in_dim3A_141 : i32 to vector<16xi32>
    %scan3A_143 = arith.constant 0 : i32
    %scan3A_144 = arith.constant 50 : i32
    %scan3A_145 = arith.addi %scan3A_143, %scan3A_144 : i32
    %scan3A_146 = arith.constant 1 : i32
    %scan3A_147 = scf.for %scan3A_1335 = %scan3A_143 to %scan3A_145 step %scan3A_146 iter_args(%scan3A_1336 = %broadcast_in_dim3A_142) -> (vector<16xi32>)  : i32 {
      %add3A_1337 = vector.broadcast %scan3A_1335 : i32 to vector<16xi32>
      %add3A_1338 = arith.addi %mul3A_140, %add3A_1337 : vector<16xi32>
      %gather3A = tpu.vector_load_idx %arg8[%add3A_1338] : memref<6400xi32, #tpu.memory_space<vmem>>[vector<16xi32>], vector<16xi32>,
      %add3A_1339 = arith.addi %scan3A_1336, %gather3A : vector<16xi32>
      scf.yield %add3A_1339 : vector<16xi32>
    }
    %scan3A_148 = arith.constant 50 : i32
    %broadcast_in_dim3A_149 = arith.constant true
    %broadcast_in_dim3A_150 = vector.broadcast %broadcast_in_dim3A_149 : i1 to vector<16xi1>
    %masked_cumsum3A_151 = tpu.scan <sum>, %scan3A_147 masked %broadcast_in_dim3A_150 : vector<16xi32>, vector<16xi1> -> vector<16xi32>
    %sub3A_152 = arith.subi %masked_cumsum3A_151, %scan3A_147 : vector<16xi32>
    %add3A_153 = vector.broadcast %add3A_134 : i32 to vector<16xi32>
    %add3A_154 = arith.addi %sub3A_152, %add3A_153 : vector<16xi32>
    %swap3A_155 = arith.constant 64 : index
    %swap3A_156 = tpu.vector_load %arg10[%swap3A_155] {strides = array<i32>} : memref<144xi32, #tpu.memory_space<vmem>>, vector<16xi32>,
    tpu.vector_store %arg10[%swap3A_155], %add3A_154 {strides = array<i32>} : memref<144xi32, #tpu.memory_space<vmem>>, vector<16xi32>,
    %reduce_sum3A_157 = arith.constant true
    %reduce_sum3A_158 = vector.broadcast %reduce_sum3A_157 : i1 to vector<16xi1>
    %reduce_sum3A_159 = tpu.scan <sum>, %scan3A_147 masked %reduce_sum3A_158 : vector<16xi32>, vector<16xi1> -> vector<16xi32>
    %reduce_sum3A_160 = vector.extract %reduce_sum3A_159[15] : i32 from vector<16xi32>
    %add3A_161 = arith.addi %add3A_134, %reduce_sum3A_160 : i32
    %add3A_162 = arith.constant 80 : i32
    %add3A_163 = vector.broadcast %add3A_162 : i32 to vector<16xi32>
    %add3A_164 = arith.addi %iota3A, %add3A_163 : vector<16xi32>
    %mul3A_165 = arith.constant 50 : i32
    %mul3A_166 = vector.broadcast %mul3A_165 : i32 to vector<16xi32>
    %mul3A_167 = arith.muli %add3A_164, %mul3A_166 : vector<16xi32>
    %broadcast_in_dim3A_168 = arith.constant 0 : i32
    %broadcast_in_dim3A_169 = vector.broadcast %broadcast_in_dim3A_168 : i32 to vector<16xi32>
    %scan3A_170 = arith.constant 0 : i32
    %scan3A_171 = arith.constant 50 : i32
    %scan3A_172 = arith.addi %scan3A_170, %scan3A_171 : i32
    %scan3A_173 = arith.constant 1 : i32
    %scan3A_174 = scf.for %scan3A_1335 = %scan3A_170 to %scan3A_172 step %scan3A_173 iter_args(%scan3A_1336 = %broadcast_in_dim3A_169) -> (vector<16xi32>)  : i32 {
      %add3A_1337 = vector.broadcast %scan3A_1335 : i32 to vector<16xi32>
      %add3A_1338 = arith.addi %mul3A_167, %add3A_1337 : vector<16xi32>
      %gather3A = tpu.vector_load_idx %arg8[%add3A_1338] : memref<6400xi32, #tpu.memory_space<vmem>>[vector<16xi32>], vector<16xi32>,
      %add3A_1339 = arith.addi %scan3A_1336, %gather3A : vector<16xi32>
      scf.yield %add3A_1339 : vector<16xi32>
    }
    %scan3A_175 = arith.constant 50 : i32
    %broadcast_in_dim3A_176 = arith.constant true
    %broadcast_in_dim3A_177 = vector.broadcast %broadcast_in_dim3A_176 : i1 to vector<16xi1>
    %masked_cumsum3A_178 = tpu.scan <sum>, %scan3A_174 masked %broadcast_in_dim3A_177 : vector<16xi32>, vector<16xi1> -> vector<16xi32>
    %sub3A_179 = arith.subi %masked_cumsum3A_178, %scan3A_174 : vector<16xi32>
    %add3A_180 = vector.broadcast %add3A_161 : i32 to vector<16xi32>
    %add3A_181 = arith.addi %sub3A_179, %add3A_180 : vector<16xi32>
    %swap3A_182 = arith.constant 80 : index
    %swap3A_183 = tpu.vector_load %arg10[%swap3A_182] {strides = array<i32>} : memref<144xi32, #tpu.memory_space<vmem>>, vector<16xi32>,
    tpu.vector_store %arg10[%swap3A_182], %add3A_181 {strides = array<i32>} : memref<144xi32, #tpu.memory_space<vmem>>, vector<16xi32>,
    %reduce_sum3A_184 = arith.constant true
    %reduce_sum3A_185 = vector.broadcast %reduce_sum3A_184 : i1 to vector<16xi1>
    %reduce_sum3A_186 = tpu.scan <sum>, %scan3A_174 masked %reduce_sum3A_185 : vector<16xi32>, vector<16xi1> -> vector<16xi32>
    %reduce_sum3A_187 = vector.extract %reduce_sum3A_186[15] : i32 from vector<16xi32>
    %add3A_188 = arith.addi %add3A_161, %reduce_sum3A_187 : i32
    %add3A_189 = arith.constant 96 : i32
    %add3A_190 = vector.broadcast %add3A_189 : i32 to vector<16xi32>
    %add3A_191 = arith.addi %iota3A, %add3A_190 : vector<16xi32>
    %mul3A_192 = arith.constant 50 : i32
    %mul3A_193 = vector.broadcast %mul3A_192 : i32 to vector<16xi32>
    %mul3A_194 = arith.muli %add3A_191, %mul3A_193 : vector<16xi32>
    %broadcast_in_dim3A_195 = arith.constant 0 : i32
    %broadcast_in_dim3A_196 = vector.broadcast %broadcast_in_dim3A_195 : i32 to vector<16xi32>
    %scan3A_197 = arith.constant 0 : i32
    %scan3A_198 = arith.constant 50 : i32
    %scan3A_199 = arith.addi %scan3A_197, %scan3A_198 : i32
    %scan3A_200 = arith.constant 1 : i32
    %scan3A_201 = scf.for %scan3A_1335 = %scan3A_197 to %scan3A_199 step %scan3A_200 iter_args(%scan3A_1336 = %broadcast_in_dim3A_196) -> (vector<16xi32>)  : i32 {
      %add3A_1337 = vector.broadcast %scan3A_1335 : i32 to vector<16xi32>
      %add3A_1338 = arith.addi %mul3A_194, %add3A_1337 : vector<16xi32>
      %gather3A = tpu.vector_load_idx %arg8[%add3A_1338] : memref<6400xi32, #tpu.memory_space<vmem>>[vector<16xi32>], vector<16xi32>,
      %add3A_1339 = arith.addi %scan3A_1336, %gather3A : vector<16xi32>
      scf.yield %add3A_1339 : vector<16xi32>
    }
    %scan3A_202 = arith.constant 50 : i32
    %broadcast_in_dim3A_203 = arith.constant true
    %broadcast_in_dim3A_204 = vector.broadcast %broadcast_in_dim3A_203 : i1 to vector<16xi1>
    %masked_cumsum3A_205 = tpu.scan <sum>, %scan3A_201 masked %broadcast_in_dim3A_204 : vector<16xi32>, vector<16xi1> -> vector<16xi32>
    %sub3A_206 = arith.subi %masked_cumsum3A_205, %scan3A_201 : vector<16xi32>
    %add3A_207 = vector.broadcast %add3A_188 : i32 to vector<16xi32>
    %add3A_208 = arith.addi %sub3A_206, %add3A_207 : vector<16xi32>
    %swap3A_209 = arith.constant 96 : index
    %swap3A_210 = tpu.vector_load %arg10[%swap3A_209] {strides = array<i32>} : memref<144xi32, #tpu.memory_space<vmem>>, vector<16xi32>,
    tpu.vector_store %arg10[%swap3A_209], %add3A_208 {strides = array<i32>} : memref<144xi32, #tpu.memory_space<vmem>>, vector<16xi32>,
    %reduce_sum3A_211 = arith.constant true
    %reduce_sum3A_212 = vector.broadcast %reduce_sum3A_211 : i1 to vector<16xi1>
    %reduce_sum3A_213 = tpu.scan <sum>, %scan3A_201 masked %reduce_sum3A_212 : vector<16xi32>, vector<16xi1> -> vector<16xi32>
    %reduce_sum3A_214 = vector.extract %reduce_sum3A_213[15] : i32 from vector<16xi32>
    %add3A_215 = arith.addi %add3A_188, %reduce_sum3A_214 : i32
    %add3A_216 = arith.constant 112 : i32
    %add3A_217 = vector.broadcast %add3A_216 : i32 to vector<16xi32>
    %add3A_218 = arith.addi %iota3A, %add3A_217 : vector<16xi32>
    %mul3A_219 = arith.constant 50 : i32
    %mul3A_220 = vector.broadcast %mul3A_219 : i32 to vector<16xi32>
    %mul3A_221 = arith.muli %add3A_218, %mul3A_220 : vector<16xi32>
    %broadcast_in_dim3A_222 = arith.constant 0 : i32
    %broadcast_in_dim3A_223 = vector.broadcast %broadcast_in_dim3A_222 : i32 to vector<16xi32>
    %scan3A_224 = arith.constant 0 : i32
    %scan3A_225 = arith.constant 50 : i32
    %scan3A_226 = arith.addi %scan3A_224, %scan3A_225 : i32
    %scan3A_227 = arith.constant 1 : i32
    %scan3A_228 = scf.for %scan3A_1335 = %scan3A_224 to %scan3A_226 step %scan3A_227 iter_args(%scan3A_1336 = %broadcast_in_dim3A_223) -> (vector<16xi32>)  : i32 {
      %add3A_1337 = vector.broadcast %scan3A_1335 : i32 to vector<16xi32>
      %add3A_1338 = arith.addi %mul3A_221, %add3A_1337 : vector<16xi32>
      %gather3A = tpu.vector_load_idx %arg8[%add3A_1338] : memref<6400xi32, #tpu.memory_space<vmem>>[vector<16xi32>], vector<16xi32>,
      %add3A_1339 = arith.addi %scan3A_1336, %gather3A : vector<16xi32>
      scf.yield %add3A_1339 : vector<16xi32>
    }
    %scan3A_229 = arith.constant 50 : i32
    %broadcast_in_dim3A_230 = arith.constant true
    %broadcast_in_dim3A_231 = vector.broadcast %broadcast_in_dim3A_230 : i1 to vector<16xi1>
    %masked_cumsum3A_232 = tpu.scan <sum>, %scan3A_228 masked %broadcast_in_dim3A_231 : vector<16xi32>, vector<16xi1> -> vector<16xi32>
    %sub3A_233 = arith.subi %masked_cumsum3A_232, %scan3A_228 : vector<16xi32>
    %add3A_234 = vector.broadcast %add3A_215 : i32 to vector<16xi32>
    %add3A_235 = arith.addi %sub3A_233, %add3A_234 : vector<16xi32>
    %swap3A_236 = arith.constant 112 : index
    %swap3A_237 = tpu.vector_load %arg10[%swap3A_236] {strides = array<i32>} : memref<144xi32, #tpu.memory_space<vmem>>, vector<16xi32>,
    tpu.vector_store %arg10[%swap3A_236], %add3A_235 {strides = array<i32>} : memref<144xi32, #tpu.memory_space<vmem>>, vector<16xi32>,
    %reduce_sum3A_238 = arith.constant true
    %reduce_sum3A_239 = vector.broadcast %reduce_sum3A_238 : i1 to vector<16xi1>
    %reduce_sum3A_240 = tpu.scan <sum>, %scan3A_228 masked %reduce_sum3A_239 : vector<16xi32>, vector<16xi1> -> vector<16xi32>
    %reduce_sum3A_241 = vector.extract %reduce_sum3A_240[15] : i32 from vector<16xi32>
    %add3A_242 = arith.addi %add3A_215, %reduce_sum3A_241 : i32
    %broadcast_in_dim3A_243 = vector.broadcast %add3A_242 : i32 to vector<16xi32>
    %swap3A_244 = arith.constant 128 : index
    %swap3A_245 = tpu.vector_load %arg10[%swap3A_244] {strides = array<i32>} : memref<144xi32, #tpu.memory_space<vmem>>, vector<16xi32>,
    tpu.vector_store %arg10[%swap3A_244], %broadcast_in_dim3A_243 {strides = array<i32>} : memref<144xi32, #tpu.memory_space<vmem>>, vector<16xi32>,
    %broadcast_in_dim3A_246 = arith.constant 0.000000e+00 : f32
    %broadcast_in_dim3A_247 = vector.broadcast %broadcast_in_dim3A_246 : f32 to vector<16xf32>
    %mul3A_248 = arith.constant 128 : i32
    %mul3A_249 = vector.broadcast %mul3A_248 : i32 to vector<16xi32>
    %mul3A_250 = arith.muli %iota3A, %mul3A_249 : vector<16xi32>
    %scan3A_251 = arith.constant 0 : i32
    %scan3A_252 = arith.constant 0 : i32
    %scan3A_253 = arith.constant 64 : i32
    %scan3A_254 = arith.addi %scan3A_252, %scan3A_253 : i32
    %scan3A_255 = arith.constant 1 : i32
    scf.for %scan3A_1335 = %scan3A_252 to %scan3A_254 step %scan3A_255  : i32 {
      %mul3A_1336 = arith.constant 8 : i32
      %mul3A_1337 = arith.muli %scan3A_1335, %mul3A_1336 : i32
      %add3A_1338 = arith.constant 0 : i32
      %add3A_1339 = arith.addi %mul3A_1337, %add3A_1338 : i32
      %mul3A_1340 = arith.constant 16 : i32
      %mul3A_1341 = arith.muli %add3A_1339, %mul3A_1340 : i32
      %swap3A_1342 = arith.constant 0 : i32
      %swap3A_1343 = tpu.memref_slice %arg16[%swap3A_1342] : memref<16384xf32, #tpu.memory_space<vmem>> -> memref<8192xf32, #tpu.memory_space<vmem>>
      %swap3A_1344 = arith.index_cast %mul3A_1341 : i32 to index
      %swap3A_1345 = tpu.vector_load %swap3A_1343[%swap3A_1344] {strides = array<i32>} : memref<8192xf32, #tpu.memory_space<vmem>>, vector<16xf32>,
      tpu.vector_store %swap3A_1343[%swap3A_1344], %broadcast_in_dim3A_247 {strides = array<i32>} : memref<8192xf32, #tpu.memory_space<vmem>>, vector<16xf32>,
      %mul3A_1346 = arith.constant 8 : i32
      %mul3A_1347 = arith.muli %scan3A_1335, %mul3A_1346 : i32
      %add3A_1348 = arith.constant 1 : i32
      %add3A_1349 = arith.addi %mul3A_1347, %add3A_1348 : i32
      %mul3A_1350 = arith.constant 16 : i32
      %mul3A_1351 = arith.muli %add3A_1349, %mul3A_1350 : i32
      %swap3A_1352 = arith.constant 0 : i32
      %swap3A_1353 = tpu.memref_slice %arg16[%swap3A_1352] : memref<16384xf32, #tpu.memory_space<vmem>> -> memref<8192xf32, #tpu.memory_space<vmem>>
      %swap3A_1354 = arith.index_cast %mul3A_1351 : i32 to index
      %swap3A_1355 = tpu.vector_load %swap3A_1353[%swap3A_1354] {strides = array<i32>} : memref<8192xf32, #tpu.memory_space<vmem>>, vector<16xf32>,
      tpu.vector_store %swap3A_1353[%swap3A_1354], %broadcast_in_dim3A_247 {strides = array<i32>} : memref<8192xf32, #tpu.memory_space<vmem>>, vector<16xf32>,
      %mul3A_1356 = arith.constant 8 : i32
      %mul3A_1357 = arith.muli %scan3A_1335, %mul3A_1356 : i32
      %add3A_1358 = arith.constant 2 : i32
      %add3A_1359 = arith.addi %mul3A_1357, %add3A_1358 : i32
      %mul3A_1360 = arith.constant 16 : i32
      %mul3A_1361 = arith.muli %add3A_1359, %mul3A_1360 : i32
      %swap3A_1362 = arith.constant 0 : i32
      %swap3A_1363 = tpu.memref_slice %arg16[%swap3A_1362] : memref<16384xf32, #tpu.memory_space<vmem>> -> memref<8192xf32, #tpu.memory_space<vmem>>
      %swap3A_1364 = arith.index_cast %mul3A_1361 : i32 to index
      %swap3A_1365 = tpu.vector_load %swap3A_1363[%swap3A_1364] {strides = array<i32>} : memref<8192xf32, #tpu.memory_space<vmem>>, vector<16xf32>,
      tpu.vector_store %swap3A_1363[%swap3A_1364], %broadcast_in_dim3A_247 {strides = array<i32>} : memref<8192xf32, #tpu.memory_space<vmem>>, vector<16xf32>,
      %mul3A_1366 = arith.constant 8 : i32
      %mul3A_1367 = arith.muli %scan3A_1335, %mul3A_1366 : i32
      %add3A_1368 = arith.constant 3 : i32
      %add3A_1369 = arith.addi %mul3A_1367, %add3A_1368 : i32
      %mul3A_1370 = arith.constant 16 : i32
      %mul3A_1371 = arith.muli %add3A_1369, %mul3A_1370 : i32
      %swap3A_1372 = arith.constant 0 : i32
      %swap3A_1373 = tpu.memref_slice %arg16[%swap3A_1372] : memref<16384xf32, #tpu.memory_space<vmem>> -> memref<8192xf32, #tpu.memory_space<vmem>>
      %swap3A_1374 = arith.index_cast %mul3A_1371 : i32 to index
      %swap3A_1375 = tpu.vector_load %swap3A_1373[%swap3A_1374] {strides = array<i32>} : memref<8192xf32, #tpu.memory_space<vmem>>, vector<16xf32>,
      tpu.vector_store %swap3A_1373[%swap3A_1374], %broadcast_in_dim3A_247 {strides = array<i32>} : memref<8192xf32, #tpu.memory_space<vmem>>, vector<16xf32>,
      %mul3A_1376 = arith.constant 8 : i32
      %mul3A_1377 = arith.muli %scan3A_1335, %mul3A_1376 : i32
      %add3A_1378 = arith.constant 4 : i32
      %add3A_1379 = arith.addi %mul3A_1377, %add3A_1378 : i32
      %mul3A_1380 = arith.constant 16 : i32
      %mul3A_1381 = arith.muli %add3A_1379, %mul3A_1380 : i32
      %swap3A_1382 = arith.constant 0 : i32
      %swap3A_1383 = tpu.memref_slice %arg16[%swap3A_1382] : memref<16384xf32, #tpu.memory_space<vmem>> -> memref<8192xf32, #tpu.memory_space<vmem>>
      %swap3A_1384 = arith.index_cast %mul3A_1381 : i32 to index
      %swap3A_1385 = tpu.vector_load %swap3A_1383[%swap3A_1384] {strides = array<i32>} : memref<8192xf32, #tpu.memory_space<vmem>>, vector<16xf32>,
      tpu.vector_store %swap3A_1383[%swap3A_1384], %broadcast_in_dim3A_247 {strides = array<i32>} : memref<8192xf32, #tpu.memory_space<vmem>>, vector<16xf32>,
      %mul3A_1386 = arith.constant 8 : i32
      %mul3A_1387 = arith.muli %scan3A_1335, %mul3A_1386 : i32
      %add3A_1388 = arith.constant 5 : i32
      %add3A_1389 = arith.addi %mul3A_1387, %add3A_1388 : i32
      %mul3A_1390 = arith.constant 16 : i32
      %mul3A_1391 = arith.muli %add3A_1389, %mul3A_1390 : i32
      %swap3A_1392 = arith.constant 0 : i32
      %swap3A_1393 = tpu.memref_slice %arg16[%swap3A_1392] : memref<16384xf32, #tpu.memory_space<vmem>> -> memref<8192xf32, #tpu.memory_space<vmem>>
      %swap3A_1394 = arith.index_cast %mul3A_1391 : i32 to index
      %swap3A_1395 = tpu.vector_load %swap3A_1393[%swap3A_1394] {strides = array<i32>} : memref<8192xf32, #tpu.memory_space<vmem>>, vector<16xf32>,
      tpu.vector_store %swap3A_1393[%swap3A_1394], %broadcast_in_dim3A_247 {strides = array<i32>} : memref<8192xf32, #tpu.memory_space<vmem>>, vector<16xf32>,
      %mul3A_1396 = arith.constant 8 : i32
      %mul3A_1397 = arith.muli %scan3A_1335, %mul3A_1396 : i32
      %add3A_1398 = arith.constant 6 : i32
      %add3A_1399 = arith.addi %mul3A_1397, %add3A_1398 : i32
      %mul3A_1400 = arith.constant 16 : i32
      %mul3A_1401 = arith.muli %add3A_1399, %mul3A_1400 : i32
      %swap3A_1402 = arith.constant 0 : i32
      %swap3A_1403 = tpu.memref_slice %arg16[%swap3A_1402] : memref<16384xf32, #tpu.memory_space<vmem>> -> memref<8192xf32, #tpu.memory_space<vmem>>
      %swap3A_1404 = arith.index_cast %mul3A_1401 : i32 to index
      %swap3A_1405 = tpu.vector_load %swap3A_1403[%swap3A_1404] {strides = array<i32>} : memref<8192xf32, #tpu.memory_space<vmem>>, vector<16xf32>,
      tpu.vector_store %swap3A_1403[%swap3A_1404], %broadcast_in_dim3A_247 {strides = array<i32>} : memref<8192xf32, #tpu.memory_space<vmem>>, vector<16xf32>,
      %mul3A_1406 = arith.constant 8 : i32
      %mul3A_1407 = arith.muli %scan3A_1335, %mul3A_1406 : i32
      %add3A_1408 = arith.constant 7 : i32
      %add3A_1409 = arith.addi %mul3A_1407, %add3A_1408 : i32
      %mul3A_1410 = arith.constant 16 : i32
      %mul3A_1411 = arith.muli %add3A_1409, %mul3A_1410 : i32
      %swap3A_1412 = arith.constant 0 : i32
      %swap3A_1413 = tpu.memref_slice %arg16[%swap3A_1412] : memref<16384xf32, #tpu.memory_space<vmem>> -> memref<8192xf32, #tpu.memory_space<vmem>>
      %swap3A_1414 = arith.index_cast %mul3A_1411 : i32 to index
      %swap3A_1415 = tpu.vector_load %swap3A_1413[%swap3A_1414] {strides = array<i32>} : memref<8192xf32, #tpu.memory_space<vmem>>, vector<16xf32>,
      tpu.vector_store %swap3A_1413[%swap3A_1414], %broadcast_in_dim3A_247 {strides = array<i32>} : memref<8192xf32, #tpu.memory_space<vmem>>, vector<16xf32>,
    }
    %scan3A_256 = arith.constant 64 : i32
    %add3A_257 = arith.constant 0 : i32
    %add3A_258 = vector.broadcast %add3A_257 : i32 to vector<16xi32>
    %add3A_259 = arith.addi %iota3A, %add3A_258 : vector<16xi32>
    %mul3A_260 = arith.constant 50 : i32
    %mul3A_261 = vector.broadcast %mul3A_260 : i32 to vector<16xi32>
    %mul3A_262 = arith.muli %add3A_259, %mul3A_261 : vector<16xi32>
    %scan3A_263 = arith.constant 0 : i32
    %scan3A_264 = arith.constant 0 : i32
    %scan3A_265 = arith.constant 50 : i32
    %scan3A_266 = arith.addi %scan3A_264, %scan3A_265 : i32
    %scan3A_267 = arith.constant 1 : i32
    scf.for %scan3A_1335 = %scan3A_264 to %scan3A_266 step %scan3A_267  : i32 {
      %add3A_1336 = vector.broadcast %scan3A_1335 : i32 to vector<16xi32>
      %add3A_1337 = arith.addi %mul3A_262, %add3A_1336 : vector<16xi32>
      %gather3A = tpu.vector_load_idx %arg7[%add3A_1337] : memref<6400xi32, #tpu.memory_space<vmem>>[vector<16xi32>], vector<16xi32>,
      %add3A_1338 = vector.broadcast %scan3A_1335 : i32 to vector<16xi32>
      %add3A_1339 = arith.addi %mul3A_262, %add3A_1338 : vector<16xi32>
      %gather3A_1340 = tpu.vector_load_idx %arg8[%add3A_1339] : memref<6400xi32, #tpu.memory_space<vmem>>[vector<16xi32>], vector<16xi32>,
      %convert_element_type3A_1341 = arith.sitofp %gather3A_1340 : vector<16xi32> to vector<16xf32>
      %shift_right_logical3A = arith.constant 7 : i32
      %shift_right_logical3A_1342 = vector.broadcast %shift_right_logical3A : i32 to vector<16xi32>
      %shift_right_logical3A_1343 = arith.shrui %gather3A, %shift_right_logical3A_1342 : vector<16xi32>
      %and3A = arith.constant 127 : i32
      %and3A_1344 = vector.broadcast %and3A : i32 to vector<16xi32>
      %and3A_1345 = arith.andi %gather3A, %and3A_1344 : vector<16xi32>
      %mul3A_1346 = arith.constant 2048 : i32
      %mul3A_1347 = vector.broadcast %mul3A_1346 : i32 to vector<16xi32>
      %mul3A_1348 = arith.muli %shift_right_logical3A_1343, %mul3A_1347 : vector<16xi32>
      %add3A_1349 = arith.addi %mul3A_1348, %mul3A_250 : vector<16xi32>
      %add3A_1350 = arith.addi %add3A_1349, %and3A_1345 : vector<16xi32>
      %scatter3A = arith.constant 0 : i32
      %scatter3A_1351 = tpu.memref_slice %arg16[%scatter3A] : memref<16384xf32, #tpu.memory_space<vmem>> -> memref<8192xf32, #tpu.memory_space<vmem>>
      tpu.vector_store_idx %scatter3A_1351[%add3A_1350], %convert_element_type3A_1341 {add = true} : memref<8192xf32, #tpu.memory_space<vmem>>[vector<16xi32>], vector<16xf32>,
    }
    %scan3A_268 = arith.constant 50 : i32
    %mul3A_269 = arith.constant 128 : i32
    %mul3A_270 = arith.muli %add3A, %mul3A_269 : i32
    %add3A_271 = arith.constant 0 : i32
    %add3A_272 = arith.addi %mul3A_270, %add3A_271 : i32
    %mul3A_273 = arith.constant 128 : i32
    %mul3A_274 = arith.muli %add3A_272, %mul3A_273 : i32
    %add3A_275 = arith.constant 0 : i32
    %add3A_276 = arith.addi %add3A_275, %mul3A_274 : i32
    %dma_start3A = arith.constant 0 : i32
    %dma_start3A_277 = tpu.memref_slice %arg16[%dma_start3A] : memref<16384xf32, #tpu.memory_space<vmem>> -> memref<2048xf32, #tpu.memory_space<vmem>>
    %dma_start3A_278 = tpu.memref_slice %arg5[%add3A_276] : memref<2097152xf32, #tpu.memory_space<hbm>> -> memref<2048xf32, #tpu.memory_space<hbm>>
    %dma_start3A_279 = tpu.memref_slice %arg5[%add3A_276] : memref<2097152xf32, #tpu.memory_space<hbm>> -> memref<2048xf32, #tpu.memory_space<hbm>>
    %dma_start3A_280 = arith.constant 0 : i32
    %dma_start3A_281 = tpu.memref_slice %arg16[%dma_start3A_280] : memref<16384xf32, #tpu.memory_space<vmem>> -> memref<2048xf32, #tpu.memory_space<vmem>>
    tpu.enqueue_dma source(%dma_start3A_281 : memref<2048xf32, #tpu.memory_space<vmem>>) target(%dma_start3A_279 : memref<2048xf32, #tpu.memory_space<hbm>>) target_semaphore(%arg21 : memref<!tpu.dma_semaphore, #tpu.memory_space<semaphore_mem>>)
    %mul3A_282 = arith.constant 128 : i32
    %mul3A_283 = arith.muli %add3A, %mul3A_282 : i32
    %add3A_284 = arith.constant 0 : i32
    %add3A_285 = arith.addi %mul3A_283, %add3A_284 : i32
    %mul3A_286 = arith.constant 128 : i32
    %mul3A_287 = arith.muli %add3A_285, %mul3A_286 : i32
    %add3A_288 = arith.constant 524288 : i32
    %add3A_289 = arith.addi %add3A_288, %mul3A_287 : i32
    %dma_start3A_290 = arith.constant 2048 : i32
    %dma_start3A_291 = tpu.memref_slice %arg16[%dma_start3A_290] : memref<16384xf32, #tpu.memory_space<vmem>> -> memref<2048xf32, #tpu.memory_space<vmem>>
    %dma_start3A_292 = tpu.memref_slice %arg5[%add3A_289] : memref<2097152xf32, #tpu.memory_space<hbm>> -> memref<2048xf32, #tpu.memory_space<hbm>>
    %dma_start3A_293 = tpu.memref_slice %arg5[%add3A_289] : memref<2097152xf32, #tpu.memory_space<hbm>> -> memref<2048xf32, #tpu.memory_space<hbm>>
    %dma_start3A_294 = arith.constant 2048 : i32
    %dma_start3A_295 = tpu.memref_slice %arg16[%dma_start3A_294] : memref<16384xf32, #tpu.memory_space<vmem>> -> memref<2048xf32, #tpu.memory_space<vmem>>
    tpu.enqueue_dma source(%dma_start3A_295 : memref<2048xf32, #tpu.memory_space<vmem>>) target(%dma_start3A_293 : memref<2048xf32, #tpu.memory_space<hbm>>) target_semaphore(%arg21 : memref<!tpu.dma_semaphore, #tpu.memory_space<semaphore_mem>>)
    %mul3A_296 = arith.constant 128 : i32
    %mul3A_297 = arith.muli %add3A, %mul3A_296 : i32
    %add3A_298 = arith.constant 0 : i32
    %add3A_299 = arith.addi %mul3A_297, %add3A_298 : i32
    %mul3A_300 = arith.constant 128 : i32
    %mul3A_301 = arith.muli %add3A_299, %mul3A_300 : i32
    %add3A_302 = arith.constant 1048576 : i32
    %add3A_303 = arith.addi %add3A_302, %mul3A_301 : i32
    %dma_start3A_304 = arith.constant 4096 : i32
    %dma_start3A_305 = tpu.memref_slice %arg16[%dma_start3A_304] : memref<16384xf32, #tpu.memory_space<vmem>> -> memref<2048xf32, #tpu.memory_space<vmem>>
    %dma_start3A_306 = tpu.memref_slice %arg5[%add3A_303] : memref<2097152xf32, #tpu.memory_space<hbm>> -> memref<2048xf32, #tpu.memory_space<hbm>>
    %dma_start3A_307 = tpu.memref_slice %arg5[%add3A_303] : memref<2097152xf32, #tpu.memory_space<hbm>> -> memref<2048xf32, #tpu.memory_space<hbm>>
    %dma_start3A_308 = arith.constant 4096 : i32
    %dma_start3A_309 = tpu.memref_slice %arg16[%dma_start3A_308] : memref<16384xf32, #tpu.memory_space<vmem>> -> memref<2048xf32, #tpu.memory_space<vmem>>
    tpu.enqueue_dma source(%dma_start3A_309 : memref<2048xf32, #tpu.memory_space<vmem>>) target(%dma_start3A_307 : memref<2048xf32, #tpu.memory_space<hbm>>) target_semaphore(%arg21 : memref<!tpu.dma_semaphore, #tpu.memory_space<semaphore_mem>>)
    %mul3A_310 = arith.constant 128 : i32
    %mul3A_311 = arith.muli %add3A, %mul3A_310 : i32
    %add3A_312 = arith.constant 0 : i32
    %add3A_313 = arith.addi %mul3A_311, %add3A_312 : i32
    %mul3A_314 = arith.constant 128 : i32
    %mul3A_315 = arith.muli %add3A_313, %mul3A_314 : i32
    %add3A_316 = arith.constant 1572864 : i32
    %add3A_317 = arith.addi %add3A_316, %mul3A_315 : i32
    %dma_start3A_318 = arith.constant 6144 : i32
    %dma_start3A_319 = tpu.memref_slice %arg16[%dma_start3A_318] : memref<16384xf32, #tpu.memory_space<vmem>> -> memref<2048xf32, #tpu.memory_space<vmem>>
    %dma_start3A_320 = tpu.memref_slice %arg5[%add3A_317] : memref<2097152xf32, #tpu.memory_space<hbm>> -> memref<2048xf32, #tpu.memory_space<hbm>>
    %dma_start3A_321 = tpu.memref_slice %arg5[%add3A_317] : memref<2097152xf32, #tpu.memory_space<hbm>> -> memref<2048xf32, #tpu.memory_space<hbm>>
    %dma_start3A_322 = arith.constant 6144 : i32
    %dma_start3A_323 = tpu.memref_slice %arg16[%dma_start3A_322] : memref<16384xf32, #tpu.memory_space<vmem>> -> memref<2048xf32, #tpu.memory_space<vmem>>
    tpu.enqueue_dma source(%dma_start3A_323 : memref<2048xf32, #tpu.memory_space<vmem>>) target(%dma_start3A_321 : memref<2048xf32, #tpu.memory_space<hbm>>) target_semaphore(%arg21 : memref<!tpu.dma_semaphore, #tpu.memory_space<semaphore_mem>>)
    %scan3A_324 = arith.constant 0 : i32
    %scan3A_325 = arith.constant 0 : i32
    %scan3A_326 = arith.constant 64 : i32
    %scan3A_327 = arith.addi %scan3A_325, %scan3A_326 : i32
    %scan3A_328 = arith.constant 1 : i32
    scf.for %scan3A_1335 = %scan3A_325 to %scan3A_327 step %scan3A_328  : i32 {
      %mul3A_1336 = arith.constant 8 : i32
      %mul3A_1337 = arith.muli %scan3A_1335, %mul3A_1336 : i32
      %add3A_1338 = arith.constant 0 : i32
      %add3A_1339 = arith.addi %mul3A_1337, %add3A_1338 : i32
      %mul3A_1340 = arith.constant 16 : i32
      %mul3A_1341 = arith.muli %add3A_1339, %mul3A_1340 : i32
      %swap3A_1342 = arith.constant 8192 : i32
      %swap3A_1343 = tpu.memref_slice %arg16[%swap3A_1342] : memref<16384xf32, #tpu.memory_space<vmem>> -> memref<8192xf32, #tpu.memory_space<vmem>>
      %swap3A_1344 = arith.index_cast %mul3A_1341 : i32 to index
      %swap3A_1345 = tpu.vector_load %swap3A_1343[%swap3A_1344] {strides = array<i32>} : memref<8192xf32, #tpu.memory_space<vmem>>, vector<16xf32>,
      tpu.vector_store %swap3A_1343[%swap3A_1344], %broadcast_in_dim3A_247 {strides = array<i32>} : memref<8192xf32, #tpu.memory_space<vmem>>, vector<16xf32>,
      %mul3A_1346 = arith.constant 8 : i32
      %mul3A_1347 = arith.muli %scan3A_1335, %mul3A_1346 : i32
      %add3A_1348 = arith.constant 1 : i32
      %add3A_1349 = arith.addi %mul3A_1347, %add3A_1348 : i32
      %mul3A_1350 = arith.constant 16 : i32
      %mul3A_1351 = arith.muli %add3A_1349, %mul3A_1350 : i32
      %swap3A_1352 = arith.constant 8192 : i32
      %swap3A_1353 = tpu.memref_slice %arg16[%swap3A_1352] : memref<16384xf32, #tpu.memory_space<vmem>> -> memref<8192xf32, #tpu.memory_space<vmem>>
      %swap3A_1354 = arith.index_cast %mul3A_1351 : i32 to index
      %swap3A_1355 = tpu.vector_load %swap3A_1353[%swap3A_1354] {strides = array<i32>} : memref<8192xf32, #tpu.memory_space<vmem>>, vector<16xf32>,
      tpu.vector_store %swap3A_1353[%swap3A_1354], %broadcast_in_dim3A_247 {strides = array<i32>} : memref<8192xf32, #tpu.memory_space<vmem>>, vector<16xf32>,
      %mul3A_1356 = arith.constant 8 : i32
      %mul3A_1357 = arith.muli %scan3A_1335, %mul3A_1356 : i32
      %add3A_1358 = arith.constant 2 : i32
      %add3A_1359 = arith.addi %mul3A_1357, %add3A_1358 : i32
      %mul3A_1360 = arith.constant 16 : i32
      %mul3A_1361 = arith.muli %add3A_1359, %mul3A_1360 : i32
      %swap3A_1362 = arith.constant 8192 : i32
      %swap3A_1363 = tpu.memref_slice %arg16[%swap3A_1362] : memref<16384xf32, #tpu.memory_space<vmem>> -> memref<8192xf32, #tpu.memory_space<vmem>>
      %swap3A_1364 = arith.index_cast %mul3A_1361 : i32 to index
      %swap3A_1365 = tpu.vector_load %swap3A_1363[%swap3A_1364] {strides = array<i32>} : memref<8192xf32, #tpu.memory_space<vmem>>, vector<16xf32>,
      tpu.vector_store %swap3A_1363[%swap3A_1364], %broadcast_in_dim3A_247 {strides = array<i32>} : memref<8192xf32, #tpu.memory_space<vmem>>, vector<16xf32>,
      %mul3A_1366 = arith.constant 8 : i32
      %mul3A_1367 = arith.muli %scan3A_1335, %mul3A_1366 : i32
      %add3A_1368 = arith.constant 3 : i32
      %add3A_1369 = arith.addi %mul3A_1367, %add3A_1368 : i32
      %mul3A_1370 = arith.constant 16 : i32
      %mul3A_1371 = arith.muli %add3A_1369, %mul3A_1370 : i32
      %swap3A_1372 = arith.constant 8192 : i32
      %swap3A_1373 = tpu.memref_slice %arg16[%swap3A_1372] : memref<16384xf32, #tpu.memory_space<vmem>> -> memref<8192xf32, #tpu.memory_space<vmem>>
      %swap3A_1374 = arith.index_cast %mul3A_1371 : i32 to index
      %swap3A_1375 = tpu.vector_load %swap3A_1373[%swap3A_1374] {strides = array<i32>} : memref<8192xf32, #tpu.memory_space<vmem>>, vector<16xf32>,
      tpu.vector_store %swap3A_1373[%swap3A_1374], %broadcast_in_dim3A_247 {strides = array<i32>} : memref<8192xf32, #tpu.memory_space<vmem>>, vector<16xf32>,
      %mul3A_1376 = arith.constant 8 : i32
      %mul3A_1377 = arith.muli %scan3A_1335, %mul3A_1376 : i32
      %add3A_1378 = arith.constant 4 : i32
      %add3A_1379 = arith.addi %mul3A_1377, %add3A_1378 : i32
      %mul3A_1380 = arith.constant 16 : i32
      %mul3A_1381 = arith.muli %add3A_1379, %mul3A_1380 : i32
      %swap3A_1382 = arith.constant 8192 : i32
      %swap3A_1383 = tpu.memref_slice %arg16[%swap3A_1382] : memref<16384xf32, #tpu.memory_space<vmem>> -> memref<8192xf32, #tpu.memory_space<vmem>>
      %swap3A_1384 = arith.index_cast %mul3A_1381 : i32 to index
      %swap3A_1385 = tpu.vector_load %swap3A_1383[%swap3A_1384] {strides = array<i32>} : memref<8192xf32, #tpu.memory_space<vmem>>, vector<16xf32>,
      tpu.vector_store %swap3A_1383[%swap3A_1384], %broadcast_in_dim3A_247 {strides = array<i32>} : memref<8192xf32, #tpu.memory_space<vmem>>, vector<16xf32>,
      %mul3A_1386 = arith.constant 8 : i32
      %mul3A_1387 = arith.muli %scan3A_1335, %mul3A_1386 : i32
      %add3A_1388 = arith.constant 5 : i32
      %add3A_1389 = arith.addi %mul3A_1387, %add3A_1388 : i32
      %mul3A_1390 = arith.constant 16 : i32
      %mul3A_1391 = arith.muli %add3A_1389, %mul3A_1390 : i32
      %swap3A_1392 = arith.constant 8192 : i32
      %swap3A_1393 = tpu.memref_slice %arg16[%swap3A_1392] : memref<16384xf32, #tpu.memory_space<vmem>> -> memref<8192xf32, #tpu.memory_space<vmem>>
      %swap3A_1394 = arith.index_cast %mul3A_1391 : i32 to index
      %swap3A_1395 = tpu.vector_load %swap3A_1393[%swap3A_1394] {strides = array<i32>} : memref<8192xf32, #tpu.memory_space<vmem>>, vector<16xf32>,
      tpu.vector_store %swap3A_1393[%swap3A_1394], %broadcast_in_dim3A_247 {strides = array<i32>} : memref<8192xf32, #tpu.memory_space<vmem>>, vector<16xf32>,
      %mul3A_1396 = arith.constant 8 : i32
      %mul3A_1397 = arith.muli %scan3A_1335, %mul3A_1396 : i32
      %add3A_1398 = arith.constant 6 : i32
      %add3A_1399 = arith.addi %mul3A_1397, %add3A_1398 : i32
      %mul3A_1400 = arith.constant 16 : i32
      %mul3A_1401 = arith.muli %add3A_1399, %mul3A_1400 : i32
      %swap3A_1402 = arith.constant 8192 : i32
      %swap3A_1403 = tpu.memref_slice %arg16[%swap3A_1402] : memref<16384xf32, #tpu.memory_space<vmem>> -> memref<8192xf32, #tpu.memory_space<vmem>>
      %swap3A_1404 = arith.index_cast %mul3A_1401 : i32 to index
      %swap3A_1405 = tpu.vector_load %swap3A_1403[%swap3A_1404] {strides = array<i32>} : memref<8192xf32, #tpu.memory_space<vmem>>, vector<16xf32>,
      tpu.vector_store %swap3A_1403[%swap3A_1404], %broadcast_in_dim3A_247 {strides = array<i32>} : memref<8192xf32, #tpu.memory_space<vmem>>, vector<16xf32>,
      %mul3A_1406 = arith.constant 8 : i32
      %mul3A_1407 = arith.muli %scan3A_1335, %mul3A_1406 : i32
      %add3A_1408 = arith.constant 7 : i32
      %add3A_1409 = arith.addi %mul3A_1407, %add3A_1408 : i32
      %mul3A_1410 = arith.constant 16 : i32
      %mul3A_1411 = arith.muli %add3A_1409, %mul3A_1410 : i32
      %swap3A_1412 = arith.constant 8192 : i32
      %swap3A_1413 = tpu.memref_slice %arg16[%swap3A_1412] : memref<16384xf32, #tpu.memory_space<vmem>> -> memref<8192xf32, #tpu.memory_space<vmem>>
      %swap3A_1414 = arith.index_cast %mul3A_1411 : i32 to index
      %swap3A_1415 = tpu.vector_load %swap3A_1413[%swap3A_1414] {strides = array<i32>} : memref<8192xf32, #tpu.memory_space<vmem>>, vector<16xf32>,
      tpu.vector_store %swap3A_1413[%swap3A_1414], %broadcast_in_dim3A_247 {strides = array<i32>} : memref<8192xf32, #tpu.memory_space<vmem>>, vector<16xf32>,
    }
    %scan3A_329 = arith.constant 64 : i32
    %add3A_330 = arith.constant 16 : i32
    %add3A_331 = vector.broadcast %add3A_330 : i32 to vector<16xi32>
    %add3A_332 = arith.addi %iota3A, %add3A_331 : vector<16xi32>
    %mul3A_333 = arith.constant 50 : i32
    %mul3A_334 = vector.broadcast %mul3A_333 : i32 to vector<16xi32>
    %mul3A_335 = arith.muli %add3A_332, %mul3A_334 : vector<16xi32>
    %scan3A_336 = arith.constant 0 : i32
    %scan3A_337 = arith.constant 0 : i32
    %scan3A_338 = arith.constant 50 : i32
    %scan3A_339 = arith.addi %scan3A_337, %scan3A_338 : i32
    %scan3A_340 = arith.constant 1 : i32
    scf.for %scan3A_1335 = %scan3A_337 to %scan3A_339 step %scan3A_340  : i32 {
      %add3A_1336 = vector.broadcast %scan3A_1335 : i32 to vector<16xi32>
      %add3A_1337 = arith.addi %mul3A_335, %add3A_1336 : vector<16xi32>
      %gather3A = tpu.vector_load_idx %arg7[%add3A_1337] : memref<6400xi32, #tpu.memory_space<vmem>>[vector<16xi32>], vector<16xi32>,
      %add3A_1338 = vector.broadcast %scan3A_1335 : i32 to vector<16xi32>
      %add3A_1339 = arith.addi %mul3A_335, %add3A_1338 : vector<16xi32>
      %gather3A_1340 = tpu.vector_load_idx %arg8[%add3A_1339] : memref<6400xi32, #tpu.memory_space<vmem>>[vector<16xi32>], vector<16xi32>,
      %convert_element_type3A_1341 = arith.sitofp %gather3A_1340 : vector<16xi32> to vector<16xf32>
      %shift_right_logical3A = arith.constant 7 : i32
      %shift_right_logical3A_1342 = vector.broadcast %shift_right_logical3A : i32 to vector<16xi32>
      %shift_right_logical3A_1343 = arith.shrui %gather3A, %shift_right_logical3A_1342 : vector<16xi32>
      %and3A = arith.constant 127 : i32
      %and3A_1344 = vector.broadcast %and3A : i32 to vector<16xi32>
      %and3A_1345 = arith.andi %gather3A, %and3A_1344 : vector<16xi32>
      %mul3A_1346 = arith.constant 2048 : i32
      %mul3A_1347 = vector.broadcast %mul3A_1346 : i32 to vector<16xi32>
      %mul3A_1348 = arith.muli %shift_right_logical3A_1343, %mul3A_1347 : vector<16xi32>
      %add3A_1349 = arith.addi %mul3A_1348, %mul3A_250 : vector<16xi32>
      %add3A_1350 = arith.addi %add3A_1349, %and3A_1345 : vector<16xi32>
      %scatter3A = arith.constant 8192 : i32
      %scatter3A_1351 = tpu.memref_slice %arg16[%scatter3A] : memref<16384xf32, #tpu.memory_space<vmem>> -> memref<8192xf32, #tpu.memory_space<vmem>>
      tpu.vector_store_idx %scatter3A_1351[%add3A_1350], %convert_element_type3A_1341 {add = true} : memref<8192xf32, #tpu.memory_space<vmem>>[vector<16xi32>], vector<16xf32>,
    }
    %scan3A_341 = arith.constant 50 : i32
    %mul3A_342 = arith.constant 128 : i32
    %mul3A_343 = arith.muli %add3A, %mul3A_342 : i32
    %add3A_344 = arith.constant 16 : i32
    %add3A_345 = arith.addi %mul3A_343, %add3A_344 : i32
    %mul3A_346 = arith.constant 128 : i32
    %mul3A_347 = arith.muli %add3A_345, %mul3A_346 : i32
    %add3A_348 = arith.constant 0 : i32
    %add3A_349 = arith.addi %add3A_348, %mul3A_347 : i32
    %dma_start3A_350 = arith.constant 8192 : i32
    %dma_start3A_351 = tpu.memref_slice %arg16[%dma_start3A_350] : memref<16384xf32, #tpu.memory_space<vmem>> -> memref<2048xf32, #tpu.memory_space<vmem>>
    %dma_start3A_352 = tpu.memref_slice %arg5[%add3A_349] : memref<2097152xf32, #tpu.memory_space<hbm>> -> memref<2048xf32, #tpu.memory_space<hbm>>
    %dma_start3A_353 = tpu.memref_slice %arg5[%add3A_349] : memref<2097152xf32, #tpu.memory_space<hbm>> -> memref<2048xf32, #tpu.memory_space<hbm>>
    %dma_start3A_354 = arith.constant 8192 : i32
    %dma_start3A_355 = tpu.memref_slice %arg16[%dma_start3A_354] : memref<16384xf32, #tpu.memory_space<vmem>> -> memref<2048xf32, #tpu.memory_space<vmem>>
    tpu.enqueue_dma source(%dma_start3A_355 : memref<2048xf32, #tpu.memory_space<vmem>>) target(%dma_start3A_353 : memref<2048xf32, #tpu.memory_space<hbm>>) target_semaphore(%arg21 : memref<!tpu.dma_semaphore, #tpu.memory_space<semaphore_mem>>)
    %mul3A_356 = arith.constant 128 : i32
    %mul3A_357 = arith.muli %add3A, %mul3A_356 : i32
    %add3A_358 = arith.constant 16 : i32
    %add3A_359 = arith.addi %mul3A_357, %add3A_358 : i32
    %mul3A_360 = arith.constant 128 : i32
    %mul3A_361 = arith.muli %add3A_359, %mul3A_360 : i32
    %add3A_362 = arith.constant 524288 : i32
    %add3A_363 = arith.addi %add3A_362, %mul3A_361 : i32
    %dma_start3A_364 = arith.constant 10240 : i32
    %dma_start3A_365 = tpu.memref_slice %arg16[%dma_start3A_364] : memref<16384xf32, #tpu.memory_space<vmem>> -> memref<2048xf32, #tpu.memory_space<vmem>>
    %dma_start3A_366 = tpu.memref_slice %arg5[%add3A_363] : memref<2097152xf32, #tpu.memory_space<hbm>> -> memref<2048xf32, #tpu.memory_space<hbm>>
    %dma_start3A_367 = tpu.memref_slice %arg5[%add3A_363] : memref<2097152xf32, #tpu.memory_space<hbm>> -> memref<2048xf32, #tpu.memory_space<hbm>>
    %dma_start3A_368 = arith.constant 10240 : i32
    %dma_start3A_369 = tpu.memref_slice %arg16[%dma_start3A_368] : memref<16384xf32, #tpu.memory_space<vmem>> -> memref<2048xf32, #tpu.memory_space<vmem>>
    tpu.enqueue_dma source(%dma_start3A_369 : memref<2048xf32, #tpu.memory_space<vmem>>) target(%dma_start3A_367 : memref<2048xf32, #tpu.memory_space<hbm>>) target_semaphore(%arg21 : memref<!tpu.dma_semaphore, #tpu.memory_space<semaphore_mem>>)
    %mul3A_370 = arith.constant 128 : i32
    %mul3A_371 = arith.muli %add3A, %mul3A_370 : i32
    %add3A_372 = arith.constant 16 : i32
    %add3A_373 = arith.addi %mul3A_371, %add3A_372 : i32
    %mul3A_374 = arith.constant 128 : i32
    %mul3A_375 = arith.muli %add3A_373, %mul3A_374 : i32
    %add3A_376 = arith.constant 1048576 : i32
    %add3A_377 = arith.addi %add3A_376, %mul3A_375 : i32
    %dma_start3A_378 = arith.constant 12288 : i32
    %dma_start3A_379 = tpu.memref_slice %arg16[%dma_start3A_378] : memref<16384xf32, #tpu.memory_space<vmem>> -> memref<2048xf32, #tpu.memory_space<vmem>>
    %dma_start3A_380 = tpu.memref_slice %arg5[%add3A_377] : memref<2097152xf32, #tpu.memory_space<hbm>> -> memref<2048xf32, #tpu.memory_space<hbm>>
    %dma_start3A_381 = tpu.memref_slice %arg5[%add3A_377] : memref<2097152xf32, #tpu.memory_space<hbm>> -> memref<2048xf32, #tpu.memory_space<hbm>>
    %dma_start3A_382 = arith.constant 12288 : i32
    %dma_start3A_383 = tpu.memref_slice %arg16[%dma_start3A_382] : memref<16384xf32, #tpu.memory_space<vmem>> -> memref<2048xf32, #tpu.memory_space<vmem>>
    tpu.enqueue_dma source(%dma_start3A_383 : memref<2048xf32, #tpu.memory_space<vmem>>) target(%dma_start3A_381 : memref<2048xf32, #tpu.memory_space<hbm>>) target_semaphore(%arg21 : memref<!tpu.dma_semaphore, #tpu.memory_space<semaphore_mem>>)
    %mul3A_384 = arith.constant 128 : i32
    %mul3A_385 = arith.muli %add3A, %mul3A_384 : i32
    %add3A_386 = arith.constant 16 : i32
    %add3A_387 = arith.addi %mul3A_385, %add3A_386 : i32
    %mul3A_388 = arith.constant 128 : i32
    %mul3A_389 = arith.muli %add3A_387, %mul3A_388 : i32
    %add3A_390 = arith.constant 1572864 : i32
    %add3A_391 = arith.addi %add3A_390, %mul3A_389 : i32
    %dma_start3A_392 = arith.constant 14336 : i32
    %dma_start3A_393 = tpu.memref_slice %arg16[%dma_start3A_392] : memref<16384xf32, #tpu.memory_space<vmem>> -> memref<2048xf32, #tpu.memory_space<vmem>>
    %dma_start3A_394 = tpu.memref_slice %arg5[%add3A_391] : memref<2097152xf32, #tpu.memory_space<hbm>> -> memref<2048xf32, #tpu.memory_space<hbm>>
    %dma_start3A_395 = tpu.memref_slice %arg5[%add3A_391] : memref<2097152xf32, #tpu.memory_space<hbm>> -> memref<2048xf32, #tpu.memory_space<hbm>>
    %dma_start3A_396 = arith.constant 14336 : i32
    %dma_start3A_397 = tpu.memref_slice %arg16[%dma_start3A_396] : memref<16384xf32, #tpu.memory_space<vmem>> -> memref<2048xf32, #tpu.memory_space<vmem>>
    tpu.enqueue_dma source(%dma_start3A_397 : memref<2048xf32, #tpu.memory_space<vmem>>) target(%dma_start3A_395 : memref<2048xf32, #tpu.memory_space<hbm>>) target_semaphore(%arg21 : memref<!tpu.dma_semaphore, #tpu.memory_space<semaphore_mem>>)
    %mul3A_398 = arith.constant 128 : i32
    %mul3A_399 = arith.muli %add3A, %mul3A_398 : i32
    %add3A_400 = arith.constant 0 : i32
    %add3A_401 = arith.addi %mul3A_399, %add3A_400 : i32
    %mul3A_402 = arith.constant 128 : i32
    %mul3A_403 = arith.muli %add3A_401, %mul3A_402 : i32
    %add3A_404 = arith.constant 0 : i32
    %add3A_405 = arith.addi %add3A_404, %mul3A_403 : i32
    %dma_wait3A = arith.constant 0 : i32
    %dma_wait3A_406 = tpu.memref_slice %arg16[%dma_wait3A] : memref<16384xf32, #tpu.memory_space<vmem>> -> memref<2048xf32, #tpu.memory_space<vmem>>
    %dma_wait3A_407 = tpu.memref_slice %arg5[%add3A_405] : memref<2097152xf32, #tpu.memory_space<hbm>> -> memref<2048xf32, #tpu.memory_space<hbm>>
    %dma_wait3A_408 = tpu.memref_slice %arg5[%add3A_405] : memref<2097152xf32, #tpu.memory_space<hbm>> -> memref<2048xf32, #tpu.memory_space<hbm>>
    %dma_wait3A_409 = arith.constant 0 : i32
    %dma_wait3A_410 = tpu.memref_slice %arg16[%dma_wait3A_409] : memref<16384xf32, #tpu.memory_space<vmem>> -> memref<2048xf32, #tpu.memory_space<vmem>>
    tpu.wait_dma2 semaphore(%arg21 : memref<!tpu.dma_semaphore, #tpu.memory_space<semaphore_mem>>) src(%dma_wait3A_410 : memref<2048xf32, #tpu.memory_space<vmem>>) dst(%dma_wait3A_408 : memref<2048xf32, #tpu.memory_space<hbm>>)
    %mul3A_411 = arith.constant 128 : i32
    %mul3A_412 = arith.muli %add3A, %mul3A_411 : i32
    %add3A_413 = arith.constant 0 : i32
    %add3A_414 = arith.addi %mul3A_412, %add3A_413 : i32
    %mul3A_415 = arith.constant 128 : i32
    %mul3A_416 = arith.muli %add3A_414, %mul3A_415 : i32
    %add3A_417 = arith.constant 524288 : i32
    %add3A_418 = arith.addi %add3A_417, %mul3A_416 : i32
    %dma_wait3A_419 = arith.constant 2048 : i32
    %dma_wait3A_420 = tpu.memref_slice %arg16[%dma_wait3A_419] : memref<16384xf32, #tpu.memory_space<vmem>> -> memref<2048xf32, #tpu.memory_space<vmem>>
    %dma_wait3A_421 = tpu.memref_slice %arg5[%add3A_418] : memref<2097152xf32, #tpu.memory_space<hbm>> -> memref<2048xf32, #tpu.memory_space<hbm>>
    %dma_wait3A_422 = tpu.memref_slice %arg5[%add3A_418] : memref<2097152xf32, #tpu.memory_space<hbm>> -> memref<2048xf32, #tpu.memory_space<hbm>>
    %dma_wait3A_423 = arith.constant 2048 : i32
    %dma_wait3A_424 = tpu.memref_slice %arg16[%dma_wait3A_423] : memref<16384xf32, #tpu.memory_space<vmem>> -> memref<2048xf32, #tpu.memory_space<vmem>>
    tpu.wait_dma2 semaphore(%arg21 : memref<!tpu.dma_semaphore, #tpu.memory_space<semaphore_mem>>) src(%dma_wait3A_424 : memref<2048xf32, #tpu.memory_space<vmem>>) dst(%dma_wait3A_422 : memref<2048xf32, #tpu.memory_space<hbm>>)
    %mul3A_425 = arith.constant 128 : i32
    %mul3A_426 = arith.muli %add3A, %mul3A_425 : i32
    %add3A_427 = arith.constant 0 : i32
    %add3A_428 = arith.addi %mul3A_426, %add3A_427 : i32
    %mul3A_429 = arith.constant 128 : i32
    %mul3A_430 = arith.muli %add3A_428, %mul3A_429 : i32
    %add3A_431 = arith.constant 1048576 : i32
    %add3A_432 = arith.addi %add3A_431, %mul3A_430 : i32
    %dma_wait3A_433 = arith.constant 4096 : i32
    %dma_wait3A_434 = tpu.memref_slice %arg16[%dma_wait3A_433] : memref<16384xf32, #tpu.memory_space<vmem>> -> memref<2048xf32, #tpu.memory_space<vmem>>
    %dma_wait3A_435 = tpu.memref_slice %arg5[%add3A_432] : memref<2097152xf32, #tpu.memory_space<hbm>> -> memref<2048xf32, #tpu.memory_space<hbm>>
    %dma_wait3A_436 = tpu.memref_slice %arg5[%add3A_432] : memref<2097152xf32, #tpu.memory_space<hbm>> -> memref<2048xf32, #tpu.memory_space<hbm>>
    %dma_wait3A_437 = arith.constant 4096 : i32
    %dma_wait3A_438 = tpu.memref_slice %arg16[%dma_wait3A_437] : memref<16384xf32, #tpu.memory_space<vmem>> -> memref<2048xf32, #tpu.memory_space<vmem>>
    tpu.wait_dma2 semaphore(%arg21 : memref<!tpu.dma_semaphore, #tpu.memory_space<semaphore_mem>>) src(%dma_wait3A_438 : memref<2048xf32, #tpu.memory_space<vmem>>) dst(%dma_wait3A_436 : memref<2048xf32, #tpu.memory_space<hbm>>)
    %mul3A_439 = arith.constant 128 : i32
    %mul3A_440 = arith.muli %add3A, %mul3A_439 : i32
    %add3A_441 = arith.constant 0 : i32
    %add3A_442 = arith.addi %mul3A_440, %add3A_441 : i32
    %mul3A_443 = arith.constant 128 : i32
    %mul3A_444 = arith.muli %add3A_442, %mul3A_443 : i32
    %add3A_445 = arith.constant 1572864 : i32
    %add3A_446 = arith.addi %add3A_445, %mul3A_444 : i32
    %dma_wait3A_447 = arith.constant 6144 : i32
    %dma_wait3A_448 = tpu.memref_slice %arg16[%dma_wait3A_447] : memref<16384xf32, #tpu.memory_space<vmem>> -> memref<2048xf32, #tpu.memory_space<vmem>>
    %dma_wait3A_449 = tpu.memref_slice %arg5[%add3A_446] : memref<2097152xf32, #tpu.memory_space<hbm>> -> memref<2048xf32, #tpu.memory_space<hbm>>
    %dma_wait3A_450 = tpu.memref_slice %arg5[%add3A_446] : memref<2097152xf32, #tpu.memory_space<hbm>> -> memref<2048xf32, #tpu.memory_space<hbm>>
    %dma_wait3A_451 = arith.constant 6144 : i32
    %dma_wait3A_452 = tpu.memref_slice %arg16[%dma_wait3A_451] : memref<16384xf32, #tpu.memory_space<vmem>> -> memref<2048xf32, #tpu.memory_space<vmem>>
    tpu.wait_dma2 semaphore(%arg21 : memref<!tpu.dma_semaphore, #tpu.memory_space<semaphore_mem>>) src(%dma_wait3A_452 : memref<2048xf32, #tpu.memory_space<vmem>>) dst(%dma_wait3A_450 : memref<2048xf32, #tpu.memory_space<hbm>>)
    %scan3A_453 = arith.constant 0 : i32
    %scan3A_454 = arith.constant 0 : i32
    %scan3A_455 = arith.constant 64 : i32
    %scan3A_456 = arith.addi %scan3A_454, %scan3A_455 : i32
    %scan3A_457 = arith.constant 1 : i32
    scf.for %scan3A_1335 = %scan3A_454 to %scan3A_456 step %scan3A_457  : i32 {
      %mul3A_1336 = arith.constant 8 : i32
      %mul3A_1337 = arith.muli %scan3A_1335, %mul3A_1336 : i32
      %add3A_1338 = arith.constant 0 : i32
      %add3A_1339 = arith.addi %mul3A_1337, %add3A_1338 : i32
      %mul3A_1340 = arith.constant 16 : i32
      %mul3A_1341 = arith.muli %add3A_1339, %mul3A_1340 : i32
      %swap3A_1342 = arith.constant 0 : i32
      %swap3A_1343 = tpu.memref_slice %arg16[%swap3A_1342] : memref<16384xf32, #tpu.memory_space<vmem>> -> memref<8192xf32, #tpu.memory_space<vmem>>
      %swap3A_1344 = arith.index_cast %mul3A_1341 : i32 to index
      %swap3A_1345 = tpu.vector_load %swap3A_1343[%swap3A_1344] {strides = array<i32>} : memref<8192xf32, #tpu.memory_space<vmem>>, vector<16xf32>,
      tpu.vector_store %swap3A_1343[%swap3A_1344], %broadcast_in_dim3A_247 {strides = array<i32>} : memref<8192xf32, #tpu.memory_space<vmem>>, vector<16xf32>,
      %mul3A_1346 = arith.constant 8 : i32
      %mul3A_1347 = arith.muli %scan3A_1335, %mul3A_1346 : i32
      %add3A_1348 = arith.constant 1 : i32
      %add3A_1349 = arith.addi %mul3A_1347, %add3A_1348 : i32
      %mul3A_1350 = arith.constant 16 : i32
      %mul3A_1351 = arith.muli %add3A_1349, %mul3A_1350 : i32
      %swap3A_1352 = arith.constant 0 : i32
      %swap3A_1353 = tpu.memref_slice %arg16[%swap3A_1352] : memref<16384xf32, #tpu.memory_space<vmem>> -> memref<8192xf32, #tpu.memory_space<vmem>>
      %swap3A_1354 = arith.index_cast %mul3A_1351 : i32 to index
      %swap3A_1355 = tpu.vector_load %swap3A_1353[%swap3A_1354] {strides = array<i32>} : memref<8192xf32, #tpu.memory_space<vmem>>, vector<16xf32>,
      tpu.vector_store %swap3A_1353[%swap3A_1354], %broadcast_in_dim3A_247 {strides = array<i32>} : memref<8192xf32, #tpu.memory_space<vmem>>, vector<16xf32>,
      %mul3A_1356 = arith.constant 8 : i32
      %mul3A_1357 = arith.muli %scan3A_1335, %mul3A_1356 : i32
      %add3A_1358 = arith.constant 2 : i32
      %add3A_1359 = arith.addi %mul3A_1357, %add3A_1358 : i32
      %mul3A_1360 = arith.constant 16 : i32
      %mul3A_1361 = arith.muli %add3A_1359, %mul3A_1360 : i32
      %swap3A_1362 = arith.constant 0 : i32
      %swap3A_1363 = tpu.memref_slice %arg16[%swap3A_1362] : memref<16384xf32, #tpu.memory_space<vmem>> -> memref<8192xf32, #tpu.memory_space<vmem>>
      %swap3A_1364 = arith.index_cast %mul3A_1361 : i32 to index
      %swap3A_1365 = tpu.vector_load %swap3A_1363[%swap3A_1364] {strides = array<i32>} : memref<8192xf32, #tpu.memory_space<vmem>>, vector<16xf32>,
      tpu.vector_store %swap3A_1363[%swap3A_1364], %broadcast_in_dim3A_247 {strides = array<i32>} : memref<8192xf32, #tpu.memory_space<vmem>>, vector<16xf32>,
      %mul3A_1366 = arith.constant 8 : i32
      %mul3A_1367 = arith.muli %scan3A_1335, %mul3A_1366 : i32
      %add3A_1368 = arith.constant 3 : i32
      %add3A_1369 = arith.addi %mul3A_1367, %add3A_1368 : i32
      %mul3A_1370 = arith.constant 16 : i32
      %mul3A_1371 = arith.muli %add3A_1369, %mul3A_1370 : i32
      %swap3A_1372 = arith.constant 0 : i32
      %swap3A_1373 = tpu.memref_slice %arg16[%swap3A_1372] : memref<16384xf32, #tpu.memory_space<vmem>> -> memref<8192xf32, #tpu.memory_space<vmem>>
      %swap3A_1374 = arith.index_cast %mul3A_1371 : i32 to index
      %swap3A_1375 = tpu.vector_load %swap3A_1373[%swap3A_1374] {strides = array<i32>} : memref<8192xf32, #tpu.memory_space<vmem>>, vector<16xf32>,
      tpu.vector_store %swap3A_1373[%swap3A_1374], %broadcast_in_dim3A_247 {strides = array<i32>} : memref<8192xf32, #tpu.memory_space<vmem>>, vector<16xf32>,
      %mul3A_1376 = arith.constant 8 : i32
      %mul3A_1377 = arith.muli %scan3A_1335, %mul3A_1376 : i32
      %add3A_1378 = arith.constant 4 : i32
      %add3A_1379 = arith.addi %mul3A_1377, %add3A_1378 : i32
      %mul3A_1380 = arith.constant 16 : i32
      %mul3A_1381 = arith.muli %add3A_1379, %mul3A_1380 : i32
      %swap3A_1382 = arith.constant 0 : i32
      %swap3A_1383 = tpu.memref_slice %arg16[%swap3A_1382] : memref<16384xf32, #tpu.memory_space<vmem>> -> memref<8192xf32, #tpu.memory_space<vmem>>
      %swap3A_1384 = arith.index_cast %mul3A_1381 : i32 to index
      %swap3A_1385 = tpu.vector_load %swap3A_1383[%swap3A_1384] {strides = array<i32>} : memref<8192xf32, #tpu.memory_space<vmem>>, vector<16xf32>,
      tpu.vector_store %swap3A_1383[%swap3A_1384], %broadcast_in_dim3A_247 {strides = array<i32>} : memref<8192xf32, #tpu.memory_space<vmem>>, vector<16xf32>,
      %mul3A_1386 = arith.constant 8 : i32
      %mul3A_1387 = arith.muli %scan3A_1335, %mul3A_1386 : i32
      %add3A_1388 = arith.constant 5 : i32
      %add3A_1389 = arith.addi %mul3A_1387, %add3A_1388 : i32
      %mul3A_1390 = arith.constant 16 : i32
      %mul3A_1391 = arith.muli %add3A_1389, %mul3A_1390 : i32
      %swap3A_1392 = arith.constant 0 : i32
      %swap3A_1393 = tpu.memref_slice %arg16[%swap3A_1392] : memref<16384xf32, #tpu.memory_space<vmem>> -> memref<8192xf32, #tpu.memory_space<vmem>>
      %swap3A_1394 = arith.index_cast %mul3A_1391 : i32 to index
      %swap3A_1395 = tpu.vector_load %swap3A_1393[%swap3A_1394] {strides = array<i32>} : memref<8192xf32, #tpu.memory_space<vmem>>, vector<16xf32>,
      tpu.vector_store %swap3A_1393[%swap3A_1394], %broadcast_in_dim3A_247 {strides = array<i32>} : memref<8192xf32, #tpu.memory_space<vmem>>, vector<16xf32>,
      %mul3A_1396 = arith.constant 8 : i32
      %mul3A_1397 = arith.muli %scan3A_1335, %mul3A_1396 : i32
      %add3A_1398 = arith.constant 6 : i32
      %add3A_1399 = arith.addi %mul3A_1397, %add3A_1398 : i32
      %mul3A_1400 = arith.constant 16 : i32
      %mul3A_1401 = arith.muli %add3A_1399, %mul3A_1400 : i32
      %swap3A_1402 = arith.constant 0 : i32
      %swap3A_1403 = tpu.memref_slice %arg16[%swap3A_1402] : memref<16384xf32, #tpu.memory_space<vmem>> -> memref<8192xf32, #tpu.memory_space<vmem>>
      %swap3A_1404 = arith.index_cast %mul3A_1401 : i32 to index
      %swap3A_1405 = tpu.vector_load %swap3A_1403[%swap3A_1404] {strides = array<i32>} : memref<8192xf32, #tpu.memory_space<vmem>>, vector<16xf32>,
      tpu.vector_store %swap3A_1403[%swap3A_1404], %broadcast_in_dim3A_247 {strides = array<i32>} : memref<8192xf32, #tpu.memory_space<vmem>>, vector<16xf32>,
      %mul3A_1406 = arith.constant 8 : i32
      %mul3A_1407 = arith.muli %scan3A_1335, %mul3A_1406 : i32
      %add3A_1408 = arith.constant 7 : i32
      %add3A_1409 = arith.addi %mul3A_1407, %add3A_1408 : i32
      %mul3A_1410 = arith.constant 16 : i32
      %mul3A_1411 = arith.muli %add3A_1409, %mul3A_1410 : i32
      %swap3A_1412 = arith.constant 0 : i32
      %swap3A_1413 = tpu.memref_slice %arg16[%swap3A_1412] : memref<16384xf32, #tpu.memory_space<vmem>> -> memref<8192xf32, #tpu.memory_space<vmem>>
      %swap3A_1414 = arith.index_cast %mul3A_1411 : i32 to index
      %swap3A_1415 = tpu.vector_load %swap3A_1413[%swap3A_1414] {strides = array<i32>} : memref<8192xf32, #tpu.memory_space<vmem>>, vector<16xf32>,
      tpu.vector_store %swap3A_1413[%swap3A_1414], %broadcast_in_dim3A_247 {strides = array<i32>} : memref<8192xf32, #tpu.memory_space<vmem>>, vector<16xf32>,
    }
    %scan3A_458 = arith.constant 64 : i32
    %add3A_459 = arith.constant 32 : i32
    %add3A_460 = vector.broadcast %add3A_459 : i32 to vector<16xi32>
    %add3A_461 = arith.addi %iota3A, %add3A_460 : vector<16xi32>
    %mul3A_462 = arith.constant 50 : i32
    %mul3A_463 = vector.broadcast %mul3A_462 : i32 to vector<16xi32>
    %mul3A_464 = arith.muli %add3A_461, %mul3A_463 : vector<16xi32>
    %scan3A_465 = arith.constant 0 : i32
    %scan3A_466 = arith.constant 0 : i32
    %scan3A_467 = arith.constant 50 : i32
    %scan3A_468 = arith.addi %scan3A_466, %scan3A_467 : i32
    %scan3A_469 = arith.constant 1 : i32
    scf.for %scan3A_1335 = %scan3A_466 to %scan3A_468 step %scan3A_469  : i32 {
      %add3A_1336 = vector.broadcast %scan3A_1335 : i32 to vector<16xi32>
      %add3A_1337 = arith.addi %mul3A_464, %add3A_1336 : vector<16xi32>
      %gather3A = tpu.vector_load_idx %arg7[%add3A_1337] : memref<6400xi32, #tpu.memory_space<vmem>>[vector<16xi32>], vector<16xi32>,
      %add3A_1338 = vector.broadcast %scan3A_1335 : i32 to vector<16xi32>
      %add3A_1339 = arith.addi %mul3A_464, %add3A_1338 : vector<16xi32>
      %gather3A_1340 = tpu.vector_load_idx %arg8[%add3A_1339] : memref<6400xi32, #tpu.memory_space<vmem>>[vector<16xi32>], vector<16xi32>,
      %convert_element_type3A_1341 = arith.sitofp %gather3A_1340 : vector<16xi32> to vector<16xf32>
      %shift_right_logical3A = arith.constant 7 : i32
      %shift_right_logical3A_1342 = vector.broadcast %shift_right_logical3A : i32 to vector<16xi32>
      %shift_right_logical3A_1343 = arith.shrui %gather3A, %shift_right_logical3A_1342 : vector<16xi32>
      %and3A = arith.constant 127 : i32
      %and3A_1344 = vector.broadcast %and3A : i32 to vector<16xi32>
      %and3A_1345 = arith.andi %gather3A, %and3A_1344 : vector<16xi32>
      %mul3A_1346 = arith.constant 2048 : i32
      %mul3A_1347 = vector.broadcast %mul3A_1346 : i32 to vector<16xi32>
      %mul3A_1348 = arith.muli %shift_right_logical3A_1343, %mul3A_1347 : vector<16xi32>
      %add3A_1349 = arith.addi %mul3A_1348, %mul3A_250 : vector<16xi32>
      %add3A_1350 = arith.addi %add3A_1349, %and3A_1345 : vector<16xi32>
      %scatter3A = arith.constant 0 : i32
      %scatter3A_1351 = tpu.memref_slice %arg16[%scatter3A] : memref<16384xf32, #tpu.memory_space<vmem>> -> memref<8192xf32, #tpu.memory_space<vmem>>
      tpu.vector_store_idx %scatter3A_1351[%add3A_1350], %convert_element_type3A_1341 {add = true} : memref<8192xf32, #tpu.memory_space<vmem>>[vector<16xi32>], vector<16xf32>,
    }
    %scan3A_470 = arith.constant 50 : i32
    %mul3A_471 = arith.constant 128 : i32
    %mul3A_472 = arith.muli %add3A, %mul3A_471 : i32
    %add3A_473 = arith.constant 32 : i32
    %add3A_474 = arith.addi %mul3A_472, %add3A_473 : i32
    %mul3A_475 = arith.constant 128 : i32
    %mul3A_476 = arith.muli %add3A_474, %mul3A_475 : i32
    %add3A_477 = arith.constant 0 : i32
    %add3A_478 = arith.addi %add3A_477, %mul3A_476 : i32
    %dma_start3A_479 = arith.constant 0 : i32
    %dma_start3A_480 = tpu.memref_slice %arg16[%dma_start3A_479] : memref<16384xf32, #tpu.memory_space<vmem>> -> memref<2048xf32, #tpu.memory_space<vmem>>
    %dma_start3A_481 = tpu.memref_slice %arg5[%add3A_478] : memref<2097152xf32, #tpu.memory_space<hbm>> -> memref<2048xf32, #tpu.memory_space<hbm>>
    %dma_start3A_482 = tpu.memref_slice %arg5[%add3A_478] : memref<2097152xf32, #tpu.memory_space<hbm>> -> memref<2048xf32, #tpu.memory_space<hbm>>
    %dma_start3A_483 = arith.constant 0 : i32
    %dma_start3A_484 = tpu.memref_slice %arg16[%dma_start3A_483] : memref<16384xf32, #tpu.memory_space<vmem>> -> memref<2048xf32, #tpu.memory_space<vmem>>
    tpu.enqueue_dma source(%dma_start3A_484 : memref<2048xf32, #tpu.memory_space<vmem>>) target(%dma_start3A_482 : memref<2048xf32, #tpu.memory_space<hbm>>) target_semaphore(%arg21 : memref<!tpu.dma_semaphore, #tpu.memory_space<semaphore_mem>>)
    %mul3A_485 = arith.constant 128 : i32
    %mul3A_486 = arith.muli %add3A, %mul3A_485 : i32
    %add3A_487 = arith.constant 32 : i32
    %add3A_488 = arith.addi %mul3A_486, %add3A_487 : i32
    %mul3A_489 = arith.constant 128 : i32
    %mul3A_490 = arith.muli %add3A_488, %mul3A_489 : i32
    %add3A_491 = arith.constant 524288 : i32
    %add3A_492 = arith.addi %add3A_491, %mul3A_490 : i32
    %dma_start3A_493 = arith.constant 2048 : i32
    %dma_start3A_494 = tpu.memref_slice %arg16[%dma_start3A_493] : memref<16384xf32, #tpu.memory_space<vmem>> -> memref<2048xf32, #tpu.memory_space<vmem>>
    %dma_start3A_495 = tpu.memref_slice %arg5[%add3A_492] : memref<2097152xf32, #tpu.memory_space<hbm>> -> memref<2048xf32, #tpu.memory_space<hbm>>
    %dma_start3A_496 = tpu.memref_slice %arg5[%add3A_492] : memref<2097152xf32, #tpu.memory_space<hbm>> -> memref<2048xf32, #tpu.memory_space<hbm>>
    %dma_start3A_497 = arith.constant 2048 : i32
    %dma_start3A_498 = tpu.memref_slice %arg16[%dma_start3A_497] : memref<16384xf32, #tpu.memory_space<vmem>> -> memref<2048xf32, #tpu.memory_space<vmem>>
    tpu.enqueue_dma source(%dma_start3A_498 : memref<2048xf32, #tpu.memory_space<vmem>>) target(%dma_start3A_496 : memref<2048xf32, #tpu.memory_space<hbm>>) target_semaphore(%arg21 : memref<!tpu.dma_semaphore, #tpu.memory_space<semaphore_mem>>)
    %mul3A_499 = arith.constant 128 : i32
    %mul3A_500 = arith.muli %add3A, %mul3A_499 : i32
    %add3A_501 = arith.constant 32 : i32
    %add3A_502 = arith.addi %mul3A_500, %add3A_501 : i32
    %mul3A_503 = arith.constant 128 : i32
    %mul3A_504 = arith.muli %add3A_502, %mul3A_503 : i32
    %add3A_505 = arith.constant 1048576 : i32
    %add3A_506 = arith.addi %add3A_505, %mul3A_504 : i32
    %dma_start3A_507 = arith.constant 4096 : i32
    %dma_start3A_508 = tpu.memref_slice %arg16[%dma_start3A_507] : memref<16384xf32, #tpu.memory_space<vmem>> -> memref<2048xf32, #tpu.memory_space<vmem>>
    %dma_start3A_509 = tpu.memref_slice %arg5[%add3A_506] : memref<2097152xf32, #tpu.memory_space<hbm>> -> memref<2048xf32, #tpu.memory_space<hbm>>
    %dma_start3A_510 = tpu.memref_slice %arg5[%add3A_506] : memref<2097152xf32, #tpu.memory_space<hbm>> -> memref<2048xf32, #tpu.memory_space<hbm>>
    %dma_start3A_511 = arith.constant 4096 : i32
    %dma_start3A_512 = tpu.memref_slice %arg16[%dma_start3A_511] : memref<16384xf32, #tpu.memory_space<vmem>> -> memref<2048xf32, #tpu.memory_space<vmem>>
    tpu.enqueue_dma source(%dma_start3A_512 : memref<2048xf32, #tpu.memory_space<vmem>>) target(%dma_start3A_510 : memref<2048xf32, #tpu.memory_space<hbm>>) target_semaphore(%arg21 : memref<!tpu.dma_semaphore, #tpu.memory_space<semaphore_mem>>)
    %mul3A_513 = arith.constant 128 : i32
    %mul3A_514 = arith.muli %add3A, %mul3A_513 : i32
    %add3A_515 = arith.constant 32 : i32
    %add3A_516 = arith.addi %mul3A_514, %add3A_515 : i32
    %mul3A_517 = arith.constant 128 : i32
    %mul3A_518 = arith.muli %add3A_516, %mul3A_517 : i32
    %add3A_519 = arith.constant 1572864 : i32
    %add3A_520 = arith.addi %add3A_519, %mul3A_518 : i32
    %dma_start3A_521 = arith.constant 6144 : i32
    %dma_start3A_522 = tpu.memref_slice %arg16[%dma_start3A_521] : memref<16384xf32, #tpu.memory_space<vmem>> -> memref<2048xf32, #tpu.memory_space<vmem>>
    %dma_start3A_523 = tpu.memref_slice %arg5[%add3A_520] : memref<2097152xf32, #tpu.memory_space<hbm>> -> memref<2048xf32, #tpu.memory_space<hbm>>
    %dma_start3A_524 = tpu.memref_slice %arg5[%add3A_520] : memref<2097152xf32, #tpu.memory_space<hbm>> -> memref<2048xf32, #tpu.memory_space<hbm>>
    %dma_start3A_525 = arith.constant 6144 : i32
    %dma_start3A_526 = tpu.memref_slice %arg16[%dma_start3A_525] : memref<16384xf32, #tpu.memory_space<vmem>> -> memref<2048xf32, #tpu.memory_space<vmem>>
    tpu.enqueue_dma source(%dma_start3A_526 : memref<2048xf32, #tpu.memory_space<vmem>>) target(%dma_start3A_524 : memref<2048xf32, #tpu.memory_space<hbm>>) target_semaphore(%arg21 : memref<!tpu.dma_semaphore, #tpu.memory_space<semaphore_mem>>)
    %mul3A_527 = arith.constant 128 : i32
    %mul3A_528 = arith.muli %add3A, %mul3A_527 : i32
    %add3A_529 = arith.constant 16 : i32
    %add3A_530 = arith.addi %mul3A_528, %add3A_529 : i32
    %mul3A_531 = arith.constant 128 : i32
    %mul3A_532 = arith.muli %add3A_530, %mul3A_531 : i32
    %add3A_533 = arith.constant 0 : i32
    %add3A_534 = arith.addi %add3A_533, %mul3A_532 : i32
    %dma_wait3A_535 = arith.constant 8192 : i32
    %dma_wait3A_536 = tpu.memref_slice %arg16[%dma_wait3A_535] : memref<16384xf32, #tpu.memory_space<vmem>> -> memref<2048xf32, #tpu.memory_space<vmem>>
    %dma_wait3A_537 = tpu.memref_slice %arg5[%add3A_534] : memref<2097152xf32, #tpu.memory_space<hbm>> -> memref<2048xf32, #tpu.memory_space<hbm>>
    %dma_wait3A_538 = tpu.memref_slice %arg5[%add3A_534] : memref<2097152xf32, #tpu.memory_space<hbm>> -> memref<2048xf32, #tpu.memory_space<hbm>>
    %dma_wait3A_539 = arith.constant 8192 : i32
    %dma_wait3A_540 = tpu.memref_slice %arg16[%dma_wait3A_539] : memref<16384xf32, #tpu.memory_space<vmem>> -> memref<2048xf32, #tpu.memory_space<vmem>>
    tpu.wait_dma2 semaphore(%arg21 : memref<!tpu.dma_semaphore, #tpu.memory_space<semaphore_mem>>) src(%dma_wait3A_540 : memref<2048xf32, #tpu.memory_space<vmem>>) dst(%dma_wait3A_538 : memref<2048xf32, #tpu.memory_space<hbm>>)
    %mul3A_541 = arith.constant 128 : i32
    %mul3A_542 = arith.muli %add3A, %mul3A_541 : i32
    %add3A_543 = arith.constant 16 : i32
    %add3A_544 = arith.addi %mul3A_542, %add3A_543 : i32
    %mul3A_545 = arith.constant 128 : i32
    %mul3A_546 = arith.muli %add3A_544, %mul3A_545 : i32
    %add3A_547 = arith.constant 524288 : i32
    %add3A_548 = arith.addi %add3A_547, %mul3A_546 : i32
    %dma_wait3A_549 = arith.constant 10240 : i32
    %dma_wait3A_550 = tpu.memref_slice %arg16[%dma_wait3A_549] : memref<16384xf32, #tpu.memory_space<vmem>> -> memref<2048xf32, #tpu.memory_space<vmem>>
    %dma_wait3A_551 = tpu.memref_slice %arg5[%add3A_548] : memref<2097152xf32, #tpu.memory_space<hbm>> -> memref<2048xf32, #tpu.memory_space<hbm>>
    %dma_wait3A_552 = tpu.memref_slice %arg5[%add3A_548] : memref<2097152xf32, #tpu.memory_space<hbm>> -> memref<2048xf32, #tpu.memory_space<hbm>>
    %dma_wait3A_553 = arith.constant 10240 : i32
    %dma_wait3A_554 = tpu.memref_slice %arg16[%dma_wait3A_553] : memref<16384xf32, #tpu.memory_space<vmem>> -> memref<2048xf32, #tpu.memory_space<vmem>>
    tpu.wait_dma2 semaphore(%arg21 : memref<!tpu.dma_semaphore, #tpu.memory_space<semaphore_mem>>) src(%dma_wait3A_554 : memref<2048xf32, #tpu.memory_space<vmem>>) dst(%dma_wait3A_552 : memref<2048xf32, #tpu.memory_space<hbm>>)
    %mul3A_555 = arith.constant 128 : i32
    %mul3A_556 = arith.muli %add3A, %mul3A_555 : i32
    %add3A_557 = arith.constant 16 : i32
    %add3A_558 = arith.addi %mul3A_556, %add3A_557 : i32
    %mul3A_559 = arith.constant 128 : i32
    %mul3A_560 = arith.muli %add3A_558, %mul3A_559 : i32
    %add3A_561 = arith.constant 1048576 : i32
    %add3A_562 = arith.addi %add3A_561, %mul3A_560 : i32
    %dma_wait3A_563 = arith.constant 12288 : i32
    %dma_wait3A_564 = tpu.memref_slice %arg16[%dma_wait3A_563] : memref<16384xf32, #tpu.memory_space<vmem>> -> memref<2048xf32, #tpu.memory_space<vmem>>
    %dma_wait3A_565 = tpu.memref_slice %arg5[%add3A_562] : memref<2097152xf32, #tpu.memory_space<hbm>> -> memref<2048xf32, #tpu.memory_space<hbm>>
    %dma_wait3A_566 = tpu.memref_slice %arg5[%add3A_562] : memref<2097152xf32, #tpu.memory_space<hbm>> -> memref<2048xf32, #tpu.memory_space<hbm>>
    %dma_wait3A_567 = arith.constant 12288 : i32
    %dma_wait3A_568 = tpu.memref_slice %arg16[%dma_wait3A_567] : memref<16384xf32, #tpu.memory_space<vmem>> -> memref<2048xf32, #tpu.memory_space<vmem>>
    tpu.wait_dma2 semaphore(%arg21 : memref<!tpu.dma_semaphore, #tpu.memory_space<semaphore_mem>>) src(%dma_wait3A_568 : memref<2048xf32, #tpu.memory_space<vmem>>) dst(%dma_wait3A_566 : memref<2048xf32, #tpu.memory_space<hbm>>)
    %mul3A_569 = arith.constant 128 : i32
    %mul3A_570 = arith.muli %add3A, %mul3A_569 : i32
    %add3A_571 = arith.constant 16 : i32
    %add3A_572 = arith.addi %mul3A_570, %add3A_571 : i32
    %mul3A_573 = arith.constant 128 : i32
    %mul3A_574 = arith.muli %add3A_572, %mul3A_573 : i32
    %add3A_575 = arith.constant 1572864 : i32
    %add3A_576 = arith.addi %add3A_575, %mul3A_574 : i32
    %dma_wait3A_577 = arith.constant 14336 : i32
    %dma_wait3A_578 = tpu.memref_slice %arg16[%dma_wait3A_577] : memref<16384xf32, #tpu.memory_space<vmem>> -> memref<2048xf32, #tpu.memory_space<vmem>>
    %dma_wait3A_579 = tpu.memref_slice %arg5[%add3A_576] : memref<2097152xf32, #tpu.memory_space<hbm>> -> memref<2048xf32, #tpu.memory_space<hbm>>
    %dma_wait3A_580 = tpu.memref_slice %arg5[%add3A_576] : memref<2097152xf32, #tpu.memory_space<hbm>> -> memref<2048xf32, #tpu.memory_space<hbm>>
    %dma_wait3A_581 = arith.constant 14336 : i32
    %dma_wait3A_582 = tpu.memref_slice %arg16[%dma_wait3A_581] : memref<16384xf32, #tpu.memory_space<vmem>> -> memref<2048xf32, #tpu.memory_space<vmem>>
    tpu.wait_dma2 semaphore(%arg21 : memref<!tpu.dma_semaphore, #tpu.memory_space<semaphore_mem>>) src(%dma_wait3A_582 : memref<2048xf32, #tpu.memory_space<vmem>>) dst(%dma_wait3A_580 : memref<2048xf32, #tpu.memory_space<hbm>>)
    %scan3A_583 = arith.constant 0 : i32
    %scan3A_584 = arith.constant 0 : i32
    %scan3A_585 = arith.constant 64 : i32
    %scan3A_586 = arith.addi %scan3A_584, %scan3A_585 : i32
    %scan3A_587 = arith.constant 1 : i32
    scf.for %scan3A_1335 = %scan3A_584 to %scan3A_586 step %scan3A_587  : i32 {
      %mul3A_1336 = arith.constant 8 : i32
      %mul3A_1337 = arith.muli %scan3A_1335, %mul3A_1336 : i32
      %add3A_1338 = arith.constant 0 : i32
      %add3A_1339 = arith.addi %mul3A_1337, %add3A_1338 : i32
      %mul3A_1340 = arith.constant 16 : i32
      %mul3A_1341 = arith.muli %add3A_1339, %mul3A_1340 : i32
      %swap3A_1342 = arith.constant 8192 : i32
      %swap3A_1343 = tpu.memref_slice %arg16[%swap3A_1342] : memref<16384xf32, #tpu.memory_space<vmem>> -> memref<8192xf32, #tpu.memory_space<vmem>>
      %swap3A_1344 = arith.index_cast %mul3A_1341 : i32 to index
      %swap3A_1345 = tpu.vector_load %swap3A_1343[%swap3A_1344] {strides = array<i32>} : memref<8192xf32, #tpu.memory_space<vmem>>, vector<16xf32>,
      tpu.vector_store %swap3A_1343[%swap3A_1344], %broadcast_in_dim3A_247 {strides = array<i32>} : memref<8192xf32, #tpu.memory_space<vmem>>, vector<16xf32>,
      %mul3A_1346 = arith.constant 8 : i32
      %mul3A_1347 = arith.muli %scan3A_1335, %mul3A_1346 : i32
      %add3A_1348 = arith.constant 1 : i32
      %add3A_1349 = arith.addi %mul3A_1347, %add3A_1348 : i32
      %mul3A_1350 = arith.constant 16 : i32
      %mul3A_1351 = arith.muli %add3A_1349, %mul3A_1350 : i32
      %swap3A_1352 = arith.constant 8192 : i32
      %swap3A_1353 = tpu.memref_slice %arg16[%swap3A_1352] : memref<16384xf32, #tpu.memory_space<vmem>> -> memref<8192xf32, #tpu.memory_space<vmem>>
      %swap3A_1354 = arith.index_cast %mul3A_1351 : i32 to index
      %swap3A_1355 = tpu.vector_load %swap3A_1353[%swap3A_1354] {strides = array<i32>} : memref<8192xf32, #tpu.memory_space<vmem>>, vector<16xf32>,
      tpu.vector_store %swap3A_1353[%swap3A_1354], %broadcast_in_dim3A_247 {strides = array<i32>} : memref<8192xf32, #tpu.memory_space<vmem>>, vector<16xf32>,
      %mul3A_1356 = arith.constant 8 : i32
      %mul3A_1357 = arith.muli %scan3A_1335, %mul3A_1356 : i32
      %add3A_1358 = arith.constant 2 : i32
      %add3A_1359 = arith.addi %mul3A_1357, %add3A_1358 : i32
      %mul3A_1360 = arith.constant 16 : i32
      %mul3A_1361 = arith.muli %add3A_1359, %mul3A_1360 : i32
      %swap3A_1362 = arith.constant 8192 : i32
      %swap3A_1363 = tpu.memref_slice %arg16[%swap3A_1362] : memref<16384xf32, #tpu.memory_space<vmem>> -> memref<8192xf32, #tpu.memory_space<vmem>>
      %swap3A_1364 = arith.index_cast %mul3A_1361 : i32 to index
      %swap3A_1365 = tpu.vector_load %swap3A_1363[%swap3A_1364] {strides = array<i32>} : memref<8192xf32, #tpu.memory_space<vmem>>, vector<16xf32>,
      tpu.vector_store %swap3A_1363[%swap3A_1364], %broadcast_in_dim3A_247 {strides = array<i32>} : memref<8192xf32, #tpu.memory_space<vmem>>, vector<16xf32>,
      %mul3A_1366 = arith.constant 8 : i32
      %mul3A_1367 = arith.muli %scan3A_1335, %mul3A_1366 : i32
      %add3A_1368 = arith.constant 3 : i32
      %add3A_1369 = arith.addi %mul3A_1367, %add3A_1368 : i32
      %mul3A_1370 = arith.constant 16 : i32
      %mul3A_1371 = arith.muli %add3A_1369, %mul3A_1370 : i32
      %swap3A_1372 = arith.constant 8192 : i32
      %swap3A_1373 = tpu.memref_slice %arg16[%swap3A_1372] : memref<16384xf32, #tpu.memory_space<vmem>> -> memref<8192xf32, #tpu.memory_space<vmem>>
      %swap3A_1374 = arith.index_cast %mul3A_1371 : i32 to index
      %swap3A_1375 = tpu.vector_load %swap3A_1373[%swap3A_1374] {strides = array<i32>} : memref<8192xf32, #tpu.memory_space<vmem>>, vector<16xf32>,
      tpu.vector_store %swap3A_1373[%swap3A_1374], %broadcast_in_dim3A_247 {strides = array<i32>} : memref<8192xf32, #tpu.memory_space<vmem>>, vector<16xf32>,
      %mul3A_1376 = arith.constant 8 : i32
      %mul3A_1377 = arith.muli %scan3A_1335, %mul3A_1376 : i32
      %add3A_1378 = arith.constant 4 : i32
      %add3A_1379 = arith.addi %mul3A_1377, %add3A_1378 : i32
      %mul3A_1380 = arith.constant 16 : i32
      %mul3A_1381 = arith.muli %add3A_1379, %mul3A_1380 : i32
      %swap3A_1382 = arith.constant 8192 : i32
      %swap3A_1383 = tpu.memref_slice %arg16[%swap3A_1382] : memref<16384xf32, #tpu.memory_space<vmem>> -> memref<8192xf32, #tpu.memory_space<vmem>>
      %swap3A_1384 = arith.index_cast %mul3A_1381 : i32 to index
      %swap3A_1385 = tpu.vector_load %swap3A_1383[%swap3A_1384] {strides = array<i32>} : memref<8192xf32, #tpu.memory_space<vmem>>, vector<16xf32>,
      tpu.vector_store %swap3A_1383[%swap3A_1384], %broadcast_in_dim3A_247 {strides = array<i32>} : memref<8192xf32, #tpu.memory_space<vmem>>, vector<16xf32>,
      %mul3A_1386 = arith.constant 8 : i32
      %mul3A_1387 = arith.muli %scan3A_1335, %mul3A_1386 : i32
      %add3A_1388 = arith.constant 5 : i32
      %add3A_1389 = arith.addi %mul3A_1387, %add3A_1388 : i32
      %mul3A_1390 = arith.constant 16 : i32
      %mul3A_1391 = arith.muli %add3A_1389, %mul3A_1390 : i32
      %swap3A_1392 = arith.constant 8192 : i32
      %swap3A_1393 = tpu.memref_slice %arg16[%swap3A_1392] : memref<16384xf32, #tpu.memory_space<vmem>> -> memref<8192xf32, #tpu.memory_space<vmem>>
      %swap3A_1394 = arith.index_cast %mul3A_1391 : i32 to index
      %swap3A_1395 = tpu.vector_load %swap3A_1393[%swap3A_1394] {strides = array<i32>} : memref<8192xf32, #tpu.memory_space<vmem>>, vector<16xf32>,
      tpu.vector_store %swap3A_1393[%swap3A_1394], %broadcast_in_dim3A_247 {strides = array<i32>} : memref<8192xf32, #tpu.memory_space<vmem>>, vector<16xf32>,
      %mul3A_1396 = arith.constant 8 : i32
      %mul3A_1397 = arith.muli %scan3A_1335, %mul3A_1396 : i32
      %add3A_1398 = arith.constant 6 : i32
      %add3A_1399 = arith.addi %mul3A_1397, %add3A_1398 : i32
      %mul3A_1400 = arith.constant 16 : i32
      %mul3A_1401 = arith.muli %add3A_1399, %mul3A_1400 : i32
      %swap3A_1402 = arith.constant 8192 : i32
      %swap3A_1403 = tpu.memref_slice %arg16[%swap3A_1402] : memref<16384xf32, #tpu.memory_space<vmem>> -> memref<8192xf32, #tpu.memory_space<vmem>>
      %swap3A_1404 = arith.index_cast %mul3A_1401 : i32 to index
      %swap3A_1405 = tpu.vector_load %swap3A_1403[%swap3A_1404] {strides = array<i32>} : memref<8192xf32, #tpu.memory_space<vmem>>, vector<16xf32>,
      tpu.vector_store %swap3A_1403[%swap3A_1404], %broadcast_in_dim3A_247 {strides = array<i32>} : memref<8192xf32, #tpu.memory_space<vmem>>, vector<16xf32>,
      %mul3A_1406 = arith.constant 8 : i32
      %mul3A_1407 = arith.muli %scan3A_1335, %mul3A_1406 : i32
      %add3A_1408 = arith.constant 7 : i32
      %add3A_1409 = arith.addi %mul3A_1407, %add3A_1408 : i32
      %mul3A_1410 = arith.constant 16 : i32
      %mul3A_1411 = arith.muli %add3A_1409, %mul3A_1410 : i32
      %swap3A_1412 = arith.constant 8192 : i32
      %swap3A_1413 = tpu.memref_slice %arg16[%swap3A_1412] : memref<16384xf32, #tpu.memory_space<vmem>> -> memref<8192xf32, #tpu.memory_space<vmem>>
      %swap3A_1414 = arith.index_cast %mul3A_1411 : i32 to index
      %swap3A_1415 = tpu.vector_load %swap3A_1413[%swap3A_1414] {strides = array<i32>} : memref<8192xf32, #tpu.memory_space<vmem>>, vector<16xf32>,
      tpu.vector_store %swap3A_1413[%swap3A_1414], %broadcast_in_dim3A_247 {strides = array<i32>} : memref<8192xf32, #tpu.memory_space<vmem>>, vector<16xf32>,
    }
    %scan3A_588 = arith.constant 64 : i32
    %add3A_589 = arith.constant 48 : i32
    %add3A_590 = vector.broadcast %add3A_589 : i32 to vector<16xi32>
    %add3A_591 = arith.addi %iota3A, %add3A_590 : vector<16xi32>
    %mul3A_592 = arith.constant 50 : i32
    %mul3A_593 = vector.broadcast %mul3A_592 : i32 to vector<16xi32>
    %mul3A_594 = arith.muli %add3A_591, %mul3A_593 : vector<16xi32>
    %scan3A_595 = arith.constant 0 : i32
    %scan3A_596 = arith.constant 0 : i32
    %scan3A_597 = arith.constant 50 : i32
    %scan3A_598 = arith.addi %scan3A_596, %scan3A_597 : i32
    %scan3A_599 = arith.constant 1 : i32
    scf.for %scan3A_1335 = %scan3A_596 to %scan3A_598 step %scan3A_599  : i32 {
      %add3A_1336 = vector.broadcast %scan3A_1335 : i32 to vector<16xi32>
      %add3A_1337 = arith.addi %mul3A_594, %add3A_1336 : vector<16xi32>
      %gather3A = tpu.vector_load_idx %arg7[%add3A_1337] : memref<6400xi32, #tpu.memory_space<vmem>>[vector<16xi32>], vector<16xi32>,
      %add3A_1338 = vector.broadcast %scan3A_1335 : i32 to vector<16xi32>
      %add3A_1339 = arith.addi %mul3A_594, %add3A_1338 : vector<16xi32>
      %gather3A_1340 = tpu.vector_load_idx %arg8[%add3A_1339] : memref<6400xi32, #tpu.memory_space<vmem>>[vector<16xi32>], vector<16xi32>,
      %convert_element_type3A_1341 = arith.sitofp %gather3A_1340 : vector<16xi32> to vector<16xf32>
      %shift_right_logical3A = arith.constant 7 : i32
      %shift_right_logical3A_1342 = vector.broadcast %shift_right_logical3A : i32 to vector<16xi32>
      %shift_right_logical3A_1343 = arith.shrui %gather3A, %shift_right_logical3A_1342 : vector<16xi32>
      %and3A = arith.constant 127 : i32
      %and3A_1344 = vector.broadcast %and3A : i32 to vector<16xi32>
      %and3A_1345 = arith.andi %gather3A, %and3A_1344 : vector<16xi32>
      %mul3A_1346 = arith.constant 2048 : i32
      %mul3A_1347 = vector.broadcast %mul3A_1346 : i32 to vector<16xi32>
      %mul3A_1348 = arith.muli %shift_right_logical3A_1343, %mul3A_1347 : vector<16xi32>
      %add3A_1349 = arith.addi %mul3A_1348, %mul3A_250 : vector<16xi32>
      %add3A_1350 = arith.addi %add3A_1349, %and3A_1345 : vector<16xi32>
      %scatter3A = arith.constant 8192 : i32
      %scatter3A_1351 = tpu.memref_slice %arg16[%scatter3A] : memref<16384xf32, #tpu.memory_space<vmem>> -> memref<8192xf32, #tpu.memory_space<vmem>>
      tpu.vector_store_idx %scatter3A_1351[%add3A_1350], %convert_element_type3A_1341 {add = true} : memref<8192xf32, #tpu.memory_space<vmem>>[vector<16xi32>], vector<16xf32>,
    }
    %scan3A_600 = arith.constant 50 : i32
    %mul3A_601 = arith.constant 128 : i32
    %mul3A_602 = arith.muli %add3A, %mul3A_601 : i32
    %add3A_603 = arith.constant 48 : i32
    %add3A_604 = arith.addi %mul3A_602, %add3A_603 : i32
    %mul3A_605 = arith.constant 128 : i32
    %mul3A_606 = arith.muli %add3A_604, %mul3A_605 : i32
    %add3A_607 = arith.constant 0 : i32
    %add3A_608 = arith.addi %add3A_607, %mul3A_606 : i32
    %dma_start3A_609 = arith.constant 8192 : i32
    %dma_start3A_610 = tpu.memref_slice %arg16[%dma_start3A_609] : memref<16384xf32, #tpu.memory_space<vmem>> -> memref<2048xf32, #tpu.memory_space<vmem>>
    %dma_start3A_611 = tpu.memref_slice %arg5[%add3A_608] : memref<2097152xf32, #tpu.memory_space<hbm>> -> memref<2048xf32, #tpu.memory_space<hbm>>
    %dma_start3A_612 = tpu.memref_slice %arg5[%add3A_608] : memref<2097152xf32, #tpu.memory_space<hbm>> -> memref<2048xf32, #tpu.memory_space<hbm>>
    %dma_start3A_613 = arith.constant 8192 : i32
    %dma_start3A_614 = tpu.memref_slice %arg16[%dma_start3A_613] : memref<16384xf32, #tpu.memory_space<vmem>> -> memref<2048xf32, #tpu.memory_space<vmem>>
    tpu.enqueue_dma source(%dma_start3A_614 : memref<2048xf32, #tpu.memory_space<vmem>>) target(%dma_start3A_612 : memref<2048xf32, #tpu.memory_space<hbm>>) target_semaphore(%arg21 : memref<!tpu.dma_semaphore, #tpu.memory_space<semaphore_mem>>)
    %mul3A_615 = arith.constant 128 : i32
    %mul3A_616 = arith.muli %add3A, %mul3A_615 : i32
    %add3A_617 = arith.constant 48 : i32
    %add3A_618 = arith.addi %mul3A_616, %add3A_617 : i32
    %mul3A_619 = arith.constant 128 : i32
    %mul3A_620 = arith.muli %add3A_618, %mul3A_619 : i32
    %add3A_621 = arith.constant 524288 : i32
    %add3A_622 = arith.addi %add3A_621, %mul3A_620 : i32
    %dma_start3A_623 = arith.constant 10240 : i32
    %dma_start3A_624 = tpu.memref_slice %arg16[%dma_start3A_623] : memref<16384xf32, #tpu.memory_space<vmem>> -> memref<2048xf32, #tpu.memory_space<vmem>>
    %dma_start3A_625 = tpu.memref_slice %arg5[%add3A_622] : memref<2097152xf32, #tpu.memory_space<hbm>> -> memref<2048xf32, #tpu.memory_space<hbm>>
    %dma_start3A_626 = tpu.memref_slice %arg5[%add3A_622] : memref<2097152xf32, #tpu.memory_space<hbm>> -> memref<2048xf32, #tpu.memory_space<hbm>>
    %dma_start3A_627 = arith.constant 10240 : i32
    %dma_start3A_628 = tpu.memref_slice %arg16[%dma_start3A_627] : memref<16384xf32, #tpu.memory_space<vmem>> -> memref<2048xf32, #tpu.memory_space<vmem>>
    tpu.enqueue_dma source(%dma_start3A_628 : memref<2048xf32, #tpu.memory_space<vmem>>) target(%dma_start3A_626 : memref<2048xf32, #tpu.memory_space<hbm>>) target_semaphore(%arg21 : memref<!tpu.dma_semaphore, #tpu.memory_space<semaphore_mem>>)
    %mul3A_629 = arith.constant 128 : i32
    %mul3A_630 = arith.muli %add3A, %mul3A_629 : i32
    %add3A_631 = arith.constant 48 : i32
    %add3A_632 = arith.addi %mul3A_630, %add3A_631 : i32
    %mul3A_633 = arith.constant 128 : i32
    %mul3A_634 = arith.muli %add3A_632, %mul3A_633 : i32
    %add3A_635 = arith.constant 1048576 : i32
    %add3A_636 = arith.addi %add3A_635, %mul3A_634 : i32
    %dma_start3A_637 = arith.constant 12288 : i32
    %dma_start3A_638 = tpu.memref_slice %arg16[%dma_start3A_637] : memref<16384xf32, #tpu.memory_space<vmem>> -> memref<2048xf32, #tpu.memory_space<vmem>>
    %dma_start3A_639 = tpu.memref_slice %arg5[%add3A_636] : memref<2097152xf32, #tpu.memory_space<hbm>> -> memref<2048xf32, #tpu.memory_space<hbm>>
    %dma_start3A_640 = tpu.memref_slice %arg5[%add3A_636] : memref<2097152xf32, #tpu.memory_space<hbm>> -> memref<2048xf32, #tpu.memory_space<hbm>>
    %dma_start3A_641 = arith.constant 12288 : i32
    %dma_start3A_642 = tpu.memref_slice %arg16[%dma_start3A_641] : memref<16384xf32, #tpu.memory_space<vmem>> -> memref<2048xf32, #tpu.memory_space<vmem>>
    tpu.enqueue_dma source(%dma_start3A_642 : memref<2048xf32, #tpu.memory_space<vmem>>) target(%dma_start3A_640 : memref<2048xf32, #tpu.memory_space<hbm>>) target_semaphore(%arg21 : memref<!tpu.dma_semaphore, #tpu.memory_space<semaphore_mem>>)
    %mul3A_643 = arith.constant 128 : i32
    %mul3A_644 = arith.muli %add3A, %mul3A_643 : i32
    %add3A_645 = arith.constant 48 : i32
    %add3A_646 = arith.addi %mul3A_644, %add3A_645 : i32
    %mul3A_647 = arith.constant 128 : i32
    %mul3A_648 = arith.muli %add3A_646, %mul3A_647 : i32
    %add3A_649 = arith.constant 1572864 : i32
    %add3A_650 = arith.addi %add3A_649, %mul3A_648 : i32
    %dma_start3A_651 = arith.constant 14336 : i32
    %dma_start3A_652 = tpu.memref_slice %arg16[%dma_start3A_651] : memref<16384xf32, #tpu.memory_space<vmem>> -> memref<2048xf32, #tpu.memory_space<vmem>>
    %dma_start3A_653 = tpu.memref_slice %arg5[%add3A_650] : memref<2097152xf32, #tpu.memory_space<hbm>> -> memref<2048xf32, #tpu.memory_space<hbm>>
    %dma_start3A_654 = tpu.memref_slice %arg5[%add3A_650] : memref<2097152xf32, #tpu.memory_space<hbm>> -> memref<2048xf32, #tpu.memory_space<hbm>>
    %dma_start3A_655 = arith.constant 14336 : i32
    %dma_start3A_656 = tpu.memref_slice %arg16[%dma_start3A_655] : memref<16384xf32, #tpu.memory_space<vmem>> -> memref<2048xf32, #tpu.memory_space<vmem>>
    tpu.enqueue_dma source(%dma_start3A_656 : memref<2048xf32, #tpu.memory_space<vmem>>) target(%dma_start3A_654 : memref<2048xf32, #tpu.memory_space<hbm>>) target_semaphore(%arg21 : memref<!tpu.dma_semaphore, #tpu.memory_space<semaphore_mem>>)
    %mul3A_657 = arith.constant 128 : i32
    %mul3A_658 = arith.muli %add3A, %mul3A_657 : i32
    %add3A_659 = arith.constant 32 : i32
    %add3A_660 = arith.addi %mul3A_658, %add3A_659 : i32
    %mul3A_661 = arith.constant 128 : i32
    %mul3A_662 = arith.muli %add3A_660, %mul3A_661 : i32
    %add3A_663 = arith.constant 0 : i32
    %add3A_664 = arith.addi %add3A_663, %mul3A_662 : i32
    %dma_wait3A_665 = arith.constant 0 : i32
    %dma_wait3A_666 = tpu.memref_slice %arg16[%dma_wait3A_665] : memref<16384xf32, #tpu.memory_space<vmem>> -> memref<2048xf32, #tpu.memory_space<vmem>>
    %dma_wait3A_667 = tpu.memref_slice %arg5[%add3A_664] : memref<2097152xf32, #tpu.memory_space<hbm>> -> memref<2048xf32, #tpu.memory_space<hbm>>
    %dma_wait3A_668 = tpu.memref_slice %arg5[%add3A_664] : memref<2097152xf32, #tpu.memory_space<hbm>> -> memref<2048xf32, #tpu.memory_space<hbm>>
    %dma_wait3A_669 = arith.constant 0 : i32
    %dma_wait3A_670 = tpu.memref_slice %arg16[%dma_wait3A_669] : memref<16384xf32, #tpu.memory_space<vmem>> -> memref<2048xf32, #tpu.memory_space<vmem>>
    tpu.wait_dma2 semaphore(%arg21 : memref<!tpu.dma_semaphore, #tpu.memory_space<semaphore_mem>>) src(%dma_wait3A_670 : memref<2048xf32, #tpu.memory_space<vmem>>) dst(%dma_wait3A_668 : memref<2048xf32, #tpu.memory_space<hbm>>)
    %mul3A_671 = arith.constant 128 : i32
    %mul3A_672 = arith.muli %add3A, %mul3A_671 : i32
    %add3A_673 = arith.constant 32 : i32
    %add3A_674 = arith.addi %mul3A_672, %add3A_673 : i32
    %mul3A_675 = arith.constant 128 : i32
    %mul3A_676 = arith.muli %add3A_674, %mul3A_675 : i32
    %add3A_677 = arith.constant 524288 : i32
    %add3A_678 = arith.addi %add3A_677, %mul3A_676 : i32
    %dma_wait3A_679 = arith.constant 2048 : i32
    %dma_wait3A_680 = tpu.memref_slice %arg16[%dma_wait3A_679] : memref<16384xf32, #tpu.memory_space<vmem>> -> memref<2048xf32, #tpu.memory_space<vmem>>
    %dma_wait3A_681 = tpu.memref_slice %arg5[%add3A_678] : memref<2097152xf32, #tpu.memory_space<hbm>> -> memref<2048xf32, #tpu.memory_space<hbm>>
    %dma_wait3A_682 = tpu.memref_slice %arg5[%add3A_678] : memref<2097152xf32, #tpu.memory_space<hbm>> -> memref<2048xf32, #tpu.memory_space<hbm>>
    %dma_wait3A_683 = arith.constant 2048 : i32
    %dma_wait3A_684 = tpu.memref_slice %arg16[%dma_wait3A_683] : memref<16384xf32, #tpu.memory_space<vmem>> -> memref<2048xf32, #tpu.memory_space<vmem>>
    tpu.wait_dma2 semaphore(%arg21 : memref<!tpu.dma_semaphore, #tpu.memory_space<semaphore_mem>>) src(%dma_wait3A_684 : memref<2048xf32, #tpu.memory_space<vmem>>) dst(%dma_wait3A_682 : memref<2048xf32, #tpu.memory_space<hbm>>)
    %mul3A_685 = arith.constant 128 : i32
    %mul3A_686 = arith.muli %add3A, %mul3A_685 : i32
    %add3A_687 = arith.constant 32 : i32
    %add3A_688 = arith.addi %mul3A_686, %add3A_687 : i32
    %mul3A_689 = arith.constant 128 : i32
    %mul3A_690 = arith.muli %add3A_688, %mul3A_689 : i32
    %add3A_691 = arith.constant 1048576 : i32
    %add3A_692 = arith.addi %add3A_691, %mul3A_690 : i32
    %dma_wait3A_693 = arith.constant 4096 : i32
    %dma_wait3A_694 = tpu.memref_slice %arg16[%dma_wait3A_693] : memref<16384xf32, #tpu.memory_space<vmem>> -> memref<2048xf32, #tpu.memory_space<vmem>>
    %dma_wait3A_695 = tpu.memref_slice %arg5[%add3A_692] : memref<2097152xf32, #tpu.memory_space<hbm>> -> memref<2048xf32, #tpu.memory_space<hbm>>
    %dma_wait3A_696 = tpu.memref_slice %arg5[%add3A_692] : memref<2097152xf32, #tpu.memory_space<hbm>> -> memref<2048xf32, #tpu.memory_space<hbm>>
    %dma_wait3A_697 = arith.constant 4096 : i32
    %dma_wait3A_698 = tpu.memref_slice %arg16[%dma_wait3A_697] : memref<16384xf32, #tpu.memory_space<vmem>> -> memref<2048xf32, #tpu.memory_space<vmem>>
    tpu.wait_dma2 semaphore(%arg21 : memref<!tpu.dma_semaphore, #tpu.memory_space<semaphore_mem>>) src(%dma_wait3A_698 : memref<2048xf32, #tpu.memory_space<vmem>>) dst(%dma_wait3A_696 : memref<2048xf32, #tpu.memory_space<hbm>>)
    %mul3A_699 = arith.constant 128 : i32
    %mul3A_700 = arith.muli %add3A, %mul3A_699 : i32
    %add3A_701 = arith.constant 32 : i32
    %add3A_702 = arith.addi %mul3A_700, %add3A_701 : i32
    %mul3A_703 = arith.constant 128 : i32
    %mul3A_704 = arith.muli %add3A_702, %mul3A_703 : i32
    %add3A_705 = arith.constant 1572864 : i32
    %add3A_706 = arith.addi %add3A_705, %mul3A_704 : i32
    %dma_wait3A_707 = arith.constant 6144 : i32
    %dma_wait3A_708 = tpu.memref_slice %arg16[%dma_wait3A_707] : memref<16384xf32, #tpu.memory_space<vmem>> -> memref<2048xf32, #tpu.memory_space<vmem>>
    %dma_wait3A_709 = tpu.memref_slice %arg5[%add3A_706] : memref<2097152xf32, #tpu.memory_space<hbm>> -> memref<2048xf32, #tpu.memory_space<hbm>>
    %dma_wait3A_710 = tpu.memref_slice %arg5[%add3A_706] : memref<2097152xf32, #tpu.memory_space<hbm>> -> memref<2048xf32, #tpu.memory_space<hbm>>
    %dma_wait3A_711 = arith.constant 6144 : i32
    %dma_wait3A_712 = tpu.memref_slice %arg16[%dma_wait3A_711] : memref<16384xf32, #tpu.memory_space<vmem>> -> memref<2048xf32, #tpu.memory_space<vmem>>
    tpu.wait_dma2 semaphore(%arg21 : memref<!tpu.dma_semaphore, #tpu.memory_space<semaphore_mem>>) src(%dma_wait3A_712 : memref<2048xf32, #tpu.memory_space<vmem>>) dst(%dma_wait3A_710 : memref<2048xf32, #tpu.memory_space<hbm>>)
    %scan3A_713 = arith.constant 0 : i32
    %scan3A_714 = arith.constant 0 : i32
    %scan3A_715 = arith.constant 64 : i32
    %scan3A_716 = arith.addi %scan3A_714, %scan3A_715 : i32
    %scan3A_717 = arith.constant 1 : i32
    scf.for %scan3A_1335 = %scan3A_714 to %scan3A_716 step %scan3A_717  : i32 {
      %mul3A_1336 = arith.constant 8 : i32
      %mul3A_1337 = arith.muli %scan3A_1335, %mul3A_1336 : i32
      %add3A_1338 = arith.constant 0 : i32
      %add3A_1339 = arith.addi %mul3A_1337, %add3A_1338 : i32
      %mul3A_1340 = arith.constant 16 : i32
      %mul3A_1341 = arith.muli %add3A_1339, %mul3A_1340 : i32
      %swap3A_1342 = arith.constant 0 : i32
      %swap3A_1343 = tpu.memref_slice %arg16[%swap3A_1342] : memref<16384xf32, #tpu.memory_space<vmem>> -> memref<8192xf32, #tpu.memory_space<vmem>>
      %swap3A_1344 = arith.index_cast %mul3A_1341 : i32 to index
      %swap3A_1345 = tpu.vector_load %swap3A_1343[%swap3A_1344] {strides = array<i32>} : memref<8192xf32, #tpu.memory_space<vmem>>, vector<16xf32>,
      tpu.vector_store %swap3A_1343[%swap3A_1344], %broadcast_in_dim3A_247 {strides = array<i32>} : memref<8192xf32, #tpu.memory_space<vmem>>, vector<16xf32>,
      %mul3A_1346 = arith.constant 8 : i32
      %mul3A_1347 = arith.muli %scan3A_1335, %mul3A_1346 : i32
      %add3A_1348 = arith.constant 1 : i32
      %add3A_1349 = arith.addi %mul3A_1347, %add3A_1348 : i32
      %mul3A_1350 = arith.constant 16 : i32
      %mul3A_1351 = arith.muli %add3A_1349, %mul3A_1350 : i32
      %swap3A_1352 = arith.constant 0 : i32
      %swap3A_1353 = tpu.memref_slice %arg16[%swap3A_1352] : memref<16384xf32, #tpu.memory_space<vmem>> -> memref<8192xf32, #tpu.memory_space<vmem>>
      %swap3A_1354 = arith.index_cast %mul3A_1351 : i32 to index
      %swap3A_1355 = tpu.vector_load %swap3A_1353[%swap3A_1354] {strides = array<i32>} : memref<8192xf32, #tpu.memory_space<vmem>>, vector<16xf32>,
      tpu.vector_store %swap3A_1353[%swap3A_1354], %broadcast_in_dim3A_247 {strides = array<i32>} : memref<8192xf32, #tpu.memory_space<vmem>>, vector<16xf32>,
      %mul3A_1356 = arith.constant 8 : i32
      %mul3A_1357 = arith.muli %scan3A_1335, %mul3A_1356 : i32
      %add3A_1358 = arith.constant 2 : i32
      %add3A_1359 = arith.addi %mul3A_1357, %add3A_1358 : i32
      %mul3A_1360 = arith.constant 16 : i32
      %mul3A_1361 = arith.muli %add3A_1359, %mul3A_1360 : i32
      %swap3A_1362 = arith.constant 0 : i32
      %swap3A_1363 = tpu.memref_slice %arg16[%swap3A_1362] : memref<16384xf32, #tpu.memory_space<vmem>> -> memref<8192xf32, #tpu.memory_space<vmem>>
      %swap3A_1364 = arith.index_cast %mul3A_1361 : i32 to index
      %swap3A_1365 = tpu.vector_load %swap3A_1363[%swap3A_1364] {strides = array<i32>} : memref<8192xf32, #tpu.memory_space<vmem>>, vector<16xf32>,
      tpu.vector_store %swap3A_1363[%swap3A_1364], %broadcast_in_dim3A_247 {strides = array<i32>} : memref<8192xf32, #tpu.memory_space<vmem>>, vector<16xf32>,
      %mul3A_1366 = arith.constant 8 : i32
      %mul3A_1367 = arith.muli %scan3A_1335, %mul3A_1366 : i32
      %add3A_1368 = arith.constant 3 : i32
      %add3A_1369 = arith.addi %mul3A_1367, %add3A_1368 : i32
      %mul3A_1370 = arith.constant 16 : i32
      %mul3A_1371 = arith.muli %add3A_1369, %mul3A_1370 : i32
      %swap3A_1372 = arith.constant 0 : i32
      %swap3A_1373 = tpu.memref_slice %arg16[%swap3A_1372] : memref<16384xf32, #tpu.memory_space<vmem>> -> memref<8192xf32, #tpu.memory_space<vmem>>
      %swap3A_1374 = arith.index_cast %mul3A_1371 : i32 to index
      %swap3A_1375 = tpu.vector_load %swap3A_1373[%swap3A_1374] {strides = array<i32>} : memref<8192xf32, #tpu.memory_space<vmem>>, vector<16xf32>,
      tpu.vector_store %swap3A_1373[%swap3A_1374], %broadcast_in_dim3A_247 {strides = array<i32>} : memref<8192xf32, #tpu.memory_space<vmem>>, vector<16xf32>,
      %mul3A_1376 = arith.constant 8 : i32
      %mul3A_1377 = arith.muli %scan3A_1335, %mul3A_1376 : i32
      %add3A_1378 = arith.constant 4 : i32
      %add3A_1379 = arith.addi %mul3A_1377, %add3A_1378 : i32
      %mul3A_1380 = arith.constant 16 : i32
      %mul3A_1381 = arith.muli %add3A_1379, %mul3A_1380 : i32
      %swap3A_1382 = arith.constant 0 : i32
      %swap3A_1383 = tpu.memref_slice %arg16[%swap3A_1382] : memref<16384xf32, #tpu.memory_space<vmem>> -> memref<8192xf32, #tpu.memory_space<vmem>>
      %swap3A_1384 = arith.index_cast %mul3A_1381 : i32 to index
      %swap3A_1385 = tpu.vector_load %swap3A_1383[%swap3A_1384] {strides = array<i32>} : memref<8192xf32, #tpu.memory_space<vmem>>, vector<16xf32>,
      tpu.vector_store %swap3A_1383[%swap3A_1384], %broadcast_in_dim3A_247 {strides = array<i32>} : memref<8192xf32, #tpu.memory_space<vmem>>, vector<16xf32>,
      %mul3A_1386 = arith.constant 8 : i32
      %mul3A_1387 = arith.muli %scan3A_1335, %mul3A_1386 : i32
      %add3A_1388 = arith.constant 5 : i32
      %add3A_1389 = arith.addi %mul3A_1387, %add3A_1388 : i32
      %mul3A_1390 = arith.constant 16 : i32
      %mul3A_1391 = arith.muli %add3A_1389, %mul3A_1390 : i32
      %swap3A_1392 = arith.constant 0 : i32
      %swap3A_1393 = tpu.memref_slice %arg16[%swap3A_1392] : memref<16384xf32, #tpu.memory_space<vmem>> -> memref<8192xf32, #tpu.memory_space<vmem>>
      %swap3A_1394 = arith.index_cast %mul3A_1391 : i32 to index
      %swap3A_1395 = tpu.vector_load %swap3A_1393[%swap3A_1394] {strides = array<i32>} : memref<8192xf32, #tpu.memory_space<vmem>>, vector<16xf32>,
      tpu.vector_store %swap3A_1393[%swap3A_1394], %broadcast_in_dim3A_247 {strides = array<i32>} : memref<8192xf32, #tpu.memory_space<vmem>>, vector<16xf32>,
      %mul3A_1396 = arith.constant 8 : i32
      %mul3A_1397 = arith.muli %scan3A_1335, %mul3A_1396 : i32
      %add3A_1398 = arith.constant 6 : i32
      %add3A_1399 = arith.addi %mul3A_1397, %add3A_1398 : i32
      %mul3A_1400 = arith.constant 16 : i32
      %mul3A_1401 = arith.muli %add3A_1399, %mul3A_1400 : i32
      %swap3A_1402 = arith.constant 0 : i32
      %swap3A_1403 = tpu.memref_slice %arg16[%swap3A_1402] : memref<16384xf32, #tpu.memory_space<vmem>> -> memref<8192xf32, #tpu.memory_space<vmem>>
      %swap3A_1404 = arith.index_cast %mul3A_1401 : i32 to index
      %swap3A_1405 = tpu.vector_load %swap3A_1403[%swap3A_1404] {strides = array<i32>} : memref<8192xf32, #tpu.memory_space<vmem>>, vector<16xf32>,
      tpu.vector_store %swap3A_1403[%swap3A_1404], %broadcast_in_dim3A_247 {strides = array<i32>} : memref<8192xf32, #tpu.memory_space<vmem>>, vector<16xf32>,
      %mul3A_1406 = arith.constant 8 : i32
      %mul3A_1407 = arith.muli %scan3A_1335, %mul3A_1406 : i32
      %add3A_1408 = arith.constant 7 : i32
      %add3A_1409 = arith.addi %mul3A_1407, %add3A_1408 : i32
      %mul3A_1410 = arith.constant 16 : i32
      %mul3A_1411 = arith.muli %add3A_1409, %mul3A_1410 : i32
      %swap3A_1412 = arith.constant 0 : i32
      %swap3A_1413 = tpu.memref_slice %arg16[%swap3A_1412] : memref<16384xf32, #tpu.memory_space<vmem>> -> memref<8192xf32, #tpu.memory_space<vmem>>
      %swap3A_1414 = arith.index_cast %mul3A_1411 : i32 to index
      %swap3A_1415 = tpu.vector_load %swap3A_1413[%swap3A_1414] {strides = array<i32>} : memref<8192xf32, #tpu.memory_space<vmem>>, vector<16xf32>,
      tpu.vector_store %swap3A_1413[%swap3A_1414], %broadcast_in_dim3A_247 {strides = array<i32>} : memref<8192xf32, #tpu.memory_space<vmem>>, vector<16xf32>,
    }
    %scan3A_718 = arith.constant 64 : i32
    %add3A_719 = arith.constant 64 : i32
    %add3A_720 = vector.broadcast %add3A_719 : i32 to vector<16xi32>
    %add3A_721 = arith.addi %iota3A, %add3A_720 : vector<16xi32>
    %mul3A_722 = arith.constant 50 : i32
    %mul3A_723 = vector.broadcast %mul3A_722 : i32 to vector<16xi32>
    %mul3A_724 = arith.muli %add3A_721, %mul3A_723 : vector<16xi32>
    %scan3A_725 = arith.constant 0 : i32
    %scan3A_726 = arith.constant 0 : i32
    %scan3A_727 = arith.constant 50 : i32
    %scan3A_728 = arith.addi %scan3A_726, %scan3A_727 : i32
    %scan3A_729 = arith.constant 1 : i32
    scf.for %scan3A_1335 = %scan3A_726 to %scan3A_728 step %scan3A_729  : i32 {
      %add3A_1336 = vector.broadcast %scan3A_1335 : i32 to vector<16xi32>
      %add3A_1337 = arith.addi %mul3A_724, %add3A_1336 : vector<16xi32>
      %gather3A = tpu.vector_load_idx %arg7[%add3A_1337] : memref<6400xi32, #tpu.memory_space<vmem>>[vector<16xi32>], vector<16xi32>,
      %add3A_1338 = vector.broadcast %scan3A_1335 : i32 to vector<16xi32>
      %add3A_1339 = arith.addi %mul3A_724, %add3A_1338 : vector<16xi32>
      %gather3A_1340 = tpu.vector_load_idx %arg8[%add3A_1339] : memref<6400xi32, #tpu.memory_space<vmem>>[vector<16xi32>], vector<16xi32>,
      %convert_element_type3A_1341 = arith.sitofp %gather3A_1340 : vector<16xi32> to vector<16xf32>
      %shift_right_logical3A = arith.constant 7 : i32
      %shift_right_logical3A_1342 = vector.broadcast %shift_right_logical3A : i32 to vector<16xi32>
      %shift_right_logical3A_1343 = arith.shrui %gather3A, %shift_right_logical3A_1342 : vector<16xi32>
      %and3A = arith.constant 127 : i32
      %and3A_1344 = vector.broadcast %and3A : i32 to vector<16xi32>
      %and3A_1345 = arith.andi %gather3A, %and3A_1344 : vector<16xi32>
      %mul3A_1346 = arith.constant 2048 : i32
      %mul3A_1347 = vector.broadcast %mul3A_1346 : i32 to vector<16xi32>
      %mul3A_1348 = arith.muli %shift_right_logical3A_1343, %mul3A_1347 : vector<16xi32>
      %add3A_1349 = arith.addi %mul3A_1348, %mul3A_250 : vector<16xi32>
      %add3A_1350 = arith.addi %add3A_1349, %and3A_1345 : vector<16xi32>
      %scatter3A = arith.constant 0 : i32
      %scatter3A_1351 = tpu.memref_slice %arg16[%scatter3A] : memref<16384xf32, #tpu.memory_space<vmem>> -> memref<8192xf32, #tpu.memory_space<vmem>>
      tpu.vector_store_idx %scatter3A_1351[%add3A_1350], %convert_element_type3A_1341 {add = true} : memref<8192xf32, #tpu.memory_space<vmem>>[vector<16xi32>], vector<16xf32>,
    }
    %scan3A_730 = arith.constant 50 : i32
    %mul3A_731 = arith.constant 128 : i32
    %mul3A_732 = arith.muli %add3A, %mul3A_731 : i32
    %add3A_733 = arith.constant 64 : i32
    %add3A_734 = arith.addi %mul3A_732, %add3A_733 : i32
    %mul3A_735 = arith.constant 128 : i32
    %mul3A_736 = arith.muli %add3A_734, %mul3A_735 : i32
    %add3A_737 = arith.constant 0 : i32
    %add3A_738 = arith.addi %add3A_737, %mul3A_736 : i32
    %dma_start3A_739 = arith.constant 0 : i32
    %dma_start3A_740 = tpu.memref_slice %arg16[%dma_start3A_739] : memref<16384xf32, #tpu.memory_space<vmem>> -> memref<2048xf32, #tpu.memory_space<vmem>>
    %dma_start3A_741 = tpu.memref_slice %arg5[%add3A_738] : memref<2097152xf32, #tpu.memory_space<hbm>> -> memref<2048xf32, #tpu.memory_space<hbm>>
    %dma_start3A_742 = tpu.memref_slice %arg5[%add3A_738] : memref<2097152xf32, #tpu.memory_space<hbm>> -> memref<2048xf32, #tpu.memory_space<hbm>>
    %dma_start3A_743 = arith.constant 0 : i32
    %dma_start3A_744 = tpu.memref_slice %arg16[%dma_start3A_743] : memref<16384xf32, #tpu.memory_space<vmem>> -> memref<2048xf32, #tpu.memory_space<vmem>>
    tpu.enqueue_dma source(%dma_start3A_744 : memref<2048xf32, #tpu.memory_space<vmem>>) target(%dma_start3A_742 : memref<2048xf32, #tpu.memory_space<hbm>>) target_semaphore(%arg21 : memref<!tpu.dma_semaphore, #tpu.memory_space<semaphore_mem>>)
    %mul3A_745 = arith.constant 128 : i32
    %mul3A_746 = arith.muli %add3A, %mul3A_745 : i32
    %add3A_747 = arith.constant 64 : i32
    %add3A_748 = arith.addi %mul3A_746, %add3A_747 : i32
    %mul3A_749 = arith.constant 128 : i32
    %mul3A_750 = arith.muli %add3A_748, %mul3A_749 : i32
    %add3A_751 = arith.constant 524288 : i32
    %add3A_752 = arith.addi %add3A_751, %mul3A_750 : i32
    %dma_start3A_753 = arith.constant 2048 : i32
    %dma_start3A_754 = tpu.memref_slice %arg16[%dma_start3A_753] : memref<16384xf32, #tpu.memory_space<vmem>> -> memref<2048xf32, #tpu.memory_space<vmem>>
    %dma_start3A_755 = tpu.memref_slice %arg5[%add3A_752] : memref<2097152xf32, #tpu.memory_space<hbm>> -> memref<2048xf32, #tpu.memory_space<hbm>>
    %dma_start3A_756 = tpu.memref_slice %arg5[%add3A_752] : memref<2097152xf32, #tpu.memory_space<hbm>> -> memref<2048xf32, #tpu.memory_space<hbm>>
    %dma_start3A_757 = arith.constant 2048 : i32
    %dma_start3A_758 = tpu.memref_slice %arg16[%dma_start3A_757] : memref<16384xf32, #tpu.memory_space<vmem>> -> memref<2048xf32, #tpu.memory_space<vmem>>
    tpu.enqueue_dma source(%dma_start3A_758 : memref<2048xf32, #tpu.memory_space<vmem>>) target(%dma_start3A_756 : memref<2048xf32, #tpu.memory_space<hbm>>) target_semaphore(%arg21 : memref<!tpu.dma_semaphore, #tpu.memory_space<semaphore_mem>>)
    %mul3A_759 = arith.constant 128 : i32
    %mul3A_760 = arith.muli %add3A, %mul3A_759 : i32
    %add3A_761 = arith.constant 64 : i32
    %add3A_762 = arith.addi %mul3A_760, %add3A_761 : i32
    %mul3A_763 = arith.constant 128 : i32
    %mul3A_764 = arith.muli %add3A_762, %mul3A_763 : i32
    %add3A_765 = arith.constant 1048576 : i32
    %add3A_766 = arith.addi %add3A_765, %mul3A_764 : i32
    %dma_start3A_767 = arith.constant 4096 : i32
    %dma_start3A_768 = tpu.memref_slice %arg16[%dma_start3A_767] : memref<16384xf32, #tpu.memory_space<vmem>> -> memref<2048xf32, #tpu.memory_space<vmem>>
    %dma_start3A_769 = tpu.memref_slice %arg5[%add3A_766] : memref<2097152xf32, #tpu.memory_space<hbm>> -> memref<2048xf32, #tpu.memory_space<hbm>>
    %dma_start3A_770 = tpu.memref_slice %arg5[%add3A_766] : memref<2097152xf32, #tpu.memory_space<hbm>> -> memref<2048xf32, #tpu.memory_space<hbm>>
    %dma_start3A_771 = arith.constant 4096 : i32
    %dma_start3A_772 = tpu.memref_slice %arg16[%dma_start3A_771] : memref<16384xf32, #tpu.memory_space<vmem>> -> memref<2048xf32, #tpu.memory_space<vmem>>
    tpu.enqueue_dma source(%dma_start3A_772 : memref<2048xf32, #tpu.memory_space<vmem>>) target(%dma_start3A_770 : memref<2048xf32, #tpu.memory_space<hbm>>) target_semaphore(%arg21 : memref<!tpu.dma_semaphore, #tpu.memory_space<semaphore_mem>>)
    %mul3A_773 = arith.constant 128 : i32
    %mul3A_774 = arith.muli %add3A, %mul3A_773 : i32
    %add3A_775 = arith.constant 64 : i32
    %add3A_776 = arith.addi %mul3A_774, %add3A_775 : i32
    %mul3A_777 = arith.constant 128 : i32
    %mul3A_778 = arith.muli %add3A_776, %mul3A_777 : i32
    %add3A_779 = arith.constant 1572864 : i32
    %add3A_780 = arith.addi %add3A_779, %mul3A_778 : i32
    %dma_start3A_781 = arith.constant 6144 : i32
    %dma_start3A_782 = tpu.memref_slice %arg16[%dma_start3A_781] : memref<16384xf32, #tpu.memory_space<vmem>> -> memref<2048xf32, #tpu.memory_space<vmem>>
    %dma_start3A_783 = tpu.memref_slice %arg5[%add3A_780] : memref<2097152xf32, #tpu.memory_space<hbm>> -> memref<2048xf32, #tpu.memory_space<hbm>>
    %dma_start3A_784 = tpu.memref_slice %arg5[%add3A_780] : memref<2097152xf32, #tpu.memory_space<hbm>> -> memref<2048xf32, #tpu.memory_space<hbm>>
    %dma_start3A_785 = arith.constant 6144 : i32
    %dma_start3A_786 = tpu.memref_slice %arg16[%dma_start3A_785] : memref<16384xf32, #tpu.memory_space<vmem>> -> memref<2048xf32, #tpu.memory_space<vmem>>
    tpu.enqueue_dma source(%dma_start3A_786 : memref<2048xf32, #tpu.memory_space<vmem>>) target(%dma_start3A_784 : memref<2048xf32, #tpu.memory_space<hbm>>) target_semaphore(%arg21 : memref<!tpu.dma_semaphore, #tpu.memory_space<semaphore_mem>>)
    %mul3A_787 = arith.constant 128 : i32
    %mul3A_788 = arith.muli %add3A, %mul3A_787 : i32
    %add3A_789 = arith.constant 48 : i32
    %add3A_790 = arith.addi %mul3A_788, %add3A_789 : i32
    %mul3A_791 = arith.constant 128 : i32
    %mul3A_792 = arith.muli %add3A_790, %mul3A_791 : i32
    %add3A_793 = arith.constant 0 : i32
    %add3A_794 = arith.addi %add3A_793, %mul3A_792 : i32
    %dma_wait3A_795 = arith.constant 8192 : i32
    %dma_wait3A_796 = tpu.memref_slice %arg16[%dma_wait3A_795] : memref<16384xf32, #tpu.memory_space<vmem>> -> memref<2048xf32, #tpu.memory_space<vmem>>
    %dma_wait3A_797 = tpu.memref_slice %arg5[%add3A_794] : memref<2097152xf32, #tpu.memory_space<hbm>> -> memref<2048xf32, #tpu.memory_space<hbm>>
    %dma_wait3A_798 = tpu.memref_slice %arg5[%add3A_794] : memref<2097152xf32, #tpu.memory_space<hbm>> -> memref<2048xf32, #tpu.memory_space<hbm>>
    %dma_wait3A_799 = arith.constant 8192 : i32
    %dma_wait3A_800 = tpu.memref_slice %arg16[%dma_wait3A_799] : memref<16384xf32, #tpu.memory_space<vmem>> -> memref<2048xf32, #tpu.memory_space<vmem>>
    tpu.wait_dma2 semaphore(%arg21 : memref<!tpu.dma_semaphore, #tpu.memory_space<semaphore_mem>>) src(%dma_wait3A_800 : memref<2048xf32, #tpu.memory_space<vmem>>) dst(%dma_wait3A_798 : memref<2048xf32, #tpu.memory_space<hbm>>)
    %mul3A_801 = arith.constant 128 : i32
    %mul3A_802 = arith.muli %add3A, %mul3A_801 : i32
    %add3A_803 = arith.constant 48 : i32
    %add3A_804 = arith.addi %mul3A_802, %add3A_803 : i32
    %mul3A_805 = arith.constant 128 : i32
    %mul3A_806 = arith.muli %add3A_804, %mul3A_805 : i32
    %add3A_807 = arith.constant 524288 : i32
    %add3A_808 = arith.addi %add3A_807, %mul3A_806 : i32
    %dma_wait3A_809 = arith.constant 10240 : i32
    %dma_wait3A_810 = tpu.memref_slice %arg16[%dma_wait3A_809] : memref<16384xf32, #tpu.memory_space<vmem>> -> memref<2048xf32, #tpu.memory_space<vmem>>
    %dma_wait3A_811 = tpu.memref_slice %arg5[%add3A_808] : memref<2097152xf32, #tpu.memory_space<hbm>> -> memref<2048xf32, #tpu.memory_space<hbm>>
    %dma_wait3A_812 = tpu.memref_slice %arg5[%add3A_808] : memref<2097152xf32, #tpu.memory_space<hbm>> -> memref<2048xf32, #tpu.memory_space<hbm>>
    %dma_wait3A_813 = arith.constant 10240 : i32
    %dma_wait3A_814 = tpu.memref_slice %arg16[%dma_wait3A_813] : memref<16384xf32, #tpu.memory_space<vmem>> -> memref<2048xf32, #tpu.memory_space<vmem>>
    tpu.wait_dma2 semaphore(%arg21 : memref<!tpu.dma_semaphore, #tpu.memory_space<semaphore_mem>>) src(%dma_wait3A_814 : memref<2048xf32, #tpu.memory_space<vmem>>) dst(%dma_wait3A_812 : memref<2048xf32, #tpu.memory_space<hbm>>)
    %mul3A_815 = arith.constant 128 : i32
    %mul3A_816 = arith.muli %add3A, %mul3A_815 : i32
    %add3A_817 = arith.constant 48 : i32
    %add3A_818 = arith.addi %mul3A_816, %add3A_817 : i32
    %mul3A_819 = arith.constant 128 : i32
    %mul3A_820 = arith.muli %add3A_818, %mul3A_819 : i32
    %add3A_821 = arith.constant 1048576 : i32
    %add3A_822 = arith.addi %add3A_821, %mul3A_820 : i32
    %dma_wait3A_823 = arith.constant 12288 : i32
    %dma_wait3A_824 = tpu.memref_slice %arg16[%dma_wait3A_823] : memref<16384xf32, #tpu.memory_space<vmem>> -> memref<2048xf32, #tpu.memory_space<vmem>>
    %dma_wait3A_825 = tpu.memref_slice %arg5[%add3A_822] : memref<2097152xf32, #tpu.memory_space<hbm>> -> memref<2048xf32, #tpu.memory_space<hbm>>
    %dma_wait3A_826 = tpu.memref_slice %arg5[%add3A_822] : memref<2097152xf32, #tpu.memory_space<hbm>> -> memref<2048xf32, #tpu.memory_space<hbm>>
    %dma_wait3A_827 = arith.constant 12288 : i32
    %dma_wait3A_828 = tpu.memref_slice %arg16[%dma_wait3A_827] : memref<16384xf32, #tpu.memory_space<vmem>> -> memref<2048xf32, #tpu.memory_space<vmem>>
    tpu.wait_dma2 semaphore(%arg21 : memref<!tpu.dma_semaphore, #tpu.memory_space<semaphore_mem>>) src(%dma_wait3A_828 : memref<2048xf32, #tpu.memory_space<vmem>>) dst(%dma_wait3A_826 : memref<2048xf32, #tpu.memory_space<hbm>>)
    %mul3A_829 = arith.constant 128 : i32
    %mul3A_830 = arith.muli %add3A, %mul3A_829 : i32
    %add3A_831 = arith.constant 48 : i32
    %add3A_832 = arith.addi %mul3A_830, %add3A_831 : i32
    %mul3A_833 = arith.constant 128 : i32
    %mul3A_834 = arith.muli %add3A_832, %mul3A_833 : i32
    %add3A_835 = arith.constant 1572864 : i32
    %add3A_836 = arith.addi %add3A_835, %mul3A_834 : i32
    %dma_wait3A_837 = arith.constant 14336 : i32
    %dma_wait3A_838 = tpu.memref_slice %arg16[%dma_wait3A_837] : memref<16384xf32, #tpu.memory_space<vmem>> -> memref<2048xf32, #tpu.memory_space<vmem>>
    %dma_wait3A_839 = tpu.memref_slice %arg5[%add3A_836] : memref<2097152xf32, #tpu.memory_space<hbm>> -> memref<2048xf32, #tpu.memory_space<hbm>>
    %dma_wait3A_840 = tpu.memref_slice %arg5[%add3A_836] : memref<2097152xf32, #tpu.memory_space<hbm>> -> memref<2048xf32, #tpu.memory_space<hbm>>
    %dma_wait3A_841 = arith.constant 14336 : i32
    %dma_wait3A_842 = tpu.memref_slice %arg16[%dma_wait3A_841] : memref<16384xf32, #tpu.memory_space<vmem>> -> memref<2048xf32, #tpu.memory_space<vmem>>
    tpu.wait_dma2 semaphore(%arg21 : memref<!tpu.dma_semaphore, #tpu.memory_space<semaphore_mem>>) src(%dma_wait3A_842 : memref<2048xf32, #tpu.memory_space<vmem>>) dst(%dma_wait3A_840 : memref<2048xf32, #tpu.memory_space<hbm>>)
    %scan3A_843 = arith.constant 0 : i32
    %scan3A_844 = arith.constant 0 : i32
    %scan3A_845 = arith.constant 64 : i32
    %scan3A_846 = arith.addi %scan3A_844, %scan3A_845 : i32
    %scan3A_847 = arith.constant 1 : i32
    scf.for %scan3A_1335 = %scan3A_844 to %scan3A_846 step %scan3A_847  : i32 {
      %mul3A_1336 = arith.constant 8 : i32
      %mul3A_1337 = arith.muli %scan3A_1335, %mul3A_1336 : i32
      %add3A_1338 = arith.constant 0 : i32
      %add3A_1339 = arith.addi %mul3A_1337, %add3A_1338 : i32
      %mul3A_1340 = arith.constant 16 : i32
      %mul3A_1341 = arith.muli %add3A_1339, %mul3A_1340 : i32
      %swap3A_1342 = arith.constant 8192 : i32
      %swap3A_1343 = tpu.memref_slice %arg16[%swap3A_1342] : memref<16384xf32, #tpu.memory_space<vmem>> -> memref<8192xf32, #tpu.memory_space<vmem>>
      %swap3A_1344 = arith.index_cast %mul3A_1341 : i32 to index
      %swap3A_1345 = tpu.vector_load %swap3A_1343[%swap3A_1344] {strides = array<i32>} : memref<8192xf32, #tpu.memory_space<vmem>>, vector<16xf32>,
      tpu.vector_store %swap3A_1343[%swap3A_1344], %broadcast_in_dim3A_247 {strides = array<i32>} : memref<8192xf32, #tpu.memory_space<vmem>>, vector<16xf32>,
      %mul3A_1346 = arith.constant 8 : i32
      %mul3A_1347 = arith.muli %scan3A_1335, %mul3A_1346 : i32
      %add3A_1348 = arith.constant 1 : i32
      %add3A_1349 = arith.addi %mul3A_1347, %add3A_1348 : i32
      %mul3A_1350 = arith.constant 16 : i32
      %mul3A_1351 = arith.muli %add3A_1349, %mul3A_1350 : i32
      %swap3A_1352 = arith.constant 8192 : i32
      %swap3A_1353 = tpu.memref_slice %arg16[%swap3A_1352] : memref<16384xf32, #tpu.memory_space<vmem>> -> memref<8192xf32, #tpu.memory_space<vmem>>
      %swap3A_1354 = arith.index_cast %mul3A_1351 : i32 to index
      %swap3A_1355 = tpu.vector_load %swap3A_1353[%swap3A_1354] {strides = array<i32>} : memref<8192xf32, #tpu.memory_space<vmem>>, vector<16xf32>,
      tpu.vector_store %swap3A_1353[%swap3A_1354], %broadcast_in_dim3A_247 {strides = array<i32>} : memref<8192xf32, #tpu.memory_space<vmem>>, vector<16xf32>,
      %mul3A_1356 = arith.constant 8 : i32
      %mul3A_1357 = arith.muli %scan3A_1335, %mul3A_1356 : i32
      %add3A_1358 = arith.constant 2 : i32
      %add3A_1359 = arith.addi %mul3A_1357, %add3A_1358 : i32
      %mul3A_1360 = arith.constant 16 : i32
      %mul3A_1361 = arith.muli %add3A_1359, %mul3A_1360 : i32
      %swap3A_1362 = arith.constant 8192 : i32
      %swap3A_1363 = tpu.memref_slice %arg16[%swap3A_1362] : memref<16384xf32, #tpu.memory_space<vmem>> -> memref<8192xf32, #tpu.memory_space<vmem>>
      %swap3A_1364 = arith.index_cast %mul3A_1361 : i32 to index
      %swap3A_1365 = tpu.vector_load %swap3A_1363[%swap3A_1364] {strides = array<i32>} : memref<8192xf32, #tpu.memory_space<vmem>>, vector<16xf32>,
      tpu.vector_store %swap3A_1363[%swap3A_1364], %broadcast_in_dim3A_247 {strides = array<i32>} : memref<8192xf32, #tpu.memory_space<vmem>>, vector<16xf32>,
      %mul3A_1366 = arith.constant 8 : i32
      %mul3A_1367 = arith.muli %scan3A_1335, %mul3A_1366 : i32
      %add3A_1368 = arith.constant 3 : i32
      %add3A_1369 = arith.addi %mul3A_1367, %add3A_1368 : i32
      %mul3A_1370 = arith.constant 16 : i32
      %mul3A_1371 = arith.muli %add3A_1369, %mul3A_1370 : i32
      %swap3A_1372 = arith.constant 8192 : i32
      %swap3A_1373 = tpu.memref_slice %arg16[%swap3A_1372] : memref<16384xf32, #tpu.memory_space<vmem>> -> memref<8192xf32, #tpu.memory_space<vmem>>
      %swap3A_1374 = arith.index_cast %mul3A_1371 : i32 to index
      %swap3A_1375 = tpu.vector_load %swap3A_1373[%swap3A_1374] {strides = array<i32>} : memref<8192xf32, #tpu.memory_space<vmem>>, vector<16xf32>,
      tpu.vector_store %swap3A_1373[%swap3A_1374], %broadcast_in_dim3A_247 {strides = array<i32>} : memref<8192xf32, #tpu.memory_space<vmem>>, vector<16xf32>,
      %mul3A_1376 = arith.constant 8 : i32
      %mul3A_1377 = arith.muli %scan3A_1335, %mul3A_1376 : i32
      %add3A_1378 = arith.constant 4 : i32
      %add3A_1379 = arith.addi %mul3A_1377, %add3A_1378 : i32
      %mul3A_1380 = arith.constant 16 : i32
      %mul3A_1381 = arith.muli %add3A_1379, %mul3A_1380 : i32
      %swap3A_1382 = arith.constant 8192 : i32
      %swap3A_1383 = tpu.memref_slice %arg16[%swap3A_1382] : memref<16384xf32, #tpu.memory_space<vmem>> -> memref<8192xf32, #tpu.memory_space<vmem>>
      %swap3A_1384 = arith.index_cast %mul3A_1381 : i32 to index
      %swap3A_1385 = tpu.vector_load %swap3A_1383[%swap3A_1384] {strides = array<i32>} : memref<8192xf32, #tpu.memory_space<vmem>>, vector<16xf32>,
      tpu.vector_store %swap3A_1383[%swap3A_1384], %broadcast_in_dim3A_247 {strides = array<i32>} : memref<8192xf32, #tpu.memory_space<vmem>>, vector<16xf32>,
      %mul3A_1386 = arith.constant 8 : i32
      %mul3A_1387 = arith.muli %scan3A_1335, %mul3A_1386 : i32
      %add3A_1388 = arith.constant 5 : i32
      %add3A_1389 = arith.addi %mul3A_1387, %add3A_1388 : i32
      %mul3A_1390 = arith.constant 16 : i32
      %mul3A_1391 = arith.muli %add3A_1389, %mul3A_1390 : i32
      %swap3A_1392 = arith.constant 8192 : i32
      %swap3A_1393 = tpu.memref_slice %arg16[%swap3A_1392] : memref<16384xf32, #tpu.memory_space<vmem>> -> memref<8192xf32, #tpu.memory_space<vmem>>
      %swap3A_1394 = arith.index_cast %mul3A_1391 : i32 to index
      %swap3A_1395 = tpu.vector_load %swap3A_1393[%swap3A_1394] {strides = array<i32>} : memref<8192xf32, #tpu.memory_space<vmem>>, vector<16xf32>,
      tpu.vector_store %swap3A_1393[%swap3A_1394], %broadcast_in_dim3A_247 {strides = array<i32>} : memref<8192xf32, #tpu.memory_space<vmem>>, vector<16xf32>,
      %mul3A_1396 = arith.constant 8 : i32
      %mul3A_1397 = arith.muli %scan3A_1335, %mul3A_1396 : i32
      %add3A_1398 = arith.constant 6 : i32
      %add3A_1399 = arith.addi %mul3A_1397, %add3A_1398 : i32
      %mul3A_1400 = arith.constant 16 : i32
      %mul3A_1401 = arith.muli %add3A_1399, %mul3A_1400 : i32
      %swap3A_1402 = arith.constant 8192 : i32
      %swap3A_1403 = tpu.memref_slice %arg16[%swap3A_1402] : memref<16384xf32, #tpu.memory_space<vmem>> -> memref<8192xf32, #tpu.memory_space<vmem>>
      %swap3A_1404 = arith.index_cast %mul3A_1401 : i32 to index
      %swap3A_1405 = tpu.vector_load %swap3A_1403[%swap3A_1404] {strides = array<i32>} : memref<8192xf32, #tpu.memory_space<vmem>>, vector<16xf32>,
      tpu.vector_store %swap3A_1403[%swap3A_1404], %broadcast_in_dim3A_247 {strides = array<i32>} : memref<8192xf32, #tpu.memory_space<vmem>>, vector<16xf32>,
      %mul3A_1406 = arith.constant 8 : i32
      %mul3A_1407 = arith.muli %scan3A_1335, %mul3A_1406 : i32
      %add3A_1408 = arith.constant 7 : i32
      %add3A_1409 = arith.addi %mul3A_1407, %add3A_1408 : i32
      %mul3A_1410 = arith.constant 16 : i32
      %mul3A_1411 = arith.muli %add3A_1409, %mul3A_1410 : i32
      %swap3A_1412 = arith.constant 8192 : i32
      %swap3A_1413 = tpu.memref_slice %arg16[%swap3A_1412] : memref<16384xf32, #tpu.memory_space<vmem>> -> memref<8192xf32, #tpu.memory_space<vmem>>
      %swap3A_1414 = arith.index_cast %mul3A_1411 : i32 to index
      %swap3A_1415 = tpu.vector_load %swap3A_1413[%swap3A_1414] {strides = array<i32>} : memref<8192xf32, #tpu.memory_space<vmem>>, vector<16xf32>,
      tpu.vector_store %swap3A_1413[%swap3A_1414], %broadcast_in_dim3A_247 {strides = array<i32>} : memref<8192xf32, #tpu.memory_space<vmem>>, vector<16xf32>,
    }
    %scan3A_848 = arith.constant 64 : i32
    %add3A_849 = arith.constant 80 : i32
    %add3A_850 = vector.broadcast %add3A_849 : i32 to vector<16xi32>
    %add3A_851 = arith.addi %iota3A, %add3A_850 : vector<16xi32>
    %mul3A_852 = arith.constant 50 : i32
    %mul3A_853 = vector.broadcast %mul3A_852 : i32 to vector<16xi32>
    %mul3A_854 = arith.muli %add3A_851, %mul3A_853 : vector<16xi32>
    %scan3A_855 = arith.constant 0 : i32
    %scan3A_856 = arith.constant 0 : i32
    %scan3A_857 = arith.constant 50 : i32
    %scan3A_858 = arith.addi %scan3A_856, %scan3A_857 : i32
    %scan3A_859 = arith.constant 1 : i32
    scf.for %scan3A_1335 = %scan3A_856 to %scan3A_858 step %scan3A_859  : i32 {
      %add3A_1336 = vector.broadcast %scan3A_1335 : i32 to vector<16xi32>
      %add3A_1337 = arith.addi %mul3A_854, %add3A_1336 : vector<16xi32>
      %gather3A = tpu.vector_load_idx %arg7[%add3A_1337] : memref<6400xi32, #tpu.memory_space<vmem>>[vector<16xi32>], vector<16xi32>,
      %add3A_1338 = vector.broadcast %scan3A_1335 : i32 to vector<16xi32>
      %add3A_1339 = arith.addi %mul3A_854, %add3A_1338 : vector<16xi32>
      %gather3A_1340 = tpu.vector_load_idx %arg8[%add3A_1339] : memref<6400xi32, #tpu.memory_space<vmem>>[vector<16xi32>], vector<16xi32>,
      %convert_element_type3A_1341 = arith.sitofp %gather3A_1340 : vector<16xi32> to vector<16xf32>
      %shift_right_logical3A = arith.constant 7 : i32
      %shift_right_logical3A_1342 = vector.broadcast %shift_right_logical3A : i32 to vector<16xi32>
      %shift_right_logical3A_1343 = arith.shrui %gather3A, %shift_right_logical3A_1342 : vector<16xi32>
      %and3A = arith.constant 127 : i32
      %and3A_1344 = vector.broadcast %and3A : i32 to vector<16xi32>
      %and3A_1345 = arith.andi %gather3A, %and3A_1344 : vector<16xi32>
      %mul3A_1346 = arith.constant 2048 : i32
      %mul3A_1347 = vector.broadcast %mul3A_1346 : i32 to vector<16xi32>
      %mul3A_1348 = arith.muli %shift_right_logical3A_1343, %mul3A_1347 : vector<16xi32>
      %add3A_1349 = arith.addi %mul3A_1348, %mul3A_250 : vector<16xi32>
      %add3A_1350 = arith.addi %add3A_1349, %and3A_1345 : vector<16xi32>
      %scatter3A = arith.constant 8192 : i32
      %scatter3A_1351 = tpu.memref_slice %arg16[%scatter3A] : memref<16384xf32, #tpu.memory_space<vmem>> -> memref<8192xf32, #tpu.memory_space<vmem>>
      tpu.vector_store_idx %scatter3A_1351[%add3A_1350], %convert_element_type3A_1341 {add = true} : memref<8192xf32, #tpu.memory_space<vmem>>[vector<16xi32>], vector<16xf32>,
    }
    %scan3A_860 = arith.constant 50 : i32
    %mul3A_861 = arith.constant 128 : i32
    %mul3A_862 = arith.muli %add3A, %mul3A_861 : i32
    %add3A_863 = arith.constant 80 : i32
    %add3A_864 = arith.addi %mul3A_862, %add3A_863 : i32
    %mul3A_865 = arith.constant 128 : i32
    %mul3A_866 = arith.muli %add3A_864, %mul3A_865 : i32
    %add3A_867 = arith.constant 0 : i32
    %add3A_868 = arith.addi %add3A_867, %mul3A_866 : i32
    %dma_start3A_869 = arith.constant 8192 : i32
    %dma_start3A_870 = tpu.memref_slice %arg16[%dma_start3A_869] : memref<16384xf32, #tpu.memory_space<vmem>> -> memref<2048xf32, #tpu.memory_space<vmem>>
    %dma_start3A_871 = tpu.memref_slice %arg5[%add3A_868] : memref<2097152xf32, #tpu.memory_space<hbm>> -> memref<2048xf32, #tpu.memory_space<hbm>>
    %dma_start3A_872 = tpu.memref_slice %arg5[%add3A_868] : memref<2097152xf32, #tpu.memory_space<hbm>> -> memref<2048xf32, #tpu.memory_space<hbm>>
    %dma_start3A_873 = arith.constant 8192 : i32
    %dma_start3A_874 = tpu.memref_slice %arg16[%dma_start3A_873] : memref<16384xf32, #tpu.memory_space<vmem>> -> memref<2048xf32, #tpu.memory_space<vmem>>
    tpu.enqueue_dma source(%dma_start3A_874 : memref<2048xf32, #tpu.memory_space<vmem>>) target(%dma_start3A_872 : memref<2048xf32, #tpu.memory_space<hbm>>) target_semaphore(%arg21 : memref<!tpu.dma_semaphore, #tpu.memory_space<semaphore_mem>>)
    %mul3A_875 = arith.constant 128 : i32
    %mul3A_876 = arith.muli %add3A, %mul3A_875 : i32
    %add3A_877 = arith.constant 80 : i32
    %add3A_878 = arith.addi %mul3A_876, %add3A_877 : i32
    %mul3A_879 = arith.constant 128 : i32
    %mul3A_880 = arith.muli %add3A_878, %mul3A_879 : i32
    %add3A_881 = arith.constant 524288 : i32
    %add3A_882 = arith.addi %add3A_881, %mul3A_880 : i32
    %dma_start3A_883 = arith.constant 10240 : i32
    %dma_start3A_884 = tpu.memref_slice %arg16[%dma_start3A_883] : memref<16384xf32, #tpu.memory_space<vmem>> -> memref<2048xf32, #tpu.memory_space<vmem>>
    %dma_start3A_885 = tpu.memref_slice %arg5[%add3A_882] : memref<2097152xf32, #tpu.memory_space<hbm>> -> memref<2048xf32, #tpu.memory_space<hbm>>
    %dma_start3A_886 = tpu.memref_slice %arg5[%add3A_882] : memref<2097152xf32, #tpu.memory_space<hbm>> -> memref<2048xf32, #tpu.memory_space<hbm>>
    %dma_start3A_887 = arith.constant 10240 : i32
    %dma_start3A_888 = tpu.memref_slice %arg16[%dma_start3A_887] : memref<16384xf32, #tpu.memory_space<vmem>> -> memref<2048xf32, #tpu.memory_space<vmem>>
    tpu.enqueue_dma source(%dma_start3A_888 : memref<2048xf32, #tpu.memory_space<vmem>>) target(%dma_start3A_886 : memref<2048xf32, #tpu.memory_space<hbm>>) target_semaphore(%arg21 : memref<!tpu.dma_semaphore, #tpu.memory_space<semaphore_mem>>)
    %mul3A_889 = arith.constant 128 : i32
    %mul3A_890 = arith.muli %add3A, %mul3A_889 : i32
    %add3A_891 = arith.constant 80 : i32
    %add3A_892 = arith.addi %mul3A_890, %add3A_891 : i32
    %mul3A_893 = arith.constant 128 : i32
    %mul3A_894 = arith.muli %add3A_892, %mul3A_893 : i32
    %add3A_895 = arith.constant 1048576 : i32
    %add3A_896 = arith.addi %add3A_895, %mul3A_894 : i32
    %dma_start3A_897 = arith.constant 12288 : i32
    %dma_start3A_898 = tpu.memref_slice %arg16[%dma_start3A_897] : memref<16384xf32, #tpu.memory_space<vmem>> -> memref<2048xf32, #tpu.memory_space<vmem>>
    %dma_start3A_899 = tpu.memref_slice %arg5[%add3A_896] : memref<2097152xf32, #tpu.memory_space<hbm>> -> memref<2048xf32, #tpu.memory_space<hbm>>
    %dma_start3A_900 = tpu.memref_slice %arg5[%add3A_896] : memref<2097152xf32, #tpu.memory_space<hbm>> -> memref<2048xf32, #tpu.memory_space<hbm>>
    %dma_start3A_901 = arith.constant 12288 : i32
    %dma_start3A_902 = tpu.memref_slice %arg16[%dma_start3A_901] : memref<16384xf32, #tpu.memory_space<vmem>> -> memref<2048xf32, #tpu.memory_space<vmem>>
    tpu.enqueue_dma source(%dma_start3A_902 : memref<2048xf32, #tpu.memory_space<vmem>>) target(%dma_start3A_900 : memref<2048xf32, #tpu.memory_space<hbm>>) target_semaphore(%arg21 : memref<!tpu.dma_semaphore, #tpu.memory_space<semaphore_mem>>)
    %mul3A_903 = arith.constant 128 : i32
    %mul3A_904 = arith.muli %add3A, %mul3A_903 : i32
    %add3A_905 = arith.constant 80 : i32
    %add3A_906 = arith.addi %mul3A_904, %add3A_905 : i32
    %mul3A_907 = arith.constant 128 : i32
    %mul3A_908 = arith.muli %add3A_906, %mul3A_907 : i32
    %add3A_909 = arith.constant 1572864 : i32
    %add3A_910 = arith.addi %add3A_909, %mul3A_908 : i32
    %dma_start3A_911 = arith.constant 14336 : i32
    %dma_start3A_912 = tpu.memref_slice %arg16[%dma_start3A_911] : memref<16384xf32, #tpu.memory_space<vmem>> -> memref<2048xf32, #tpu.memory_space<vmem>>
    %dma_start3A_913 = tpu.memref_slice %arg5[%add3A_910] : memref<2097152xf32, #tpu.memory_space<hbm>> -> memref<2048xf32, #tpu.memory_space<hbm>>
    %dma_start3A_914 = tpu.memref_slice %arg5[%add3A_910] : memref<2097152xf32, #tpu.memory_space<hbm>> -> memref<2048xf32, #tpu.memory_space<hbm>>
    %dma_start3A_915 = arith.constant 14336 : i32
    %dma_start3A_916 = tpu.memref_slice %arg16[%dma_start3A_915] : memref<16384xf32, #tpu.memory_space<vmem>> -> memref<2048xf32, #tpu.memory_space<vmem>>
    tpu.enqueue_dma source(%dma_start3A_916 : memref<2048xf32, #tpu.memory_space<vmem>>) target(%dma_start3A_914 : memref<2048xf32, #tpu.memory_space<hbm>>) target_semaphore(%arg21 : memref<!tpu.dma_semaphore, #tpu.memory_space<semaphore_mem>>)
    %mul3A_917 = arith.constant 128 : i32
    %mul3A_918 = arith.muli %add3A, %mul3A_917 : i32
    %add3A_919 = arith.constant 64 : i32
    %add3A_920 = arith.addi %mul3A_918, %add3A_919 : i32
    %mul3A_921 = arith.constant 128 : i32
    %mul3A_922 = arith.muli %add3A_920, %mul3A_921 : i32
    %add3A_923 = arith.constant 0 : i32
    %add3A_924 = arith.addi %add3A_923, %mul3A_922 : i32
    %dma_wait3A_925 = arith.constant 0 : i32
    %dma_wait3A_926 = tpu.memref_slice %arg16[%dma_wait3A_925] : memref<16384xf32, #tpu.memory_space<vmem>> -> memref<2048xf32, #tpu.memory_space<vmem>>
    %dma_wait3A_927 = tpu.memref_slice %arg5[%add3A_924] : memref<2097152xf32, #tpu.memory_space<hbm>> -> memref<2048xf32, #tpu.memory_space<hbm>>
    %dma_wait3A_928 = tpu.memref_slice %arg5[%add3A_924] : memref<2097152xf32, #tpu.memory_space<hbm>> -> memref<2048xf32, #tpu.memory_space<hbm>>
    %dma_wait3A_929 = arith.constant 0 : i32
    %dma_wait3A_930 = tpu.memref_slice %arg16[%dma_wait3A_929] : memref<16384xf32, #tpu.memory_space<vmem>> -> memref<2048xf32, #tpu.memory_space<vmem>>
    tpu.wait_dma2 semaphore(%arg21 : memref<!tpu.dma_semaphore, #tpu.memory_space<semaphore_mem>>) src(%dma_wait3A_930 : memref<2048xf32, #tpu.memory_space<vmem>>) dst(%dma_wait3A_928 : memref<2048xf32, #tpu.memory_space<hbm>>)
    %mul3A_931 = arith.constant 128 : i32
    %mul3A_932 = arith.muli %add3A, %mul3A_931 : i32
    %add3A_933 = arith.constant 64 : i32
    %add3A_934 = arith.addi %mul3A_932, %add3A_933 : i32
    %mul3A_935 = arith.constant 128 : i32
    %mul3A_936 = arith.muli %add3A_934, %mul3A_935 : i32
    %add3A_937 = arith.constant 524288 : i32
    %add3A_938 = arith.addi %add3A_937, %mul3A_936 : i32
    %dma_wait3A_939 = arith.constant 2048 : i32
    %dma_wait3A_940 = tpu.memref_slice %arg16[%dma_wait3A_939] : memref<16384xf32, #tpu.memory_space<vmem>> -> memref<2048xf32, #tpu.memory_space<vmem>>
    %dma_wait3A_941 = tpu.memref_slice %arg5[%add3A_938] : memref<2097152xf32, #tpu.memory_space<hbm>> -> memref<2048xf32, #tpu.memory_space<hbm>>
    %dma_wait3A_942 = tpu.memref_slice %arg5[%add3A_938] : memref<2097152xf32, #tpu.memory_space<hbm>> -> memref<2048xf32, #tpu.memory_space<hbm>>
    %dma_wait3A_943 = arith.constant 2048 : i32
    %dma_wait3A_944 = tpu.memref_slice %arg16[%dma_wait3A_943] : memref<16384xf32, #tpu.memory_space<vmem>> -> memref<2048xf32, #tpu.memory_space<vmem>>
    tpu.wait_dma2 semaphore(%arg21 : memref<!tpu.dma_semaphore, #tpu.memory_space<semaphore_mem>>) src(%dma_wait3A_944 : memref<2048xf32, #tpu.memory_space<vmem>>) dst(%dma_wait3A_942 : memref<2048xf32, #tpu.memory_space<hbm>>)
    %mul3A_945 = arith.constant 128 : i32
    %mul3A_946 = arith.muli %add3A, %mul3A_945 : i32
    %add3A_947 = arith.constant 64 : i32
    %add3A_948 = arith.addi %mul3A_946, %add3A_947 : i32
    %mul3A_949 = arith.constant 128 : i32
    %mul3A_950 = arith.muli %add3A_948, %mul3A_949 : i32
    %add3A_951 = arith.constant 1048576 : i32
    %add3A_952 = arith.addi %add3A_951, %mul3A_950 : i32
    %dma_wait3A_953 = arith.constant 4096 : i32
    %dma_wait3A_954 = tpu.memref_slice %arg16[%dma_wait3A_953] : memref<16384xf32, #tpu.memory_space<vmem>> -> memref<2048xf32, #tpu.memory_space<vmem>>
    %dma_wait3A_955 = tpu.memref_slice %arg5[%add3A_952] : memref<2097152xf32, #tpu.memory_space<hbm>> -> memref<2048xf32, #tpu.memory_space<hbm>>
    %dma_wait3A_956 = tpu.memref_slice %arg5[%add3A_952] : memref<2097152xf32, #tpu.memory_space<hbm>> -> memref<2048xf32, #tpu.memory_space<hbm>>
    %dma_wait3A_957 = arith.constant 4096 : i32
    %dma_wait3A_958 = tpu.memref_slice %arg16[%dma_wait3A_957] : memref<16384xf32, #tpu.memory_space<vmem>> -> memref<2048xf32, #tpu.memory_space<vmem>>
    tpu.wait_dma2 semaphore(%arg21 : memref<!tpu.dma_semaphore, #tpu.memory_space<semaphore_mem>>) src(%dma_wait3A_958 : memref<2048xf32, #tpu.memory_space<vmem>>) dst(%dma_wait3A_956 : memref<2048xf32, #tpu.memory_space<hbm>>)
    %mul3A_959 = arith.constant 128 : i32
    %mul3A_960 = arith.muli %add3A, %mul3A_959 : i32
    %add3A_961 = arith.constant 64 : i32
    %add3A_962 = arith.addi %mul3A_960, %add3A_961 : i32
    %mul3A_963 = arith.constant 128 : i32
    %mul3A_964 = arith.muli %add3A_962, %mul3A_963 : i32
    %add3A_965 = arith.constant 1572864 : i32
    %add3A_966 = arith.addi %add3A_965, %mul3A_964 : i32
    %dma_wait3A_967 = arith.constant 6144 : i32
    %dma_wait3A_968 = tpu.memref_slice %arg16[%dma_wait3A_967] : memref<16384xf32, #tpu.memory_space<vmem>> -> memref<2048xf32, #tpu.memory_space<vmem>>
    %dma_wait3A_969 = tpu.memref_slice %arg5[%add3A_966] : memref<2097152xf32, #tpu.memory_space<hbm>> -> memref<2048xf32, #tpu.memory_space<hbm>>
    %dma_wait3A_970 = tpu.memref_slice %arg5[%add3A_966] : memref<2097152xf32, #tpu.memory_space<hbm>> -> memref<2048xf32, #tpu.memory_space<hbm>>
    %dma_wait3A_971 = arith.constant 6144 : i32
    %dma_wait3A_972 = tpu.memref_slice %arg16[%dma_wait3A_971] : memref<16384xf32, #tpu.memory_space<vmem>> -> memref<2048xf32, #tpu.memory_space<vmem>>
    tpu.wait_dma2 semaphore(%arg21 : memref<!tpu.dma_semaphore, #tpu.memory_space<semaphore_mem>>) src(%dma_wait3A_972 : memref<2048xf32, #tpu.memory_space<vmem>>) dst(%dma_wait3A_970 : memref<2048xf32, #tpu.memory_space<hbm>>)
    %scan3A_973 = arith.constant 0 : i32
    %scan3A_974 = arith.constant 0 : i32
    %scan3A_975 = arith.constant 64 : i32
    %scan3A_976 = arith.addi %scan3A_974, %scan3A_975 : i32
    %scan3A_977 = arith.constant 1 : i32
    scf.for %scan3A_1335 = %scan3A_974 to %scan3A_976 step %scan3A_977  : i32 {
      %mul3A_1336 = arith.constant 8 : i32
      %mul3A_1337 = arith.muli %scan3A_1335, %mul3A_1336 : i32
      %add3A_1338 = arith.constant 0 : i32
      %add3A_1339 = arith.addi %mul3A_1337, %add3A_1338 : i32
      %mul3A_1340 = arith.constant 16 : i32
      %mul3A_1341 = arith.muli %add3A_1339, %mul3A_1340 : i32
      %swap3A_1342 = arith.constant 0 : i32
      %swap3A_1343 = tpu.memref_slice %arg16[%swap3A_1342] : memref<16384xf32, #tpu.memory_space<vmem>> -> memref<8192xf32, #tpu.memory_space<vmem>>
      %swap3A_1344 = arith.index_cast %mul3A_1341 : i32 to index
      %swap3A_1345 = tpu.vector_load %swap3A_1343[%swap3A_1344] {strides = array<i32>} : memref<8192xf32, #tpu.memory_space<vmem>>, vector<16xf32>,
      tpu.vector_store %swap3A_1343[%swap3A_1344], %broadcast_in_dim3A_247 {strides = array<i32>} : memref<8192xf32, #tpu.memory_space<vmem>>, vector<16xf32>,
      %mul3A_1346 = arith.constant 8 : i32
      %mul3A_1347 = arith.muli %scan3A_1335, %mul3A_1346 : i32
      %add3A_1348 = arith.constant 1 : i32
      %add3A_1349 = arith.addi %mul3A_1347, %add3A_1348 : i32
      %mul3A_1350 = arith.constant 16 : i32
      %mul3A_1351 = arith.muli %add3A_1349, %mul3A_1350 : i32
      %swap3A_1352 = arith.constant 0 : i32
      %swap3A_1353 = tpu.memref_slice %arg16[%swap3A_1352] : memref<16384xf32, #tpu.memory_space<vmem>> -> memref<8192xf32, #tpu.memory_space<vmem>>
      %swap3A_1354 = arith.index_cast %mul3A_1351 : i32 to index
      %swap3A_1355 = tpu.vector_load %swap3A_1353[%swap3A_1354] {strides = array<i32>} : memref<8192xf32, #tpu.memory_space<vmem>>, vector<16xf32>,
      tpu.vector_store %swap3A_1353[%swap3A_1354], %broadcast_in_dim3A_247 {strides = array<i32>} : memref<8192xf32, #tpu.memory_space<vmem>>, vector<16xf32>,
      %mul3A_1356 = arith.constant 8 : i32
      %mul3A_1357 = arith.muli %scan3A_1335, %mul3A_1356 : i32
      %add3A_1358 = arith.constant 2 : i32
      %add3A_1359 = arith.addi %mul3A_1357, %add3A_1358 : i32
      %mul3A_1360 = arith.constant 16 : i32
      %mul3A_1361 = arith.muli %add3A_1359, %mul3A_1360 : i32
      %swap3A_1362 = arith.constant 0 : i32
      %swap3A_1363 = tpu.memref_slice %arg16[%swap3A_1362] : memref<16384xf32, #tpu.memory_space<vmem>> -> memref<8192xf32, #tpu.memory_space<vmem>>
      %swap3A_1364 = arith.index_cast %mul3A_1361 : i32 to index
      %swap3A_1365 = tpu.vector_load %swap3A_1363[%swap3A_1364] {strides = array<i32>} : memref<8192xf32, #tpu.memory_space<vmem>>, vector<16xf32>,
      tpu.vector_store %swap3A_1363[%swap3A_1364], %broadcast_in_dim3A_247 {strides = array<i32>} : memref<8192xf32, #tpu.memory_space<vmem>>, vector<16xf32>,
      %mul3A_1366 = arith.constant 8 : i32
      %mul3A_1367 = arith.muli %scan3A_1335, %mul3A_1366 : i32
      %add3A_1368 = arith.constant 3 : i32
      %add3A_1369 = arith.addi %mul3A_1367, %add3A_1368 : i32
      %mul3A_1370 = arith.constant 16 : i32
      %mul3A_1371 = arith.muli %add3A_1369, %mul3A_1370 : i32
      %swap3A_1372 = arith.constant 0 : i32
      %swap3A_1373 = tpu.memref_slice %arg16[%swap3A_1372] : memref<16384xf32, #tpu.memory_space<vmem>> -> memref<8192xf32, #tpu.memory_space<vmem>>
      %swap3A_1374 = arith.index_cast %mul3A_1371 : i32 to index
      %swap3A_1375 = tpu.vector_load %swap3A_1373[%swap3A_1374] {strides = array<i32>} : memref<8192xf32, #tpu.memory_space<vmem>>, vector<16xf32>,
      tpu.vector_store %swap3A_1373[%swap3A_1374], %broadcast_in_dim3A_247 {strides = array<i32>} : memref<8192xf32, #tpu.memory_space<vmem>>, vector<16xf32>,
      %mul3A_1376 = arith.constant 8 : i32
      %mul3A_1377 = arith.muli %scan3A_1335, %mul3A_1376 : i32
      %add3A_1378 = arith.constant 4 : i32
      %add3A_1379 = arith.addi %mul3A_1377, %add3A_1378 : i32
      %mul3A_1380 = arith.constant 16 : i32
      %mul3A_1381 = arith.muli %add3A_1379, %mul3A_1380 : i32
      %swap3A_1382 = arith.constant 0 : i32
      %swap3A_1383 = tpu.memref_slice %arg16[%swap3A_1382] : memref<16384xf32, #tpu.memory_space<vmem>> -> memref<8192xf32, #tpu.memory_space<vmem>>
      %swap3A_1384 = arith.index_cast %mul3A_1381 : i32 to index
      %swap3A_1385 = tpu.vector_load %swap3A_1383[%swap3A_1384] {strides = array<i32>} : memref<8192xf32, #tpu.memory_space<vmem>>, vector<16xf32>,
      tpu.vector_store %swap3A_1383[%swap3A_1384], %broadcast_in_dim3A_247 {strides = array<i32>} : memref<8192xf32, #tpu.memory_space<vmem>>, vector<16xf32>,
      %mul3A_1386 = arith.constant 8 : i32
      %mul3A_1387 = arith.muli %scan3A_1335, %mul3A_1386 : i32
      %add3A_1388 = arith.constant 5 : i32
      %add3A_1389 = arith.addi %mul3A_1387, %add3A_1388 : i32
      %mul3A_1390 = arith.constant 16 : i32
      %mul3A_1391 = arith.muli %add3A_1389, %mul3A_1390 : i32
      %swap3A_1392 = arith.constant 0 : i32
      %swap3A_1393 = tpu.memref_slice %arg16[%swap3A_1392] : memref<16384xf32, #tpu.memory_space<vmem>> -> memref<8192xf32, #tpu.memory_space<vmem>>
      %swap3A_1394 = arith.index_cast %mul3A_1391 : i32 to index
      %swap3A_1395 = tpu.vector_load %swap3A_1393[%swap3A_1394] {strides = array<i32>} : memref<8192xf32, #tpu.memory_space<vmem>>, vector<16xf32>,
      tpu.vector_store %swap3A_1393[%swap3A_1394], %broadcast_in_dim3A_247 {strides = array<i32>} : memref<8192xf32, #tpu.memory_space<vmem>>, vector<16xf32>,
      %mul3A_1396 = arith.constant 8 : i32
      %mul3A_1397 = arith.muli %scan3A_1335, %mul3A_1396 : i32
      %add3A_1398 = arith.constant 6 : i32
      %add3A_1399 = arith.addi %mul3A_1397, %add3A_1398 : i32
      %mul3A_1400 = arith.constant 16 : i32
      %mul3A_1401 = arith.muli %add3A_1399, %mul3A_1400 : i32
      %swap3A_1402 = arith.constant 0 : i32
      %swap3A_1403 = tpu.memref_slice %arg16[%swap3A_1402] : memref<16384xf32, #tpu.memory_space<vmem>> -> memref<8192xf32, #tpu.memory_space<vmem>>
      %swap3A_1404 = arith.index_cast %mul3A_1401 : i32 to index
      %swap3A_1405 = tpu.vector_load %swap3A_1403[%swap3A_1404] {strides = array<i32>} : memref<8192xf32, #tpu.memory_space<vmem>>, vector<16xf32>,
      tpu.vector_store %swap3A_1403[%swap3A_1404], %broadcast_in_dim3A_247 {strides = array<i32>} : memref<8192xf32, #tpu.memory_space<vmem>>, vector<16xf32>,
      %mul3A_1406 = arith.constant 8 : i32
      %mul3A_1407 = arith.muli %scan3A_1335, %mul3A_1406 : i32
      %add3A_1408 = arith.constant 7 : i32
      %add3A_1409 = arith.addi %mul3A_1407, %add3A_1408 : i32
      %mul3A_1410 = arith.constant 16 : i32
      %mul3A_1411 = arith.muli %add3A_1409, %mul3A_1410 : i32
      %swap3A_1412 = arith.constant 0 : i32
      %swap3A_1413 = tpu.memref_slice %arg16[%swap3A_1412] : memref<16384xf32, #tpu.memory_space<vmem>> -> memref<8192xf32, #tpu.memory_space<vmem>>
      %swap3A_1414 = arith.index_cast %mul3A_1411 : i32 to index
      %swap3A_1415 = tpu.vector_load %swap3A_1413[%swap3A_1414] {strides = array<i32>} : memref<8192xf32, #tpu.memory_space<vmem>>, vector<16xf32>,
      tpu.vector_store %swap3A_1413[%swap3A_1414], %broadcast_in_dim3A_247 {strides = array<i32>} : memref<8192xf32, #tpu.memory_space<vmem>>, vector<16xf32>,
    }
    %scan3A_978 = arith.constant 64 : i32
    %add3A_979 = arith.constant 96 : i32
    %add3A_980 = vector.broadcast %add3A_979 : i32 to vector<16xi32>
    %add3A_981 = arith.addi %iota3A, %add3A_980 : vector<16xi32>
    %mul3A_982 = arith.constant 50 : i32
    %mul3A_983 = vector.broadcast %mul3A_982 : i32 to vector<16xi32>
    %mul3A_984 = arith.muli %add3A_981, %mul3A_983 : vector<16xi32>
    %scan3A_985 = arith.constant 0 : i32
    %scan3A_986 = arith.constant 0 : i32
    %scan3A_987 = arith.constant 50 : i32
    %scan3A_988 = arith.addi %scan3A_986, %scan3A_987 : i32
    %scan3A_989 = arith.constant 1 : i32
    scf.for %scan3A_1335 = %scan3A_986 to %scan3A_988 step %scan3A_989  : i32 {
      %add3A_1336 = vector.broadcast %scan3A_1335 : i32 to vector<16xi32>
      %add3A_1337 = arith.addi %mul3A_984, %add3A_1336 : vector<16xi32>
      %gather3A = tpu.vector_load_idx %arg7[%add3A_1337] : memref<6400xi32, #tpu.memory_space<vmem>>[vector<16xi32>], vector<16xi32>,
      %add3A_1338 = vector.broadcast %scan3A_1335 : i32 to vector<16xi32>
      %add3A_1339 = arith.addi %mul3A_984, %add3A_1338 : vector<16xi32>
      %gather3A_1340 = tpu.vector_load_idx %arg8[%add3A_1339] : memref<6400xi32, #tpu.memory_space<vmem>>[vector<16xi32>], vector<16xi32>,
      %convert_element_type3A_1341 = arith.sitofp %gather3A_1340 : vector<16xi32> to vector<16xf32>
      %shift_right_logical3A = arith.constant 7 : i32
      %shift_right_logical3A_1342 = vector.broadcast %shift_right_logical3A : i32 to vector<16xi32>
      %shift_right_logical3A_1343 = arith.shrui %gather3A, %shift_right_logical3A_1342 : vector<16xi32>
      %and3A = arith.constant 127 : i32
      %and3A_1344 = vector.broadcast %and3A : i32 to vector<16xi32>
      %and3A_1345 = arith.andi %gather3A, %and3A_1344 : vector<16xi32>
      %mul3A_1346 = arith.constant 2048 : i32
      %mul3A_1347 = vector.broadcast %mul3A_1346 : i32 to vector<16xi32>
      %mul3A_1348 = arith.muli %shift_right_logical3A_1343, %mul3A_1347 : vector<16xi32>
      %add3A_1349 = arith.addi %mul3A_1348, %mul3A_250 : vector<16xi32>
      %add3A_1350 = arith.addi %add3A_1349, %and3A_1345 : vector<16xi32>
      %scatter3A = arith.constant 0 : i32
      %scatter3A_1351 = tpu.memref_slice %arg16[%scatter3A] : memref<16384xf32, #tpu.memory_space<vmem>> -> memref<8192xf32, #tpu.memory_space<vmem>>
      tpu.vector_store_idx %scatter3A_1351[%add3A_1350], %convert_element_type3A_1341 {add = true} : memref<8192xf32, #tpu.memory_space<vmem>>[vector<16xi32>], vector<16xf32>,
    }
    %scan3A_990 = arith.constant 50 : i32
    %mul3A_991 = arith.constant 128 : i32
    %mul3A_992 = arith.muli %add3A, %mul3A_991 : i32
    %add3A_993 = arith.constant 96 : i32
    %add3A_994 = arith.addi %mul3A_992, %add3A_993 : i32
    %mul3A_995 = arith.constant 128 : i32
    %mul3A_996 = arith.muli %add3A_994, %mul3A_995 : i32
    %add3A_997 = arith.constant 0 : i32
    %add3A_998 = arith.addi %add3A_997, %mul3A_996 : i32
    %dma_start3A_999 = arith.constant 0 : i32
    %dma_start3A_1000 = tpu.memref_slice %arg16[%dma_start3A_999] : memref<16384xf32, #tpu.memory_space<vmem>> -> memref<2048xf32, #tpu.memory_space<vmem>>
    %dma_start3A_1001 = tpu.memref_slice %arg5[%add3A_998] : memref<2097152xf32, #tpu.memory_space<hbm>> -> memref<2048xf32, #tpu.memory_space<hbm>>
    %dma_start3A_1002 = tpu.memref_slice %arg5[%add3A_998] : memref<2097152xf32, #tpu.memory_space<hbm>> -> memref<2048xf32, #tpu.memory_space<hbm>>
    %dma_start3A_1003 = arith.constant 0 : i32
    %dma_start3A_1004 = tpu.memref_slice %arg16[%dma_start3A_1003] : memref<16384xf32, #tpu.memory_space<vmem>> -> memref<2048xf32, #tpu.memory_space<vmem>>
    tpu.enqueue_dma source(%dma_start3A_1004 : memref<2048xf32, #tpu.memory_space<vmem>>) target(%dma_start3A_1002 : memref<2048xf32, #tpu.memory_space<hbm>>) target_semaphore(%arg21 : memref<!tpu.dma_semaphore, #tpu.memory_space<semaphore_mem>>)
    %mul3A_1005 = arith.constant 128 : i32
    %mul3A_1006 = arith.muli %add3A, %mul3A_1005 : i32
    %add3A_1007 = arith.constant 96 : i32
    %add3A_1008 = arith.addi %mul3A_1006, %add3A_1007 : i32
    %mul3A_1009 = arith.constant 128 : i32
    %mul3A_1010 = arith.muli %add3A_1008, %mul3A_1009 : i32
    %add3A_1011 = arith.constant 524288 : i32
    %add3A_1012 = arith.addi %add3A_1011, %mul3A_1010 : i32
    %dma_start3A_1013 = arith.constant 2048 : i32
    %dma_start3A_1014 = tpu.memref_slice %arg16[%dma_start3A_1013] : memref<16384xf32, #tpu.memory_space<vmem>> -> memref<2048xf32, #tpu.memory_space<vmem>>
    %dma_start3A_1015 = tpu.memref_slice %arg5[%add3A_1012] : memref<2097152xf32, #tpu.memory_space<hbm>> -> memref<2048xf32, #tpu.memory_space<hbm>>
    %dma_start3A_1016 = tpu.memref_slice %arg5[%add3A_1012] : memref<2097152xf32, #tpu.memory_space<hbm>> -> memref<2048xf32, #tpu.memory_space<hbm>>
    %dma_start3A_1017 = arith.constant 2048 : i32
    %dma_start3A_1018 = tpu.memref_slice %arg16[%dma_start3A_1017] : memref<16384xf32, #tpu.memory_space<vmem>> -> memref<2048xf32, #tpu.memory_space<vmem>>
    tpu.enqueue_dma source(%dma_start3A_1018 : memref<2048xf32, #tpu.memory_space<vmem>>) target(%dma_start3A_1016 : memref<2048xf32, #tpu.memory_space<hbm>>) target_semaphore(%arg21 : memref<!tpu.dma_semaphore, #tpu.memory_space<semaphore_mem>>)
    %mul3A_1019 = arith.constant 128 : i32
    %mul3A_1020 = arith.muli %add3A, %mul3A_1019 : i32
    %add3A_1021 = arith.constant 96 : i32
    %add3A_1022 = arith.addi %mul3A_1020, %add3A_1021 : i32
    %mul3A_1023 = arith.constant 128 : i32
    %mul3A_1024 = arith.muli %add3A_1022, %mul3A_1023 : i32
    %add3A_1025 = arith.constant 1048576 : i32
    %add3A_1026 = arith.addi %add3A_1025, %mul3A_1024 : i32
    %dma_start3A_1027 = arith.constant 4096 : i32
    %dma_start3A_1028 = tpu.memref_slice %arg16[%dma_start3A_1027] : memref<16384xf32, #tpu.memory_space<vmem>> -> memref<2048xf32, #tpu.memory_space<vmem>>
    %dma_start3A_1029 = tpu.memref_slice %arg5[%add3A_1026] : memref<2097152xf32, #tpu.memory_space<hbm>> -> memref<2048xf32, #tpu.memory_space<hbm>>
    %dma_start3A_1030 = tpu.memref_slice %arg5[%add3A_1026] : memref<2097152xf32, #tpu.memory_space<hbm>> -> memref<2048xf32, #tpu.memory_space<hbm>>
    %dma_start3A_1031 = arith.constant 4096 : i32
    %dma_start3A_1032 = tpu.memref_slice %arg16[%dma_start3A_1031] : memref<16384xf32, #tpu.memory_space<vmem>> -> memref<2048xf32, #tpu.memory_space<vmem>>
    tpu.enqueue_dma source(%dma_start3A_1032 : memref<2048xf32, #tpu.memory_space<vmem>>) target(%dma_start3A_1030 : memref<2048xf32, #tpu.memory_space<hbm>>) target_semaphore(%arg21 : memref<!tpu.dma_semaphore, #tpu.memory_space<semaphore_mem>>)
    %mul3A_1033 = arith.constant 128 : i32
    %mul3A_1034 = arith.muli %add3A, %mul3A_1033 : i32
    %add3A_1035 = arith.constant 96 : i32
    %add3A_1036 = arith.addi %mul3A_1034, %add3A_1035 : i32
    %mul3A_1037 = arith.constant 128 : i32
    %mul3A_1038 = arith.muli %add3A_1036, %mul3A_1037 : i32
    %add3A_1039 = arith.constant 1572864 : i32
    %add3A_1040 = arith.addi %add3A_1039, %mul3A_1038 : i32
    %dma_start3A_1041 = arith.constant 6144 : i32
    %dma_start3A_1042 = tpu.memref_slice %arg16[%dma_start3A_1041] : memref<16384xf32, #tpu.memory_space<vmem>> -> memref<2048xf32, #tpu.memory_space<vmem>>
    %dma_start3A_1043 = tpu.memref_slice %arg5[%add3A_1040] : memref<2097152xf32, #tpu.memory_space<hbm>> -> memref<2048xf32, #tpu.memory_space<hbm>>
    %dma_start3A_1044 = tpu.memref_slice %arg5[%add3A_1040] : memref<2097152xf32, #tpu.memory_space<hbm>> -> memref<2048xf32, #tpu.memory_space<hbm>>
    %dma_start3A_1045 = arith.constant 6144 : i32
    %dma_start3A_1046 = tpu.memref_slice %arg16[%dma_start3A_1045] : memref<16384xf32, #tpu.memory_space<vmem>> -> memref<2048xf32, #tpu.memory_space<vmem>>
    tpu.enqueue_dma source(%dma_start3A_1046 : memref<2048xf32, #tpu.memory_space<vmem>>) target(%dma_start3A_1044 : memref<2048xf32, #tpu.memory_space<hbm>>) target_semaphore(%arg21 : memref<!tpu.dma_semaphore, #tpu.memory_space<semaphore_mem>>)
    %mul3A_1047 = arith.constant 128 : i32
    %mul3A_1048 = arith.muli %add3A, %mul3A_1047 : i32
    %add3A_1049 = arith.constant 80 : i32
    %add3A_1050 = arith.addi %mul3A_1048, %add3A_1049 : i32
    %mul3A_1051 = arith.constant 128 : i32
    %mul3A_1052 = arith.muli %add3A_1050, %mul3A_1051 : i32
    %add3A_1053 = arith.constant 0 : i32
    %add3A_1054 = arith.addi %add3A_1053, %mul3A_1052 : i32
    %dma_wait3A_1055 = arith.constant 8192 : i32
    %dma_wait3A_1056 = tpu.memref_slice %arg16[%dma_wait3A_1055] : memref<16384xf32, #tpu.memory_space<vmem>> -> memref<2048xf32, #tpu.memory_space<vmem>>
    %dma_wait3A_1057 = tpu.memref_slice %arg5[%add3A_1054] : memref<2097152xf32, #tpu.memory_space<hbm>> -> memref<2048xf32, #tpu.memory_space<hbm>>
    %dma_wait3A_1058 = tpu.memref_slice %arg5[%add3A_1054] : memref<2097152xf32, #tpu.memory_space<hbm>> -> memref<2048xf32, #tpu.memory_space<hbm>>
    %dma_wait3A_1059 = arith.constant 8192 : i32
    %dma_wait3A_1060 = tpu.memref_slice %arg16[%dma_wait3A_1059] : memref<16384xf32, #tpu.memory_space<vmem>> -> memref<2048xf32, #tpu.memory_space<vmem>>
    tpu.wait_dma2 semaphore(%arg21 : memref<!tpu.dma_semaphore, #tpu.memory_space<semaphore_mem>>) src(%dma_wait3A_1060 : memref<2048xf32, #tpu.memory_space<vmem>>) dst(%dma_wait3A_1058 : memref<2048xf32, #tpu.memory_space<hbm>>)
    %mul3A_1061 = arith.constant 128 : i32
    %mul3A_1062 = arith.muli %add3A, %mul3A_1061 : i32
    %add3A_1063 = arith.constant 80 : i32
    %add3A_1064 = arith.addi %mul3A_1062, %add3A_1063 : i32
    %mul3A_1065 = arith.constant 128 : i32
    %mul3A_1066 = arith.muli %add3A_1064, %mul3A_1065 : i32
    %add3A_1067 = arith.constant 524288 : i32
    %add3A_1068 = arith.addi %add3A_1067, %mul3A_1066 : i32
    %dma_wait3A_1069 = arith.constant 10240 : i32
    %dma_wait3A_1070 = tpu.memref_slice %arg16[%dma_wait3A_1069] : memref<16384xf32, #tpu.memory_space<vmem>> -> memref<2048xf32, #tpu.memory_space<vmem>>
    %dma_wait3A_1071 = tpu.memref_slice %arg5[%add3A_1068] : memref<2097152xf32, #tpu.memory_space<hbm>> -> memref<2048xf32, #tpu.memory_space<hbm>>
    %dma_wait3A_1072 = tpu.memref_slice %arg5[%add3A_1068] : memref<2097152xf32, #tpu.memory_space<hbm>> -> memref<2048xf32, #tpu.memory_space<hbm>>
    %dma_wait3A_1073 = arith.constant 10240 : i32
    %dma_wait3A_1074 = tpu.memref_slice %arg16[%dma_wait3A_1073] : memref<16384xf32, #tpu.memory_space<vmem>> -> memref<2048xf32, #tpu.memory_space<vmem>>
    tpu.wait_dma2 semaphore(%arg21 : memref<!tpu.dma_semaphore, #tpu.memory_space<semaphore_mem>>) src(%dma_wait3A_1074 : memref<2048xf32, #tpu.memory_space<vmem>>) dst(%dma_wait3A_1072 : memref<2048xf32, #tpu.memory_space<hbm>>)
    %mul3A_1075 = arith.constant 128 : i32
    %mul3A_1076 = arith.muli %add3A, %mul3A_1075 : i32
    %add3A_1077 = arith.constant 80 : i32
    %add3A_1078 = arith.addi %mul3A_1076, %add3A_1077 : i32
    %mul3A_1079 = arith.constant 128 : i32
    %mul3A_1080 = arith.muli %add3A_1078, %mul3A_1079 : i32
    %add3A_1081 = arith.constant 1048576 : i32
    %add3A_1082 = arith.addi %add3A_1081, %mul3A_1080 : i32
    %dma_wait3A_1083 = arith.constant 12288 : i32
    %dma_wait3A_1084 = tpu.memref_slice %arg16[%dma_wait3A_1083] : memref<16384xf32, #tpu.memory_space<vmem>> -> memref<2048xf32, #tpu.memory_space<vmem>>
    %dma_wait3A_1085 = tpu.memref_slice %arg5[%add3A_1082] : memref<2097152xf32, #tpu.memory_space<hbm>> -> memref<2048xf32, #tpu.memory_space<hbm>>
    %dma_wait3A_1086 = tpu.memref_slice %arg5[%add3A_1082] : memref<2097152xf32, #tpu.memory_space<hbm>> -> memref<2048xf32, #tpu.memory_space<hbm>>
    %dma_wait3A_1087 = arith.constant 12288 : i32
    %dma_wait3A_1088 = tpu.memref_slice %arg16[%dma_wait3A_1087] : memref<16384xf32, #tpu.memory_space<vmem>> -> memref<2048xf32, #tpu.memory_space<vmem>>
    tpu.wait_dma2 semaphore(%arg21 : memref<!tpu.dma_semaphore, #tpu.memory_space<semaphore_mem>>) src(%dma_wait3A_1088 : memref<2048xf32, #tpu.memory_space<vmem>>) dst(%dma_wait3A_1086 : memref<2048xf32, #tpu.memory_space<hbm>>)
    %mul3A_1089 = arith.constant 128 : i32
    %mul3A_1090 = arith.muli %add3A, %mul3A_1089 : i32
    %add3A_1091 = arith.constant 80 : i32
    %add3A_1092 = arith.addi %mul3A_1090, %add3A_1091 : i32
    %mul3A_1093 = arith.constant 128 : i32
    %mul3A_1094 = arith.muli %add3A_1092, %mul3A_1093 : i32
    %add3A_1095 = arith.constant 1572864 : i32
    %add3A_1096 = arith.addi %add3A_1095, %mul3A_1094 : i32
    %dma_wait3A_1097 = arith.constant 14336 : i32
    %dma_wait3A_1098 = tpu.memref_slice %arg16[%dma_wait3A_1097] : memref<16384xf32, #tpu.memory_space<vmem>> -> memref<2048xf32, #tpu.memory_space<vmem>>
    %dma_wait3A_1099 = tpu.memref_slice %arg5[%add3A_1096] : memref<2097152xf32, #tpu.memory_space<hbm>> -> memref<2048xf32, #tpu.memory_space<hbm>>
    %dma_wait3A_1100 = tpu.memref_slice %arg5[%add3A_1096] : memref<2097152xf32, #tpu.memory_space<hbm>> -> memref<2048xf32, #tpu.memory_space<hbm>>
    %dma_wait3A_1101 = arith.constant 14336 : i32
    %dma_wait3A_1102 = tpu.memref_slice %arg16[%dma_wait3A_1101] : memref<16384xf32, #tpu.memory_space<vmem>> -> memref<2048xf32, #tpu.memory_space<vmem>>
    tpu.wait_dma2 semaphore(%arg21 : memref<!tpu.dma_semaphore, #tpu.memory_space<semaphore_mem>>) src(%dma_wait3A_1102 : memref<2048xf32, #tpu.memory_space<vmem>>) dst(%dma_wait3A_1100 : memref<2048xf32, #tpu.memory_space<hbm>>)
    %scan3A_1103 = arith.constant 0 : i32
    %scan3A_1104 = arith.constant 0 : i32
    %scan3A_1105 = arith.constant 64 : i32
    %scan3A_1106 = arith.addi %scan3A_1104, %scan3A_1105 : i32
    %scan3A_1107 = arith.constant 1 : i32
    scf.for %scan3A_1335 = %scan3A_1104 to %scan3A_1106 step %scan3A_1107  : i32 {
      %mul3A_1336 = arith.constant 8 : i32
      %mul3A_1337 = arith.muli %scan3A_1335, %mul3A_1336 : i32
      %add3A_1338 = arith.constant 0 : i32
      %add3A_1339 = arith.addi %mul3A_1337, %add3A_1338 : i32
      %mul3A_1340 = arith.constant 16 : i32
      %mul3A_1341 = arith.muli %add3A_1339, %mul3A_1340 : i32
      %swap3A_1342 = arith.constant 8192 : i32
      %swap3A_1343 = tpu.memref_slice %arg16[%swap3A_1342] : memref<16384xf32, #tpu.memory_space<vmem>> -> memref<8192xf32, #tpu.memory_space<vmem>>
      %swap3A_1344 = arith.index_cast %mul3A_1341 : i32 to index
      %swap3A_1345 = tpu.vector_load %swap3A_1343[%swap3A_1344] {strides = array<i32>} : memref<8192xf32, #tpu.memory_space<vmem>>, vector<16xf32>,
      tpu.vector_store %swap3A_1343[%swap3A_1344], %broadcast_in_dim3A_247 {strides = array<i32>} : memref<8192xf32, #tpu.memory_space<vmem>>, vector<16xf32>,
      %mul3A_1346 = arith.constant 8 : i32
      %mul3A_1347 = arith.muli %scan3A_1335, %mul3A_1346 : i32
      %add3A_1348 = arith.constant 1 : i32
      %add3A_1349 = arith.addi %mul3A_1347, %add3A_1348 : i32
      %mul3A_1350 = arith.constant 16 : i32
      %mul3A_1351 = arith.muli %add3A_1349, %mul3A_1350 : i32
      %swap3A_1352 = arith.constant 8192 : i32
      %swap3A_1353 = tpu.memref_slice %arg16[%swap3A_1352] : memref<16384xf32, #tpu.memory_space<vmem>> -> memref<8192xf32, #tpu.memory_space<vmem>>
      %swap3A_1354 = arith.index_cast %mul3A_1351 : i32 to index
      %swap3A_1355 = tpu.vector_load %swap3A_1353[%swap3A_1354] {strides = array<i32>} : memref<8192xf32, #tpu.memory_space<vmem>>, vector<16xf32>,
      tpu.vector_store %swap3A_1353[%swap3A_1354], %broadcast_in_dim3A_247 {strides = array<i32>} : memref<8192xf32, #tpu.memory_space<vmem>>, vector<16xf32>,
      %mul3A_1356 = arith.constant 8 : i32
      %mul3A_1357 = arith.muli %scan3A_1335, %mul3A_1356 : i32
      %add3A_1358 = arith.constant 2 : i32
      %add3A_1359 = arith.addi %mul3A_1357, %add3A_1358 : i32
      %mul3A_1360 = arith.constant 16 : i32
      %mul3A_1361 = arith.muli %add3A_1359, %mul3A_1360 : i32
      %swap3A_1362 = arith.constant 8192 : i32
      %swap3A_1363 = tpu.memref_slice %arg16[%swap3A_1362] : memref<16384xf32, #tpu.memory_space<vmem>> -> memref<8192xf32, #tpu.memory_space<vmem>>
      %swap3A_1364 = arith.index_cast %mul3A_1361 : i32 to index
      %swap3A_1365 = tpu.vector_load %swap3A_1363[%swap3A_1364] {strides = array<i32>} : memref<8192xf32, #tpu.memory_space<vmem>>, vector<16xf32>,
      tpu.vector_store %swap3A_1363[%swap3A_1364], %broadcast_in_dim3A_247 {strides = array<i32>} : memref<8192xf32, #tpu.memory_space<vmem>>, vector<16xf32>,
      %mul3A_1366 = arith.constant 8 : i32
      %mul3A_1367 = arith.muli %scan3A_1335, %mul3A_1366 : i32
      %add3A_1368 = arith.constant 3 : i32
      %add3A_1369 = arith.addi %mul3A_1367, %add3A_1368 : i32
      %mul3A_1370 = arith.constant 16 : i32
      %mul3A_1371 = arith.muli %add3A_1369, %mul3A_1370 : i32
      %swap3A_1372 = arith.constant 8192 : i32
      %swap3A_1373 = tpu.memref_slice %arg16[%swap3A_1372] : memref<16384xf32, #tpu.memory_space<vmem>> -> memref<8192xf32, #tpu.memory_space<vmem>>
      %swap3A_1374 = arith.index_cast %mul3A_1371 : i32 to index
      %swap3A_1375 = tpu.vector_load %swap3A_1373[%swap3A_1374] {strides = array<i32>} : memref<8192xf32, #tpu.memory_space<vmem>>, vector<16xf32>,
      tpu.vector_store %swap3A_1373[%swap3A_1374], %broadcast_in_dim3A_247 {strides = array<i32>} : memref<8192xf32, #tpu.memory_space<vmem>>, vector<16xf32>,
      %mul3A_1376 = arith.constant 8 : i32
      %mul3A_1377 = arith.muli %scan3A_1335, %mul3A_1376 : i32
      %add3A_1378 = arith.constant 4 : i32
      %add3A_1379 = arith.addi %mul3A_1377, %add3A_1378 : i32
      %mul3A_1380 = arith.constant 16 : i32
      %mul3A_1381 = arith.muli %add3A_1379, %mul3A_1380 : i32
      %swap3A_1382 = arith.constant 8192 : i32
      %swap3A_1383 = tpu.memref_slice %arg16[%swap3A_1382] : memref<16384xf32, #tpu.memory_space<vmem>> -> memref<8192xf32, #tpu.memory_space<vmem>>
      %swap3A_1384 = arith.index_cast %mul3A_1381 : i32 to index
      %swap3A_1385 = tpu.vector_load %swap3A_1383[%swap3A_1384] {strides = array<i32>} : memref<8192xf32, #tpu.memory_space<vmem>>, vector<16xf32>,
      tpu.vector_store %swap3A_1383[%swap3A_1384], %broadcast_in_dim3A_247 {strides = array<i32>} : memref<8192xf32, #tpu.memory_space<vmem>>, vector<16xf32>,
      %mul3A_1386 = arith.constant 8 : i32
      %mul3A_1387 = arith.muli %scan3A_1335, %mul3A_1386 : i32
      %add3A_1388 = arith.constant 5 : i32
      %add3A_1389 = arith.addi %mul3A_1387, %add3A_1388 : i32
      %mul3A_1390 = arith.constant 16 : i32
      %mul3A_1391 = arith.muli %add3A_1389, %mul3A_1390 : i32
      %swap3A_1392 = arith.constant 8192 : i32
      %swap3A_1393 = tpu.memref_slice %arg16[%swap3A_1392] : memref<16384xf32, #tpu.memory_space<vmem>> -> memref<8192xf32, #tpu.memory_space<vmem>>
      %swap3A_1394 = arith.index_cast %mul3A_1391 : i32 to index
      %swap3A_1395 = tpu.vector_load %swap3A_1393[%swap3A_1394] {strides = array<i32>} : memref<8192xf32, #tpu.memory_space<vmem>>, vector<16xf32>,
      tpu.vector_store %swap3A_1393[%swap3A_1394], %broadcast_in_dim3A_247 {strides = array<i32>} : memref<8192xf32, #tpu.memory_space<vmem>>, vector<16xf32>,
      %mul3A_1396 = arith.constant 8 : i32
      %mul3A_1397 = arith.muli %scan3A_1335, %mul3A_1396 : i32
      %add3A_1398 = arith.constant 6 : i32
      %add3A_1399 = arith.addi %mul3A_1397, %add3A_1398 : i32
      %mul3A_1400 = arith.constant 16 : i32
      %mul3A_1401 = arith.muli %add3A_1399, %mul3A_1400 : i32
      %swap3A_1402 = arith.constant 8192 : i32
      %swap3A_1403 = tpu.memref_slice %arg16[%swap3A_1402] : memref<16384xf32, #tpu.memory_space<vmem>> -> memref<8192xf32, #tpu.memory_space<vmem>>
      %swap3A_1404 = arith.index_cast %mul3A_1401 : i32 to index
      %swap3A_1405 = tpu.vector_load %swap3A_1403[%swap3A_1404] {strides = array<i32>} : memref<8192xf32, #tpu.memory_space<vmem>>, vector<16xf32>,
      tpu.vector_store %swap3A_1403[%swap3A_1404], %broadcast_in_dim3A_247 {strides = array<i32>} : memref<8192xf32, #tpu.memory_space<vmem>>, vector<16xf32>,
      %mul3A_1406 = arith.constant 8 : i32
      %mul3A_1407 = arith.muli %scan3A_1335, %mul3A_1406 : i32
      %add3A_1408 = arith.constant 7 : i32
      %add3A_1409 = arith.addi %mul3A_1407, %add3A_1408 : i32
      %mul3A_1410 = arith.constant 16 : i32
      %mul3A_1411 = arith.muli %add3A_1409, %mul3A_1410 : i32
      %swap3A_1412 = arith.constant 8192 : i32
      %swap3A_1413 = tpu.memref_slice %arg16[%swap3A_1412] : memref<16384xf32, #tpu.memory_space<vmem>> -> memref<8192xf32, #tpu.memory_space<vmem>>
      %swap3A_1414 = arith.index_cast %mul3A_1411 : i32 to index
      %swap3A_1415 = tpu.vector_load %swap3A_1413[%swap3A_1414] {strides = array<i32>} : memref<8192xf32, #tpu.memory_space<vmem>>, vector<16xf32>,
      tpu.vector_store %swap3A_1413[%swap3A_1414], %broadcast_in_dim3A_247 {strides = array<i32>} : memref<8192xf32, #tpu.memory_space<vmem>>, vector<16xf32>,
    }
    %scan3A_1108 = arith.constant 64 : i32
    %add3A_1109 = arith.constant 112 : i32
    %add3A_1110 = vector.broadcast %add3A_1109 : i32 to vector<16xi32>
    %add3A_1111 = arith.addi %iota3A, %add3A_1110 : vector<16xi32>
    %mul3A_1112 = arith.constant 50 : i32
    %mul3A_1113 = vector.broadcast %mul3A_1112 : i32 to vector<16xi32>
    %mul3A_1114 = arith.muli %add3A_1111, %mul3A_1113 : vector<16xi32>
    %scan3A_1115 = arith.constant 0 : i32
    %scan3A_1116 = arith.constant 0 : i32
    %scan3A_1117 = arith.constant 50 : i32
    %scan3A_1118 = arith.addi %scan3A_1116, %scan3A_1117 : i32
    %scan3A_1119 = arith.constant 1 : i32
    scf.for %scan3A_1335 = %scan3A_1116 to %scan3A_1118 step %scan3A_1119  : i32 {
      %add3A_1336 = vector.broadcast %scan3A_1335 : i32 to vector<16xi32>
      %add3A_1337 = arith.addi %mul3A_1114, %add3A_1336 : vector<16xi32>
      %gather3A = tpu.vector_load_idx %arg7[%add3A_1337] : memref<6400xi32, #tpu.memory_space<vmem>>[vector<16xi32>], vector<16xi32>,
      %add3A_1338 = vector.broadcast %scan3A_1335 : i32 to vector<16xi32>
      %add3A_1339 = arith.addi %mul3A_1114, %add3A_1338 : vector<16xi32>
      %gather3A_1340 = tpu.vector_load_idx %arg8[%add3A_1339] : memref<6400xi32, #tpu.memory_space<vmem>>[vector<16xi32>], vector<16xi32>,
      %convert_element_type3A_1341 = arith.sitofp %gather3A_1340 : vector<16xi32> to vector<16xf32>
      %shift_right_logical3A = arith.constant 7 : i32
      %shift_right_logical3A_1342 = vector.broadcast %shift_right_logical3A : i32 to vector<16xi32>
      %shift_right_logical3A_1343 = arith.shrui %gather3A, %shift_right_logical3A_1342 : vector<16xi32>
      %and3A = arith.constant 127 : i32
      %and3A_1344 = vector.broadcast %and3A : i32 to vector<16xi32>
      %and3A_1345 = arith.andi %gather3A, %and3A_1344 : vector<16xi32>
      %mul3A_1346 = arith.constant 2048 : i32
      %mul3A_1347 = vector.broadcast %mul3A_1346 : i32 to vector<16xi32>
      %mul3A_1348 = arith.muli %shift_right_logical3A_1343, %mul3A_1347 : vector<16xi32>
      %add3A_1349 = arith.addi %mul3A_1348, %mul3A_250 : vector<16xi32>
      %add3A_1350 = arith.addi %add3A_1349, %and3A_1345 : vector<16xi32>
      %scatter3A = arith.constant 8192 : i32
      %scatter3A_1351 = tpu.memref_slice %arg16[%scatter3A] : memref<16384xf32, #tpu.memory_space<vmem>> -> memref<8192xf32, #tpu.memory_space<vmem>>
      tpu.vector_store_idx %scatter3A_1351[%add3A_1350], %convert_element_type3A_1341 {add = true} : memref<8192xf32, #tpu.memory_space<vmem>>[vector<16xi32>], vector<16xf32>,
    }
    %scan3A_1120 = arith.constant 50 : i32
    %mul3A_1121 = arith.constant 128 : i32
    %mul3A_1122 = arith.muli %add3A, %mul3A_1121 : i32
    %add3A_1123 = arith.constant 112 : i32
    %add3A_1124 = arith.addi %mul3A_1122, %add3A_1123 : i32
    %mul3A_1125 = arith.constant 128 : i32
    %mul3A_1126 = arith.muli %add3A_1124, %mul3A_1125 : i32
    %add3A_1127 = arith.constant 0 : i32
    %add3A_1128 = arith.addi %add3A_1127, %mul3A_1126 : i32
    %dma_start3A_1129 = arith.constant 8192 : i32
    %dma_start3A_1130 = tpu.memref_slice %arg16[%dma_start3A_1129] : memref<16384xf32, #tpu.memory_space<vmem>> -> memref<2048xf32, #tpu.memory_space<vmem>>
    %dma_start3A_1131 = tpu.memref_slice %arg5[%add3A_1128] : memref<2097152xf32, #tpu.memory_space<hbm>> -> memref<2048xf32, #tpu.memory_space<hbm>>
    %dma_start3A_1132 = tpu.memref_slice %arg5[%add3A_1128] : memref<2097152xf32, #tpu.memory_space<hbm>> -> memref<2048xf32, #tpu.memory_space<hbm>>
    %dma_start3A_1133 = arith.constant 8192 : i32
    %dma_start3A_1134 = tpu.memref_slice %arg16[%dma_start3A_1133] : memref<16384xf32, #tpu.memory_space<vmem>> -> memref<2048xf32, #tpu.memory_space<vmem>>
    tpu.enqueue_dma source(%dma_start3A_1134 : memref<2048xf32, #tpu.memory_space<vmem>>) target(%dma_start3A_1132 : memref<2048xf32, #tpu.memory_space<hbm>>) target_semaphore(%arg21 : memref<!tpu.dma_semaphore, #tpu.memory_space<semaphore_mem>>)
    %mul3A_1135 = arith.constant 128 : i32
    %mul3A_1136 = arith.muli %add3A, %mul3A_1135 : i32
    %add3A_1137 = arith.constant 112 : i32
    %add3A_1138 = arith.addi %mul3A_1136, %add3A_1137 : i32
    %mul3A_1139 = arith.constant 128 : i32
    %mul3A_1140 = arith.muli %add3A_1138, %mul3A_1139 : i32
    %add3A_1141 = arith.constant 524288 : i32
    %add3A_1142 = arith.addi %add3A_1141, %mul3A_1140 : i32
    %dma_start3A_1143 = arith.constant 10240 : i32
    %dma_start3A_1144 = tpu.memref_slice %arg16[%dma_start3A_1143] : memref<16384xf32, #tpu.memory_space<vmem>> -> memref<2048xf32, #tpu.memory_space<vmem>>
    %dma_start3A_1145 = tpu.memref_slice %arg5[%add3A_1142] : memref<2097152xf32, #tpu.memory_space<hbm>> -> memref<2048xf32, #tpu.memory_space<hbm>>
    %dma_start3A_1146 = tpu.memref_slice %arg5[%add3A_1142] : memref<2097152xf32, #tpu.memory_space<hbm>> -> memref<2048xf32, #tpu.memory_space<hbm>>
    %dma_start3A_1147 = arith.constant 10240 : i32
    %dma_start3A_1148 = tpu.memref_slice %arg16[%dma_start3A_1147] : memref<16384xf32, #tpu.memory_space<vmem>> -> memref<2048xf32, #tpu.memory_space<vmem>>
    tpu.enqueue_dma source(%dma_start3A_1148 : memref<2048xf32, #tpu.memory_space<vmem>>) target(%dma_start3A_1146 : memref<2048xf32, #tpu.memory_space<hbm>>) target_semaphore(%arg21 : memref<!tpu.dma_semaphore, #tpu.memory_space<semaphore_mem>>)
    %mul3A_1149 = arith.constant 128 : i32
    %mul3A_1150 = arith.muli %add3A, %mul3A_1149 : i32
    %add3A_1151 = arith.constant 112 : i32
    %add3A_1152 = arith.addi %mul3A_1150, %add3A_1151 : i32
    %mul3A_1153 = arith.constant 128 : i32
    %mul3A_1154 = arith.muli %add3A_1152, %mul3A_1153 : i32
    %add3A_1155 = arith.constant 1048576 : i32
    %add3A_1156 = arith.addi %add3A_1155, %mul3A_1154 : i32
    %dma_start3A_1157 = arith.constant 12288 : i32
    %dma_start3A_1158 = tpu.memref_slice %arg16[%dma_start3A_1157] : memref<16384xf32, #tpu.memory_space<vmem>> -> memref<2048xf32, #tpu.memory_space<vmem>>
    %dma_start3A_1159 = tpu.memref_slice %arg5[%add3A_1156] : memref<2097152xf32, #tpu.memory_space<hbm>> -> memref<2048xf32, #tpu.memory_space<hbm>>
    %dma_start3A_1160 = tpu.memref_slice %arg5[%add3A_1156] : memref<2097152xf32, #tpu.memory_space<hbm>> -> memref<2048xf32, #tpu.memory_space<hbm>>
    %dma_start3A_1161 = arith.constant 12288 : i32
    %dma_start3A_1162 = tpu.memref_slice %arg16[%dma_start3A_1161] : memref<16384xf32, #tpu.memory_space<vmem>> -> memref<2048xf32, #tpu.memory_space<vmem>>
    tpu.enqueue_dma source(%dma_start3A_1162 : memref<2048xf32, #tpu.memory_space<vmem>>) target(%dma_start3A_1160 : memref<2048xf32, #tpu.memory_space<hbm>>) target_semaphore(%arg21 : memref<!tpu.dma_semaphore, #tpu.memory_space<semaphore_mem>>)
    %mul3A_1163 = arith.constant 128 : i32
    %mul3A_1164 = arith.muli %add3A, %mul3A_1163 : i32
    %add3A_1165 = arith.constant 112 : i32
    %add3A_1166 = arith.addi %mul3A_1164, %add3A_1165 : i32
    %mul3A_1167 = arith.constant 128 : i32
    %mul3A_1168 = arith.muli %add3A_1166, %mul3A_1167 : i32
    %add3A_1169 = arith.constant 1572864 : i32
    %add3A_1170 = arith.addi %add3A_1169, %mul3A_1168 : i32
    %dma_start3A_1171 = arith.constant 14336 : i32
    %dma_start3A_1172 = tpu.memref_slice %arg16[%dma_start3A_1171] : memref<16384xf32, #tpu.memory_space<vmem>> -> memref<2048xf32, #tpu.memory_space<vmem>>
    %dma_start3A_1173 = tpu.memref_slice %arg5[%add3A_1170] : memref<2097152xf32, #tpu.memory_space<hbm>> -> memref<2048xf32, #tpu.memory_space<hbm>>
    %dma_start3A_1174 = tpu.memref_slice %arg5[%add3A_1170] : memref<2097152xf32, #tpu.memory_space<hbm>> -> memref<2048xf32, #tpu.memory_space<hbm>>
    %dma_start3A_1175 = arith.constant 14336 : i32
    %dma_start3A_1176 = tpu.memref_slice %arg16[%dma_start3A_1175] : memref<16384xf32, #tpu.memory_space<vmem>> -> memref<2048xf32, #tpu.memory_space<vmem>>
    tpu.enqueue_dma source(%dma_start3A_1176 : memref<2048xf32, #tpu.memory_space<vmem>>) target(%dma_start3A_1174 : memref<2048xf32, #tpu.memory_space<hbm>>) target_semaphore(%arg21 : memref<!tpu.dma_semaphore, #tpu.memory_space<semaphore_mem>>)
    %mul3A_1177 = arith.constant 128 : i32
    %mul3A_1178 = arith.muli %add3A, %mul3A_1177 : i32
    %add3A_1179 = arith.constant 96 : i32
    %add3A_1180 = arith.addi %mul3A_1178, %add3A_1179 : i32
    %mul3A_1181 = arith.constant 128 : i32
    %mul3A_1182 = arith.muli %add3A_1180, %mul3A_1181 : i32
    %add3A_1183 = arith.constant 0 : i32
    %add3A_1184 = arith.addi %add3A_1183, %mul3A_1182 : i32
    %dma_wait3A_1185 = arith.constant 0 : i32
    %dma_wait3A_1186 = tpu.memref_slice %arg16[%dma_wait3A_1185] : memref<16384xf32, #tpu.memory_space<vmem>> -> memref<2048xf32, #tpu.memory_space<vmem>>
    %dma_wait3A_1187 = tpu.memref_slice %arg5[%add3A_1184] : memref<2097152xf32, #tpu.memory_space<hbm>> -> memref<2048xf32, #tpu.memory_space<hbm>>
    %dma_wait3A_1188 = tpu.memref_slice %arg5[%add3A_1184] : memref<2097152xf32, #tpu.memory_space<hbm>> -> memref<2048xf32, #tpu.memory_space<hbm>>
    %dma_wait3A_1189 = arith.constant 0 : i32
    %dma_wait3A_1190 = tpu.memref_slice %arg16[%dma_wait3A_1189] : memref<16384xf32, #tpu.memory_space<vmem>> -> memref<2048xf32, #tpu.memory_space<vmem>>
    tpu.wait_dma2 semaphore(%arg21 : memref<!tpu.dma_semaphore, #tpu.memory_space<semaphore_mem>>) src(%dma_wait3A_1190 : memref<2048xf32, #tpu.memory_space<vmem>>) dst(%dma_wait3A_1188 : memref<2048xf32, #tpu.memory_space<hbm>>)
    %mul3A_1191 = arith.constant 128 : i32
    %mul3A_1192 = arith.muli %add3A, %mul3A_1191 : i32
    %add3A_1193 = arith.constant 96 : i32
    %add3A_1194 = arith.addi %mul3A_1192, %add3A_1193 : i32
    %mul3A_1195 = arith.constant 128 : i32
    %mul3A_1196 = arith.muli %add3A_1194, %mul3A_1195 : i32
    %add3A_1197 = arith.constant 524288 : i32
    %add3A_1198 = arith.addi %add3A_1197, %mul3A_1196 : i32
    %dma_wait3A_1199 = arith.constant 2048 : i32
    %dma_wait3A_1200 = tpu.memref_slice %arg16[%dma_wait3A_1199] : memref<16384xf32, #tpu.memory_space<vmem>> -> memref<2048xf32, #tpu.memory_space<vmem>>
    %dma_wait3A_1201 = tpu.memref_slice %arg5[%add3A_1198] : memref<2097152xf32, #tpu.memory_space<hbm>> -> memref<2048xf32, #tpu.memory_space<hbm>>
    %dma_wait3A_1202 = tpu.memref_slice %arg5[%add3A_1198] : memref<2097152xf32, #tpu.memory_space<hbm>> -> memref<2048xf32, #tpu.memory_space<hbm>>
    %dma_wait3A_1203 = arith.constant 2048 : i32
    %dma_wait3A_1204 = tpu.memref_slice %arg16[%dma_wait3A_1203] : memref<16384xf32, #tpu.memory_space<vmem>> -> memref<2048xf32, #tpu.memory_space<vmem>>
    tpu.wait_dma2 semaphore(%arg21 : memref<!tpu.dma_semaphore, #tpu.memory_space<semaphore_mem>>) src(%dma_wait3A_1204 : memref<2048xf32, #tpu.memory_space<vmem>>) dst(%dma_wait3A_1202 : memref<2048xf32, #tpu.memory_space<hbm>>)
    %mul3A_1205 = arith.constant 128 : i32
    %mul3A_1206 = arith.muli %add3A, %mul3A_1205 : i32
    %add3A_1207 = arith.constant 96 : i32
    %add3A_1208 = arith.addi %mul3A_1206, %add3A_1207 : i32
    %mul3A_1209 = arith.constant 128 : i32
    %mul3A_1210 = arith.muli %add3A_1208, %mul3A_1209 : i32
    %add3A_1211 = arith.constant 1048576 : i32
    %add3A_1212 = arith.addi %add3A_1211, %mul3A_1210 : i32
    %dma_wait3A_1213 = arith.constant 4096 : i32
    %dma_wait3A_1214 = tpu.memref_slice %arg16[%dma_wait3A_1213] : memref<16384xf32, #tpu.memory_space<vmem>> -> memref<2048xf32, #tpu.memory_space<vmem>>
    %dma_wait3A_1215 = tpu.memref_slice %arg5[%add3A_1212] : memref<2097152xf32, #tpu.memory_space<hbm>> -> memref<2048xf32, #tpu.memory_space<hbm>>
    %dma_wait3A_1216 = tpu.memref_slice %arg5[%add3A_1212] : memref<2097152xf32, #tpu.memory_space<hbm>> -> memref<2048xf32, #tpu.memory_space<hbm>>
    %dma_wait3A_1217 = arith.constant 4096 : i32
    %dma_wait3A_1218 = tpu.memref_slice %arg16[%dma_wait3A_1217] : memref<16384xf32, #tpu.memory_space<vmem>> -> memref<2048xf32, #tpu.memory_space<vmem>>
    tpu.wait_dma2 semaphore(%arg21 : memref<!tpu.dma_semaphore, #tpu.memory_space<semaphore_mem>>) src(%dma_wait3A_1218 : memref<2048xf32, #tpu.memory_space<vmem>>) dst(%dma_wait3A_1216 : memref<2048xf32, #tpu.memory_space<hbm>>)
    %mul3A_1219 = arith.constant 128 : i32
    %mul3A_1220 = arith.muli %add3A, %mul3A_1219 : i32
    %add3A_1221 = arith.constant 96 : i32
    %add3A_1222 = arith.addi %mul3A_1220, %add3A_1221 : i32
    %mul3A_1223 = arith.constant 128 : i32
    %mul3A_1224 = arith.muli %add3A_1222, %mul3A_1223 : i32
    %add3A_1225 = arith.constant 1572864 : i32
    %add3A_1226 = arith.addi %add3A_1225, %mul3A_1224 : i32
    %dma_wait3A_1227 = arith.constant 6144 : i32
    %dma_wait3A_1228 = tpu.memref_slice %arg16[%dma_wait3A_1227] : memref<16384xf32, #tpu.memory_space<vmem>> -> memref<2048xf32, #tpu.memory_space<vmem>>
    %dma_wait3A_1229 = tpu.memref_slice %arg5[%add3A_1226] : memref<2097152xf32, #tpu.memory_space<hbm>> -> memref<2048xf32, #tpu.memory_space<hbm>>
    %dma_wait3A_1230 = tpu.memref_slice %arg5[%add3A_1226] : memref<2097152xf32, #tpu.memory_space<hbm>> -> memref<2048xf32, #tpu.memory_space<hbm>>
    %dma_wait3A_1231 = arith.constant 6144 : i32
    %dma_wait3A_1232 = tpu.memref_slice %arg16[%dma_wait3A_1231] : memref<16384xf32, #tpu.memory_space<vmem>> -> memref<2048xf32, #tpu.memory_space<vmem>>
    tpu.wait_dma2 semaphore(%arg21 : memref<!tpu.dma_semaphore, #tpu.memory_space<semaphore_mem>>) src(%dma_wait3A_1232 : memref<2048xf32, #tpu.memory_space<vmem>>) dst(%dma_wait3A_1230 : memref<2048xf32, #tpu.memory_space<hbm>>)
    %mul3A_1233 = arith.constant 128 : i32
    %mul3A_1234 = arith.muli %add3A, %mul3A_1233 : i32
    %add3A_1235 = arith.constant 112 : i32
    %add3A_1236 = arith.addi %mul3A_1234, %add3A_1235 : i32
    %mul3A_1237 = arith.constant 128 : i32
    %mul3A_1238 = arith.muli %add3A_1236, %mul3A_1237 : i32
    %add3A_1239 = arith.constant 0 : i32
    %add3A_1240 = arith.addi %add3A_1239, %mul3A_1238 : i32
    %dma_wait3A_1241 = arith.constant 8192 : i32
    %dma_wait3A_1242 = tpu.memref_slice %arg16[%dma_wait3A_1241] : memref<16384xf32, #tpu.memory_space<vmem>> -> memref<2048xf32, #tpu.memory_space<vmem>>
    %dma_wait3A_1243 = tpu.memref_slice %arg5[%add3A_1240] : memref<2097152xf32, #tpu.memory_space<hbm>> -> memref<2048xf32, #tpu.memory_space<hbm>>
    %dma_wait3A_1244 = tpu.memref_slice %arg5[%add3A_1240] : memref<2097152xf32, #tpu.memory_space<hbm>> -> memref<2048xf32, #tpu.memory_space<hbm>>
    %dma_wait3A_1245 = arith.constant 8192 : i32
    %dma_wait3A_1246 = tpu.memref_slice %arg16[%dma_wait3A_1245] : memref<16384xf32, #tpu.memory_space<vmem>> -> memref<2048xf32, #tpu.memory_space<vmem>>
    tpu.wait_dma2 semaphore(%arg21 : memref<!tpu.dma_semaphore, #tpu.memory_space<semaphore_mem>>) src(%dma_wait3A_1246 : memref<2048xf32, #tpu.memory_space<vmem>>) dst(%dma_wait3A_1244 : memref<2048xf32, #tpu.memory_space<hbm>>)
    %mul3A_1247 = arith.constant 128 : i32
    %mul3A_1248 = arith.muli %add3A, %mul3A_1247 : i32
    %add3A_1249 = arith.constant 112 : i32
    %add3A_1250 = arith.addi %mul3A_1248, %add3A_1249 : i32
    %mul3A_1251 = arith.constant 128 : i32
    %mul3A_1252 = arith.muli %add3A_1250, %mul3A_1251 : i32
    %add3A_1253 = arith.constant 524288 : i32
    %add3A_1254 = arith.addi %add3A_1253, %mul3A_1252 : i32
    %dma_wait3A_1255 = arith.constant 10240 : i32
    %dma_wait3A_1256 = tpu.memref_slice %arg16[%dma_wait3A_1255] : memref<16384xf32, #tpu.memory_space<vmem>> -> memref<2048xf32, #tpu.memory_space<vmem>>
    %dma_wait3A_1257 = tpu.memref_slice %arg5[%add3A_1254] : memref<2097152xf32, #tpu.memory_space<hbm>> -> memref<2048xf32, #tpu.memory_space<hbm>>
    %dma_wait3A_1258 = tpu.memref_slice %arg5[%add3A_1254] : memref<2097152xf32, #tpu.memory_space<hbm>> -> memref<2048xf32, #tpu.memory_space<hbm>>
    %dma_wait3A_1259 = arith.constant 10240 : i32
    %dma_wait3A_1260 = tpu.memref_slice %arg16[%dma_wait3A_1259] : memref<16384xf32, #tpu.memory_space<vmem>> -> memref<2048xf32, #tpu.memory_space<vmem>>
    tpu.wait_dma2 semaphore(%arg21 : memref<!tpu.dma_semaphore, #tpu.memory_space<semaphore_mem>>) src(%dma_wait3A_1260 : memref<2048xf32, #tpu.memory_space<vmem>>) dst(%dma_wait3A_1258 : memref<2048xf32, #tpu.memory_space<hbm>>)
    %mul3A_1261 = arith.constant 128 : i32
    %mul3A_1262 = arith.muli %add3A, %mul3A_1261 : i32
    %add3A_1263 = arith.constant 112 : i32
    %add3A_1264 = arith.addi %mul3A_1262, %add3A_1263 : i32
    %mul3A_1265 = arith.constant 128 : i32
    %mul3A_1266 = arith.muli %add3A_1264, %mul3A_1265 : i32
    %add3A_1267 = arith.constant 1048576 : i32
    %add3A_1268 = arith.addi %add3A_1267, %mul3A_1266 : i32
    %dma_wait3A_1269 = arith.constant 12288 : i32
    %dma_wait3A_1270 = tpu.memref_slice %arg16[%dma_wait3A_1269] : memref<16384xf32, #tpu.memory_space<vmem>> -> memref<2048xf32, #tpu.memory_space<vmem>>
    %dma_wait3A_1271 = tpu.memref_slice %arg5[%add3A_1268] : memref<2097152xf32, #tpu.memory_space<hbm>> -> memref<2048xf32, #tpu.memory_space<hbm>>
    %dma_wait3A_1272 = tpu.memref_slice %arg5[%add3A_1268] : memref<2097152xf32, #tpu.memory_space<hbm>> -> memref<2048xf32, #tpu.memory_space<hbm>>
    %dma_wait3A_1273 = arith.constant 12288 : i32
    %dma_wait3A_1274 = tpu.memref_slice %arg16[%dma_wait3A_1273] : memref<16384xf32, #tpu.memory_space<vmem>> -> memref<2048xf32, #tpu.memory_space<vmem>>
    tpu.wait_dma2 semaphore(%arg21 : memref<!tpu.dma_semaphore, #tpu.memory_space<semaphore_mem>>) src(%dma_wait3A_1274 : memref<2048xf32, #tpu.memory_space<vmem>>) dst(%dma_wait3A_1272 : memref<2048xf32, #tpu.memory_space<hbm>>)
    %mul3A_1275 = arith.constant 128 : i32
    %mul3A_1276 = arith.muli %add3A, %mul3A_1275 : i32
    %add3A_1277 = arith.constant 112 : i32
    %add3A_1278 = arith.addi %mul3A_1276, %add3A_1277 : i32
    %mul3A_1279 = arith.constant 128 : i32
    %mul3A_1280 = arith.muli %add3A_1278, %mul3A_1279 : i32
    %add3A_1281 = arith.constant 1572864 : i32
    %add3A_1282 = arith.addi %add3A_1281, %mul3A_1280 : i32
    %dma_wait3A_1283 = arith.constant 14336 : i32
    %dma_wait3A_1284 = tpu.memref_slice %arg16[%dma_wait3A_1283] : memref<16384xf32, #tpu.memory_space<vmem>> -> memref<2048xf32, #tpu.memory_space<vmem>>
    %dma_wait3A_1285 = tpu.memref_slice %arg5[%add3A_1282] : memref<2097152xf32, #tpu.memory_space<hbm>> -> memref<2048xf32, #tpu.memory_space<hbm>>
    %dma_wait3A_1286 = tpu.memref_slice %arg5[%add3A_1282] : memref<2097152xf32, #tpu.memory_space<hbm>> -> memref<2048xf32, #tpu.memory_space<hbm>>
    %dma_wait3A_1287 = arith.constant 14336 : i32
    %dma_wait3A_1288 = tpu.memref_slice %arg16[%dma_wait3A_1287] : memref<16384xf32, #tpu.memory_space<vmem>> -> memref<2048xf32, #tpu.memory_space<vmem>>
    tpu.wait_dma2 semaphore(%arg21 : memref<!tpu.dma_semaphore, #tpu.memory_space<semaphore_mem>>) src(%dma_wait3A_1288 : memref<2048xf32, #tpu.memory_space<vmem>>) dst(%dma_wait3A_1286 : memref<2048xf32, #tpu.memory_space<hbm>>)
    %scan3A_1289 = arith.constant 0 : i32
    %scan3A_1290 = arith.constant 0 : i32
    %scan3A_1291 = arith.constant 128 : i32
    %scan3A_1292 = arith.addi %scan3A_1290, %scan3A_1291 : i32
    %scan3A_1293 = arith.constant 1 : i32
    scf.for %scan3A_1335 = %scan3A_1290 to %scan3A_1292 step %scan3A_1293  : i32 {
      %swap3A_1336 = arith.index_cast %scan3A_1335 : i32 to index
      %swap3A_1337 = arith.constant 0 : index
      %swap3A_1338 = tpu.vector_load %arg15[%swap3A_1336, %swap3A_1337] {strides = array<i32>} : memref<128x128xf32, #tpu.memory_space<vmem>>, vector<16xf32>,
      tpu.vector_store %arg15[%swap3A_1336, %swap3A_1337], %broadcast_in_dim3A_247 {strides = array<i32>} : memref<128x128xf32, #tpu.memory_space<vmem>>, vector<16xf32>,
      %swap3A_1339 = arith.index_cast %scan3A_1335 : i32 to index
      %swap3A_1340 = arith.constant 16 : index
      %swap3A_1341 = tpu.vector_load %arg15[%swap3A_1339, %swap3A_1340] {strides = array<i32>} : memref<128x128xf32, #tpu.memory_space<vmem>>, vector<16xf32>,
      tpu.vector_store %arg15[%swap3A_1339, %swap3A_1340], %broadcast_in_dim3A_247 {strides = array<i32>} : memref<128x128xf32, #tpu.memory_space<vmem>>, vector<16xf32>,
      %swap3A_1342 = arith.index_cast %scan3A_1335 : i32 to index
      %swap3A_1343 = arith.constant 32 : index
      %swap3A_1344 = tpu.vector_load %arg15[%swap3A_1342, %swap3A_1343] {strides = array<i32>} : memref<128x128xf32, #tpu.memory_space<vmem>>, vector<16xf32>,
      tpu.vector_store %arg15[%swap3A_1342, %swap3A_1343], %broadcast_in_dim3A_247 {strides = array<i32>} : memref<128x128xf32, #tpu.memory_space<vmem>>, vector<16xf32>,
      %swap3A_1345 = arith.index_cast %scan3A_1335 : i32 to index
      %swap3A_1346 = arith.constant 48 : index
      %swap3A_1347 = tpu.vector_load %arg15[%swap3A_1345, %swap3A_1346] {strides = array<i32>} : memref<128x128xf32, #tpu.memory_space<vmem>>, vector<16xf32>,
      tpu.vector_store %arg15[%swap3A_1345, %swap3A_1346], %broadcast_in_dim3A_247 {strides = array<i32>} : memref<128x128xf32, #tpu.memory_space<vmem>>, vector<16xf32>,
      %swap3A_1348 = arith.index_cast %scan3A_1335 : i32 to index
      %swap3A_1349 = arith.constant 64 : index
      %swap3A_1350 = tpu.vector_load %arg15[%swap3A_1348, %swap3A_1349] {strides = array<i32>} : memref<128x128xf32, #tpu.memory_space<vmem>>, vector<16xf32>,
      tpu.vector_store %arg15[%swap3A_1348, %swap3A_1349], %broadcast_in_dim3A_247 {strides = array<i32>} : memref<128x128xf32, #tpu.memory_space<vmem>>, vector<16xf32>,
      %swap3A_1351 = arith.index_cast %scan3A_1335 : i32 to index
      %swap3A_1352 = arith.constant 80 : index
      %swap3A_1353 = tpu.vector_load %arg15[%swap3A_1351, %swap3A_1352] {strides = array<i32>} : memref<128x128xf32, #tpu.memory_space<vmem>>, vector<16xf32>,
      tpu.vector_store %arg15[%swap3A_1351, %swap3A_1352], %broadcast_in_dim3A_247 {strides = array<i32>} : memref<128x128xf32, #tpu.memory_space<vmem>>, vector<16xf32>,
      %swap3A_1354 = arith.index_cast %scan3A_1335 : i32 to index
      %swap3A_1355 = arith.constant 96 : index
      %swap3A_1356 = tpu.vector_load %arg15[%swap3A_1354, %swap3A_1355] {strides = array<i32>} : memref<128x128xf32, #tpu.memory_space<vmem>>, vector<16xf32>,
      tpu.vector_store %arg15[%swap3A_1354, %swap3A_1355], %broadcast_in_dim3A_247 {strides = array<i32>} : memref<128x128xf32, #tpu.memory_space<vmem>>, vector<16xf32>,
      %swap3A_1357 = arith.index_cast %scan3A_1335 : i32 to index
      %swap3A_1358 = arith.constant 112 : index
      %swap3A_1359 = tpu.vector_load %arg15[%swap3A_1357, %swap3A_1358] {strides = array<i32>} : memref<128x128xf32, #tpu.memory_space<vmem>>, vector<16xf32>,
      tpu.vector_store %arg15[%swap3A_1357, %swap3A_1358], %broadcast_in_dim3A_247 {strides = array<i32>} : memref<128x128xf32, #tpu.memory_space<vmem>>, vector<16xf32>,
    }
    %scan3A_1294 = arith.constant 128 : i32
    %broadcast_in_dim3A_1295 = arith.constant 0.000000e+00 : f32
    %broadcast_in_dim3A_1296 = vector.broadcast %broadcast_in_dim3A_1295 : f32 to vector<16xf32>
    %broadcast_in_dim3A_1297 = arith.constant 0.000000e+00 : f32
    %broadcast_in_dim3A_1298 = vector.broadcast %broadcast_in_dim3A_1297 : f32 to vector<16xf32>
    %broadcast_in_dim3A_1299 = arith.constant 0.000000e+00 : f32
    %broadcast_in_dim3A_1300 = vector.broadcast %broadcast_in_dim3A_1299 : f32 to vector<16xf32>
    %broadcast_in_dim3A_1301 = arith.constant 0.000000e+00 : f32
    %broadcast_in_dim3A_1302 = vector.broadcast %broadcast_in_dim3A_1301 : f32 to vector<16xf32>
    %broadcast_in_dim3A_1303 = arith.constant 0.000000e+00 : f32
    %broadcast_in_dim3A_1304 = vector.broadcast %broadcast_in_dim3A_1303 : f32 to vector<16xf32>
    %broadcast_in_dim3A_1305 = arith.constant 0.000000e+00 : f32
    %broadcast_in_dim3A_1306 = vector.broadcast %broadcast_in_dim3A_1305 : f32 to vector<16xf32>
    %broadcast_in_dim3A_1307 = arith.constant 0.000000e+00 : f32
    %broadcast_in_dim3A_1308 = vector.broadcast %broadcast_in_dim3A_1307 : f32 to vector<16xf32>
    %broadcast_in_dim3A_1309 = arith.constant 0.000000e+00 : f32
    %broadcast_in_dim3A_1310 = vector.broadcast %broadcast_in_dim3A_1309 : f32 to vector<16xf32>
    %scan3A_1311 = arith.constant 0 : i32
    %scan3A_1312 = arith.constant 0 : i32
    %scan3A_1313 = arith.constant 0 : i32
    %scan3A_1314 = arith.constant 12 : i32
    %scan3A_1315 = arith.addi %scan3A_1313, %scan3A_1314 : i32
    %scan3A_1316 = arith.constant 1 : i32
    %scan3A_1317:2 = scf.for %scan3A_1335 = %scan3A_1313 to %scan3A_1315 step %scan3A_1316 iter_args(%scan3A_1336 = %scan3A_1311, %scan3A_1337 = %scan3A_1312) -> (i32, i32)  : i32 {
      %mul3A_1338 = arith.constant 4 : i32
      %mul3A_1339 = arith.muli %scan3A_1335, %mul3A_1338 : i32
      %add3A_1340 = arith.constant 0 : i32
      %add3A_1341 = arith.addi %mul3A_1339, %add3A_1340 : i32
      %mul3A_1342 = arith.constant 128 : i32
      %mul3A_1343 = arith.muli %add3A_1341, %mul3A_1342 : i32
      %lt3A = arith.cmpi slt, %mul3A_1343, %scan3A_11 : i32
      %convert_element_type3A_1344 = arith.extui %lt3A : i1 to i32
      %cond3A_1345 = arith.constant 0 : i32
      %cond3A_1346 = arith.cmpi ne, %convert_element_type3A_1344, %cond3A_1345 : i32
      scf.if %cond3A_1346 {
        %mul3A_1441 = arith.constant 128 : i32
        %mul3A_1442 = arith.muli %add3A_1341, %mul3A_1441 : i32
        %dma_wait3A_1443 = tpu.memref_slice %arg9[%mul3A_1442] : memref<6400xi32, #tpu.memory_space<vmem>> -> memref<128xi32, #tpu.memory_space<vmem>>
        %dma_wait3A_1444 = arith.constant 0 : i32
        %dma_wait3A_1445 = arith.constant 0 : i32
        %dma_wait3A_1446 = tpu.memref_slice %arg3[%dma_wait3A_1444, %dma_wait3A_1445] : memref<100000x128xf32, #tpu.memory_space<hbm>> -> memref<100000x128xf32, #tpu.memory_space<hbm>>
        tpu.wait_indirect_dma semaphore(%arg17 : memref<!tpu.dma_semaphore, #tpu.memory_space<semaphore_mem>>) src(%dma_wait3A_1446 : memref<100000x128xf32, #tpu.memory_space<hbm>>) dst(%arg11 : memref<128x128xf32, #tpu.memory_space<vmem>>)
      } else {
      }
      %add3A_1347 = arith.constant 1 : i32
      %add3A_1348 = arith.addi %add3A_1341, %add3A_1347 : i32
      %mul3A_1349 = arith.constant 128 : i32
      %mul3A_1350 = arith.muli %add3A_1348, %mul3A_1349 : i32
      %min3A_1351 = arith.minsi %mul3A_1350, %scan3A_11 : i32
      %mul3A_1352 = arith.constant 128 : i32
      %mul3A_1353 = arith.muli %add3A_1341, %mul3A_1352 : i32
      %while3A_1354:2 = scf.while (%while3A_1441 = %scan3A_1336, %while3A_1442 = %scan3A_1337) : (i32, i32) -> (i32, i32) {
        %lt3A_1443 = arith.cmpi slt, %while3A_1442, %min3A_1351 : i32
        scf.condition(%lt3A_1443) %while3A_1441, %while3A_1442 : i32, i32
      } do {
      ^bb0(%while3A_1441: i32, %while3A_1442: i32):
        %add3A_1443 = arith.constant 1 : i32
        %add3A_1444 = arith.addi %while3A_1441, %add3A_1443 : i32
        %broadcast_in_dim3A_1445 = vector.broadcast %add3A_1444 : i32 to vector<16xi32>
        %gather3A = tpu.vector_load_idx %arg10[%broadcast_in_dim3A_1445] : memref<144xi32, #tpu.memory_space<vmem>>[vector<16xi32>], vector<16xi32>,
        %eq3A = arith.constant 0 : i32
        %eq3A_1446 = vector.broadcast %eq3A : i32 to vector<16xi32>
        %eq3A_1447 = arith.cmpi eq, %iota3A, %eq3A_1446 : vector<16xi32>
        %jit3A = arith.constant 0 : i32
        %broadcast_in_dim3A_1448 = vector.broadcast %jit3A : i32 to vector<16xi32>
        %select_n3A = arith.select %eq3A_1447, %gather3A, %broadcast_in_dim3A_1448 : vector<16xi1>, vector<16xi32>
        %reduce_sum3A_1449 = arith.constant true
        %reduce_sum3A_1450 = vector.broadcast %reduce_sum3A_1449 : i1 to vector<16xi1>
        %reduce_sum3A_1451 = tpu.scan <sum>, %select_n3A masked %reduce_sum3A_1450 : vector<16xi32>, vector<16xi1> -> vector<16xi32>
        %reduce_sum3A_1452 = vector.extract %reduce_sum3A_1451[15] : i32 from vector<16xi32>
        %min3A_1453 = arith.minsi %reduce_sum3A_1452, %min3A_1351 : i32
        %sub3A_1454 = arith.subi %while3A_1442, %mul3A_1353 : i32
        %sub3A_1455 = arith.subi %min3A_1453, %while3A_1442 : i32
        %while3A_1456 = arith.constant 0 : i32
        %while3A_1457 = arith.subi %sub3A_1455, %while3A_1456 : i32
        %while3A_1458 = arith.addi %while3A_1456, %while3A_1457 : i32
        %while3A_1459 = arith.constant 1 : i32
        %while3A_1460 = arith.divsi %while3A_1457, %while3A_1459 : i32
        %while3A_1461 = arith.muli %while3A_1460, %while3A_1459 : i32
        %while3A_1462 = arith.addi %while3A_1456, %while3A_1461 : i32
        %while3A_1463 = arith.constant 1 : i32
        %while3A_1464:8 = scf.for %while3A_1526 = %while3A_1456 to %while3A_1462 step %while3A_1463 iter_args(%while3A_1527 = %broadcast_in_dim3A_1296, %while3A_1528 = %broadcast_in_dim3A_1298, %while3A_1529 = %broadcast_in_dim3A_1300, %while3A_1530 = %broadcast_in_dim3A_1302, %while3A_1531 = %broadcast_in_dim3A_1304, %while3A_1532 = %broadcast_in_dim3A_1306, %while3A_1533 = %broadcast_in_dim3A_1308, %while3A_1534 = %broadcast_in_dim3A_1310) -> (vector<16xf32>, vector<16xf32>, vector<16xf32>, vector<16xf32>, vector<16xf32>, vector<16xf32>, vector<16xf32>, vector<16xf32>)  : i32 {
          %add3A_1535 = arith.addi %sub3A_1454, %while3A_1526 : i32
          %get3A_1536 = arith.index_cast %add3A_1535 : i32 to index
          %get3A_1537 = arith.constant 0 : index
          %get3A_1538 = tpu.vector_load %arg11[%get3A_1536, %get3A_1537] {strides = array<i32>} : memref<128x128xf32, #tpu.memory_space<vmem>>, vector<16xf32>,
          %add3A_1539 = arith.addf %while3A_1527, %get3A_1538 : vector<16xf32>
          %add3A_1540 = arith.addi %sub3A_1454, %while3A_1526 : i32
          %get3A_1541 = arith.index_cast %add3A_1540 : i32 to index
          %get3A_1542 = arith.constant 16 : index
          %get3A_1543 = tpu.vector_load %arg11[%get3A_1541, %get3A_1542] {strides = array<i32>} : memref<128x128xf32, #tpu.memory_space<vmem>>, vector<16xf32>,
          %add3A_1544 = arith.addf %while3A_1528, %get3A_1543 : vector<16xf32>
          %add3A_1545 = arith.addi %sub3A_1454, %while3A_1526 : i32
          %get3A_1546 = arith.index_cast %add3A_1545 : i32 to index
          %get3A_1547 = arith.constant 32 : index
          %get3A_1548 = tpu.vector_load %arg11[%get3A_1546, %get3A_1547] {strides = array<i32>} : memref<128x128xf32, #tpu.memory_space<vmem>>, vector<16xf32>,
          %add3A_1549 = arith.addf %while3A_1529, %get3A_1548 : vector<16xf32>
          %add3A_1550 = arith.addi %sub3A_1454, %while3A_1526 : i32
          %get3A_1551 = arith.index_cast %add3A_1550 : i32 to index
          %get3A_1552 = arith.constant 48 : index
          %get3A_1553 = tpu.vector_load %arg11[%get3A_1551, %get3A_1552] {strides = array<i32>} : memref<128x128xf32, #tpu.memory_space<vmem>>, vector<16xf32>,
          %add3A_1554 = arith.addf %while3A_1530, %get3A_1553 : vector<16xf32>
          %add3A_1555 = arith.addi %sub3A_1454, %while3A_1526 : i32
          %get3A_1556 = arith.index_cast %add3A_1555 : i32 to index
          %get3A_1557 = arith.constant 64 : index
          %get3A_1558 = tpu.vector_load %arg11[%get3A_1556, %get3A_1557] {strides = array<i32>} : memref<128x128xf32, #tpu.memory_space<vmem>>, vector<16xf32>,
          %add3A_1559 = arith.addf %while3A_1531, %get3A_1558 : vector<16xf32>
          %add3A_1560 = arith.addi %sub3A_1454, %while3A_1526 : i32
          %get3A_1561 = arith.index_cast %add3A_1560 : i32 to index
          %get3A_1562 = arith.constant 80 : index
          %get3A_1563 = tpu.vector_load %arg11[%get3A_1561, %get3A_1562] {strides = array<i32>} : memref<128x128xf32, #tpu.memory_space<vmem>>, vector<16xf32>,
          %add3A_1564 = arith.addf %while3A_1532, %get3A_1563 : vector<16xf32>
          %add3A_1565 = arith.addi %sub3A_1454, %while3A_1526 : i32
          %get3A_1566 = arith.index_cast %add3A_1565 : i32 to index
          %get3A_1567 = arith.constant 96 : index
          %get3A_1568 = tpu.vector_load %arg11[%get3A_1566, %get3A_1567] {strides = array<i32>} : memref<128x128xf32, #tpu.memory_space<vmem>>, vector<16xf32>,
          %add3A_1569 = arith.addf %while3A_1533, %get3A_1568 : vector<16xf32>
          %add3A_1570 = arith.addi %sub3A_1454, %while3A_1526 : i32
          %get3A_1571 = arith.index_cast %add3A_1570 : i32 to index
          %get3A_1572 = arith.constant 112 : index
          %get3A_1573 = tpu.vector_load %arg11[%get3A_1571, %get3A_1572] {strides = array<i32>} : memref<128x128xf32, #tpu.memory_space<vmem>>, vector<16xf32>,
          %add3A_1574 = arith.addf %while3A_1534, %get3A_1573 : vector<16xf32>
          scf.yield %add3A_1539, %add3A_1544, %add3A_1549, %add3A_1554, %add3A_1559, %add3A_1564, %add3A_1569, %add3A_1574 : vector<16xf32>, vector<16xf32>, vector<16xf32>, vector<16xf32>, vector<16xf32>, vector<16xf32>, vector<16xf32>, vector<16xf32>
        }
        %while3A_1465 = arith.constant 1 : i32
        %while3A_1466:8 = scf.for %while3A_1526 = %while3A_1462 to %while3A_1458 step %while3A_1465 iter_args(%while3A_1527 = %while3A_1464#0, %while3A_1528 = %while3A_1464#1, %while3A_1529 = %while3A_1464#2, %while3A_1530 = %while3A_1464#3, %while3A_1531 = %while3A_1464#4, %while3A_1532 = %while3A_1464#5, %while3A_1533 = %while3A_1464#6, %while3A_1534 = %while3A_1464#7) -> (vector<16xf32>, vector<16xf32>, vector<16xf32>, vector<16xf32>, vector<16xf32>, vector<16xf32>, vector<16xf32>, vector<16xf32>)  : i32 {
          %add3A_1535 = arith.addi %sub3A_1454, %while3A_1526 : i32
          %get3A_1536 = arith.index_cast %add3A_1535 : i32 to index
          %get3A_1537 = arith.constant 0 : index
          %get3A_1538 = tpu.vector_load %arg11[%get3A_1536, %get3A_1537] {strides = array<i32>} : memref<128x128xf32, #tpu.memory_space<vmem>>, vector<16xf32>,
          %add3A_1539 = arith.addf %while3A_1527, %get3A_1538 : vector<16xf32>
          %add3A_1540 = arith.addi %sub3A_1454, %while3A_1526 : i32
          %get3A_1541 = arith.index_cast %add3A_1540 : i32 to index
          %get3A_1542 = arith.constant 16 : index
          %get3A_1543 = tpu.vector_load %arg11[%get3A_1541, %get3A_1542] {strides = array<i32>} : memref<128x128xf32, #tpu.memory_space<vmem>>, vector<16xf32>,
          %add3A_1544 = arith.addf %while3A_1528, %get3A_1543 : vector<16xf32>
          %add3A_1545 = arith.addi %sub3A_1454, %while3A_1526 : i32
          %get3A_1546 = arith.index_cast %add3A_1545 : i32 to index
          %get3A_1547 = arith.constant 32 : index
          %get3A_1548 = tpu.vector_load %arg11[%get3A_1546, %get3A_1547] {strides = array<i32>} : memref<128x128xf32, #tpu.memory_space<vmem>>, vector<16xf32>,
          %add3A_1549 = arith.addf %while3A_1529, %get3A_1548 : vector<16xf32>
          %add3A_1550 = arith.addi %sub3A_1454, %while3A_1526 : i32
          %get3A_1551 = arith.index_cast %add3A_1550 : i32 to index
          %get3A_1552 = arith.constant 48 : index
          %get3A_1553 = tpu.vector_load %arg11[%get3A_1551, %get3A_1552] {strides = array<i32>} : memref<128x128xf32, #tpu.memory_space<vmem>>, vector<16xf32>,
          %add3A_1554 = arith.addf %while3A_1530, %get3A_1553 : vector<16xf32>
          %add3A_1555 = arith.addi %sub3A_1454, %while3A_1526 : i32
          %get3A_1556 = arith.index_cast %add3A_1555 : i32 to index
          %get3A_1557 = arith.constant 64 : index
          %get3A_1558 = tpu.vector_load %arg11[%get3A_1556, %get3A_1557] {strides = array<i32>} : memref<128x128xf32, #tpu.memory_space<vmem>>, vector<16xf32>,
          %add3A_1559 = arith.addf %while3A_1531, %get3A_1558 : vector<16xf32>
          %add3A_1560 = arith.addi %sub3A_1454, %while3A_1526 : i32
          %get3A_1561 = arith.index_cast %add3A_1560 : i32 to index
          %get3A_1562 = arith.constant 80 : index
          %get3A_1563 = tpu.vector_load %arg11[%get3A_1561, %get3A_1562] {strides = array<i32>} : memref<128x128xf32, #tpu.memory_space<vmem>>, vector<16xf32>,
          %add3A_1564 = arith.addf %while3A_1532, %get3A_1563 : vector<16xf32>
          %add3A_1565 = arith.addi %sub3A_1454, %while3A_1526 : i32
          %get3A_1566 = arith.index_cast %add3A_1565 : i32 to index
          %get3A_1567 = arith.constant 96 : index
          %get3A_1568 = tpu.vector_load %arg11[%get3A_1566, %get3A_1567] {strides = array<i32>} : memref<128x128xf32, #tpu.memory_space<vmem>>, vector<16xf32>,
          %add3A_1569 = arith.addf %while3A_1533, %get3A_1568 : vector<16xf32>
          %add3A_1570 = arith.addi %sub3A_1454, %while3A_1526 : i32
          %get3A_1571 = arith.index_cast %add3A_1570 : i32 to index
          %get3A_1572 = arith.constant 112 : index
          %get3A_1573 = tpu.vector_load %arg11[%get3A_1571, %get3A_1572] {strides = array<i32>} : memref<128x128xf32, #tpu.memory_space<vmem>>, vector<16xf32>,
          %add3A_1574 = arith.addf %while3A_1534, %get3A_1573 : vector<16xf32>
          scf.yield %add3A_1539, %add3A_1544, %add3A_1549, %add3A_1554, %add3A_1559, %add3A_1564, %add3A_1569, %add3A_1574 : vector<16xf32>, vector<16xf32>, vector<16xf32>, vector<16xf32>, vector<16xf32>, vector<16xf32>, vector<16xf32>, vector<16xf32>
        }
        %get3A = arith.index_cast %while3A_1441 : i32 to index
        %get3A_1467 = arith.constant 0 : index
        %get3A_1468 = tpu.vector_load %arg15[%get3A, %get3A_1467] {strides = array<i32>} : memref<128x128xf32, #tpu.memory_space<vmem>>, vector<16xf32>,
        %add3A_1469 = arith.addf %get3A_1468, %while3A_1466#0 : vector<16xf32>
        %swap3A_1470 = arith.index_cast %while3A_1441 : i32 to index
        %swap3A_1471 = arith.constant 0 : index
        %swap3A_1472 = tpu.vector_load %arg15[%swap3A_1470, %swap3A_1471] {strides = array<i32>} : memref<128x128xf32, #tpu.memory_space<vmem>>, vector<16xf32>,
        tpu.vector_store %arg15[%swap3A_1470, %swap3A_1471], %add3A_1469 {strides = array<i32>} : memref<128x128xf32, #tpu.memory_space<vmem>>, vector<16xf32>,
        %get3A_1473 = arith.index_cast %while3A_1441 : i32 to index
        %get3A_1474 = arith.constant 16 : index
        %get3A_1475 = tpu.vector_load %arg15[%get3A_1473, %get3A_1474] {strides = array<i32>} : memref<128x128xf32, #tpu.memory_space<vmem>>, vector<16xf32>,
        %add3A_1476 = arith.addf %get3A_1475, %while3A_1466#1 : vector<16xf32>
        %swap3A_1477 = arith.index_cast %while3A_1441 : i32 to index
        %swap3A_1478 = arith.constant 16 : index
        %swap3A_1479 = tpu.vector_load %arg15[%swap3A_1477, %swap3A_1478] {strides = array<i32>} : memref<128x128xf32, #tpu.memory_space<vmem>>, vector<16xf32>,
        tpu.vector_store %arg15[%swap3A_1477, %swap3A_1478], %add3A_1476 {strides = array<i32>} : memref<128x128xf32, #tpu.memory_space<vmem>>, vector<16xf32>,
        %get3A_1480 = arith.index_cast %while3A_1441 : i32 to index
        %get3A_1481 = arith.constant 32 : index
        %get3A_1482 = tpu.vector_load %arg15[%get3A_1480, %get3A_1481] {strides = array<i32>} : memref<128x128xf32, #tpu.memory_space<vmem>>, vector<16xf32>,
        %add3A_1483 = arith.addf %get3A_1482, %while3A_1466#2 : vector<16xf32>
        %swap3A_1484 = arith.index_cast %while3A_1441 : i32 to index
        %swap3A_1485 = arith.constant 32 : index
        %swap3A_1486 = tpu.vector_load %arg15[%swap3A_1484, %swap3A_1485] {strides = array<i32>} : memref<128x128xf32, #tpu.memory_space<vmem>>, vector<16xf32>,
        tpu.vector_store %arg15[%swap3A_1484, %swap3A_1485], %add3A_1483 {strides = array<i32>} : memref<128x128xf32, #tpu.memory_space<vmem>>, vector<16xf32>,
        %get3A_1487 = arith.index_cast %while3A_1441 : i32 to index
        %get3A_1488 = arith.constant 48 : index
        %get3A_1489 = tpu.vector_load %arg15[%get3A_1487, %get3A_1488] {strides = array<i32>} : memref<128x128xf32, #tpu.memory_space<vmem>>, vector<16xf32>,
        %add3A_1490 = arith.addf %get3A_1489, %while3A_1466#3 : vector<16xf32>
        %swap3A_1491 = arith.index_cast %while3A_1441 : i32 to index
        %swap3A_1492 = arith.constant 48 : index
        %swap3A_1493 = tpu.vector_load %arg15[%swap3A_1491, %swap3A_1492] {strides = array<i32>} : memref<128x128xf32, #tpu.memory_space<vmem>>, vector<16xf32>,
        tpu.vector_store %arg15[%swap3A_1491, %swap3A_1492], %add3A_1490 {strides = array<i32>} : memref<128x128xf32, #tpu.memory_space<vmem>>, vector<16xf32>,
        %get3A_1494 = arith.index_cast %while3A_1441 : i32 to index
        %get3A_1495 = arith.constant 64 : index
        %get3A_1496 = tpu.vector_load %arg15[%get3A_1494, %get3A_1495] {strides = array<i32>} : memref<128x128xf32, #tpu.memory_space<vmem>>, vector<16xf32>,
        %add3A_1497 = arith.addf %get3A_1496, %while3A_1466#4 : vector<16xf32>
        %swap3A_1498 = arith.index_cast %while3A_1441 : i32 to index
        %swap3A_1499 = arith.constant 64 : index
        %swap3A_1500 = tpu.vector_load %arg15[%swap3A_1498, %swap3A_1499] {strides = array<i32>} : memref<128x128xf32, #tpu.memory_space<vmem>>, vector<16xf32>,
        tpu.vector_store %arg15[%swap3A_1498, %swap3A_1499], %add3A_1497 {strides = array<i32>} : memref<128x128xf32, #tpu.memory_space<vmem>>, vector<16xf32>,
        %get3A_1501 = arith.index_cast %while3A_1441 : i32 to index
        %get3A_1502 = arith.constant 80 : index
        %get3A_1503 = tpu.vector_load %arg15[%get3A_1501, %get3A_1502] {strides = array<i32>} : memref<128x128xf32, #tpu.memory_space<vmem>>, vector<16xf32>,
        %add3A_1504 = arith.addf %get3A_1503, %while3A_1466#5 : vector<16xf32>
        %swap3A_1505 = arith.index_cast %while3A_1441 : i32 to index
        %swap3A_1506 = arith.constant 80 : index
        %swap3A_1507 = tpu.vector_load %arg15[%swap3A_1505, %swap3A_1506] {strides = array<i32>} : memref<128x128xf32, #tpu.memory_space<vmem>>, vector<16xf32>,
        tpu.vector_store %arg15[%swap3A_1505, %swap3A_1506], %add3A_1504 {strides = array<i32>} : memref<128x128xf32, #tpu.memory_space<vmem>>, vector<16xf32>,
        %get3A_1508 = arith.index_cast %while3A_1441 : i32 to index
        %get3A_1509 = arith.constant 96 : index
        %get3A_1510 = tpu.vector_load %arg15[%get3A_1508, %get3A_1509] {strides = array<i32>} : memref<128x128xf32, #tpu.memory_space<vmem>>, vector<16xf32>,
        %add3A_1511 = arith.addf %get3A_1510, %while3A_1466#6 : vector<16xf32>
        %swap3A_1512 = arith.index_cast %while3A_1441 : i32 to index
        %swap3A_1513 = arith.constant 96 : index
        %swap3A_1514 = tpu.vector_load %arg15[%swap3A_1512, %swap3A_1513] {strides = array<i32>} : memref<128x128xf32, #tpu.memory_space<vmem>>, vector<16xf32>,
        tpu.vector_store %arg15[%swap3A_1512, %swap3A_1513], %add3A_1511 {strides = array<i32>} : memref<128x128xf32, #tpu.memory_space<vmem>>, vector<16xf32>,
        %get3A_1515 = arith.index_cast %while3A_1441 : i32 to index
        %get3A_1516 = arith.constant 112 : index
        %get3A_1517 = tpu.vector_load %arg15[%get3A_1515, %get3A_1516] {strides = array<i32>} : memref<128x128xf32, #tpu.memory_space<vmem>>, vector<16xf32>,
        %add3A_1518 = arith.addf %get3A_1517, %while3A_1466#7 : vector<16xf32>
        %swap3A_1519 = arith.index_cast %while3A_1441 : i32 to index
        %swap3A_1520 = arith.constant 112 : index
        %swap3A_1521 = tpu.vector_load %arg15[%swap3A_1519, %swap3A_1520] {strides = array<i32>} : memref<128x128xf32, #tpu.memory_space<vmem>>, vector<16xf32>,
        tpu.vector_store %arg15[%swap3A_1519, %swap3A_1520], %add3A_1518 {strides = array<i32>} : memref<128x128xf32, #tpu.memory_space<vmem>>, vector<16xf32>,
        %eq3A_1522 = arith.cmpi eq, %min3A_1453, %reduce_sum3A_1452 : i32
        %add3A_1523 = arith.constant 1 : i32
        %add3A_1524 = arith.addi %while3A_1441, %add3A_1523 : i32
        %select_n3A_1525 = arith.select %eq3A_1522, %add3A_1524, %while3A_1441 : i32
        scf.yield %select_n3A_1525, %min3A_1453 : i32, i32
      }
      %add3A_1355 = arith.constant 4 : i32
      %add3A_1356 = arith.addi %add3A_1341, %add3A_1355 : i32
      %mul3A_1357 = arith.constant 128 : i32
      %mul3A_1358 = arith.muli %add3A_1356, %mul3A_1357 : i32
      %lt3A_1359 = arith.cmpi slt, %mul3A_1358, %scan3A_11 : i32
      %convert_element_type3A_1360 = arith.extui %lt3A_1359 : i1 to i32
      %cond3A_1361 = arith.constant 0 : i32
      %cond3A_1362 = arith.cmpi ne, %convert_element_type3A_1360, %cond3A_1361 : i32
      scf.if %cond3A_1362 {
        %mul3A_1441 = arith.constant 128 : i32
        %mul3A_1442 = arith.muli %add3A_1356, %mul3A_1441 : i32
        %dma_start3A_1443 = tpu.memref_slice %arg9[%mul3A_1442] : memref<6400xi32, #tpu.memory_space<vmem>> -> memref<128xi32, #tpu.memory_space<vmem>>
        %dma_start3A_1444 = arith.constant 0 : i32
        %dma_start3A_1445 = arith.constant 0 : i32
        %dma_start3A_1446 = tpu.memref_slice %arg3[%dma_start3A_1444, %dma_start3A_1445] : memref<100000x128xf32, #tpu.memory_space<hbm>> -> memref<100000x128xf32, #tpu.memory_space<hbm>>
        tpu.enqueue_indirect_dma source(%dma_start3A_1446 : memref<100000x128xf32, #tpu.memory_space<hbm>>) target(%arg11 : memref<128x128xf32, #tpu.memory_space<vmem>>) offsets(%dma_start3A_1443 : memref<128xi32, #tpu.memory_space<vmem>>) semaphore(%arg17 : memref<!tpu.dma_semaphore, #tpu.memory_space<semaphore_mem>>)
      } else {
      }
      %mul3A_1363 = arith.constant 4 : i32
      %mul3A_1364 = arith.muli %scan3A_1335, %mul3A_1363 : i32
      %add3A_1365 = arith.constant 1 : i32
      %add3A_1366 = arith.addi %mul3A_1364, %add3A_1365 : i32
      %mul3A_1367 = arith.constant 128 : i32
      %mul3A_1368 = arith.muli %add3A_1366, %mul3A_1367 : i32
      %lt3A_1369 = arith.cmpi slt, %mul3A_1368, %scan3A_11 : i32
      %convert_element_type3A_1370 = arith.extui %lt3A_1369 : i1 to i32
      %cond3A_1371 = arith.constant 0 : i32
      %cond3A_1372 = arith.cmpi ne, %convert_element_type3A_1370, %cond3A_1371 : i32
      scf.if %cond3A_1372 {
        %mul3A_1441 = arith.constant 128 : i32
        %mul3A_1442 = arith.muli %add3A_1366, %mul3A_1441 : i32
        %dma_wait3A_1443 = tpu.memref_slice %arg9[%mul3A_1442] : memref<6400xi32, #tpu.memory_space<vmem>> -> memref<128xi32, #tpu.memory_space<vmem>>
        %dma_wait3A_1444 = arith.constant 0 : i32
        %dma_wait3A_1445 = arith.constant 0 : i32
        %dma_wait3A_1446 = tpu.memref_slice %arg3[%dma_wait3A_1444, %dma_wait3A_1445] : memref<100000x128xf32, #tpu.memory_space<hbm>> -> memref<100000x128xf32, #tpu.memory_space<hbm>>
        tpu.wait_indirect_dma semaphore(%arg18 : memref<!tpu.dma_semaphore, #tpu.memory_space<semaphore_mem>>) src(%dma_wait3A_1446 : memref<100000x128xf32, #tpu.memory_space<hbm>>) dst(%arg12 : memref<128x128xf32, #tpu.memory_space<vmem>>)
      } else {
      }
      %add3A_1373 = arith.constant 1 : i32
      %add3A_1374 = arith.addi %add3A_1366, %add3A_1373 : i32
      %mul3A_1375 = arith.constant 128 : i32
      %mul3A_1376 = arith.muli %add3A_1374, %mul3A_1375 : i32
      %min3A_1377 = arith.minsi %mul3A_1376, %scan3A_11 : i32
      %mul3A_1378 = arith.constant 128 : i32
      %mul3A_1379 = arith.muli %add3A_1366, %mul3A_1378 : i32
      %while3A_1380:2 = scf.while (%while3A_1441 = %while3A_1354#0, %while3A_1442 = %while3A_1354#1) : (i32, i32) -> (i32, i32) {
        %lt3A_1443 = arith.cmpi slt, %while3A_1442, %min3A_1377 : i32
        scf.condition(%lt3A_1443) %while3A_1441, %while3A_1442 : i32, i32
      } do {
      ^bb0(%while3A_1441: i32, %while3A_1442: i32):
        %add3A_1443 = arith.constant 1 : i32
        %add3A_1444 = arith.addi %while3A_1441, %add3A_1443 : i32
        %broadcast_in_dim3A_1445 = vector.broadcast %add3A_1444 : i32 to vector<16xi32>
        %gather3A = tpu.vector_load_idx %arg10[%broadcast_in_dim3A_1445] : memref<144xi32, #tpu.memory_space<vmem>>[vector<16xi32>], vector<16xi32>,
        %eq3A = arith.constant 0 : i32
        %eq3A_1446 = vector.broadcast %eq3A : i32 to vector<16xi32>
        %eq3A_1447 = arith.cmpi eq, %iota3A, %eq3A_1446 : vector<16xi32>
        %jit3A = arith.constant 0 : i32
        %broadcast_in_dim3A_1448 = vector.broadcast %jit3A : i32 to vector<16xi32>
        %select_n3A = arith.select %eq3A_1447, %gather3A, %broadcast_in_dim3A_1448 : vector<16xi1>, vector<16xi32>
        %reduce_sum3A_1449 = arith.constant true
        %reduce_sum3A_1450 = vector.broadcast %reduce_sum3A_1449 : i1 to vector<16xi1>
        %reduce_sum3A_1451 = tpu.scan <sum>, %select_n3A masked %reduce_sum3A_1450 : vector<16xi32>, vector<16xi1> -> vector<16xi32>
        %reduce_sum3A_1452 = vector.extract %reduce_sum3A_1451[15] : i32 from vector<16xi32>
        %min3A_1453 = arith.minsi %reduce_sum3A_1452, %min3A_1377 : i32
        %sub3A_1454 = arith.subi %while3A_1442, %mul3A_1379 : i32
        %sub3A_1455 = arith.subi %min3A_1453, %while3A_1442 : i32
        %while3A_1456 = arith.constant 0 : i32
        %while3A_1457 = arith.subi %sub3A_1455, %while3A_1456 : i32
        %while3A_1458 = arith.addi %while3A_1456, %while3A_1457 : i32
        %while3A_1459 = arith.constant 1 : i32
        %while3A_1460 = arith.divsi %while3A_1457, %while3A_1459 : i32
        %while3A_1461 = arith.muli %while3A_1460, %while3A_1459 : i32
        %while3A_1462 = arith.addi %while3A_1456, %while3A_1461 : i32
        %while3A_1463 = arith.constant 1 : i32
        %while3A_1464:8 = scf.for %while3A_1526 = %while3A_1456 to %while3A_1462 step %while3A_1463 iter_args(%while3A_1527 = %broadcast_in_dim3A_1296, %while3A_1528 = %broadcast_in_dim3A_1298, %while3A_1529 = %broadcast_in_dim3A_1300, %while3A_1530 = %broadcast_in_dim3A_1302, %while3A_1531 = %broadcast_in_dim3A_1304, %while3A_1532 = %broadcast_in_dim3A_1306, %while3A_1533 = %broadcast_in_dim3A_1308, %while3A_1534 = %broadcast_in_dim3A_1310) -> (vector<16xf32>, vector<16xf32>, vector<16xf32>, vector<16xf32>, vector<16xf32>, vector<16xf32>, vector<16xf32>, vector<16xf32>)  : i32 {
          %add3A_1535 = arith.addi %sub3A_1454, %while3A_1526 : i32
          %get3A_1536 = arith.index_cast %add3A_1535 : i32 to index
          %get3A_1537 = arith.constant 0 : index
          %get3A_1538 = tpu.vector_load %arg12[%get3A_1536, %get3A_1537] {strides = array<i32>} : memref<128x128xf32, #tpu.memory_space<vmem>>, vector<16xf32>,
          %add3A_1539 = arith.addf %while3A_1527, %get3A_1538 : vector<16xf32>
          %add3A_1540 = arith.addi %sub3A_1454, %while3A_1526 : i32
          %get3A_1541 = arith.index_cast %add3A_1540 : i32 to index
          %get3A_1542 = arith.constant 16 : index
          %get3A_1543 = tpu.vector_load %arg12[%get3A_1541, %get3A_1542] {strides = array<i32>} : memref<128x128xf32, #tpu.memory_space<vmem>>, vector<16xf32>,
          %add3A_1544 = arith.addf %while3A_1528, %get3A_1543 : vector<16xf32>
          %add3A_1545 = arith.addi %sub3A_1454, %while3A_1526 : i32
          %get3A_1546 = arith.index_cast %add3A_1545 : i32 to index
          %get3A_1547 = arith.constant 32 : index
          %get3A_1548 = tpu.vector_load %arg12[%get3A_1546, %get3A_1547] {strides = array<i32>} : memref<128x128xf32, #tpu.memory_space<vmem>>, vector<16xf32>,
          %add3A_1549 = arith.addf %while3A_1529, %get3A_1548 : vector<16xf32>
          %add3A_1550 = arith.addi %sub3A_1454, %while3A_1526 : i32
          %get3A_1551 = arith.index_cast %add3A_1550 : i32 to index
          %get3A_1552 = arith.constant 48 : index
          %get3A_1553 = tpu.vector_load %arg12[%get3A_1551, %get3A_1552] {strides = array<i32>} : memref<128x128xf32, #tpu.memory_space<vmem>>, vector<16xf32>,
          %add3A_1554 = arith.addf %while3A_1530, %get3A_1553 : vector<16xf32>
          %add3A_1555 = arith.addi %sub3A_1454, %while3A_1526 : i32
          %get3A_1556 = arith.index_cast %add3A_1555 : i32 to index
          %get3A_1557 = arith.constant 64 : index
          %get3A_1558 = tpu.vector_load %arg12[%get3A_1556, %get3A_1557] {strides = array<i32>} : memref<128x128xf32, #tpu.memory_space<vmem>>, vector<16xf32>,
          %add3A_1559 = arith.addf %while3A_1531, %get3A_1558 : vector<16xf32>
          %add3A_1560 = arith.addi %sub3A_1454, %while3A_1526 : i32
          %get3A_1561 = arith.index_cast %add3A_1560 : i32 to index
          %get3A_1562 = arith.constant 80 : index
          %get3A_1563 = tpu.vector_load %arg12[%get3A_1561, %get3A_1562] {strides = array<i32>} : memref<128x128xf32, #tpu.memory_space<vmem>>, vector<16xf32>,
          %add3A_1564 = arith.addf %while3A_1532, %get3A_1563 : vector<16xf32>
          %add3A_1565 = arith.addi %sub3A_1454, %while3A_1526 : i32
          %get3A_1566 = arith.index_cast %add3A_1565 : i32 to index
          %get3A_1567 = arith.constant 96 : index
          %get3A_1568 = tpu.vector_load %arg12[%get3A_1566, %get3A_1567] {strides = array<i32>} : memref<128x128xf32, #tpu.memory_space<vmem>>, vector<16xf32>,
          %add3A_1569 = arith.addf %while3A_1533, %get3A_1568 : vector<16xf32>
          %add3A_1570 = arith.addi %sub3A_1454, %while3A_1526 : i32
          %get3A_1571 = arith.index_cast %add3A_1570 : i32 to index
          %get3A_1572 = arith.constant 112 : index
          %get3A_1573 = tpu.vector_load %arg12[%get3A_1571, %get3A_1572] {strides = array<i32>} : memref<128x128xf32, #tpu.memory_space<vmem>>, vector<16xf32>,
          %add3A_1574 = arith.addf %while3A_1534, %get3A_1573 : vector<16xf32>
          scf.yield %add3A_1539, %add3A_1544, %add3A_1549, %add3A_1554, %add3A_1559, %add3A_1564, %add3A_1569, %add3A_1574 : vector<16xf32>, vector<16xf32>, vector<16xf32>, vector<16xf32>, vector<16xf32>, vector<16xf32>, vector<16xf32>, vector<16xf32>
        }
        %while3A_1465 = arith.constant 1 : i32
        %while3A_1466:8 = scf.for %while3A_1526 = %while3A_1462 to %while3A_1458 step %while3A_1465 iter_args(%while3A_1527 = %while3A_1464#0, %while3A_1528 = %while3A_1464#1, %while3A_1529 = %while3A_1464#2, %while3A_1530 = %while3A_1464#3, %while3A_1531 = %while3A_1464#4, %while3A_1532 = %while3A_1464#5, %while3A_1533 = %while3A_1464#6, %while3A_1534 = %while3A_1464#7) -> (vector<16xf32>, vector<16xf32>, vector<16xf32>, vector<16xf32>, vector<16xf32>, vector<16xf32>, vector<16xf32>, vector<16xf32>)  : i32 {
          %add3A_1535 = arith.addi %sub3A_1454, %while3A_1526 : i32
          %get3A_1536 = arith.index_cast %add3A_1535 : i32 to index
          %get3A_1537 = arith.constant 0 : index
          %get3A_1538 = tpu.vector_load %arg12[%get3A_1536, %get3A_1537] {strides = array<i32>} : memref<128x128xf32, #tpu.memory_space<vmem>>, vector<16xf32>,
          %add3A_1539 = arith.addf %while3A_1527, %get3A_1538 : vector<16xf32>
          %add3A_1540 = arith.addi %sub3A_1454, %while3A_1526 : i32
          %get3A_1541 = arith.index_cast %add3A_1540 : i32 to index
          %get3A_1542 = arith.constant 16 : index
          %get3A_1543 = tpu.vector_load %arg12[%get3A_1541, %get3A_1542] {strides = array<i32>} : memref<128x128xf32, #tpu.memory_space<vmem>>, vector<16xf32>,
          %add3A_1544 = arith.addf %while3A_1528, %get3A_1543 : vector<16xf32>
          %add3A_1545 = arith.addi %sub3A_1454, %while3A_1526 : i32
          %get3A_1546 = arith.index_cast %add3A_1545 : i32 to index
          %get3A_1547 = arith.constant 32 : index
          %get3A_1548 = tpu.vector_load %arg12[%get3A_1546, %get3A_1547] {strides = array<i32>} : memref<128x128xf32, #tpu.memory_space<vmem>>, vector<16xf32>,
          %add3A_1549 = arith.addf %while3A_1529, %get3A_1548 : vector<16xf32>
          %add3A_1550 = arith.addi %sub3A_1454, %while3A_1526 : i32
          %get3A_1551 = arith.index_cast %add3A_1550 : i32 to index
          %get3A_1552 = arith.constant 48 : index
          %get3A_1553 = tpu.vector_load %arg12[%get3A_1551, %get3A_1552] {strides = array<i32>} : memref<128x128xf32, #tpu.memory_space<vmem>>, vector<16xf32>,
          %add3A_1554 = arith.addf %while3A_1530, %get3A_1553 : vector<16xf32>
          %add3A_1555 = arith.addi %sub3A_1454, %while3A_1526 : i32
          %get3A_1556 = arith.index_cast %add3A_1555 : i32 to index
          %get3A_1557 = arith.constant 64 : index
          %get3A_1558 = tpu.vector_load %arg12[%get3A_1556, %get3A_1557] {strides = array<i32>} : memref<128x128xf32, #tpu.memory_space<vmem>>, vector<16xf32>,
          %add3A_1559 = arith.addf %while3A_1531, %get3A_1558 : vector<16xf32>
          %add3A_1560 = arith.addi %sub3A_1454, %while3A_1526 : i32
          %get3A_1561 = arith.index_cast %add3A_1560 : i32 to index
          %get3A_1562 = arith.constant 80 : index
          %get3A_1563 = tpu.vector_load %arg12[%get3A_1561, %get3A_1562] {strides = array<i32>} : memref<128x128xf32, #tpu.memory_space<vmem>>, vector<16xf32>,
          %add3A_1564 = arith.addf %while3A_1532, %get3A_1563 : vector<16xf32>
          %add3A_1565 = arith.addi %sub3A_1454, %while3A_1526 : i32
          %get3A_1566 = arith.index_cast %add3A_1565 : i32 to index
          %get3A_1567 = arith.constant 96 : index
          %get3A_1568 = tpu.vector_load %arg12[%get3A_1566, %get3A_1567] {strides = array<i32>} : memref<128x128xf32, #tpu.memory_space<vmem>>, vector<16xf32>,
          %add3A_1569 = arith.addf %while3A_1533, %get3A_1568 : vector<16xf32>
          %add3A_1570 = arith.addi %sub3A_1454, %while3A_1526 : i32
          %get3A_1571 = arith.index_cast %add3A_1570 : i32 to index
          %get3A_1572 = arith.constant 112 : index
          %get3A_1573 = tpu.vector_load %arg12[%get3A_1571, %get3A_1572] {strides = array<i32>} : memref<128x128xf32, #tpu.memory_space<vmem>>, vector<16xf32>,
          %add3A_1574 = arith.addf %while3A_1534, %get3A_1573 : vector<16xf32>
          scf.yield %add3A_1539, %add3A_1544, %add3A_1549, %add3A_1554, %add3A_1559, %add3A_1564, %add3A_1569, %add3A_1574 : vector<16xf32>, vector<16xf32>, vector<16xf32>, vector<16xf32>, vector<16xf32>, vector<16xf32>, vector<16xf32>, vector<16xf32>
        }
        %get3A = arith.index_cast %while3A_1441 : i32 to index
        %get3A_1467 = arith.constant 0 : index
        %get3A_1468 = tpu.vector_load %arg15[%get3A, %get3A_1467] {strides = array<i32>} : memref<128x128xf32, #tpu.memory_space<vmem>>, vector<16xf32>,
        %add3A_1469 = arith.addf %get3A_1468, %while3A_1466#0 : vector<16xf32>
        %swap3A_1470 = arith.index_cast %while3A_1441 : i32 to index
        %swap3A_1471 = arith.constant 0 : index
        %swap3A_1472 = tpu.vector_load %arg15[%swap3A_1470, %swap3A_1471] {strides = array<i32>} : memref<128x128xf32, #tpu.memory_space<vmem>>, vector<16xf32>,
        tpu.vector_store %arg15[%swap3A_1470, %swap3A_1471], %add3A_1469 {strides = array<i32>} : memref<128x128xf32, #tpu.memory_space<vmem>>, vector<16xf32>,
        %get3A_1473 = arith.index_cast %while3A_1441 : i32 to index
        %get3A_1474 = arith.constant 16 : index
        %get3A_1475 = tpu.vector_load %arg15[%get3A_1473, %get3A_1474] {strides = array<i32>} : memref<128x128xf32, #tpu.memory_space<vmem>>, vector<16xf32>,
        %add3A_1476 = arith.addf %get3A_1475, %while3A_1466#1 : vector<16xf32>
        %swap3A_1477 = arith.index_cast %while3A_1441 : i32 to index
        %swap3A_1478 = arith.constant 16 : index
        %swap3A_1479 = tpu.vector_load %arg15[%swap3A_1477, %swap3A_1478] {strides = array<i32>} : memref<128x128xf32, #tpu.memory_space<vmem>>, vector<16xf32>,
        tpu.vector_store %arg15[%swap3A_1477, %swap3A_1478], %add3A_1476 {strides = array<i32>} : memref<128x128xf32, #tpu.memory_space<vmem>>, vector<16xf32>,
        %get3A_1480 = arith.index_cast %while3A_1441 : i32 to index
        %get3A_1481 = arith.constant 32 : index
        %get3A_1482 = tpu.vector_load %arg15[%get3A_1480, %get3A_1481] {strides = array<i32>} : memref<128x128xf32, #tpu.memory_space<vmem>>, vector<16xf32>,
        %add3A_1483 = arith.addf %get3A_1482, %while3A_1466#2 : vector<16xf32>
        %swap3A_1484 = arith.index_cast %while3A_1441 : i32 to index
        %swap3A_1485 = arith.constant 32 : index
        %swap3A_1486 = tpu.vector_load %arg15[%swap3A_1484, %swap3A_1485] {strides = array<i32>} : memref<128x128xf32, #tpu.memory_space<vmem>>, vector<16xf32>,
        tpu.vector_store %arg15[%swap3A_1484, %swap3A_1485], %add3A_1483 {strides = array<i32>} : memref<128x128xf32, #tpu.memory_space<vmem>>, vector<16xf32>,
        %get3A_1487 = arith.index_cast %while3A_1441 : i32 to index
        %get3A_1488 = arith.constant 48 : index
        %get3A_1489 = tpu.vector_load %arg15[%get3A_1487, %get3A_1488] {strides = array<i32>} : memref<128x128xf32, #tpu.memory_space<vmem>>, vector<16xf32>,
        %add3A_1490 = arith.addf %get3A_1489, %while3A_1466#3 : vector<16xf32>
        %swap3A_1491 = arith.index_cast %while3A_1441 : i32 to index
        %swap3A_1492 = arith.constant 48 : index
        %swap3A_1493 = tpu.vector_load %arg15[%swap3A_1491, %swap3A_1492] {strides = array<i32>} : memref<128x128xf32, #tpu.memory_space<vmem>>, vector<16xf32>,
        tpu.vector_store %arg15[%swap3A_1491, %swap3A_1492], %add3A_1490 {strides = array<i32>} : memref<128x128xf32, #tpu.memory_space<vmem>>, vector<16xf32>,
        %get3A_1494 = arith.index_cast %while3A_1441 : i32 to index
        %get3A_1495 = arith.constant 64 : index
        %get3A_1496 = tpu.vector_load %arg15[%get3A_1494, %get3A_1495] {strides = array<i32>} : memref<128x128xf32, #tpu.memory_space<vmem>>, vector<16xf32>,
        %add3A_1497 = arith.addf %get3A_1496, %while3A_1466#4 : vector<16xf32>
        %swap3A_1498 = arith.index_cast %while3A_1441 : i32 to index
        %swap3A_1499 = arith.constant 64 : index
        %swap3A_1500 = tpu.vector_load %arg15[%swap3A_1498, %swap3A_1499] {strides = array<i32>} : memref<128x128xf32, #tpu.memory_space<vmem>>, vector<16xf32>,
        tpu.vector_store %arg15[%swap3A_1498, %swap3A_1499], %add3A_1497 {strides = array<i32>} : memref<128x128xf32, #tpu.memory_space<vmem>>, vector<16xf32>,
        %get3A_1501 = arith.index_cast %while3A_1441 : i32 to index
        %get3A_1502 = arith.constant 80 : index
        %get3A_1503 = tpu.vector_load %arg15[%get3A_1501, %get3A_1502] {strides = array<i32>} : memref<128x128xf32, #tpu.memory_space<vmem>>, vector<16xf32>,
        %add3A_1504 = arith.addf %get3A_1503, %while3A_1466#5 : vector<16xf32>
        %swap3A_1505 = arith.index_cast %while3A_1441 : i32 to index
        %swap3A_1506 = arith.constant 80 : index
        %swap3A_1507 = tpu.vector_load %arg15[%swap3A_1505, %swap3A_1506] {strides = array<i32>} : memref<128x128xf32, #tpu.memory_space<vmem>>, vector<16xf32>,
        tpu.vector_store %arg15[%swap3A_1505, %swap3A_1506], %add3A_1504 {strides = array<i32>} : memref<128x128xf32, #tpu.memory_space<vmem>>, vector<16xf32>,
        %get3A_1508 = arith.index_cast %while3A_1441 : i32 to index
        %get3A_1509 = arith.constant 96 : index
        %get3A_1510 = tpu.vector_load %arg15[%get3A_1508, %get3A_1509] {strides = array<i32>} : memref<128x128xf32, #tpu.memory_space<vmem>>, vector<16xf32>,
        %add3A_1511 = arith.addf %get3A_1510, %while3A_1466#6 : vector<16xf32>
        %swap3A_1512 = arith.index_cast %while3A_1441 : i32 to index
        %swap3A_1513 = arith.constant 96 : index
        %swap3A_1514 = tpu.vector_load %arg15[%swap3A_1512, %swap3A_1513] {strides = array<i32>} : memref<128x128xf32, #tpu.memory_space<vmem>>, vector<16xf32>,
        tpu.vector_store %arg15[%swap3A_1512, %swap3A_1513], %add3A_1511 {strides = array<i32>} : memref<128x128xf32, #tpu.memory_space<vmem>>, vector<16xf32>,
        %get3A_1515 = arith.index_cast %while3A_1441 : i32 to index
        %get3A_1516 = arith.constant 112 : index
        %get3A_1517 = tpu.vector_load %arg15[%get3A_1515, %get3A_1516] {strides = array<i32>} : memref<128x128xf32, #tpu.memory_space<vmem>>, vector<16xf32>,
        %add3A_1518 = arith.addf %get3A_1517, %while3A_1466#7 : vector<16xf32>
        %swap3A_1519 = arith.index_cast %while3A_1441 : i32 to index
        %swap3A_1520 = arith.constant 112 : index
        %swap3A_1521 = tpu.vector_load %arg15[%swap3A_1519, %swap3A_1520] {strides = array<i32>} : memref<128x128xf32, #tpu.memory_space<vmem>>, vector<16xf32>,
        tpu.vector_store %arg15[%swap3A_1519, %swap3A_1520], %add3A_1518 {strides = array<i32>} : memref<128x128xf32, #tpu.memory_space<vmem>>, vector<16xf32>,
        %eq3A_1522 = arith.cmpi eq, %min3A_1453, %reduce_sum3A_1452 : i32
        %add3A_1523 = arith.constant 1 : i32
        %add3A_1524 = arith.addi %while3A_1441, %add3A_1523 : i32
        %select_n3A_1525 = arith.select %eq3A_1522, %add3A_1524, %while3A_1441 : i32
        scf.yield %select_n3A_1525, %min3A_1453 : i32, i32
      }
      %add3A_1381 = arith.constant 4 : i32
      %add3A_1382 = arith.addi %add3A_1366, %add3A_1381 : i32
      %mul3A_1383 = arith.constant 128 : i32
      %mul3A_1384 = arith.muli %add3A_1382, %mul3A_1383 : i32
      %lt3A_1385 = arith.cmpi slt, %mul3A_1384, %scan3A_11 : i32
      %convert_element_type3A_1386 = arith.extui %lt3A_1385 : i1 to i32
      %cond3A_1387 = arith.constant 0 : i32
      %cond3A_1388 = arith.cmpi ne, %convert_element_type3A_1386, %cond3A_1387 : i32
      scf.if %cond3A_1388 {
        %mul3A_1441 = arith.constant 128 : i32
        %mul3A_1442 = arith.muli %add3A_1382, %mul3A_1441 : i32
        %dma_start3A_1443 = tpu.memref_slice %arg9[%mul3A_1442] : memref<6400xi32, #tpu.memory_space<vmem>> -> memref<128xi32, #tpu.memory_space<vmem>>
        %dma_start3A_1444 = arith.constant 0 : i32
        %dma_start3A_1445 = arith.constant 0 : i32
        %dma_start3A_1446 = tpu.memref_slice %arg3[%dma_start3A_1444, %dma_start3A_1445] : memref<100000x128xf32, #tpu.memory_space<hbm>> -> memref<100000x128xf32, #tpu.memory_space<hbm>>
        tpu.enqueue_indirect_dma source(%dma_start3A_1446 : memref<100000x128xf32, #tpu.memory_space<hbm>>) target(%arg12 : memref<128x128xf32, #tpu.memory_space<vmem>>) offsets(%dma_start3A_1443 : memref<128xi32, #tpu.memory_space<vmem>>) semaphore(%arg18 : memref<!tpu.dma_semaphore, #tpu.memory_space<semaphore_mem>>)
      } else {
      }
      %mul3A_1389 = arith.constant 4 : i32
      %mul3A_1390 = arith.muli %scan3A_1335, %mul3A_1389 : i32
      %add3A_1391 = arith.constant 2 : i32
      %add3A_1392 = arith.addi %mul3A_1390, %add3A_1391 : i32
      %mul3A_1393 = arith.constant 128 : i32
      %mul3A_1394 = arith.muli %add3A_1392, %mul3A_1393 : i32
      %lt3A_1395 = arith.cmpi slt, %mul3A_1394, %scan3A_11 : i32
      %convert_element_type3A_1396 = arith.extui %lt3A_1395 : i1 to i32
      %cond3A_1397 = arith.constant 0 : i32
      %cond3A_1398 = arith.cmpi ne, %convert_element_type3A_1396, %cond3A_1397 : i32
      scf.if %cond3A_1398 {
        %mul3A_1441 = arith.constant 128 : i32
        %mul3A_1442 = arith.muli %add3A_1392, %mul3A_1441 : i32
        %dma_wait3A_1443 = tpu.memref_slice %arg9[%mul3A_1442] : memref<6400xi32, #tpu.memory_space<vmem>> -> memref<128xi32, #tpu.memory_space<vmem>>
        %dma_wait3A_1444 = arith.constant 0 : i32
        %dma_wait3A_1445 = arith.constant 0 : i32
        %dma_wait3A_1446 = tpu.memref_slice %arg3[%dma_wait3A_1444, %dma_wait3A_1445] : memref<100000x128xf32, #tpu.memory_space<hbm>> -> memref<100000x128xf32, #tpu.memory_space<hbm>>
        tpu.wait_indirect_dma semaphore(%arg19 : memref<!tpu.dma_semaphore, #tpu.memory_space<semaphore_mem>>) src(%dma_wait3A_1446 : memref<100000x128xf32, #tpu.memory_space<hbm>>) dst(%arg13 : memref<128x128xf32, #tpu.memory_space<vmem>>)
      } else {
      }
      %add3A_1399 = arith.constant 1 : i32
      %add3A_1400 = arith.addi %add3A_1392, %add3A_1399 : i32
      %mul3A_1401 = arith.constant 128 : i32
      %mul3A_1402 = arith.muli %add3A_1400, %mul3A_1401 : i32
      %min3A_1403 = arith.minsi %mul3A_1402, %scan3A_11 : i32
      %mul3A_1404 = arith.constant 128 : i32
      %mul3A_1405 = arith.muli %add3A_1392, %mul3A_1404 : i32
      %while3A_1406:2 = scf.while (%while3A_1441 = %while3A_1380#0, %while3A_1442 = %while3A_1380#1) : (i32, i32) -> (i32, i32) {
        %lt3A_1443 = arith.cmpi slt, %while3A_1442, %min3A_1403 : i32
        scf.condition(%lt3A_1443) %while3A_1441, %while3A_1442 : i32, i32
      } do {
      ^bb0(%while3A_1441: i32, %while3A_1442: i32):
        %add3A_1443 = arith.constant 1 : i32
        %add3A_1444 = arith.addi %while3A_1441, %add3A_1443 : i32
        %broadcast_in_dim3A_1445 = vector.broadcast %add3A_1444 : i32 to vector<16xi32>
        %gather3A = tpu.vector_load_idx %arg10[%broadcast_in_dim3A_1445] : memref<144xi32, #tpu.memory_space<vmem>>[vector<16xi32>], vector<16xi32>,
        %eq3A = arith.constant 0 : i32
        %eq3A_1446 = vector.broadcast %eq3A : i32 to vector<16xi32>
        %eq3A_1447 = arith.cmpi eq, %iota3A, %eq3A_1446 : vector<16xi32>
        %jit3A = arith.constant 0 : i32
        %broadcast_in_dim3A_1448 = vector.broadcast %jit3A : i32 to vector<16xi32>
        %select_n3A = arith.select %eq3A_1447, %gather3A, %broadcast_in_dim3A_1448 : vector<16xi1>, vector<16xi32>
        %reduce_sum3A_1449 = arith.constant true
        %reduce_sum3A_1450 = vector.broadcast %reduce_sum3A_1449 : i1 to vector<16xi1>
        %reduce_sum3A_1451 = tpu.scan <sum>, %select_n3A masked %reduce_sum3A_1450 : vector<16xi32>, vector<16xi1> -> vector<16xi32>
        %reduce_sum3A_1452 = vector.extract %reduce_sum3A_1451[15] : i32 from vector<16xi32>
        %min3A_1453 = arith.minsi %reduce_sum3A_1452, %min3A_1403 : i32
        %sub3A_1454 = arith.subi %while3A_1442, %mul3A_1405 : i32
        %sub3A_1455 = arith.subi %min3A_1453, %while3A_1442 : i32
        %while3A_1456 = arith.constant 0 : i32
        %while3A_1457 = arith.subi %sub3A_1455, %while3A_1456 : i32
        %while3A_1458 = arith.addi %while3A_1456, %while3A_1457 : i32
        %while3A_1459 = arith.constant 1 : i32
        %while3A_1460 = arith.divsi %while3A_1457, %while3A_1459 : i32
        %while3A_1461 = arith.muli %while3A_1460, %while3A_1459 : i32
        %while3A_1462 = arith.addi %while3A_1456, %while3A_1461 : i32
        %while3A_1463 = arith.constant 1 : i32
        %while3A_1464:8 = scf.for %while3A_1526 = %while3A_1456 to %while3A_1462 step %while3A_1463 iter_args(%while3A_1527 = %broadcast_in_dim3A_1296, %while3A_1528 = %broadcast_in_dim3A_1298, %while3A_1529 = %broadcast_in_dim3A_1300, %while3A_1530 = %broadcast_in_dim3A_1302, %while3A_1531 = %broadcast_in_dim3A_1304, %while3A_1532 = %broadcast_in_dim3A_1306, %while3A_1533 = %broadcast_in_dim3A_1308, %while3A_1534 = %broadcast_in_dim3A_1310) -> (vector<16xf32>, vector<16xf32>, vector<16xf32>, vector<16xf32>, vector<16xf32>, vector<16xf32>, vector<16xf32>, vector<16xf32>)  : i32 {
          %add3A_1535 = arith.addi %sub3A_1454, %while3A_1526 : i32
          %get3A_1536 = arith.index_cast %add3A_1535 : i32 to index
          %get3A_1537 = arith.constant 0 : index
          %get3A_1538 = tpu.vector_load %arg13[%get3A_1536, %get3A_1537] {strides = array<i32>} : memref<128x128xf32, #tpu.memory_space<vmem>>, vector<16xf32>,
          %add3A_1539 = arith.addf %while3A_1527, %get3A_1538 : vector<16xf32>
          %add3A_1540 = arith.addi %sub3A_1454, %while3A_1526 : i32
          %get3A_1541 = arith.index_cast %add3A_1540 : i32 to index
          %get3A_1542 = arith.constant 16 : index
          %get3A_1543 = tpu.vector_load %arg13[%get3A_1541, %get3A_1542] {strides = array<i32>} : memref<128x128xf32, #tpu.memory_space<vmem>>, vector<16xf32>,
          %add3A_1544 = arith.addf %while3A_1528, %get3A_1543 : vector<16xf32>
          %add3A_1545 = arith.addi %sub3A_1454, %while3A_1526 : i32
          %get3A_1546 = arith.index_cast %add3A_1545 : i32 to index
          %get3A_1547 = arith.constant 32 : index
          %get3A_1548 = tpu.vector_load %arg13[%get3A_1546, %get3A_1547] {strides = array<i32>} : memref<128x128xf32, #tpu.memory_space<vmem>>, vector<16xf32>,
          %add3A_1549 = arith.addf %while3A_1529, %get3A_1548 : vector<16xf32>
          %add3A_1550 = arith.addi %sub3A_1454, %while3A_1526 : i32
          %get3A_1551 = arith.index_cast %add3A_1550 : i32 to index
          %get3A_1552 = arith.constant 48 : index
          %get3A_1553 = tpu.vector_load %arg13[%get3A_1551, %get3A_1552] {strides = array<i32>} : memref<128x128xf32, #tpu.memory_space<vmem>>, vector<16xf32>,
          %add3A_1554 = arith.addf %while3A_1530, %get3A_1553 : vector<16xf32>
          %add3A_1555 = arith.addi %sub3A_1454, %while3A_1526 : i32
          %get3A_1556 = arith.index_cast %add3A_1555 : i32 to index
          %get3A_1557 = arith.constant 64 : index
          %get3A_1558 = tpu.vector_load %arg13[%get3A_1556, %get3A_1557] {strides = array<i32>} : memref<128x128xf32, #tpu.memory_space<vmem>>, vector<16xf32>,
          %add3A_1559 = arith.addf %while3A_1531, %get3A_1558 : vector<16xf32>
          %add3A_1560 = arith.addi %sub3A_1454, %while3A_1526 : i32
          %get3A_1561 = arith.index_cast %add3A_1560 : i32 to index
          %get3A_1562 = arith.constant 80 : index
          %get3A_1563 = tpu.vector_load %arg13[%get3A_1561, %get3A_1562] {strides = array<i32>} : memref<128x128xf32, #tpu.memory_space<vmem>>, vector<16xf32>,
          %add3A_1564 = arith.addf %while3A_1532, %get3A_1563 : vector<16xf32>
          %add3A_1565 = arith.addi %sub3A_1454, %while3A_1526 : i32
          %get3A_1566 = arith.index_cast %add3A_1565 : i32 to index
          %get3A_1567 = arith.constant 96 : index
          %get3A_1568 = tpu.vector_load %arg13[%get3A_1566, %get3A_1567] {strides = array<i32>} : memref<128x128xf32, #tpu.memory_space<vmem>>, vector<16xf32>,
          %add3A_1569 = arith.addf %while3A_1533, %get3A_1568 : vector<16xf32>
          %add3A_1570 = arith.addi %sub3A_1454, %while3A_1526 : i32
          %get3A_1571 = arith.index_cast %add3A_1570 : i32 to index
          %get3A_1572 = arith.constant 112 : index
          %get3A_1573 = tpu.vector_load %arg13[%get3A_1571, %get3A_1572] {strides = array<i32>} : memref<128x128xf32, #tpu.memory_space<vmem>>, vector<16xf32>,
          %add3A_1574 = arith.addf %while3A_1534, %get3A_1573 : vector<16xf32>
          scf.yield %add3A_1539, %add3A_1544, %add3A_1549, %add3A_1554, %add3A_1559, %add3A_1564, %add3A_1569, %add3A_1574 : vector<16xf32>, vector<16xf32>, vector<16xf32>, vector<16xf32>, vector<16xf32>, vector<16xf32>, vector<16xf32>, vector<16xf32>
        }
        %while3A_1465 = arith.constant 1 : i32
        %while3A_1466:8 = scf.for %while3A_1526 = %while3A_1462 to %while3A_1458 step %while3A_1465 iter_args(%while3A_1527 = %while3A_1464#0, %while3A_1528 = %while3A_1464#1, %while3A_1529 = %while3A_1464#2, %while3A_1530 = %while3A_1464#3, %while3A_1531 = %while3A_1464#4, %while3A_1532 = %while3A_1464#5, %while3A_1533 = %while3A_1464#6, %while3A_1534 = %while3A_1464#7) -> (vector<16xf32>, vector<16xf32>, vector<16xf32>, vector<16xf32>, vector<16xf32>, vector<16xf32>, vector<16xf32>, vector<16xf32>)  : i32 {
          %add3A_1535 = arith.addi %sub3A_1454, %while3A_1526 : i32
          %get3A_1536 = arith.index_cast %add3A_1535 : i32 to index
          %get3A_1537 = arith.constant 0 : index
          %get3A_1538 = tpu.vector_load %arg13[%get3A_1536, %get3A_1537] {strides = array<i32>} : memref<128x128xf32, #tpu.memory_space<vmem>>, vector<16xf32>,
          %add3A_1539 = arith.addf %while3A_1527, %get3A_1538 : vector<16xf32>
          %add3A_1540 = arith.addi %sub3A_1454, %while3A_1526 : i32
          %get3A_1541 = arith.index_cast %add3A_1540 : i32 to index
          %get3A_1542 = arith.constant 16 : index
          %get3A_1543 = tpu.vector_load %arg13[%get3A_1541, %get3A_1542] {strides = array<i32>} : memref<128x128xf32, #tpu.memory_space<vmem>>, vector<16xf32>,
          %add3A_1544 = arith.addf %while3A_1528, %get3A_1543 : vector<16xf32>
          %add3A_1545 = arith.addi %sub3A_1454, %while3A_1526 : i32
          %get3A_1546 = arith.index_cast %add3A_1545 : i32 to index
          %get3A_1547 = arith.constant 32 : index
          %get3A_1548 = tpu.vector_load %arg13[%get3A_1546, %get3A_1547] {strides = array<i32>} : memref<128x128xf32, #tpu.memory_space<vmem>>, vector<16xf32>,
          %add3A_1549 = arith.addf %while3A_1529, %get3A_1548 : vector<16xf32>
          %add3A_1550 = arith.addi %sub3A_1454, %while3A_1526 : i32
          %get3A_1551 = arith.index_cast %add3A_1550 : i32 to index
          %get3A_1552 = arith.constant 48 : index
          %get3A_1553 = tpu.vector_load %arg13[%get3A_1551, %get3A_1552] {strides = array<i32>} : memref<128x128xf32, #tpu.memory_space<vmem>>, vector<16xf32>,
          %add3A_1554 = arith.addf %while3A_1530, %get3A_1553 : vector<16xf32>
          %add3A_1555 = arith.addi %sub3A_1454, %while3A_1526 : i32
          %get3A_1556 = arith.index_cast %add3A_1555 : i32 to index
          %get3A_1557 = arith.constant 64 : index
          %get3A_1558 = tpu.vector_load %arg13[%get3A_1556, %get3A_1557] {strides = array<i32>} : memref<128x128xf32, #tpu.memory_space<vmem>>, vector<16xf32>,
          %add3A_1559 = arith.addf %while3A_1531, %get3A_1558 : vector<16xf32>
          %add3A_1560 = arith.addi %sub3A_1454, %while3A_1526 : i32
          %get3A_1561 = arith.index_cast %add3A_1560 : i32 to index
          %get3A_1562 = arith.constant 80 : index
          %get3A_1563 = tpu.vector_load %arg13[%get3A_1561, %get3A_1562] {strides = array<i32>} : memref<128x128xf32, #tpu.memory_space<vmem>>, vector<16xf32>,
          %add3A_1564 = arith.addf %while3A_1532, %get3A_1563 : vector<16xf32>
          %add3A_1565 = arith.addi %sub3A_1454, %while3A_1526 : i32
          %get3A_1566 = arith.index_cast %add3A_1565 : i32 to index
          %get3A_1567 = arith.constant 96 : index
          %get3A_1568 = tpu.vector_load %arg13[%get3A_1566, %get3A_1567] {strides = array<i32>} : memref<128x128xf32, #tpu.memory_space<vmem>>, vector<16xf32>,
          %add3A_1569 = arith.addf %while3A_1533, %get3A_1568 : vector<16xf32>
          %add3A_1570 = arith.addi %sub3A_1454, %while3A_1526 : i32
          %get3A_1571 = arith.index_cast %add3A_1570 : i32 to index
          %get3A_1572 = arith.constant 112 : index
          %get3A_1573 = tpu.vector_load %arg13[%get3A_1571, %get3A_1572] {strides = array<i32>} : memref<128x128xf32, #tpu.memory_space<vmem>>, vector<16xf32>,
          %add3A_1574 = arith.addf %while3A_1534, %get3A_1573 : vector<16xf32>
          scf.yield %add3A_1539, %add3A_1544, %add3A_1549, %add3A_1554, %add3A_1559, %add3A_1564, %add3A_1569, %add3A_1574 : vector<16xf32>, vector<16xf32>, vector<16xf32>, vector<16xf32>, vector<16xf32>, vector<16xf32>, vector<16xf32>, vector<16xf32>
        }
        %get3A = arith.index_cast %while3A_1441 : i32 to index
        %get3A_1467 = arith.constant 0 : index
        %get3A_1468 = tpu.vector_load %arg15[%get3A, %get3A_1467] {strides = array<i32>} : memref<128x128xf32, #tpu.memory_space<vmem>>, vector<16xf32>,
        %add3A_1469 = arith.addf %get3A_1468, %while3A_1466#0 : vector<16xf32>
        %swap3A_1470 = arith.index_cast %while3A_1441 : i32 to index
        %swap3A_1471 = arith.constant 0 : index
        %swap3A_1472 = tpu.vector_load %arg15[%swap3A_1470, %swap3A_1471] {strides = array<i32>} : memref<128x128xf32, #tpu.memory_space<vmem>>, vector<16xf32>,
        tpu.vector_store %arg15[%swap3A_1470, %swap3A_1471], %add3A_1469 {strides = array<i32>} : memref<128x128xf32, #tpu.memory_space<vmem>>, vector<16xf32>,
        %get3A_1473 = arith.index_cast %while3A_1441 : i32 to index
        %get3A_1474 = arith.constant 16 : index
        %get3A_1475 = tpu.vector_load %arg15[%get3A_1473, %get3A_1474] {strides = array<i32>} : memref<128x128xf32, #tpu.memory_space<vmem>>, vector<16xf32>,
        %add3A_1476 = arith.addf %get3A_1475, %while3A_1466#1 : vector<16xf32>
        %swap3A_1477 = arith.index_cast %while3A_1441 : i32 to index
        %swap3A_1478 = arith.constant 16 : index
        %swap3A_1479 = tpu.vector_load %arg15[%swap3A_1477, %swap3A_1478] {strides = array<i32>} : memref<128x128xf32, #tpu.memory_space<vmem>>, vector<16xf32>,
        tpu.vector_store %arg15[%swap3A_1477, %swap3A_1478], %add3A_1476 {strides = array<i32>} : memref<128x128xf32, #tpu.memory_space<vmem>>, vector<16xf32>,
        %get3A_1480 = arith.index_cast %while3A_1441 : i32 to index
        %get3A_1481 = arith.constant 32 : index
        %get3A_1482 = tpu.vector_load %arg15[%get3A_1480, %get3A_1481] {strides = array<i32>} : memref<128x128xf32, #tpu.memory_space<vmem>>, vector<16xf32>,
        %add3A_1483 = arith.addf %get3A_1482, %while3A_1466#2 : vector<16xf32>
        %swap3A_1484 = arith.index_cast %while3A_1441 : i32 to index
        %swap3A_1485 = arith.constant 32 : index
        %swap3A_1486 = tpu.vector_load %arg15[%swap3A_1484, %swap3A_1485] {strides = array<i32>} : memref<128x128xf32, #tpu.memory_space<vmem>>, vector<16xf32>,
        tpu.vector_store %arg15[%swap3A_1484, %swap3A_1485], %add3A_1483 {strides = array<i32>} : memref<128x128xf32, #tpu.memory_space<vmem>>, vector<16xf32>,
        %get3A_1487 = arith.index_cast %while3A_1441 : i32 to index
        %get3A_1488 = arith.constant 48 : index
        %get3A_1489 = tpu.vector_load %arg15[%get3A_1487, %get3A_1488] {strides = array<i32>} : memref<128x128xf32, #tpu.memory_space<vmem>>, vector<16xf32>,
        %add3A_1490 = arith.addf %get3A_1489, %while3A_1466#3 : vector<16xf32>
        %swap3A_1491 = arith.index_cast %while3A_1441 : i32 to index
        %swap3A_1492 = arith.constant 48 : index
        %swap3A_1493 = tpu.vector_load %arg15[%swap3A_1491, %swap3A_1492] {strides = array<i32>} : memref<128x128xf32, #tpu.memory_space<vmem>>, vector<16xf32>,
        tpu.vector_store %arg15[%swap3A_1491, %swap3A_1492], %add3A_1490 {strides = array<i32>} : memref<128x128xf32, #tpu.memory_space<vmem>>, vector<16xf32>,
        %get3A_1494 = arith.index_cast %while3A_1441 : i32 to index
        %get3A_1495 = arith.constant 64 : index
        %get3A_1496 = tpu.vector_load %arg15[%get3A_1494, %get3A_1495] {strides = array<i32>} : memref<128x128xf32, #tpu.memory_space<vmem>>, vector<16xf32>,
        %add3A_1497 = arith.addf %get3A_1496, %while3A_1466#4 : vector<16xf32>
        %swap3A_1498 = arith.index_cast %while3A_1441 : i32 to index
        %swap3A_1499 = arith.constant 64 : index
        %swap3A_1500 = tpu.vector_load %arg15[%swap3A_1498, %swap3A_1499] {strides = array<i32>} : memref<128x128xf32, #tpu.memory_space<vmem>>, vector<16xf32>,
        tpu.vector_store %arg15[%swap3A_1498, %swap3A_1499], %add3A_1497 {strides = array<i32>} : memref<128x128xf32, #tpu.memory_space<vmem>>, vector<16xf32>,
        %get3A_1501 = arith.index_cast %while3A_1441 : i32 to index
        %get3A_1502 = arith.constant 80 : index
        %get3A_1503 = tpu.vector_load %arg15[%get3A_1501, %get3A_1502] {strides = array<i32>} : memref<128x128xf32, #tpu.memory_space<vmem>>, vector<16xf32>,
        %add3A_1504 = arith.addf %get3A_1503, %while3A_1466#5 : vector<16xf32>
        %swap3A_1505 = arith.index_cast %while3A_1441 : i32 to index
        %swap3A_1506 = arith.constant 80 : index
        %swap3A_1507 = tpu.vector_load %arg15[%swap3A_1505, %swap3A_1506] {strides = array<i32>} : memref<128x128xf32, #tpu.memory_space<vmem>>, vector<16xf32>,
        tpu.vector_store %arg15[%swap3A_1505, %swap3A_1506], %add3A_1504 {strides = array<i32>} : memref<128x128xf32, #tpu.memory_space<vmem>>, vector<16xf32>,
        %get3A_1508 = arith.index_cast %while3A_1441 : i32 to index
        %get3A_1509 = arith.constant 96 : index
        %get3A_1510 = tpu.vector_load %arg15[%get3A_1508, %get3A_1509] {strides = array<i32>} : memref<128x128xf32, #tpu.memory_space<vmem>>, vector<16xf32>,
        %add3A_1511 = arith.addf %get3A_1510, %while3A_1466#6 : vector<16xf32>
        %swap3A_1512 = arith.index_cast %while3A_1441 : i32 to index
        %swap3A_1513 = arith.constant 96 : index
        %swap3A_1514 = tpu.vector_load %arg15[%swap3A_1512, %swap3A_1513] {strides = array<i32>} : memref<128x128xf32, #tpu.memory_space<vmem>>, vector<16xf32>,
        tpu.vector_store %arg15[%swap3A_1512, %swap3A_1513], %add3A_1511 {strides = array<i32>} : memref<128x128xf32, #tpu.memory_space<vmem>>, vector<16xf32>,
        %get3A_1515 = arith.index_cast %while3A_1441 : i32 to index
        %get3A_1516 = arith.constant 112 : index
        %get3A_1517 = tpu.vector_load %arg15[%get3A_1515, %get3A_1516] {strides = array<i32>} : memref<128x128xf32, #tpu.memory_space<vmem>>, vector<16xf32>,
        %add3A_1518 = arith.addf %get3A_1517, %while3A_1466#7 : vector<16xf32>
        %swap3A_1519 = arith.index_cast %while3A_1441 : i32 to index
        %swap3A_1520 = arith.constant 112 : index
        %swap3A_1521 = tpu.vector_load %arg15[%swap3A_1519, %swap3A_1520] {strides = array<i32>} : memref<128x128xf32, #tpu.memory_space<vmem>>, vector<16xf32>,
        tpu.vector_store %arg15[%swap3A_1519, %swap3A_1520], %add3A_1518 {strides = array<i32>} : memref<128x128xf32, #tpu.memory_space<vmem>>, vector<16xf32>,
        %eq3A_1522 = arith.cmpi eq, %min3A_1453, %reduce_sum3A_1452 : i32
        %add3A_1523 = arith.constant 1 : i32
        %add3A_1524 = arith.addi %while3A_1441, %add3A_1523 : i32
        %select_n3A_1525 = arith.select %eq3A_1522, %add3A_1524, %while3A_1441 : i32
        scf.yield %select_n3A_1525, %min3A_1453 : i32, i32
      }
      %add3A_1407 = arith.constant 4 : i32
      %add3A_1408 = arith.addi %add3A_1392, %add3A_1407 : i32
      %mul3A_1409 = arith.constant 128 : i32
      %mul3A_1410 = arith.muli %add3A_1408, %mul3A_1409 : i32
      %lt3A_1411 = arith.cmpi slt, %mul3A_1410, %scan3A_11 : i32
      %convert_element_type3A_1412 = arith.extui %lt3A_1411 : i1 to i32
      %cond3A_1413 = arith.constant 0 : i32
      %cond3A_1414 = arith.cmpi ne, %convert_element_type3A_1412, %cond3A_1413 : i32
      scf.if %cond3A_1414 {
        %mul3A_1441 = arith.constant 128 : i32
        %mul3A_1442 = arith.muli %add3A_1408, %mul3A_1441 : i32
        %dma_start3A_1443 = tpu.memref_slice %arg9[%mul3A_1442] : memref<6400xi32, #tpu.memory_space<vmem>> -> memref<128xi32, #tpu.memory_space<vmem>>
        %dma_start3A_1444 = arith.constant 0 : i32
        %dma_start3A_1445 = arith.constant 0 : i32
        %dma_start3A_1446 = tpu.memref_slice %arg3[%dma_start3A_1444, %dma_start3A_1445] : memref<100000x128xf32, #tpu.memory_space<hbm>> -> memref<100000x128xf32, #tpu.memory_space<hbm>>
        tpu.enqueue_indirect_dma source(%dma_start3A_1446 : memref<100000x128xf32, #tpu.memory_space<hbm>>) target(%arg13 : memref<128x128xf32, #tpu.memory_space<vmem>>) offsets(%dma_start3A_1443 : memref<128xi32, #tpu.memory_space<vmem>>) semaphore(%arg19 : memref<!tpu.dma_semaphore, #tpu.memory_space<semaphore_mem>>)
      } else {
      }
      %mul3A_1415 = arith.constant 4 : i32
      %mul3A_1416 = arith.muli %scan3A_1335, %mul3A_1415 : i32
      %add3A_1417 = arith.constant 3 : i32
      %add3A_1418 = arith.addi %mul3A_1416, %add3A_1417 : i32
      %mul3A_1419 = arith.constant 128 : i32
      %mul3A_1420 = arith.muli %add3A_1418, %mul3A_1419 : i32
      %lt3A_1421 = arith.cmpi slt, %mul3A_1420, %scan3A_11 : i32
      %convert_element_type3A_1422 = arith.extui %lt3A_1421 : i1 to i32
      %cond3A_1423 = arith.constant 0 : i32
      %cond3A_1424 = arith.cmpi ne, %convert_element_type3A_1422, %cond3A_1423 : i32
      scf.if %cond3A_1424 {
        %mul3A_1441 = arith.constant 128 : i32
        %mul3A_1442 = arith.muli %add3A_1418, %mul3A_1441 : i32
        %dma_wait3A_1443 = tpu.memref_slice %arg9[%mul3A_1442] : memref<6400xi32, #tpu.memory_space<vmem>> -> memref<128xi32, #tpu.memory_space<vmem>>
        %dma_wait3A_1444 = arith.constant 0 : i32
        %dma_wait3A_1445 = arith.constant 0 : i32
        %dma_wait3A_1446 = tpu.memref_slice %arg3[%dma_wait3A_1444, %dma_wait3A_1445] : memref<100000x128xf32, #tpu.memory_space<hbm>> -> memref<100000x128xf32, #tpu.memory_space<hbm>>
        tpu.wait_indirect_dma semaphore(%arg20 : memref<!tpu.dma_semaphore, #tpu.memory_space<semaphore_mem>>) src(%dma_wait3A_1446 : memref<100000x128xf32, #tpu.memory_space<hbm>>) dst(%arg14 : memref<128x128xf32, #tpu.memory_space<vmem>>)
      } else {
      }
      %add3A_1425 = arith.constant 1 : i32
      %add3A_1426 = arith.addi %add3A_1418, %add3A_1425 : i32
      %mul3A_1427 = arith.constant 128 : i32
      %mul3A_1428 = arith.muli %add3A_1426, %mul3A_1427 : i32
      %min3A_1429 = arith.minsi %mul3A_1428, %scan3A_11 : i32
      %mul3A_1430 = arith.constant 128 : i32
      %mul3A_1431 = arith.muli %add3A_1418, %mul3A_1430 : i32
      %while3A_1432:2 = scf.while (%while3A_1441 = %while3A_1406#0, %while3A_1442 = %while3A_1406#1) : (i32, i32) -> (i32, i32) {
        %lt3A_1443 = arith.cmpi slt, %while3A_1442, %min3A_1429 : i32
        scf.condition(%lt3A_1443) %while3A_1441, %while3A_1442 : i32, i32
      } do {
      ^bb0(%while3A_1441: i32, %while3A_1442: i32):
        %add3A_1443 = arith.constant 1 : i32
        %add3A_1444 = arith.addi %while3A_1441, %add3A_1443 : i32
        %broadcast_in_dim3A_1445 = vector.broadcast %add3A_1444 : i32 to vector<16xi32>
        %gather3A = tpu.vector_load_idx %arg10[%broadcast_in_dim3A_1445] : memref<144xi32, #tpu.memory_space<vmem>>[vector<16xi32>], vector<16xi32>,
        %eq3A = arith.constant 0 : i32
        %eq3A_1446 = vector.broadcast %eq3A : i32 to vector<16xi32>
        %eq3A_1447 = arith.cmpi eq, %iota3A, %eq3A_1446 : vector<16xi32>
        %jit3A = arith.constant 0 : i32
        %broadcast_in_dim3A_1448 = vector.broadcast %jit3A : i32 to vector<16xi32>
        %select_n3A = arith.select %eq3A_1447, %gather3A, %broadcast_in_dim3A_1448 : vector<16xi1>, vector<16xi32>
        %reduce_sum3A_1449 = arith.constant true
        %reduce_sum3A_1450 = vector.broadcast %reduce_sum3A_1449 : i1 to vector<16xi1>
        %reduce_sum3A_1451 = tpu.scan <sum>, %select_n3A masked %reduce_sum3A_1450 : vector<16xi32>, vector<16xi1> -> vector<16xi32>
        %reduce_sum3A_1452 = vector.extract %reduce_sum3A_1451[15] : i32 from vector<16xi32>
        %min3A_1453 = arith.minsi %reduce_sum3A_1452, %min3A_1429 : i32
        %sub3A_1454 = arith.subi %while3A_1442, %mul3A_1431 : i32
        %sub3A_1455 = arith.subi %min3A_1453, %while3A_1442 : i32
        %while3A_1456 = arith.constant 0 : i32
        %while3A_1457 = arith.subi %sub3A_1455, %while3A_1456 : i32
        %while3A_1458 = arith.addi %while3A_1456, %while3A_1457 : i32
        %while3A_1459 = arith.constant 1 : i32
        %while3A_1460 = arith.divsi %while3A_1457, %while3A_1459 : i32
        %while3A_1461 = arith.muli %while3A_1460, %while3A_1459 : i32
        %while3A_1462 = arith.addi %while3A_1456, %while3A_1461 : i32
        %while3A_1463 = arith.constant 1 : i32
        %while3A_1464:8 = scf.for %while3A_1526 = %while3A_1456 to %while3A_1462 step %while3A_1463 iter_args(%while3A_1527 = %broadcast_in_dim3A_1296, %while3A_1528 = %broadcast_in_dim3A_1298, %while3A_1529 = %broadcast_in_dim3A_1300, %while3A_1530 = %broadcast_in_dim3A_1302, %while3A_1531 = %broadcast_in_dim3A_1304, %while3A_1532 = %broadcast_in_dim3A_1306, %while3A_1533 = %broadcast_in_dim3A_1308, %while3A_1534 = %broadcast_in_dim3A_1310) -> (vector<16xf32>, vector<16xf32>, vector<16xf32>, vector<16xf32>, vector<16xf32>, vector<16xf32>, vector<16xf32>, vector<16xf32>)  : i32 {
          %add3A_1535 = arith.addi %sub3A_1454, %while3A_1526 : i32
          %get3A_1536 = arith.index_cast %add3A_1535 : i32 to index
          %get3A_1537 = arith.constant 0 : index
          %get3A_1538 = tpu.vector_load %arg14[%get3A_1536, %get3A_1537] {strides = array<i32>} : memref<128x128xf32, #tpu.memory_space<vmem>>, vector<16xf32>,
          %add3A_1539 = arith.addf %while3A_1527, %get3A_1538 : vector<16xf32>
          %add3A_1540 = arith.addi %sub3A_1454, %while3A_1526 : i32
          %get3A_1541 = arith.index_cast %add3A_1540 : i32 to index
          %get3A_1542 = arith.constant 16 : index
          %get3A_1543 = tpu.vector_load %arg14[%get3A_1541, %get3A_1542] {strides = array<i32>} : memref<128x128xf32, #tpu.memory_space<vmem>>, vector<16xf32>,
          %add3A_1544 = arith.addf %while3A_1528, %get3A_1543 : vector<16xf32>
          %add3A_1545 = arith.addi %sub3A_1454, %while3A_1526 : i32
          %get3A_1546 = arith.index_cast %add3A_1545 : i32 to index
          %get3A_1547 = arith.constant 32 : index
          %get3A_1548 = tpu.vector_load %arg14[%get3A_1546, %get3A_1547] {strides = array<i32>} : memref<128x128xf32, #tpu.memory_space<vmem>>, vector<16xf32>,
          %add3A_1549 = arith.addf %while3A_1529, %get3A_1548 : vector<16xf32>
          %add3A_1550 = arith.addi %sub3A_1454, %while3A_1526 : i32
          %get3A_1551 = arith.index_cast %add3A_1550 : i32 to index
          %get3A_1552 = arith.constant 48 : index
          %get3A_1553 = tpu.vector_load %arg14[%get3A_1551, %get3A_1552] {strides = array<i32>} : memref<128x128xf32, #tpu.memory_space<vmem>>, vector<16xf32>,
          %add3A_1554 = arith.addf %while3A_1530, %get3A_1553 : vector<16xf32>
          %add3A_1555 = arith.addi %sub3A_1454, %while3A_1526 : i32
          %get3A_1556 = arith.index_cast %add3A_1555 : i32 to index
          %get3A_1557 = arith.constant 64 : index
          %get3A_1558 = tpu.vector_load %arg14[%get3A_1556, %get3A_1557] {strides = array<i32>} : memref<128x128xf32, #tpu.memory_space<vmem>>, vector<16xf32>,
          %add3A_1559 = arith.addf %while3A_1531, %get3A_1558 : vector<16xf32>
          %add3A_1560 = arith.addi %sub3A_1454, %while3A_1526 : i32
          %get3A_1561 = arith.index_cast %add3A_1560 : i32 to index
          %get3A_1562 = arith.constant 80 : index
          %get3A_1563 = tpu.vector_load %arg14[%get3A_1561, %get3A_1562] {strides = array<i32>} : memref<128x128xf32, #tpu.memory_space<vmem>>, vector<16xf32>,
          %add3A_1564 = arith.addf %while3A_1532, %get3A_1563 : vector<16xf32>
          %add3A_1565 = arith.addi %sub3A_1454, %while3A_1526 : i32
          %get3A_1566 = arith.index_cast %add3A_1565 : i32 to index
          %get3A_1567 = arith.constant 96 : index
          %get3A_1568 = tpu.vector_load %arg14[%get3A_1566, %get3A_1567] {strides = array<i32>} : memref<128x128xf32, #tpu.memory_space<vmem>>, vector<16xf32>,
          %add3A_1569 = arith.addf %while3A_1533, %get3A_1568 : vector<16xf32>
          %add3A_1570 = arith.addi %sub3A_1454, %while3A_1526 : i32
          %get3A_1571 = arith.index_cast %add3A_1570 : i32 to index
          %get3A_1572 = arith.constant 112 : index
          %get3A_1573 = tpu.vector_load %arg14[%get3A_1571, %get3A_1572] {strides = array<i32>} : memref<128x128xf32, #tpu.memory_space<vmem>>, vector<16xf32>,
          %add3A_1574 = arith.addf %while3A_1534, %get3A_1573 : vector<16xf32>
          scf.yield %add3A_1539, %add3A_1544, %add3A_1549, %add3A_1554, %add3A_1559, %add3A_1564, %add3A_1569, %add3A_1574 : vector<16xf32>, vector<16xf32>, vector<16xf32>, vector<16xf32>, vector<16xf32>, vector<16xf32>, vector<16xf32>, vector<16xf32>
        }
        %while3A_1465 = arith.constant 1 : i32
        %while3A_1466:8 = scf.for %while3A_1526 = %while3A_1462 to %while3A_1458 step %while3A_1465 iter_args(%while3A_1527 = %while3A_1464#0, %while3A_1528 = %while3A_1464#1, %while3A_1529 = %while3A_1464#2, %while3A_1530 = %while3A_1464#3, %while3A_1531 = %while3A_1464#4, %while3A_1532 = %while3A_1464#5, %while3A_1533 = %while3A_1464#6, %while3A_1534 = %while3A_1464#7) -> (vector<16xf32>, vector<16xf32>, vector<16xf32>, vector<16xf32>, vector<16xf32>, vector<16xf32>, vector<16xf32>, vector<16xf32>)  : i32 {
          %add3A_1535 = arith.addi %sub3A_1454, %while3A_1526 : i32
          %get3A_1536 = arith.index_cast %add3A_1535 : i32 to index
          %get3A_1537 = arith.constant 0 : index
          %get3A_1538 = tpu.vector_load %arg14[%get3A_1536, %get3A_1537] {strides = array<i32>} : memref<128x128xf32, #tpu.memory_space<vmem>>, vector<16xf32>,
          %add3A_1539 = arith.addf %while3A_1527, %get3A_1538 : vector<16xf32>
          %add3A_1540 = arith.addi %sub3A_1454, %while3A_1526 : i32
          %get3A_1541 = arith.index_cast %add3A_1540 : i32 to index
          %get3A_1542 = arith.constant 16 : index
          %get3A_1543 = tpu.vector_load %arg14[%get3A_1541, %get3A_1542] {strides = array<i32>} : memref<128x128xf32, #tpu.memory_space<vmem>>, vector<16xf32>,
          %add3A_1544 = arith.addf %while3A_1528, %get3A_1543 : vector<16xf32>
          %add3A_1545 = arith.addi %sub3A_1454, %while3A_1526 : i32
          %get3A_1546 = arith.index_cast %add3A_1545 : i32 to index
          %get3A_1547 = arith.constant 32 : index
          %get3A_1548 = tpu.vector_load %arg14[%get3A_1546, %get3A_1547] {strides = array<i32>} : memref<128x128xf32, #tpu.memory_space<vmem>>, vector<16xf32>,
          %add3A_1549 = arith.addf %while3A_1529, %get3A_1548 : vector<16xf32>
          %add3A_1550 = arith.addi %sub3A_1454, %while3A_1526 : i32
          %get3A_1551 = arith.index_cast %add3A_1550 : i32 to index
          %get3A_1552 = arith.constant 48 : index
          %get3A_1553 = tpu.vector_load %arg14[%get3A_1551, %get3A_1552] {strides = array<i32>} : memref<128x128xf32, #tpu.memory_space<vmem>>, vector<16xf32>,
          %add3A_1554 = arith.addf %while3A_1530, %get3A_1553 : vector<16xf32>
          %add3A_1555 = arith.addi %sub3A_1454, %while3A_1526 : i32
          %get3A_1556 = arith.index_cast %add3A_1555 : i32 to index
          %get3A_1557 = arith.constant 64 : index
          %get3A_1558 = tpu.vector_load %arg14[%get3A_1556, %get3A_1557] {strides = array<i32>} : memref<128x128xf32, #tpu.memory_space<vmem>>, vector<16xf32>,
          %add3A_1559 = arith.addf %while3A_1531, %get3A_1558 : vector<16xf32>
          %add3A_1560 = arith.addi %sub3A_1454, %while3A_1526 : i32
          %get3A_1561 = arith.index_cast %add3A_1560 : i32 to index
          %get3A_1562 = arith.constant 80 : index
          %get3A_1563 = tpu.vector_load %arg14[%get3A_1561, %get3A_1562] {strides = array<i32>} : memref<128x128xf32, #tpu.memory_space<vmem>>, vector<16xf32>,
          %add3A_1564 = arith.addf %while3A_1532, %get3A_1563 : vector<16xf32>
          %add3A_1565 = arith.addi %sub3A_1454, %while3A_1526 : i32
          %get3A_1566 = arith.index_cast %add3A_1565 : i32 to index
          %get3A_1567 = arith.constant 96 : index
          %get3A_1568 = tpu.vector_load %arg14[%get3A_1566, %get3A_1567] {strides = array<i32>} : memref<128x128xf32, #tpu.memory_space<vmem>>, vector<16xf32>,
          %add3A_1569 = arith.addf %while3A_1533, %get3A_1568 : vector<16xf32>
          %add3A_1570 = arith.addi %sub3A_1454, %while3A_1526 : i32
          %get3A_1571 = arith.index_cast %add3A_1570 : i32 to index
          %get3A_1572 = arith.constant 112 : index
          %get3A_1573 = tpu.vector_load %arg14[%get3A_1571, %get3A_1572] {strides = array<i32>} : memref<128x128xf32, #tpu.memory_space<vmem>>, vector<16xf32>,
          %add3A_1574 = arith.addf %while3A_1534, %get3A_1573 : vector<16xf32>
          scf.yield %add3A_1539, %add3A_1544, %add3A_1549, %add3A_1554, %add3A_1559, %add3A_1564, %add3A_1569, %add3A_1574 : vector<16xf32>, vector<16xf32>, vector<16xf32>, vector<16xf32>, vector<16xf32>, vector<16xf32>, vector<16xf32>, vector<16xf32>
        }
        %get3A = arith.index_cast %while3A_1441 : i32 to index
        %get3A_1467 = arith.constant 0 : index
        %get3A_1468 = tpu.vector_load %arg15[%get3A, %get3A_1467] {strides = array<i32>} : memref<128x128xf32, #tpu.memory_space<vmem>>, vector<16xf32>,
        %add3A_1469 = arith.addf %get3A_1468, %while3A_1466#0 : vector<16xf32>
        %swap3A_1470 = arith.index_cast %while3A_1441 : i32 to index
        %swap3A_1471 = arith.constant 0 : index
        %swap3A_1472 = tpu.vector_load %arg15[%swap3A_1470, %swap3A_1471] {strides = array<i32>} : memref<128x128xf32, #tpu.memory_space<vmem>>, vector<16xf32>,
        tpu.vector_store %arg15[%swap3A_1470, %swap3A_1471], %add3A_1469 {strides = array<i32>} : memref<128x128xf32, #tpu.memory_space<vmem>>, vector<16xf32>,
        %get3A_1473 = arith.index_cast %while3A_1441 : i32 to index
        %get3A_1474 = arith.constant 16 : index
        %get3A_1475 = tpu.vector_load %arg15[%get3A_1473, %get3A_1474] {strides = array<i32>} : memref<128x128xf32, #tpu.memory_space<vmem>>, vector<16xf32>,
        %add3A_1476 = arith.addf %get3A_1475, %while3A_1466#1 : vector<16xf32>
        %swap3A_1477 = arith.index_cast %while3A_1441 : i32 to index
        %swap3A_1478 = arith.constant 16 : index
        %swap3A_1479 = tpu.vector_load %arg15[%swap3A_1477, %swap3A_1478] {strides = array<i32>} : memref<128x128xf32, #tpu.memory_space<vmem>>, vector<16xf32>,
        tpu.vector_store %arg15[%swap3A_1477, %swap3A_1478], %add3A_1476 {strides = array<i32>} : memref<128x128xf32, #tpu.memory_space<vmem>>, vector<16xf32>,
        %get3A_1480 = arith.index_cast %while3A_1441 : i32 to index
        %get3A_1481 = arith.constant 32 : index
        %get3A_1482 = tpu.vector_load %arg15[%get3A_1480, %get3A_1481] {strides = array<i32>} : memref<128x128xf32, #tpu.memory_space<vmem>>, vector<16xf32>,
        %add3A_1483 = arith.addf %get3A_1482, %while3A_1466#2 : vector<16xf32>
        %swap3A_1484 = arith.index_cast %while3A_1441 : i32 to index
        %swap3A_1485 = arith.constant 32 : index
        %swap3A_1486 = tpu.vector_load %arg15[%swap3A_1484, %swap3A_1485] {strides = array<i32>} : memref<128x128xf32, #tpu.memory_space<vmem>>, vector<16xf32>,
        tpu.vector_store %arg15[%swap3A_1484, %swap3A_1485], %add3A_1483 {strides = array<i32>} : memref<128x128xf32, #tpu.memory_space<vmem>>, vector<16xf32>,
        %get3A_1487 = arith.index_cast %while3A_1441 : i32 to index
        %get3A_1488 = arith.constant 48 : index
        %get3A_1489 = tpu.vector_load %arg15[%get3A_1487, %get3A_1488] {strides = array<i32>} : memref<128x128xf32, #tpu.memory_space<vmem>>, vector<16xf32>,
        %add3A_1490 = arith.addf %get3A_1489, %while3A_1466#3 : vector<16xf32>
        %swap3A_1491 = arith.index_cast %while3A_1441 : i32 to index
        %swap3A_1492 = arith.constant 48 : index
        %swap3A_1493 = tpu.vector_load %arg15[%swap3A_1491, %swap3A_1492] {strides = array<i32>} : memref<128x128xf32, #tpu.memory_space<vmem>>, vector<16xf32>,
        tpu.vector_store %arg15[%swap3A_1491, %swap3A_1492], %add3A_1490 {strides = array<i32>} : memref<128x128xf32, #tpu.memory_space<vmem>>, vector<16xf32>,
        %get3A_1494 = arith.index_cast %while3A_1441 : i32 to index
        %get3A_1495 = arith.constant 64 : index
        %get3A_1496 = tpu.vector_load %arg15[%get3A_1494, %get3A_1495] {strides = array<i32>} : memref<128x128xf32, #tpu.memory_space<vmem>>, vector<16xf32>,
        %add3A_1497 = arith.addf %get3A_1496, %while3A_1466#4 : vector<16xf32>
        %swap3A_1498 = arith.index_cast %while3A_1441 : i32 to index
        %swap3A_1499 = arith.constant 64 : index
        %swap3A_1500 = tpu.vector_load %arg15[%swap3A_1498, %swap3A_1499] {strides = array<i32>} : memref<128x128xf32, #tpu.memory_space<vmem>>, vector<16xf32>,
        tpu.vector_store %arg15[%swap3A_1498, %swap3A_1499], %add3A_1497 {strides = array<i32>} : memref<128x128xf32, #tpu.memory_space<vmem>>, vector<16xf32>,
        %get3A_1501 = arith.index_cast %while3A_1441 : i32 to index
        %get3A_1502 = arith.constant 80 : index
        %get3A_1503 = tpu.vector_load %arg15[%get3A_1501, %get3A_1502] {strides = array<i32>} : memref<128x128xf32, #tpu.memory_space<vmem>>, vector<16xf32>,
        %add3A_1504 = arith.addf %get3A_1503, %while3A_1466#5 : vector<16xf32>
        %swap3A_1505 = arith.index_cast %while3A_1441 : i32 to index
        %swap3A_1506 = arith.constant 80 : index
        %swap3A_1507 = tpu.vector_load %arg15[%swap3A_1505, %swap3A_1506] {strides = array<i32>} : memref<128x128xf32, #tpu.memory_space<vmem>>, vector<16xf32>,
        tpu.vector_store %arg15[%swap3A_1505, %swap3A_1506], %add3A_1504 {strides = array<i32>} : memref<128x128xf32, #tpu.memory_space<vmem>>, vector<16xf32>,
        %get3A_1508 = arith.index_cast %while3A_1441 : i32 to index
        %get3A_1509 = arith.constant 96 : index
        %get3A_1510 = tpu.vector_load %arg15[%get3A_1508, %get3A_1509] {strides = array<i32>} : memref<128x128xf32, #tpu.memory_space<vmem>>, vector<16xf32>,
        %add3A_1511 = arith.addf %get3A_1510, %while3A_1466#6 : vector<16xf32>
        %swap3A_1512 = arith.index_cast %while3A_1441 : i32 to index
        %swap3A_1513 = arith.constant 96 : index
        %swap3A_1514 = tpu.vector_load %arg15[%swap3A_1512, %swap3A_1513] {strides = array<i32>} : memref<128x128xf32, #tpu.memory_space<vmem>>, vector<16xf32>,
        tpu.vector_store %arg15[%swap3A_1512, %swap3A_1513], %add3A_1511 {strides = array<i32>} : memref<128x128xf32, #tpu.memory_space<vmem>>, vector<16xf32>,
        %get3A_1515 = arith.index_cast %while3A_1441 : i32 to index
        %get3A_1516 = arith.constant 112 : index
        %get3A_1517 = tpu.vector_load %arg15[%get3A_1515, %get3A_1516] {strides = array<i32>} : memref<128x128xf32, #tpu.memory_space<vmem>>, vector<16xf32>,
        %add3A_1518 = arith.addf %get3A_1517, %while3A_1466#7 : vector<16xf32>
        %swap3A_1519 = arith.index_cast %while3A_1441 : i32 to index
        %swap3A_1520 = arith.constant 112 : index
        %swap3A_1521 = tpu.vector_load %arg15[%swap3A_1519, %swap3A_1520] {strides = array<i32>} : memref<128x128xf32, #tpu.memory_space<vmem>>, vector<16xf32>,
        tpu.vector_store %arg15[%swap3A_1519, %swap3A_1520], %add3A_1518 {strides = array<i32>} : memref<128x128xf32, #tpu.memory_space<vmem>>, vector<16xf32>,
        %eq3A_1522 = arith.cmpi eq, %min3A_1453, %reduce_sum3A_1452 : i32
        %add3A_1523 = arith.constant 1 : i32
        %add3A_1524 = arith.addi %while3A_1441, %add3A_1523 : i32
        %select_n3A_1525 = arith.select %eq3A_1522, %add3A_1524, %while3A_1441 : i32
        scf.yield %select_n3A_1525, %min3A_1453 : i32, i32
      }
      %add3A_1433 = arith.constant 4 : i32
      %add3A_1434 = arith.addi %add3A_1418, %add3A_1433 : i32
      %mul3A_1435 = arith.constant 128 : i32
      %mul3A_1436 = arith.muli %add3A_1434, %mul3A_1435 : i32
      %lt3A_1437 = arith.cmpi slt, %mul3A_1436, %scan3A_11 : i32
      %convert_element_type3A_1438 = arith.extui %lt3A_1437 : i1 to i32
      %cond3A_1439 = arith.constant 0 : i32
      %cond3A_1440 = arith.cmpi ne, %convert_element_type3A_1438, %cond3A_1439 : i32
      scf.if %cond3A_1440 {
        %mul3A_1441 = arith.constant 128 : i32
        %mul3A_1442 = arith.muli %add3A_1434, %mul3A_1441 : i32
        %dma_start3A_1443 = tpu.memref_slice %arg9[%mul3A_1442] : memref<6400xi32, #tpu.memory_space<vmem>> -> memref<128xi32, #tpu.memory_space<vmem>>
        %dma_start3A_1444 = arith.constant 0 : i32
        %dma_start3A_1445 = arith.constant 0 : i32
        %dma_start3A_1446 = tpu.memref_slice %arg3[%dma_start3A_1444, %dma_start3A_1445] : memref<100000x128xf32, #tpu.memory_space<hbm>> -> memref<100000x128xf32, #tpu.memory_space<hbm>>
        tpu.enqueue_indirect_dma source(%dma_start3A_1446 : memref<100000x128xf32, #tpu.memory_space<hbm>>) target(%arg14 : memref<128x128xf32, #tpu.memory_space<vmem>>) offsets(%dma_start3A_1443 : memref<128xi32, #tpu.memory_space<vmem>>) semaphore(%arg20 : memref<!tpu.dma_semaphore, #tpu.memory_space<semaphore_mem>>)
      } else {
      }
      scf.yield %while3A_1432#0, %while3A_1432#1 : i32, i32
    }
    %scan3A_1318 = arith.constant 12 : i32
    %gt3A_1319 = arith.constant 6144 : i32
    %gt3A_1320 = arith.cmpi sgt, %scan3A_11, %gt3A_1319 : i32
    %convert_element_type3A_1321 = arith.extui %gt3A_1320 : i1 to i32
    %cond3A_1322 = arith.constant 0 : i32
    %cond3A_1323 = arith.cmpi ne, %convert_element_type3A_1321, %cond3A_1322 : i32
    scf.if %cond3A_1323 {
      %dma_wait3A_1335 = arith.constant 6144 : i32
      %dma_wait3A_1336 = tpu.memref_slice %arg9[%dma_wait3A_1335] : memref<6400xi32, #tpu.memory_space<vmem>> -> memref<128xi32, #tpu.memory_space<vmem>>
      %dma_wait3A_1337 = arith.constant 0 : i32
      %dma_wait3A_1338 = arith.constant 0 : i32
      %dma_wait3A_1339 = tpu.memref_slice %arg3[%dma_wait3A_1337, %dma_wait3A_1338] : memref<100000x128xf32, #tpu.memory_space<hbm>> -> memref<100000x128xf32, #tpu.memory_space<hbm>>
      tpu.wait_indirect_dma semaphore(%arg17 : memref<!tpu.dma_semaphore, #tpu.memory_space<semaphore_mem>>) src(%dma_wait3A_1339 : memref<100000x128xf32, #tpu.memory_space<hbm>>) dst(%arg11 : memref<128x128xf32, #tpu.memory_space<vmem>>)
    } else {
    }
    %min3A = arith.constant 6272 : i32
    %min3A_1324 = arith.minsi %min3A, %scan3A_11 : i32
    %while3A:2 = scf.while (%while3A_1335 = %scan3A_1317#0, %while3A_1336 = %scan3A_1317#1) : (i32, i32) -> (i32, i32) {
      %lt3A = arith.cmpi slt, %while3A_1336, %min3A_1324 : i32
      scf.condition(%lt3A) %while3A_1335, %while3A_1336 : i32, i32
    } do {
    ^bb0(%while3A_1335: i32, %while3A_1336: i32):
      %add3A_1337 = arith.constant 1 : i32
      %add3A_1338 = arith.addi %while3A_1335, %add3A_1337 : i32
      %broadcast_in_dim3A_1339 = vector.broadcast %add3A_1338 : i32 to vector<16xi32>
      %gather3A = tpu.vector_load_idx %arg10[%broadcast_in_dim3A_1339] : memref<144xi32, #tpu.memory_space<vmem>>[vector<16xi32>], vector<16xi32>,
      %eq3A = arith.constant 0 : i32
      %eq3A_1340 = vector.broadcast %eq3A : i32 to vector<16xi32>
      %eq3A_1341 = arith.cmpi eq, %iota3A, %eq3A_1340 : vector<16xi32>
      %jit3A = arith.constant 0 : i32
      %broadcast_in_dim3A_1342 = vector.broadcast %jit3A : i32 to vector<16xi32>
      %select_n3A = arith.select %eq3A_1341, %gather3A, %broadcast_in_dim3A_1342 : vector<16xi1>, vector<16xi32>
      %reduce_sum3A_1343 = arith.constant true
      %reduce_sum3A_1344 = vector.broadcast %reduce_sum3A_1343 : i1 to vector<16xi1>
      %reduce_sum3A_1345 = tpu.scan <sum>, %select_n3A masked %reduce_sum3A_1344 : vector<16xi32>, vector<16xi1> -> vector<16xi32>
      %reduce_sum3A_1346 = vector.extract %reduce_sum3A_1345[15] : i32 from vector<16xi32>
      %min3A_1347 = arith.minsi %reduce_sum3A_1346, %min3A_1324 : i32
      %sub3A_1348 = arith.constant 6144 : i32
      %sub3A_1349 = arith.subi %while3A_1336, %sub3A_1348 : i32
      %sub3A_1350 = arith.subi %min3A_1347, %while3A_1336 : i32
      %while3A_1351 = arith.constant 0 : i32
      %while3A_1352 = arith.subi %sub3A_1350, %while3A_1351 : i32
      %while3A_1353 = arith.addi %while3A_1351, %while3A_1352 : i32
      %while3A_1354 = arith.constant 1 : i32
      %while3A_1355 = arith.divsi %while3A_1352, %while3A_1354 : i32
      %while3A_1356 = arith.muli %while3A_1355, %while3A_1354 : i32
      %while3A_1357 = arith.addi %while3A_1351, %while3A_1356 : i32
      %while3A_1358 = arith.constant 1 : i32
      %while3A_1359:8 = scf.for %while3A_1421 = %while3A_1351 to %while3A_1357 step %while3A_1358 iter_args(%while3A_1422 = %broadcast_in_dim3A_1296, %while3A_1423 = %broadcast_in_dim3A_1298, %while3A_1424 = %broadcast_in_dim3A_1300, %while3A_1425 = %broadcast_in_dim3A_1302, %while3A_1426 = %broadcast_in_dim3A_1304, %while3A_1427 = %broadcast_in_dim3A_1306, %while3A_1428 = %broadcast_in_dim3A_1308, %while3A_1429 = %broadcast_in_dim3A_1310) -> (vector<16xf32>, vector<16xf32>, vector<16xf32>, vector<16xf32>, vector<16xf32>, vector<16xf32>, vector<16xf32>, vector<16xf32>)  : i32 {
        %add3A_1430 = arith.addi %sub3A_1349, %while3A_1421 : i32
        %get3A_1431 = arith.index_cast %add3A_1430 : i32 to index
        %get3A_1432 = arith.constant 0 : index
        %get3A_1433 = tpu.vector_load %arg11[%get3A_1431, %get3A_1432] {strides = array<i32>} : memref<128x128xf32, #tpu.memory_space<vmem>>, vector<16xf32>,
        %add3A_1434 = arith.addf %while3A_1422, %get3A_1433 : vector<16xf32>
        %add3A_1435 = arith.addi %sub3A_1349, %while3A_1421 : i32
        %get3A_1436 = arith.index_cast %add3A_1435 : i32 to index
        %get3A_1437 = arith.constant 16 : index
        %get3A_1438 = tpu.vector_load %arg11[%get3A_1436, %get3A_1437] {strides = array<i32>} : memref<128x128xf32, #tpu.memory_space<vmem>>, vector<16xf32>,
        %add3A_1439 = arith.addf %while3A_1423, %get3A_1438 : vector<16xf32>
        %add3A_1440 = arith.addi %sub3A_1349, %while3A_1421 : i32
        %get3A_1441 = arith.index_cast %add3A_1440 : i32 to index
        %get3A_1442 = arith.constant 32 : index
        %get3A_1443 = tpu.vector_load %arg11[%get3A_1441, %get3A_1442] {strides = array<i32>} : memref<128x128xf32, #tpu.memory_space<vmem>>, vector<16xf32>,
        %add3A_1444 = arith.addf %while3A_1424, %get3A_1443 : vector<16xf32>
        %add3A_1445 = arith.addi %sub3A_1349, %while3A_1421 : i32
        %get3A_1446 = arith.index_cast %add3A_1445 : i32 to index
        %get3A_1447 = arith.constant 48 : index
        %get3A_1448 = tpu.vector_load %arg11[%get3A_1446, %get3A_1447] {strides = array<i32>} : memref<128x128xf32, #tpu.memory_space<vmem>>, vector<16xf32>,
        %add3A_1449 = arith.addf %while3A_1425, %get3A_1448 : vector<16xf32>
        %add3A_1450 = arith.addi %sub3A_1349, %while3A_1421 : i32
        %get3A_1451 = arith.index_cast %add3A_1450 : i32 to index
        %get3A_1452 = arith.constant 64 : index
        %get3A_1453 = tpu.vector_load %arg11[%get3A_1451, %get3A_1452] {strides = array<i32>} : memref<128x128xf32, #tpu.memory_space<vmem>>, vector<16xf32>,
        %add3A_1454 = arith.addf %while3A_1426, %get3A_1453 : vector<16xf32>
        %add3A_1455 = arith.addi %sub3A_1349, %while3A_1421 : i32
        %get3A_1456 = arith.index_cast %add3A_1455 : i32 to index
        %get3A_1457 = arith.constant 80 : index
        %get3A_1458 = tpu.vector_load %arg11[%get3A_1456, %get3A_1457] {strides = array<i32>} : memref<128x128xf32, #tpu.memory_space<vmem>>, vector<16xf32>,
        %add3A_1459 = arith.addf %while3A_1427, %get3A_1458 : vector<16xf32>
        %add3A_1460 = arith.addi %sub3A_1349, %while3A_1421 : i32
        %get3A_1461 = arith.index_cast %add3A_1460 : i32 to index
        %get3A_1462 = arith.constant 96 : index
        %get3A_1463 = tpu.vector_load %arg11[%get3A_1461, %get3A_1462] {strides = array<i32>} : memref<128x128xf32, #tpu.memory_space<vmem>>, vector<16xf32>,
        %add3A_1464 = arith.addf %while3A_1428, %get3A_1463 : vector<16xf32>
        %add3A_1465 = arith.addi %sub3A_1349, %while3A_1421 : i32
        %get3A_1466 = arith.index_cast %add3A_1465 : i32 to index
        %get3A_1467 = arith.constant 112 : index
        %get3A_1468 = tpu.vector_load %arg11[%get3A_1466, %get3A_1467] {strides = array<i32>} : memref<128x128xf32, #tpu.memory_space<vmem>>, vector<16xf32>,
        %add3A_1469 = arith.addf %while3A_1429, %get3A_1468 : vector<16xf32>
        scf.yield %add3A_1434, %add3A_1439, %add3A_1444, %add3A_1449, %add3A_1454, %add3A_1459, %add3A_1464, %add3A_1469 : vector<16xf32>, vector<16xf32>, vector<16xf32>, vector<16xf32>, vector<16xf32>, vector<16xf32>, vector<16xf32>, vector<16xf32>
      }
      %while3A_1360 = arith.constant 1 : i32
      %while3A_1361:8 = scf.for %while3A_1421 = %while3A_1357 to %while3A_1353 step %while3A_1360 iter_args(%while3A_1422 = %while3A_1359#0, %while3A_1423 = %while3A_1359#1, %while3A_1424 = %while3A_1359#2, %while3A_1425 = %while3A_1359#3, %while3A_1426 = %while3A_1359#4, %while3A_1427 = %while3A_1359#5, %while3A_1428 = %while3A_1359#6, %while3A_1429 = %while3A_1359#7) -> (vector<16xf32>, vector<16xf32>, vector<16xf32>, vector<16xf32>, vector<16xf32>, vector<16xf32>, vector<16xf32>, vector<16xf32>)  : i32 {
        %add3A_1430 = arith.addi %sub3A_1349, %while3A_1421 : i32
        %get3A_1431 = arith.index_cast %add3A_1430 : i32 to index
        %get3A_1432 = arith.constant 0 : index
        %get3A_1433 = tpu.vector_load %arg11[%get3A_1431, %get3A_1432] {strides = array<i32>} : memref<128x128xf32, #tpu.memory_space<vmem>>, vector<16xf32>,
        %add3A_1434 = arith.addf %while3A_1422, %get3A_1433 : vector<16xf32>
        %add3A_1435 = arith.addi %sub3A_1349, %while3A_1421 : i32
        %get3A_1436 = arith.index_cast %add3A_1435 : i32 to index
        %get3A_1437 = arith.constant 16 : index
        %get3A_1438 = tpu.vector_load %arg11[%get3A_1436, %get3A_1437] {strides = array<i32>} : memref<128x128xf32, #tpu.memory_space<vmem>>, vector<16xf32>,
        %add3A_1439 = arith.addf %while3A_1423, %get3A_1438 : vector<16xf32>
        %add3A_1440 = arith.addi %sub3A_1349, %while3A_1421 : i32
        %get3A_1441 = arith.index_cast %add3A_1440 : i32 to index
        %get3A_1442 = arith.constant 32 : index
        %get3A_1443 = tpu.vector_load %arg11[%get3A_1441, %get3A_1442] {strides = array<i32>} : memref<128x128xf32, #tpu.memory_space<vmem>>, vector<16xf32>,
        %add3A_1444 = arith.addf %while3A_1424, %get3A_1443 : vector<16xf32>
        %add3A_1445 = arith.addi %sub3A_1349, %while3A_1421 : i32
        %get3A_1446 = arith.index_cast %add3A_1445 : i32 to index
        %get3A_1447 = arith.constant 48 : index
        %get3A_1448 = tpu.vector_load %arg11[%get3A_1446, %get3A_1447] {strides = array<i32>} : memref<128x128xf32, #tpu.memory_space<vmem>>, vector<16xf32>,
        %add3A_1449 = arith.addf %while3A_1425, %get3A_1448 : vector<16xf32>
        %add3A_1450 = arith.addi %sub3A_1349, %while3A_1421 : i32
        %get3A_1451 = arith.index_cast %add3A_1450 : i32 to index
        %get3A_1452 = arith.constant 64 : index
        %get3A_1453 = tpu.vector_load %arg11[%get3A_1451, %get3A_1452] {strides = array<i32>} : memref<128x128xf32, #tpu.memory_space<vmem>>, vector<16xf32>,
        %add3A_1454 = arith.addf %while3A_1426, %get3A_1453 : vector<16xf32>
        %add3A_1455 = arith.addi %sub3A_1349, %while3A_1421 : i32
        %get3A_1456 = arith.index_cast %add3A_1455 : i32 to index
        %get3A_1457 = arith.constant 80 : index
        %get3A_1458 = tpu.vector_load %arg11[%get3A_1456, %get3A_1457] {strides = array<i32>} : memref<128x128xf32, #tpu.memory_space<vmem>>, vector<16xf32>,
        %add3A_1459 = arith.addf %while3A_1427, %get3A_1458 : vector<16xf32>
        %add3A_1460 = arith.addi %sub3A_1349, %while3A_1421 : i32
        %get3A_1461 = arith.index_cast %add3A_1460 : i32 to index
        %get3A_1462 = arith.constant 96 : index
        %get3A_1463 = tpu.vector_load %arg11[%get3A_1461, %get3A_1462] {strides = array<i32>} : memref<128x128xf32, #tpu.memory_space<vmem>>, vector<16xf32>,
        %add3A_1464 = arith.addf %while3A_1428, %get3A_1463 : vector<16xf32>
        %add3A_1465 = arith.addi %sub3A_1349, %while3A_1421 : i32
        %get3A_1466 = arith.index_cast %add3A_1465 : i32 to index
        %get3A_1467 = arith.constant 112 : index
        %get3A_1468 = tpu.vector_load %arg11[%get3A_1466, %get3A_1467] {strides = array<i32>} : memref<128x128xf32, #tpu.memory_space<vmem>>, vector<16xf32>,
        %add3A_1469 = arith.addf %while3A_1429, %get3A_1468 : vector<16xf32>
        scf.yield %add3A_1434, %add3A_1439, %add3A_1444, %add3A_1449, %add3A_1454, %add3A_1459, %add3A_1464, %add3A_1469 : vector<16xf32>, vector<16xf32>, vector<16xf32>, vector<16xf32>, vector<16xf32>, vector<16xf32>, vector<16xf32>, vector<16xf32>
      }
      %get3A = arith.index_cast %while3A_1335 : i32 to index
      %get3A_1362 = arith.constant 0 : index
      %get3A_1363 = tpu.vector_load %arg15[%get3A, %get3A_1362] {strides = array<i32>} : memref<128x128xf32, #tpu.memory_space<vmem>>, vector<16xf32>,
      %add3A_1364 = arith.addf %get3A_1363, %while3A_1361#0 : vector<16xf32>
      %swap3A_1365 = arith.index_cast %while3A_1335 : i32 to index
      %swap3A_1366 = arith.constant 0 : index
      %swap3A_1367 = tpu.vector_load %arg15[%swap3A_1365, %swap3A_1366] {strides = array<i32>} : memref<128x128xf32, #tpu.memory_space<vmem>>, vector<16xf32>,
      tpu.vector_store %arg15[%swap3A_1365, %swap3A_1366], %add3A_1364 {strides = array<i32>} : memref<128x128xf32, #tpu.memory_space<vmem>>, vector<16xf32>,
      %get3A_1368 = arith.index_cast %while3A_1335 : i32 to index
      %get3A_1369 = arith.constant 16 : index
      %get3A_1370 = tpu.vector_load %arg15[%get3A_1368, %get3A_1369] {strides = array<i32>} : memref<128x128xf32, #tpu.memory_space<vmem>>, vector<16xf32>,
      %add3A_1371 = arith.addf %get3A_1370, %while3A_1361#1 : vector<16xf32>
      %swap3A_1372 = arith.index_cast %while3A_1335 : i32 to index
      %swap3A_1373 = arith.constant 16 : index
      %swap3A_1374 = tpu.vector_load %arg15[%swap3A_1372, %swap3A_1373] {strides = array<i32>} : memref<128x128xf32, #tpu.memory_space<vmem>>, vector<16xf32>,
      tpu.vector_store %arg15[%swap3A_1372, %swap3A_1373], %add3A_1371 {strides = array<i32>} : memref<128x128xf32, #tpu.memory_space<vmem>>, vector<16xf32>,
      %get3A_1375 = arith.index_cast %while3A_1335 : i32 to index
      %get3A_1376 = arith.constant 32 : index
      %get3A_1377 = tpu.vector_load %arg15[%get3A_1375, %get3A_1376] {strides = array<i32>} : memref<128x128xf32, #tpu.memory_space<vmem>>, vector<16xf32>,
      %add3A_1378 = arith.addf %get3A_1377, %while3A_1361#2 : vector<16xf32>
      %swap3A_1379 = arith.index_cast %while3A_1335 : i32 to index
      %swap3A_1380 = arith.constant 32 : index
      %swap3A_1381 = tpu.vector_load %arg15[%swap3A_1379, %swap3A_1380] {strides = array<i32>} : memref<128x128xf32, #tpu.memory_space<vmem>>, vector<16xf32>,
      tpu.vector_store %arg15[%swap3A_1379, %swap3A_1380], %add3A_1378 {strides = array<i32>} : memref<128x128xf32, #tpu.memory_space<vmem>>, vector<16xf32>,
      %get3A_1382 = arith.index_cast %while3A_1335 : i32 to index
      %get3A_1383 = arith.constant 48 : index
      %get3A_1384 = tpu.vector_load %arg15[%get3A_1382, %get3A_1383] {strides = array<i32>} : memref<128x128xf32, #tpu.memory_space<vmem>>, vector<16xf32>,
      %add3A_1385 = arith.addf %get3A_1384, %while3A_1361#3 : vector<16xf32>
      %swap3A_1386 = arith.index_cast %while3A_1335 : i32 to index
      %swap3A_1387 = arith.constant 48 : index
      %swap3A_1388 = tpu.vector_load %arg15[%swap3A_1386, %swap3A_1387] {strides = array<i32>} : memref<128x128xf32, #tpu.memory_space<vmem>>, vector<16xf32>,
      tpu.vector_store %arg15[%swap3A_1386, %swap3A_1387], %add3A_1385 {strides = array<i32>} : memref<128x128xf32, #tpu.memory_space<vmem>>, vector<16xf32>,
      %get3A_1389 = arith.index_cast %while3A_1335 : i32 to index
      %get3A_1390 = arith.constant 64 : index
      %get3A_1391 = tpu.vector_load %arg15[%get3A_1389, %get3A_1390] {strides = array<i32>} : memref<128x128xf32, #tpu.memory_space<vmem>>, vector<16xf32>,
      %add3A_1392 = arith.addf %get3A_1391, %while3A_1361#4 : vector<16xf32>
      %swap3A_1393 = arith.index_cast %while3A_1335 : i32 to index
      %swap3A_1394 = arith.constant 64 : index
      %swap3A_1395 = tpu.vector_load %arg15[%swap3A_1393, %swap3A_1394] {strides = array<i32>} : memref<128x128xf32, #tpu.memory_space<vmem>>, vector<16xf32>,
      tpu.vector_store %arg15[%swap3A_1393, %swap3A_1394], %add3A_1392 {strides = array<i32>} : memref<128x128xf32, #tpu.memory_space<vmem>>, vector<16xf32>,
      %get3A_1396 = arith.index_cast %while3A_1335 : i32 to index
      %get3A_1397 = arith.constant 80 : index
      %get3A_1398 = tpu.vector_load %arg15[%get3A_1396, %get3A_1397] {strides = array<i32>} : memref<128x128xf32, #tpu.memory_space<vmem>>, vector<16xf32>,
      %add3A_1399 = arith.addf %get3A_1398, %while3A_1361#5 : vector<16xf32>
      %swap3A_1400 = arith.index_cast %while3A_1335 : i32 to index
      %swap3A_1401 = arith.constant 80 : index
      %swap3A_1402 = tpu.vector_load %arg15[%swap3A_1400, %swap3A_1401] {strides = array<i32>} : memref<128x128xf32, #tpu.memory_space<vmem>>, vector<16xf32>,
      tpu.vector_store %arg15[%swap3A_1400, %swap3A_1401], %add3A_1399 {strides = array<i32>} : memref<128x128xf32, #tpu.memory_space<vmem>>, vector<16xf32>,
      %get3A_1403 = arith.index_cast %while3A_1335 : i32 to index
      %get3A_1404 = arith.constant 96 : index
      %get3A_1405 = tpu.vector_load %arg15[%get3A_1403, %get3A_1404] {strides = array<i32>} : memref<128x128xf32, #tpu.memory_space<vmem>>, vector<16xf32>,
      %add3A_1406 = arith.addf %get3A_1405, %while3A_1361#6 : vector<16xf32>
      %swap3A_1407 = arith.index_cast %while3A_1335 : i32 to index
      %swap3A_1408 = arith.constant 96 : index
      %swap3A_1409 = tpu.vector_load %arg15[%swap3A_1407, %swap3A_1408] {strides = array<i32>} : memref<128x128xf32, #tpu.memory_space<vmem>>, vector<16xf32>,
      tpu.vector_store %arg15[%swap3A_1407, %swap3A_1408], %add3A_1406 {strides = array<i32>} : memref<128x128xf32, #tpu.memory_space<vmem>>, vector<16xf32>,
      %get3A_1410 = arith.index_cast %while3A_1335 : i32 to index
      %get3A_1411 = arith.constant 112 : index
      %get3A_1412 = tpu.vector_load %arg15[%get3A_1410, %get3A_1411] {strides = array<i32>} : memref<128x128xf32, #tpu.memory_space<vmem>>, vector<16xf32>,
      %add3A_1413 = arith.addf %get3A_1412, %while3A_1361#7 : vector<16xf32>
      %swap3A_1414 = arith.index_cast %while3A_1335 : i32 to index
      %swap3A_1415 = arith.constant 112 : index
      %swap3A_1416 = tpu.vector_load %arg15[%swap3A_1414, %swap3A_1415] {strides = array<i32>} : memref<128x128xf32, #tpu.memory_space<vmem>>, vector<16xf32>,
      tpu.vector_store %arg15[%swap3A_1414, %swap3A_1415], %add3A_1413 {strides = array<i32>} : memref<128x128xf32, #tpu.memory_space<vmem>>, vector<16xf32>,
      %eq3A_1417 = arith.cmpi eq, %min3A_1347, %reduce_sum3A_1346 : i32
      %add3A_1418 = arith.constant 1 : i32
      %add3A_1419 = arith.addi %while3A_1335, %add3A_1418 : i32
      %select_n3A_1420 = arith.select %eq3A_1417, %add3A_1419, %while3A_1335 : i32
      scf.yield %select_n3A_1420, %min3A_1347 : i32, i32
    }
    %gt3A_1325 = arith.constant 6272 : i32
    %gt3A_1326 = arith.cmpi sgt, %scan3A_11, %gt3A_1325 : i32
    %convert_element_type3A_1327 = arith.extui %gt3A_1326 : i1 to i32
    %cond3A_1328 = arith.constant 0 : i32
    %cond3A_1329 = arith.cmpi ne, %convert_element_type3A_1327, %cond3A_1328 : i32
    scf.if %cond3A_1329 {
      %dma_wait3A_1335 = arith.constant 6272 : i32
      %dma_wait3A_1336 = tpu.memref_slice %arg9[%dma_wait3A_1335] : memref<6400xi32, #tpu.memory_space<vmem>> -> memref<128xi32, #tpu.memory_space<vmem>>
      %dma_wait3A_1337 = arith.constant 0 : i32
      %dma_wait3A_1338 = arith.constant 0 : i32
      %dma_wait3A_1339 = tpu.memref_slice %arg3[%dma_wait3A_1337, %dma_wait3A_1338] : memref<100000x128xf32, #tpu.memory_space<hbm>> -> memref<100000x128xf32, #tpu.memory_space<hbm>>
      tpu.wait_indirect_dma semaphore(%arg18 : memref<!tpu.dma_semaphore, #tpu.memory_space<semaphore_mem>>) src(%dma_wait3A_1339 : memref<100000x128xf32, #tpu.memory_space<hbm>>) dst(%arg12 : memref<128x128xf32, #tpu.memory_space<vmem>>)
    } else {
    }
    %min3A_1330 = arith.constant 6400 : i32
    %min3A_1331 = arith.minsi %min3A_1330, %scan3A_11 : i32
    %while3A_1332:2 = scf.while (%while3A_1335 = %while3A#0, %while3A_1336 = %while3A#1) : (i32, i32) -> (i32, i32) {
      %lt3A = arith.cmpi slt, %while3A_1336, %min3A_1331 : i32
      scf.condition(%lt3A) %while3A_1335, %while3A_1336 : i32, i32
    } do {
    ^bb0(%while3A_1335: i32, %while3A_1336: i32):
      %add3A_1337 = arith.constant 1 : i32
      %add3A_1338 = arith.addi %while3A_1335, %add3A_1337 : i32
      %broadcast_in_dim3A_1339 = vector.broadcast %add3A_1338 : i32 to vector<16xi32>
      %gather3A = tpu.vector_load_idx %arg10[%broadcast_in_dim3A_1339] : memref<144xi32, #tpu.memory_space<vmem>>[vector<16xi32>], vector<16xi32>,
      %eq3A = arith.constant 0 : i32
      %eq3A_1340 = vector.broadcast %eq3A : i32 to vector<16xi32>
      %eq3A_1341 = arith.cmpi eq, %iota3A, %eq3A_1340 : vector<16xi32>
      %jit3A = arith.constant 0 : i32
      %broadcast_in_dim3A_1342 = vector.broadcast %jit3A : i32 to vector<16xi32>
      %select_n3A = arith.select %eq3A_1341, %gather3A, %broadcast_in_dim3A_1342 : vector<16xi1>, vector<16xi32>
      %reduce_sum3A_1343 = arith.constant true
      %reduce_sum3A_1344 = vector.broadcast %reduce_sum3A_1343 : i1 to vector<16xi1>
      %reduce_sum3A_1345 = tpu.scan <sum>, %select_n3A masked %reduce_sum3A_1344 : vector<16xi32>, vector<16xi1> -> vector<16xi32>
      %reduce_sum3A_1346 = vector.extract %reduce_sum3A_1345[15] : i32 from vector<16xi32>
      %min3A_1347 = arith.minsi %reduce_sum3A_1346, %min3A_1331 : i32
      %sub3A_1348 = arith.constant 6272 : i32
      %sub3A_1349 = arith.subi %while3A_1336, %sub3A_1348 : i32
      %sub3A_1350 = arith.subi %min3A_1347, %while3A_1336 : i32
      %while3A_1351 = arith.constant 0 : i32
      %while3A_1352 = arith.subi %sub3A_1350, %while3A_1351 : i32
      %while3A_1353 = arith.addi %while3A_1351, %while3A_1352 : i32
      %while3A_1354 = arith.constant 1 : i32
      %while3A_1355 = arith.divsi %while3A_1352, %while3A_1354 : i32
      %while3A_1356 = arith.muli %while3A_1355, %while3A_1354 : i32
      %while3A_1357 = arith.addi %while3A_1351, %while3A_1356 : i32
      %while3A_1358 = arith.constant 1 : i32
      %while3A_1359:8 = scf.for %while3A_1421 = %while3A_1351 to %while3A_1357 step %while3A_1358 iter_args(%while3A_1422 = %broadcast_in_dim3A_1296, %while3A_1423 = %broadcast_in_dim3A_1298, %while3A_1424 = %broadcast_in_dim3A_1300, %while3A_1425 = %broadcast_in_dim3A_1302, %while3A_1426 = %broadcast_in_dim3A_1304, %while3A_1427 = %broadcast_in_dim3A_1306, %while3A_1428 = %broadcast_in_dim3A_1308, %while3A_1429 = %broadcast_in_dim3A_1310) -> (vector<16xf32>, vector<16xf32>, vector<16xf32>, vector<16xf32>, vector<16xf32>, vector<16xf32>, vector<16xf32>, vector<16xf32>)  : i32 {
        %add3A_1430 = arith.addi %sub3A_1349, %while3A_1421 : i32
        %get3A_1431 = arith.index_cast %add3A_1430 : i32 to index
        %get3A_1432 = arith.constant 0 : index
        %get3A_1433 = tpu.vector_load %arg12[%get3A_1431, %get3A_1432] {strides = array<i32>} : memref<128x128xf32, #tpu.memory_space<vmem>>, vector<16xf32>,
        %add3A_1434 = arith.addf %while3A_1422, %get3A_1433 : vector<16xf32>
        %add3A_1435 = arith.addi %sub3A_1349, %while3A_1421 : i32
        %get3A_1436 = arith.index_cast %add3A_1435 : i32 to index
        %get3A_1437 = arith.constant 16 : index
        %get3A_1438 = tpu.vector_load %arg12[%get3A_1436, %get3A_1437] {strides = array<i32>} : memref<128x128xf32, #tpu.memory_space<vmem>>, vector<16xf32>,
        %add3A_1439 = arith.addf %while3A_1423, %get3A_1438 : vector<16xf32>
        %add3A_1440 = arith.addi %sub3A_1349, %while3A_1421 : i32
        %get3A_1441 = arith.index_cast %add3A_1440 : i32 to index
        %get3A_1442 = arith.constant 32 : index
        %get3A_1443 = tpu.vector_load %arg12[%get3A_1441, %get3A_1442] {strides = array<i32>} : memref<128x128xf32, #tpu.memory_space<vmem>>, vector<16xf32>,
        %add3A_1444 = arith.addf %while3A_1424, %get3A_1443 : vector<16xf32>
        %add3A_1445 = arith.addi %sub3A_1349, %while3A_1421 : i32
        %get3A_1446 = arith.index_cast %add3A_1445 : i32 to index
        %get3A_1447 = arith.constant 48 : index
        %get3A_1448 = tpu.vector_load %arg12[%get3A_1446, %get3A_1447] {strides = array<i32>} : memref<128x128xf32, #tpu.memory_space<vmem>>, vector<16xf32>,
        %add3A_1449 = arith.addf %while3A_1425, %get3A_1448 : vector<16xf32>
        %add3A_1450 = arith.addi %sub3A_1349, %while3A_1421 : i32
        %get3A_1451 = arith.index_cast %add3A_1450 : i32 to index
        %get3A_1452 = arith.constant 64 : index
        %get3A_1453 = tpu.vector_load %arg12[%get3A_1451, %get3A_1452] {strides = array<i32>} : memref<128x128xf32, #tpu.memory_space<vmem>>, vector<16xf32>,
        %add3A_1454 = arith.addf %while3A_1426, %get3A_1453 : vector<16xf32>
        %add3A_1455 = arith.addi %sub3A_1349, %while3A_1421 : i32
        %get3A_1456 = arith.index_cast %add3A_1455 : i32 to index
        %get3A_1457 = arith.constant 80 : index
        %get3A_1458 = tpu.vector_load %arg12[%get3A_1456, %get3A_1457] {strides = array<i32>} : memref<128x128xf32, #tpu.memory_space<vmem>>, vector<16xf32>,
        %add3A_1459 = arith.addf %while3A_1427, %get3A_1458 : vector<16xf32>
        %add3A_1460 = arith.addi %sub3A_1349, %while3A_1421 : i32
        %get3A_1461 = arith.index_cast %add3A_1460 : i32 to index
        %get3A_1462 = arith.constant 96 : index
        %get3A_1463 = tpu.vector_load %arg12[%get3A_1461, %get3A_1462] {strides = array<i32>} : memref<128x128xf32, #tpu.memory_space<vmem>>, vector<16xf32>,
        %add3A_1464 = arith.addf %while3A_1428, %get3A_1463 : vector<16xf32>
        %add3A_1465 = arith.addi %sub3A_1349, %while3A_1421 : i32
        %get3A_1466 = arith.index_cast %add3A_1465 : i32 to index
        %get3A_1467 = arith.constant 112 : index
        %get3A_1468 = tpu.vector_load %arg12[%get3A_1466, %get3A_1467] {strides = array<i32>} : memref<128x128xf32, #tpu.memory_space<vmem>>, vector<16xf32>,
        %add3A_1469 = arith.addf %while3A_1429, %get3A_1468 : vector<16xf32>
        scf.yield %add3A_1434, %add3A_1439, %add3A_1444, %add3A_1449, %add3A_1454, %add3A_1459, %add3A_1464, %add3A_1469 : vector<16xf32>, vector<16xf32>, vector<16xf32>, vector<16xf32>, vector<16xf32>, vector<16xf32>, vector<16xf32>, vector<16xf32>
      }
      %while3A_1360 = arith.constant 1 : i32
      %while3A_1361:8 = scf.for %while3A_1421 = %while3A_1357 to %while3A_1353 step %while3A_1360 iter_args(%while3A_1422 = %while3A_1359#0, %while3A_1423 = %while3A_1359#1, %while3A_1424 = %while3A_1359#2, %while3A_1425 = %while3A_1359#3, %while3A_1426 = %while3A_1359#4, %while3A_1427 = %while3A_1359#5, %while3A_1428 = %while3A_1359#6, %while3A_1429 = %while3A_1359#7) -> (vector<16xf32>, vector<16xf32>, vector<16xf32>, vector<16xf32>, vector<16xf32>, vector<16xf32>, vector<16xf32>, vector<16xf32>)  : i32 {
        %add3A_1430 = arith.addi %sub3A_1349, %while3A_1421 : i32
        %get3A_1431 = arith.index_cast %add3A_1430 : i32 to index
        %get3A_1432 = arith.constant 0 : index
        %get3A_1433 = tpu.vector_load %arg12[%get3A_1431, %get3A_1432] {strides = array<i32>} : memref<128x128xf32, #tpu.memory_space<vmem>>, vector<16xf32>,
        %add3A_1434 = arith.addf %while3A_1422, %get3A_1433 : vector<16xf32>
        %add3A_1435 = arith.addi %sub3A_1349, %while3A_1421 : i32
        %get3A_1436 = arith.index_cast %add3A_1435 : i32 to index
        %get3A_1437 = arith.constant 16 : index
        %get3A_1438 = tpu.vector_load %arg12[%get3A_1436, %get3A_1437] {strides = array<i32>} : memref<128x128xf32, #tpu.memory_space<vmem>>, vector<16xf32>,
        %add3A_1439 = arith.addf %while3A_1423, %get3A_1438 : vector<16xf32>
        %add3A_1440 = arith.addi %sub3A_1349, %while3A_1421 : i32
        %get3A_1441 = arith.index_cast %add3A_1440 : i32 to index
        %get3A_1442 = arith.constant 32 : index
        %get3A_1443 = tpu.vector_load %arg12[%get3A_1441, %get3A_1442] {strides = array<i32>} : memref<128x128xf32, #tpu.memory_space<vmem>>, vector<16xf32>,
        %add3A_1444 = arith.addf %while3A_1424, %get3A_1443 : vector<16xf32>
        %add3A_1445 = arith.addi %sub3A_1349, %while3A_1421 : i32
        %get3A_1446 = arith.index_cast %add3A_1445 : i32 to index
        %get3A_1447 = arith.constant 48 : index
        %get3A_1448 = tpu.vector_load %arg12[%get3A_1446, %get3A_1447] {strides = array<i32>} : memref<128x128xf32, #tpu.memory_space<vmem>>, vector<16xf32>,
        %add3A_1449 = arith.addf %while3A_1425, %get3A_1448 : vector<16xf32>
        %add3A_1450 = arith.addi %sub3A_1349, %while3A_1421 : i32
        %get3A_1451 = arith.index_cast %add3A_1450 : i32 to index
        %get3A_1452 = arith.constant 64 : index
        %get3A_1453 = tpu.vector_load %arg12[%get3A_1451, %get3A_1452] {strides = array<i32>} : memref<128x128xf32, #tpu.memory_space<vmem>>, vector<16xf32>,
        %add3A_1454 = arith.addf %while3A_1426, %get3A_1453 : vector<16xf32>
        %add3A_1455 = arith.addi %sub3A_1349, %while3A_1421 : i32
        %get3A_1456 = arith.index_cast %add3A_1455 : i32 to index
        %get3A_1457 = arith.constant 80 : index
        %get3A_1458 = tpu.vector_load %arg12[%get3A_1456, %get3A_1457] {strides = array<i32>} : memref<128x128xf32, #tpu.memory_space<vmem>>, vector<16xf32>,
        %add3A_1459 = arith.addf %while3A_1427, %get3A_1458 : vector<16xf32>
        %add3A_1460 = arith.addi %sub3A_1349, %while3A_1421 : i32
        %get3A_1461 = arith.index_cast %add3A_1460 : i32 to index
        %get3A_1462 = arith.constant 96 : index
        %get3A_1463 = tpu.vector_load %arg12[%get3A_1461, %get3A_1462] {strides = array<i32>} : memref<128x128xf32, #tpu.memory_space<vmem>>, vector<16xf32>,
        %add3A_1464 = arith.addf %while3A_1428, %get3A_1463 : vector<16xf32>
        %add3A_1465 = arith.addi %sub3A_1349, %while3A_1421 : i32
        %get3A_1466 = arith.index_cast %add3A_1465 : i32 to index
        %get3A_1467 = arith.constant 112 : index
        %get3A_1468 = tpu.vector_load %arg12[%get3A_1466, %get3A_1467] {strides = array<i32>} : memref<128x128xf32, #tpu.memory_space<vmem>>, vector<16xf32>,
        %add3A_1469 = arith.addf %while3A_1429, %get3A_1468 : vector<16xf32>
        scf.yield %add3A_1434, %add3A_1439, %add3A_1444, %add3A_1449, %add3A_1454, %add3A_1459, %add3A_1464, %add3A_1469 : vector<16xf32>, vector<16xf32>, vector<16xf32>, vector<16xf32>, vector<16xf32>, vector<16xf32>, vector<16xf32>, vector<16xf32>
      }
      %get3A = arith.index_cast %while3A_1335 : i32 to index
      %get3A_1362 = arith.constant 0 : index
      %get3A_1363 = tpu.vector_load %arg15[%get3A, %get3A_1362] {strides = array<i32>} : memref<128x128xf32, #tpu.memory_space<vmem>>, vector<16xf32>,
      %add3A_1364 = arith.addf %get3A_1363, %while3A_1361#0 : vector<16xf32>
      %swap3A_1365 = arith.index_cast %while3A_1335 : i32 to index
      %swap3A_1366 = arith.constant 0 : index
      %swap3A_1367 = tpu.vector_load %arg15[%swap3A_1365, %swap3A_1366] {strides = array<i32>} : memref<128x128xf32, #tpu.memory_space<vmem>>, vector<16xf32>,
      tpu.vector_store %arg15[%swap3A_1365, %swap3A_1366], %add3A_1364 {strides = array<i32>} : memref<128x128xf32, #tpu.memory_space<vmem>>, vector<16xf32>,
      %get3A_1368 = arith.index_cast %while3A_1335 : i32 to index
      %get3A_1369 = arith.constant 16 : index
      %get3A_1370 = tpu.vector_load %arg15[%get3A_1368, %get3A_1369] {strides = array<i32>} : memref<128x128xf32, #tpu.memory_space<vmem>>, vector<16xf32>,
      %add3A_1371 = arith.addf %get3A_1370, %while3A_1361#1 : vector<16xf32>
      %swap3A_1372 = arith.index_cast %while3A_1335 : i32 to index
      %swap3A_1373 = arith.constant 16 : index
      %swap3A_1374 = tpu.vector_load %arg15[%swap3A_1372, %swap3A_1373] {strides = array<i32>} : memref<128x128xf32, #tpu.memory_space<vmem>>, vector<16xf32>,
      tpu.vector_store %arg15[%swap3A_1372, %swap3A_1373], %add3A_1371 {strides = array<i32>} : memref<128x128xf32, #tpu.memory_space<vmem>>, vector<16xf32>,
      %get3A_1375 = arith.index_cast %while3A_1335 : i32 to index
      %get3A_1376 = arith.constant 32 : index
      %get3A_1377 = tpu.vector_load %arg15[%get3A_1375, %get3A_1376] {strides = array<i32>} : memref<128x128xf32, #tpu.memory_space<vmem>>, vector<16xf32>,
      %add3A_1378 = arith.addf %get3A_1377, %while3A_1361#2 : vector<16xf32>
      %swap3A_1379 = arith.index_cast %while3A_1335 : i32 to index
      %swap3A_1380 = arith.constant 32 : index
      %swap3A_1381 = tpu.vector_load %arg15[%swap3A_1379, %swap3A_1380] {strides = array<i32>} : memref<128x128xf32, #tpu.memory_space<vmem>>, vector<16xf32>,
      tpu.vector_store %arg15[%swap3A_1379, %swap3A_1380], %add3A_1378 {strides = array<i32>} : memref<128x128xf32, #tpu.memory_space<vmem>>, vector<16xf32>,
      %get3A_1382 = arith.index_cast %while3A_1335 : i32 to index
      %get3A_1383 = arith.constant 48 : index
      %get3A_1384 = tpu.vector_load %arg15[%get3A_1382, %get3A_1383] {strides = array<i32>} : memref<128x128xf32, #tpu.memory_space<vmem>>, vector<16xf32>,
      %add3A_1385 = arith.addf %get3A_1384, %while3A_1361#3 : vector<16xf32>
      %swap3A_1386 = arith.index_cast %while3A_1335 : i32 to index
      %swap3A_1387 = arith.constant 48 : index
      %swap3A_1388 = tpu.vector_load %arg15[%swap3A_1386, %swap3A_1387] {strides = array<i32>} : memref<128x128xf32, #tpu.memory_space<vmem>>, vector<16xf32>,
      tpu.vector_store %arg15[%swap3A_1386, %swap3A_1387], %add3A_1385 {strides = array<i32>} : memref<128x128xf32, #tpu.memory_space<vmem>>, vector<16xf32>,
      %get3A_1389 = arith.index_cast %while3A_1335 : i32 to index
      %get3A_1390 = arith.constant 64 : index
      %get3A_1391 = tpu.vector_load %arg15[%get3A_1389, %get3A_1390] {strides = array<i32>} : memref<128x128xf32, #tpu.memory_space<vmem>>, vector<16xf32>,
      %add3A_1392 = arith.addf %get3A_1391, %while3A_1361#4 : vector<16xf32>
      %swap3A_1393 = arith.index_cast %while3A_1335 : i32 to index
      %swap3A_1394 = arith.constant 64 : index
      %swap3A_1395 = tpu.vector_load %arg15[%swap3A_1393, %swap3A_1394] {strides = array<i32>} : memref<128x128xf32, #tpu.memory_space<vmem>>, vector<16xf32>,
      tpu.vector_store %arg15[%swap3A_1393, %swap3A_1394], %add3A_1392 {strides = array<i32>} : memref<128x128xf32, #tpu.memory_space<vmem>>, vector<16xf32>,
      %get3A_1396 = arith.index_cast %while3A_1335 : i32 to index
      %get3A_1397 = arith.constant 80 : index
      %get3A_1398 = tpu.vector_load %arg15[%get3A_1396, %get3A_1397] {strides = array<i32>} : memref<128x128xf32, #tpu.memory_space<vmem>>, vector<16xf32>,
      %add3A_1399 = arith.addf %get3A_1398, %while3A_1361#5 : vector<16xf32>
      %swap3A_1400 = arith.index_cast %while3A_1335 : i32 to index
      %swap3A_1401 = arith.constant 80 : index
      %swap3A_1402 = tpu.vector_load %arg15[%swap3A_1400, %swap3A_1401] {strides = array<i32>} : memref<128x128xf32, #tpu.memory_space<vmem>>, vector<16xf32>,
      tpu.vector_store %arg15[%swap3A_1400, %swap3A_1401], %add3A_1399 {strides = array<i32>} : memref<128x128xf32, #tpu.memory_space<vmem>>, vector<16xf32>,
      %get3A_1403 = arith.index_cast %while3A_1335 : i32 to index
      %get3A_1404 = arith.constant 96 : index
      %get3A_1405 = tpu.vector_load %arg15[%get3A_1403, %get3A_1404] {strides = array<i32>} : memref<128x128xf32, #tpu.memory_space<vmem>>, vector<16xf32>,
      %add3A_1406 = arith.addf %get3A_1405, %while3A_1361#6 : vector<16xf32>
      %swap3A_1407 = arith.index_cast %while3A_1335 : i32 to index
      %swap3A_1408 = arith.constant 96 : index
      %swap3A_1409 = tpu.vector_load %arg15[%swap3A_1407, %swap3A_1408] {strides = array<i32>} : memref<128x128xf32, #tpu.memory_space<vmem>>, vector<16xf32>,
      tpu.vector_store %arg15[%swap3A_1407, %swap3A_1408], %add3A_1406 {strides = array<i32>} : memref<128x128xf32, #tpu.memory_space<vmem>>, vector<16xf32>,
      %get3A_1410 = arith.index_cast %while3A_1335 : i32 to index
      %get3A_1411 = arith.constant 112 : index
      %get3A_1412 = tpu.vector_load %arg15[%get3A_1410, %get3A_1411] {strides = array<i32>} : memref<128x128xf32, #tpu.memory_space<vmem>>, vector<16xf32>,
      %add3A_1413 = arith.addf %get3A_1412, %while3A_1361#7 : vector<16xf32>
      %swap3A_1414 = arith.index_cast %while3A_1335 : i32 to index
      %swap3A_1415 = arith.constant 112 : index
      %swap3A_1416 = tpu.vector_load %arg15[%swap3A_1414, %swap3A_1415] {strides = array<i32>} : memref<128x128xf32, #tpu.memory_space<vmem>>, vector<16xf32>,
      tpu.vector_store %arg15[%swap3A_1414, %swap3A_1415], %add3A_1413 {strides = array<i32>} : memref<128x128xf32, #tpu.memory_space<vmem>>, vector<16xf32>,
      %eq3A_1417 = arith.cmpi eq, %min3A_1347, %reduce_sum3A_1346 : i32
      %add3A_1418 = arith.constant 1 : i32
      %add3A_1419 = arith.addi %while3A_1335, %add3A_1418 : i32
      %select_n3A_1420 = arith.select %eq3A_1417, %add3A_1419, %while3A_1335 : i32
      scf.yield %select_n3A_1420, %min3A_1347 : i32, i32
    }
    %mul3A_1333 = arith.constant 128 : i32
    %mul3A_1334 = arith.muli %add3A, %mul3A_1333 : i32
    "tpu.region"() ({
      %run_scoped3A = tpu.sem_alloc : memref<!tpu.dma_semaphore, #tpu.memory_space<semaphore_mem>>
      %dma_start3A_1335 = arith.constant 0 : i32
      %dma_start3A_1336 = tpu.memref_slice %arg4[%mul3A_1334, %dma_start3A_1335] : memref<4096x128xf32, #tpu.memory_space<hbm>> -> memref<128x128xf32, #tpu.memory_space<hbm>>
      %dma_start3A_1337 = arith.constant 0 : i32
      %dma_start3A_1338 = tpu.memref_slice %arg4[%mul3A_1334, %dma_start3A_1337] : memref<4096x128xf32, #tpu.memory_space<hbm>> -> memref<128x128xf32, #tpu.memory_space<hbm>>
      tpu.enqueue_dma source(%arg15 : memref<128x128xf32, #tpu.memory_space<vmem>>) target(%dma_start3A_1338 : memref<128x128xf32, #tpu.memory_space<hbm>>) target_semaphore(%run_scoped3A : memref<!tpu.dma_semaphore, #tpu.memory_space<semaphore_mem>>)
      %dma_wait3A_1339 = arith.constant 0 : i32
      %dma_wait3A_1340 = tpu.memref_slice %arg4[%mul3A_1334, %dma_wait3A_1339] : memref<4096x128xf32, #tpu.memory_space<hbm>> -> memref<128x128xf32, #tpu.memory_space<hbm>>
      %dma_wait3A_1341 = arith.constant 0 : i32
      %dma_wait3A_1342 = tpu.memref_slice %arg4[%mul3A_1334, %dma_wait3A_1341] : memref<4096x128xf32, #tpu.memory_space<hbm>> -> memref<128x128xf32, #tpu.memory_space<hbm>>
      tpu.wait_dma2 semaphore(%run_scoped3A : memref<!tpu.dma_semaphore, #tpu.memory_space<semaphore_mem>>) src(%arg15 : memref<128x128xf32, #tpu.memory_space<vmem>>) dst(%dma_wait3A_1342 : memref<128x128xf32, #tpu.memory_space<hbm>>)
      tpu.yield
    }) : () -> ()
    return
  }
}

</mosaic_0001>

<sc_bundles>
// kernel: _sc_gather_hist.3.cloned.1.call-start
scs
__scs_entry_jumppad:
0x0: {  	(pc) =	sbr.rel $0x88, $3  }
0x1: {  	(tag) =	ssettag $0x0;
	lr =	simm.s32 $0x1  }
0x2: {  	[smem:$0x3F9F] =	sst lr;
	_ =	strace $0xD0000000  }
0x3: {  	_ = 	snop  }
0x4: {  	_ = 	snop  }
0x5: {  	_ = 	snop  }
0x6: {  	_ = 	snop  }
0x7: {  	_ = 	snop  }
__scs_overlays_trampoline_lowered:
0x8: {  	[smem:$0x3FAE] =	sst s0  }
0x9: {  	[smem:$0x3FAF] =	sst s1  }
0xa: {  	[smem:$0x3FB0] =	sst s2  }
0xb: {  	[smem:$0x3FB1] =	sst s3  }
0xc: {  	[smem:$0x3FB2] =	sst s4  }
0xd: {  	[smem:$0x3FB3] =	sst s5  }
0xe: {  	[smem:$0x3FB4] =	sst s6  }
0xf: {  	[smem:$0x3FB5] =	sst s7  }
0x10: {  	[smem:$0x3FB6] =	sst s8  }
0x11: {  	[smem:$0x3FB7] =	sst s9;
	s0 =	simm.s32 @!p0 $0x0  }
0x12: {  	s1 =	sld [smem:$0x3F9D];
	s0 =	simm.s32 @p0 $0x1  }
0x13: {  	[smem:$0x3FB8] =	sst s0;
	s0 =	simm.s32 @!p1 $0x0  }
0x14: {  	s2 =	sld [smem:$0x3F9C];
	s0 =	simm.s32 @p1 $0x1  }
0x15: {  	[smem:$0x3FB9] =	sst s0;
	s0 =	simm.s32 @!p2 $0x0  }
0x16: {  	s3 =	sld [smem:$0x3FDB];
	s0 =	simm.s32 @p2 $0x1  }
0x17: {  	s4 =	simm.s32 $0x1BF5;
	[smem:$0x3FBB] =	sst s0  }
0x18: {  	s0 =	sld [smem:$0x3F9E];
	_ =	swait.ge [sflag:s4], $0x0  }
0x19: {  	s7 =	sld [smem:$0x3F9F]  }
0x1a: {  	s8 =	sadd.s32 $0xFFFFE003, lr  }
0x1b: {  	s9 =	sadd.s32 $0xFFFFFEF7, lr;
	s5 =	simm.s32 $0xFFFFFFFF;
	p2 =	slt.u32 s8, $0xFFFFF086  }
0x1c: {  	p1 =	slt.u32 s9, $0xF7A;
	s5 =	simm.s32 @!p2 $0x0  }
0x1d: {  	s5 =	simm.s32 @p1 $0x1;
	p0 =	seq.s32 s7, s2  }
0x1e: {  	s7 =	smul.u32 @!p0 $0xF7A, s2;
	p2 =	seq.s32 @!p0 s5, $0x0  }
0x1f: {  	s9 =	smul.u32 $0xF7A, s1;
	s8 =	simm.s32 @!p0 $0x1BF5;
	p2 =	por !p2, p0  }
0x20: {  	[sflag:s8] =	ssyncset.s32 @!p0 $0xFFFFF086;
	s6 =	sadd.s32 @!p0 s3, s7;
	s7 =	simm.s32 @!p0 $0x108  }
0x21: {  	s3 =	sadd.s32 s3, s9;
	s6 =	sadd.s32 @!p0 $0x88, s6;
	s7 =	simm.s32 @p2 $0x1082  }
0x22: {  	[simem:s7], [sflag:s8] =	dma.local @!p0 [hbm:s6], $0xF7A  }
0x23: {  	s9 =	sor.u32 $0xD0000000, s2;
	s6 =	simm.s32 $0x108;
	_ =	swait.ge @!p0 [sflag:s8], $0x0  }
0x24: {  	s3 =	sadd.s32 $0x88, s3;
	s6 =	simm.s32 @!p1 $0x1082;
	[sflag:s4] =	ssyncset.s32 $0xFFFFF086  }
0x25: {  	[simem:s6], [sflag:s4] =	dma.local [hbm:s3], $0xF7A  }
0x26: {  	[smem:$0x3F9F] =	sst s1;
	(tag) =	ssettag s2;
	_ =	strace s9  }
0x27: {  	s1 =	sld [smem:$0x3FAF]  }
0x28: {  	s2 =	sld [smem:$0x3FB0]  }
0x29: {  	s4 =	sld [smem:$0x3FB2]  }
0x2a: {  	p0 =	seq.s32 s5, $0x0;
	s5 =	sld [smem:$0x3FB3]  }
0x2b: {  	s6 =	sld [smem:$0x3FB4]  }
0x2c: {  	s7 =	sld [smem:$0x3FB5]  }
0x2d: {  	s3 =	simm.s32 $0x108;
	s8 =	sld [smem:$0x3FB6]  }
0x2e: {  	s3 =	simm.s32 @!p0 $0x1082;
	s9 =	sld [smem:$0x3FB7]  }
0x2f: {  	lr =	sadd.s32 s0, s3;
	s0 =	sld [smem:$0x3FAE]  }
0x30: {  	s3 =	sld [smem:$0x3FB1]  }
0x31: {  	[smem:$0x3FBA] =	sst s10  }
0x32: {  	s10 =	sld [smem:$0x3FB8];
	_ =	sdelay $0x3  }
0x33: {  	p0 =	seq.s32 s10, $0x1;
	s10 =	sld [smem:$0x3FBA];
	_ =	sdelay $0x3  }
0x34: {  	[smem:$0x3FBA] =	sst s10  }
0x35: {  	s10 =	sld [smem:$0x3FB9];
	_ =	sdelay $0x3  }
0x36: {  	p1 =	seq.s32 s10, $0x1;
	s10 =	sld [smem:$0x3FBA];
	_ =	sdelay $0x3  }
0x37: {  	[smem:$0x3FBA] =	sst s10  }
0x38: {  	s10 =	sld [smem:$0x3FBB]  }
0x39: {  	_ = 	snop;
	(pc) =	sbr.ind lr, $3  }
0x3a: {  	_ = 	snop  }
0x3b: {  	_ = 	snop  }
0x3c: {  	p2 =	seq.s32 s10, $0x1;
	s10 =	sld [smem:$0x3FBA]  }
0x3d: {  	_ =	shalt  }
0x3e: {  	_ =	shalt  }
0x3f: {  	_ =	shalt  }
0x40: {  	_ =	shalt  }
0x41: {  	_ =	shalt  }
0x42: {  	_ =	shalt  }
0x43: {  	_ =	shalt  }
0x44: {  	_ =	shalt  }
0x45: {  	_ =	shalt  }
0x46: {  	_ =	shalt  }
0x47: {  	_ =	shalt  }
0x48: {  	_ =	shalt  }
0x49: {  	_ =	shalt  }
0x4a: {  	_ =	shalt  }
0x4b: {  	_ =	shalt  }
0x4c: {  	_ =	shalt  }
0x4d: {  	_ =	shalt  }
0x4e: {  	_ =	shalt  }
0x4f: {  	_ =	shalt  }
0x50: {  	_ =	shalt  }
0x51: {  	_ =	shalt  }
0x52: {  	_ =	shalt  }
0x53: {  	_ =	shalt  }
0x54: {  	_ =	shalt  }
0x55: {  	_ =	shalt  }
0x56: {  	_ =	shalt  }
0x57: {  	_ =	shalt  }
0x58: {  	_ =	shalt  }
0x59: {  	_ =	shalt  }
0x5a: {  	_ =	shalt  }
0x5b: {  	_ =	shalt  }
0x5c: {  	_ =	shalt  }
0x5d: {  	_ =	shalt  }
0x5e: {  	_ =	shalt  }
0x5f: {  	_ =	shalt  }
0x60: {  	_ =	shalt  }
0x61: {  	_ =	shalt  }
0x62: {  	_ =	shalt  }
0x63: {  	_ =	shalt  }
0x64: {  	_ =	shalt  }
0x65: {  	_ =	shalt  }
0x66: {  	_ =	shalt  }
0x67: {  	_ =	shalt  }
0x68: {  	_ =	shalt  }
0x69: {  	_ =	shalt  }
0x6a: {  	_ =	shalt  }
0x6b: {  	_ =	shalt  }
0x6c: {  	_ =	shalt  }
0x6d: {  	_ =	shalt  }
0x6e: {  	_ =	shalt  }
0x6f: {  	_ =	shalt  }
0x70: {  	_ =	shalt  }
0x71: {  	_ =	shalt  }
0x72: {  	_ =	shalt  }
0x73: {  	_ =	shalt  }
0x74: {  	_ =	shalt  }
0x75: {  	_ =	shalt  }
0x76: {  	_ =	shalt  }
0x77: {  	_ =	shalt  }
0x78: {  	_ =	shalt  }
0x79: {  	_ =	shalt  }
0x7a: {  	_ =	shalt  }
0x7b: {  	_ =	shalt  }
0x7c: {  	_ =	shalt  }
0x7d: {  	_ =	shalt  }
0x7e: {  	_ =	shalt  }
0x7f: {  	_ =	shalt  }
0x80: {  	_ =	shalt  }
0x81: {  	_ =	shalt  }
0x82: {  	_ =	shalt  }
0x83: {  	_ =	shalt  }
0x84: {  	_ =	shalt  }
0x85: {  	_ =	shalt  }
0x86: {  	_ =	shalt  }
0x87: {  	_ =	shalt  }
.Lfunc_end0:
.L_simem_size_0:
called_computation_lowered:
.L_overlay_start_0:
0x88: {  	s2 =	sld [smem:$0x3FD9]  }
0x89: {  	s3 =	sld [smem:$0x3FFE];
	_ =	sdelay $0x1  }
0x8a: {  	s1 =	srdreg.scid  }
0x8b: {  	s0 =	sand.u32 $0x1, s1  }
0x8c: {  	s15 =	sshll.u32 s0, $0xA;
	s2 =	sadd.s32 s3, s2  }
0x8d: {  	s2 =	sadd.s32 s2, s15  }
0x8e: {  	[smem:$0x3FC6] =	sst s2  }
0x8f: {  	_ = 	snop  }
0x90: {  	s2 =	sld [smem:$0x3FD0];
	_ =	sdelay $0x1  }
0x91: {  	s16 =	sld [smem:$0x3FC9]  }
0x92: {  	s5 =	simm.s32 $0xA;
	s6 =	simm.s32 $0x10;
	s4 =	sld [smem:$0x3FC8]  }
0x93: {  	[smem:s6], [sflag:s5] =	dma.local [hbm:s2], $0x1  }
0x94: {  	_ =	swait.eq [sflag:s5], $0x1  }
0x95: {  	[sflag:s5] =	ssyncset.done $0x0  }
0x96: {  	s17 =	sld [smem:$0x10];
	[sflag:s5] =	ssyncadd.s32 $0xFFFFFFFF  }
0x97: {  	s18 =	sld [smem:$0x11];
	(tm) =	ssettm $0x1  }
0x98: {  	s19 =	sld [smem:$0x3FFB];
	_ =	sdelay $0x3  }
0x99: {  	_ =	strace s19  }
0x9a: {  	s6 =	sld [smem:$0x3FFC];
	_ =	sdelay $0x3  }
0x9b: {  	_ =	strace s6  }
0x9c: {  	s6 =	sld [smem:$0x3FFD];
	_ =	sdelay $0x3  }
0x9d: {  	_ =	strace s6  }
0x9e: {  	_ =	strace $0x8FFFFFFF  }
0x9f: {  	s20 =	sld [smem:$0x3FDB];
	_ =	sdelay $0x1  }
0xa0: {  	s7 =	simm.s32 $_scs_section_size  }
0xa1: {  	s8 =	simm.s32 $_size__tile_overlayer_lowered;
	s9 =	simm.s32 $_tile_overlayer_lowered  }
0xa2: {  	s23 =	simm.s32 $0x1BFF;
	s22 =	sshll.u32 s9, $0x1;
	s6 =	sadd.s32 s7, s20  }
0xa3: {  	s10 =	simm.s32 $0x0;
	s21 =	sshll.u32 s8, $0x1;
	s8 =	sadd.s32 s22, s6  }
0xa4: {  	[timem:s10], [sflag:s23] =	dma.local [hbm:s8], s21  }
0xa5: {  	_ =	swait.ge [sflag:s23], s21  }
0xa6: {  	s7 =	ssub.s32 $0x0, s21;
	[sflag:s23] =	ssyncset.done $0x0  }
0xa7: {  	[sflag:s23] =	ssyncadd.s32 s7;
	_ =	sdelay $0x1  }
0xa8: {  	s24 =	simm.s32 $0x1B8B  }
0xa9: {  	_ =	swait.ge [sflag:s24], $0x1  }
0xaa: {  	[sflag:s24] =	ssyncset.done $0x0  }
0xab: {  	s25 =	simm.s32 $0x1B8E;
	[sflag:s24] =	ssyncadd.s32 $0xFFFFFFFF  }
0xac: {  	s26 =	simm.s32 $execute0_lowered;
	[smem:$0x3FD2] =	sst s25  }
0xad: {  	s7 =	sshll.u32 s26, $0x1;
	_ =	strace $0x80000046;
	[dreg:$0x1] =	wrdreg $0xFFFFFFFF  }
0xae: {  	s28 =	simm.s32 $_size_execute0_lowered;
	s6 =	sadd.s32 s6, s7;
	[dreg:$0x0] =	wrdreg $0x0  }
0xaf: {  	s7 =	sshll.u32 s28, $0x1;
	[dreg:$0x2] =	wrdreg s6  }
0xb0: {  	[dreg:$0x3] =	wrdreg s7  }
0xb1: {  	[dreg:$0x4] =	wrdreg $0xC0  }
0xb2: {  	_ =	task [dreg:s10], $0x5FFFF  }
0xb3: {  	[dreg:$0x1] =	wrdreg $0xFFFFFFFF  }
0xb4: {  	[dreg:$0x0] =	wrdreg $0x60  }
0xb5: {  	[dreg:$0x2] =	wrdreg s16  }
0xb6: {  	[dreg:$0x3] =	wrdreg s4  }
0xb7: {  	[dreg:$0x4] =	wrdreg s17  }
0xb8: {  	[dreg:$0x5] =	wrdreg s18  }
0xb9: {  	[dreg:$0x6] =	wrdreg $0x9  }
0xba: {  	_ =	task.clear_ibuf [dreg:s10], $0x7FFFF;
	_ =	strace $0x90000046  }
0xbb: {  	s29 =	simm.s32 $0x9;
	_ =	strace $0x80000048  }
0xbc: {  	_ =	swait.ge [sflag:s29], $0x1  }
0xbd: {  	[sflag:s29] =	ssyncadd.s32 $0xFFFFFFFF  }
0xbe: {  	_ =	strace $0x90000048  }
0xbf: {  	_ =	sfence  }
0xc0: {  	s30 =	sld [smem:$0x0];
	_ =	sdelay $0x2  }
0xc1: {  	s31 =	sshll.u32 s1, $0xD;
	s1 =	sshrl.u32 s1, $0x2  }
0xc2: {  	s3 =	sand.u32 $0x4000, s31;
	s1 =	sadd.s32 s1, s30  }
0xc3: {  	s0 =	sor.u32 s3, s0;
	s1 =	sshll.u32 s1, $0x11  }
0xc4: {  	s0 =	sor.u32 s1, s0  }
0xc5: {  	s0 =	sadd.s32 $0x8F2B, s0  }
0xc6: {  	[sflag:s0] =	ssyncadd.remote.s32 $0x1  }
0xc7: {  	_ =	sfence.sel $0xFFFF  }
0xc8: {  	[dreg:$0x0] =	wrdreg $0xFFFFFFFF;
	(pc) =	sbr.abs _section_cstart, $3  }
0xc9: {  	[dreg:$0x1] =	wrdreg $0xFFFFFFFF  }
0xca: {  	_ =	task.clear_ibuf [dreg:s10], $0x2FFFF;
	_ =	strace $0x9FFFFFFF  }
0xcb: {  	(tm) =	ssettm $0x7FFFFFFF  }
tec
execute0_lowered:
.L_overlay_start_1:
0x0: {  	(tag) =	ssettag $0x1  }
0x1: {  	s0 =	rddreg [dreg:$0x0]  }
0x2: {  	s1 =	rddreg [dreg:$0x1]  }
0x3: {  	s3 =	srdreg.scid;
	s6 =	stileid.u32  }
0x4: {  	s2 =	rddreg [dreg:$0x2];
	s5 =	sand.u32 $0x1, s3;
	s6 =	sshll.u32 s6, $0x1  }
0x5: {  	s4 =	rddreg [dreg:$0x3];
	s6 =	sor.u32 s5, s6  }
0x6: {  	s3 =	simm.s32 $0x0;
	s7 =	smul.u32 $0x1900, s6;
	s6 =	sshll.u32 s6, $0xB  }
0x7: {  	[smem:$0x7FF] =	sst s3;
	s11 =	sadd.s32 s2, s6  }
0x8: {  	_ =	strace $0x80000047;
	s4 =	sadd.s32 s4, s6;
	[dreg:$0x18] =	wrdreg s11  }
0x9: {  	s18 =	sadd.s32 $0x10000, s4;
	[dreg:$0x6] =	wrdreg s4  }
0xa: {  	s19 =	sadd.s32 $0x20000, s4;
	[dreg:$0x9] =	wrdreg s18  }
0xb: {  	s20 =	sadd.s32 $0x30000, s4;
	[dreg:$0xa] =	wrdreg s19  }
0xc: {  	s21 =	sadd.s32 $0x100, s4;
	[dreg:$0xb] =	wrdreg s20  }
0xd: {  	s22 =	sadd.s32 $0x10100, s4;
	[dreg:$0xc] =	wrdreg s21  }
0xe: {  	s23 =	sadd.s32 $0x20100, s4;
	[dreg:$0xd] =	wrdreg s22  }
0xf: {  	s24 =	sadd.s32 $0x30100, s4;
	[dreg:$0xe] =	wrdreg s23  }
0x10: {  	s25 =	sadd.s32 $0x200, s4;
	[dreg:$0xf] =	wrdreg s24  }
0x11: {  	s26 =	sadd.s32 $0x10200, s4;
	[dreg:$0x10] =	wrdreg s25  }
0x12: {  	s5 =	ssub.s32 $0x2, s5;
	s30 =	sadd.s32 $0x20200, s4;
	[dreg:$0x11] =	wrdreg s26  }
0x13: {  	s8 =	sshrl.u32 s5, $0x1;
	s31 =	sadd.s32 $0x30200, s4;
	[dreg:$0x12] =	wrdreg s30  }
0x14: {  	s5 =	ssub.s32 s5, s8;
	s8 =	sadd.s32 $0x10300, s4;
	[dreg:$0x13] =	wrdreg s31  }
0x15: {  	s9 =	sadd.s32 $0x20300, s4;
	[dreg:$0x15] =	wrdreg s8  }
0x16: {  	s10 =	sadd.s32 $0x30300, s4;
	[dreg:$0x16] =	wrdreg s9  }
0x17: {  	s12 =	sadd.s32 $0x400, s4;
	[dreg:$0x17] =	wrdreg s10  }
0x18: {  	s13 =	smax.u32 s5, $0x1;
	[dreg:$0x19] =	wrdreg s12  }
0x19: {  	s14 =	sadd.s32 $0x10400, s4;
	[dreg:$0x1a] =	wrdreg s13  }
0x1a: {  	s15 =	sadd.s32 $0x20400, s4;
	[dreg:$0x1b] =	wrdreg s14  }
0x1b: {  	s16 =	sadd.s32 $0x30400, s4;
	[dreg:$0x1c] =	wrdreg s15  }
0x1c: {  	s7 =	sshrl.u32 s7, $0x3;
	s17 =	sadd.s32 $0x500, s4;
	[dreg:$0x1d] =	wrdreg s16  }
0x1d: {  	s0 =	sadd.s32 s0, s7;
	[dreg:$0x1e] =	wrdreg s17  }
0x1e: {  	s28 =	simm.s32 $0x6400;
	s18 =	sadd.s32 $0x10500, s4;
	[dreg:$0x5] =	wrdreg s0  }
0x1f: {  	s29 =	simm.s32 $0x0;
	s19 =	sadd.s32 $0x20500, s4;
	[dreg:$0x1f] =	wrdreg s18  }
0x20: {  	s11 =	simm.s32 $0x1BD00;
	s20 =	sadd.s32 $0x30500, s4;
	[smem:$0x7F4] =	sst s19  }
0x21: {  	s21 =	sadd.s32 $0x600, s4;
	s22 =	sadd.s32 $0x10600, s4;
	[smem:$0x7F5] =	sst s20  }
0x22: {  	s23 =	sadd.s32 $0x20600, s4;
	s24 =	sadd.s32 $0x30600, s4;
	[smem:$0x7F6] =	sst s21  }
0x23: {  	s25 =	sadd.s32 $0x700, s4;
	s26 =	sadd.s32 $0x10700, s4;
	[smem:$0x7F7] =	sst s22  }
0x24: {  	s30 =	sadd.s32 $0x20700, s4;
	s31 =	sadd.s32 $0x30700, s4;
	[smem:$0x7F8] =	sst s23  }
0x25: {  	s14 =	simm.s32 $0x6;
	s15 =	simm.s32 $0x1900;
	[smem:$0x7F9] =	sst s24  }
0x26: {  	s16 =	simm.s32 $0x4B00;
	s17 =	simm.s32 $0x3200;
	[smem:$0x7FA] =	sst s25  }
0x27: {  	v0 =	vlaneseq.u32;
	s9 =	simm.s32 $0x1AD00;
	s10 =	simm.s32 $0x1B500;
	[smem:$0x7FB] =	sst s26  }
.Ltmp0:
0x28: {  	v1 =	vmul.u32 $0x32, v0;
	s7 =	sadd.s32 $0x6400, s0;
	[smem:$0x7FC] =	sst s30;
	(pc) =	sbr.rel .LBB2_1-.Ltmp0, $4  }
0x29: {  	v2 =	vimm.s32 $0x0;
	v10 =	vimm.f32 $0.0e+00;
	s0 =	sadd.s32 $0xC800, s0;
	[smem:$0x7FD] =	sst s31;
	s18 =	simm.s32 $0x1A500  }
0x2a: {  	vm0 =	vmmov $0x1;
	v11 =	vmul.u32 $0x80, v0;
	v3 =	vadd.s32 $0x320, v1;
	s22 =	simm.s32 $0x1C500;
	s23 =	simm.s32 $0x1CD00;
	[dreg:$0x7] =	wrdreg s7  }
0x2b: {  	v4 =	vadd.s32 $0x640, v1;
	v5 =	vadd.s32 $0x960, v1;
	v6 =	vadd.s32 $0xC80, v1;
	s24 =	simm.s32 $0x1D500;
	[dreg:$0x8] =	wrdreg s0;
	s7 =	sadd.s32 $0x300, s4  }
0x2c: {  	v7 =	vadd.s32 $0xFA0, v1;
	v8 =	vadd.s32 $0x12C0, v1;
	v9 =	vadd.s32 $0x15E0, v1;
	s25 =	simm.s32 $0x1DD00;
	s26 =	simm.s32 $0x5;
	[dreg:$0x14] =	wrdreg s7  }
.LBB2_103:
0x2d: {  	s0 =	rddreg [dreg:$0x18];
	s2 =	simm.s32 $0x16500  }
0x2e: {  	[hbm4b:s0+s3] =	stream.linear.scatter [tilespmem:s2], [sflag:$0x6], $0x4000, $0x38;
	[tilespmem:$0x1E500] =	vst v63  }
0x2f: {  	_ =	swait.ge [sflag:s14], $0x4000  }
0x30: {  	s29 =	sadd.s32 $0x1, s29;
	s31 =	rddreg [dreg:$0x1a]  }
0x31: {  	p0 =	sne.s32 s29, s31  }
.Ltmp1:
0x32: {  	_ = 	snop;
	(pc) =	sbr.rel @!p0 .LBB2_104-.Ltmp1, $3  }
0x33: {  	_ =	sdelay $0x1  }
0x34: {  	[sflag:s14] =	ssyncset.done $0x0  }
0x35: {  	s10 =	simm.s32 $0x1B500;
	[sflag:s14] =	ssyncadd.s32 $0xFFFFC000  }
.LBB2_1:
0x36: {  	s0 =	rddreg [dreg:$0x5]  }
0x37: {  	[tilespmem:s3], [sflag:$0x6] =	stream.linear.gather [hbm4b:s0+s3], $0x1900, $0x38;
	[tilespmem:$0x1E500] =	vst v63  }
0x38: {  	_ =	swait.ge [sflag:s14], $0x1900  }
0x39: {  	[sflag:s14] =	ssyncset.done $0x0  }
0x3a: {  	s21 =	rddreg [dreg:$0x7];
	[sflag:s14] =	ssyncadd.s32 $0xFFFFE700  }
0x3b: {  	[tilespmem:s15], [sflag:$0x6] =	stream.linear.gather [hbm4b:s21+s3], $0x1900, $0x38;
	[tilespmem:$0x1E500] =	vst v63  }
0x3c: {  	_ =	swait.ge [sflag:s14], $0x1900  }
0x3d: {  	[sflag:s14] =	ssyncset.done $0x0  }
0x3e: {  	s30 =	rddreg [dreg:$0x8];
	[sflag:s14] =	ssyncadd.s32 $0xFFFFE700  }
0x3f: {  	[tilespmem:s17], [sflag:$0x6] =	stream.linear.gather [hbm4b:s30+s3], $0x1900, $0x38;
	[tilespmem:$0x1E500] =	vst v63  }
0x40: {  	_ =	swait.ge [sflag:s14], $0x1900  }
0x41: {  	[sflag:s14] =	ssyncset.done $0x0  }
0x42: {  	v12 =	vor.u32 s3, v0;
	[sflag:s14] =	ssyncadd.s32 $0xFFFFE700  }
0x43: {  	[tilespmem:s16+$0x0] =	vst v12  }
0x44: {  	v12 =	vld [tilespmem:s17+$0x0];
	_ =	sdelay $0x4  }
0x45: {  	vm1 =	vne.s32 v12, $0x0  }
0x46: {  	v12 =	vsel vm1, $0x1, v2  }
0x47: {  	(xrf0) =	vadd.scan.msk.s32 $0xffff, v12;
	_ =	sdelay $0x4  }
0x48: {  	v62 =	vsel vm1, $0xFFFFFFFF, v2  }
0x49: {  	v12 =	vadd.s32 s3, v62;
	v13, _, _ =	vpop (xrf0)  }
0x4a: {  	v63 =	vld [tilespmem:s3+$0x0];
	(v2sf) =	vpush v13, $0xF;
	v12 =	vadd.s32 v13, v12;
	_ =	sdelay $0x3  }
0x4b: {  	s31 =	simm.s32 $0x10  }
0x4c: {  	v14 =	vor.u32 s31, v0;
	s0 =	simm.s32 $0x4B10;
	[tilespmem:v12+s16+$0x0] =	vst.idx.msk vm1, v63  }
0x4d: {  	s2 =	simm.s32 $0x3210;
	[tilespmem:s0+$0x0] =	vst v14  }
0x4e: {  	v12 =	vld [tilespmem:s2+$0x0];
	_ =	sdelay $0x4  }
0x4f: {  	vm1 =	vne.s32 v12, $0x0  }
0x50: {  	v12 =	vsel vm1, $0x1, v2  }
0x51: {  	s4 =	simm.s32 $0x20;
	s6 =	simm.s32 $0x30;
	(xrf0) =	vadd.scan.msk.s32 $0xffff, v12  }
0x52: {  	s7 =	simm.s32 $0x0;
	s5 =	simm.s32 $0x0;
	s8 =	spop (v2sf)  }
.LBB2_2:
0x53: {  	p0 =	sne.s32 s6, $0x18F0;
	s7 =	sadd.s32 s7, s8;
	_ =	sdelay $0x2  }
0x54: {  	v12 =	vsel vm1, $0xFFFFFFFF, v2  }
0x55: {  	s5 =	sadd.s32 $0x10, s5;
	v12 =	vadd.s32 s7, v12;
	v13, _, _ =	vpop (xrf0)  }
0x56: {  	v12 =	vadd.s32 v13, v12;
	v14 =	vld [tilespmem:s5+$0x0];
	(v2sf) =	vpush v13, $0xF;
	_ =	sdelay $0x4  }
0x57: {  	s0 =	sadd.s32 $0x10, s0;
	v13 =	vor.u32 s4, v0;
	s4 =	smov.u32 s6;
	[tilespmem:v12+s16+$0x0] =	vst.idx.msk vm1, v14  }
0x58: {  	s2 =	sadd.s32 $0x10, s2;
	[tilespmem:s0+$0x0] =	vst v13  }
0x59: {  	v12 =	vld [tilespmem:s2+$0x0];
	_ =	sdelay $0x3  }
.Ltmp2:
0x5a: {  	(pc) =	sbr.rel @p0 .LBB2_2-.Ltmp2, $4  }
0x5b: {  	vm1 =	vne.s32 v12, $0x0  }
0x5c: {  	v12 =	vsel vm1, $0x1, v2  }
0x5d: {  	(xrf0) =	vadd.scan.msk.s32 $0xffff, v12  }
0x5e: {  	s6 =	sadd.s32 $0x10, s6;
	s8 =	spop (v2sf)  }
0x5f: {  	_ =	sdelay $0x2  }
0x60: {  	s6 =	sadd.s32 s7, s8;
	v12 =	vsel vm1, $0xFFFFFFFF, v2  }
0x61: {  	s5 =	sadd.s32 $0x10, s5;
	v12 =	vadd.s32 s6, v12;
	v13, _, _ =	vpop (xrf0)  }
0x62: {  	v14 =	vld [tilespmem:s5+$0x0];
	v12 =	vadd.s32 v13, v12;
	_ =	sdelay $0x4  }
0x63: {  	s0 =	sadd.s32 $0x10, s0;
	[tilespmem:v12+s16+$0x0] =	vst.idx.msk vm1, v14;
	v12 =	vor.u32 s4, v0  }
0x64: {  	s19 =	sadd.s32 $0x10, s2;
	[tilespmem:s0+$0x0] =	vst v12  }
0x65: {  	v12 =	vld [tilespmem:s19+$0x0];
	_ =	sdelay $0x4  }
0x66: {  	vm1 =	vne.s32 v12, $0x0  }
0x67: {  	v12 =	vsel vm1, $0x1, v2  }
0x68: {  	(xrf0) =	vadd.scan.msk.s32 $0xffff, v12;
	_ =	sdelay $0x2  }
0x69: {  	(v2sf) =	vpush v13, $0xF;
	_ =	sdelay $0x2  }
0x6a: {  	v12, _, _ =	vpop (xrf0)  }
0x6b: {  	(v2sf) =	vpush v12, $0xF;
	_ =	sdelay $0xa  }
0x6c: {  	s20 =	spop (v2sf)  }
0x6d: {  	v13 =	vsel vm1, $0xFFFFFFFF, v2;
	s0 =	sadd.s32 s6, s20  }
0x6e: {  	s21 =	sadd.s32 $0x10, s5;
	v13 =	vadd.s32 s0, v13  }
0x6f: {  	v12 =	vadd.s32 v12, v13;
	v13 =	vld [tilespmem:s21+$0x0]  }
0x70: {  	s30 =	spop (v2sf)  }
0x71: {  	s5 =	sadd.s32 s0, s30  }
0x72: {  	p0 =	slt.s32 s5, $0x1  }
0x73: {  	s0 =	simm.s32 @!p0 $0x80  }
0x74: {  	[tilespmem:v12+s16+$0x0] =	vst.idx.msk vm1, v13;
	s2 =	simm.s32 @!p0 $0x4B00;
	s4 =	simm.s32 @!p0 $0x6500;
	p1 =	slt.u32 @!p0 s5, $0x81  }
0x75: {  	[tilespmem:s4], [sflag:$0x1] =	stream.indirect.gather @!p0 [hbm4b:s1+s0], $0x80, s2, s0, $0xb8;
	[tilespmem:$0x1E500] =	vst v63  }
0x76: {  	p2 =	por p1, p0  }
0x77: {  	s0 =	simm.s32 @!p2 $0x80  }
0x78: {  	s2 =	simm.s32 @!p2 $0x4B80;
	s4 =	simm.s32 @!p2 $0xA500;
	p3 =	slt.u32 @!p2 s5, $0x101  }
0x79: {  	[tilespmem:s4], [sflag:$0x2] =	stream.indirect.gather @!p2 [hbm4b:s1+s0], $0x80, s2, s0, $0xb8;
	[tilespmem:$0x1E500] =	vst v63  }
0x7a: {  	p4 =	por @!p0 p3, p1  }
0x7b: {  	p4 =	por p4, p0  }
0x7c: {  	s0 =	simm.s32 @!p4 $0x80;
	s2 =	simm.s32 @!p4 $0x4C00;
	s4 =	simm.s32 @!p4 $0xE500  }
0x7d: {  	[tilespmem:s4], [sflag:$0x3] =	stream.indirect.gather @!p4 [hbm4b:s1+s0], $0x80, s2, s0, $0xb8;
	[tilespmem:$0x1E500] =	vst v63  }
0x7e: {  	s31 =	simm.s32 $0x0;
	p4 =	slt.u32 @!p4 s5, $0x181  }
0x7f: {  	v13 =	vadd.s32 s31, v1;
	p2 =	por @!p2 p4, p3  }
0x80: {  	p1 =	por @!p0 p2, p1  }
0x81: {  	p0 =	por p1, p0  }
0x82: {  	s0 =	simm.s32 @!p0 $0x80;
	s2 =	simm.s32 @!p0 $0x4C80;
	s4 =	simm.s32 @!p0 $0x12500  }
0x83: {  	[tilespmem:s4], [sflag:$0x4] =	stream.indirect.gather @!p0 [hbm4b:s1+s0], $0x80, s2, s0, $0xb8;
	[tilespmem:$0x1E500] =	vst v63  }
0x84: {  	v12 =	vimm.s32 $0x0;
	s0 =	simm.s32 $0x1;
	v13 =	vld.idx.msk [tilespmem:v13+s17+$0x0], $0xffff  }
.LBB2_4:
0x85: {  	v14 =	vadd.s32 s0, v1;
	p0 =	sne.s32 s0, $0x31;
	s0 =	sadd.s32 $0x1, s0  }
.Ltmp3:
0x86: {  	(pc) =	sbr.rel @p0 .LBB2_4-.Ltmp3, $2  }
0x87: {  	_ =	sdelay $0x2  }
0x88: {  	v12 =	vadd.s32 v12, v13;
	v13 =	vld.idx.msk [tilespmem:v14+s17+$0x0], $0xffff  }
0x89: {  	_ =	sdelay $0x3  }
0x8a: {  	v13 =	vadd.s32 v12, v13  }
0x8b: {  	(xrf0) =	vadd.scan.msk.s32 $0xffff, v13;
	_ =	sdelay $0x2  }
0x8c: {  	s0 =	simm.s32 $0x0  }
0x8d: {  	v14 =	vadd.s32 s0, v3;
	_ =	sdelay $0x1  }
0x8e: {  	v12, _, _ =	vpop (xrf0)  }
0x8f: {  	v13 =	vsub.s32 v12, v13  }
0x90: {  	[tilespmem:$0x6400] =	vst v13  }
0x91: {  	s0 =	simm.s32 $0x1;
	v13 =	vimm.s32 $0x0;
	v14 =	vld.idx.msk [tilespmem:v14+s17+$0x0], $0xffff  }
.LBB2_6:
0x92: {  	v15 =	vadd.s32 s0, v3;
	p0 =	sne.s32 s0, $0x31;
	s0 =	sadd.s32 $0x1, s0  }
.Ltmp4:
0x93: {  	(pc) =	sbr.rel @p0 .LBB2_6-.Ltmp4, $2  }
0x94: {  	_ =	sdelay $0x2  }
0x95: {  	v13 =	vadd.s32 v13, v14;
	v14 =	vld.idx.msk [tilespmem:v15+s17+$0x0], $0xffff  }
0x96: {  	_ =	sdelay $0x3  }
0x97: {  	v14 =	vadd.s32 v13, v14  }
0x98: {  	(xrf0) =	vadd.scan.msk.s32 $0xffff, v14;
	_ =	sdelay $0x2  }
0x99: {  	s0 =	simm.s32 $0x0  }
0x9a: {  	v15 =	vbroadcast v12, $0xF;
	v16 =	vadd.s32 s0, v4;
	_ =	sdelay $0x1  }
0x9b: {  	v14 =	vsub.s32 v15, v14;
	v13, _, _ =	vpop (xrf0)  }
0x9c: {  	v14 =	vadd.s32 v13, v14  }
0x9d: {  	[tilespmem:$0x6410] =	vst v14  }
0x9e: {  	s0 =	simm.s32 $0x1;
	v14 =	vimm.s32 $0x0;
	v15 =	vld.idx.msk [tilespmem:v16+s17+$0x0], $0xffff  }
.LBB2_8:
0x9f: {  	v16 =	vadd.s32 s0, v4;
	p0 =	sne.s32 s0, $0x31;
	s0 =	sadd.s32 $0x1, s0  }
.Ltmp5:
0xa0: {  	(pc) =	sbr.rel @p0 .LBB2_8-.Ltmp5, $2  }
0xa1: {  	_ =	sdelay $0x2  }
0xa2: {  	v14 =	vadd.s32 v14, v15;
	v15 =	vld.idx.msk [tilespmem:v16+s17+$0x0], $0xffff  }
0xa3: {  	(v2sf) =	vpush v12, $0xF  }
0xa4: {  	(v2sf) =	vpush v13, $0xF;
	_ =	sdelay $0x9  }
0xa5: {  	v13 =	vadd.s32 v14, v15  }
0xa6: {  	(xrf0) =	vadd.scan.msk.s32 $0xffff, v13;
	_ =	sdelay $0x2  }
0xa7: {  	s2 =	simm.s32 $0x0;
	s0 =	spop (v2sf)  }
0xa8: {  	v14 =	vadd.s32 s2, v5;
	s31 =	spop (v2sf)  }
0xa9: {  	s0 =	sadd.s32 s0, s31  }
0xaa: {  	v12, _, _ =	vpop (xrf0);
	v13 =	vsub.s32 s0, v13  }
0xab: {  	v13 =	vadd.s32 v12, v13  }
0xac: {  	[tilespmem:$0x6420] =	vst v13  }
0xad: {  	s2 =	simm.s32 $0x1;
	v13 =	vimm.s32 $0x0;
	v14 =	vld.idx.msk [tilespmem:v14+s17+$0x0], $0xffff  }
.LBB2_10:
0xae: {  	v15 =	vadd.s32 s2, v5;
	p0 =	sne.s32 s2, $0x31;
	s2 =	sadd.s32 $0x1, s2  }
.Ltmp6:
0xaf: {  	(pc) =	sbr.rel @p0 .LBB2_10-.Ltmp6, $2  }
0xb0: {  	_ =	sdelay $0x2  }
0xb1: {  	v13 =	vadd.s32 v13, v14;
	v14 =	vld.idx.msk [tilespmem:v15+s17+$0x0], $0xffff  }
0xb2: {  	(v2sf) =	vpush v12, $0xF;
	_ =	sdelay $0x9  }
0xb3: {  	v13 =	vadd.s32 v13, v14  }
0xb4: {  	(xrf0) =	vadd.scan.msk.s32 $0xffff, v13;
	_ =	sdelay $0x2  }
0xb5: {  	s2 =	simm.s32 $0x0  }
0xb6: {  	v14 =	vadd.s32 s2, v6;
	s4 =	spop (v2sf)  }
0xb7: {  	s0 =	sadd.s32 s0, s4  }
0xb8: {  	v12, _, _ =	vpop (xrf0);
	v13 =	vsub.s32 s0, v13  }
0xb9: {  	v13 =	vadd.s32 v12, v13  }
0xba: {  	[tilespmem:$0x6430] =	vst v13  }
0xbb: {  	s2 =	simm.s32 $0x1;
	v13 =	vimm.s32 $0x0;
	v14 =	vld.idx.msk [tilespmem:v14+s17+$0x0], $0xffff  }
.LBB2_12:
0xbc: {  	v15 =	vadd.s32 s2, v6;
	p0 =	sne.s32 s2, $0x31;
	s2 =	sadd.s32 $0x1, s2  }
.Ltmp7:
0xbd: {  	(pc) =	sbr.rel @p0 .LBB2_12-.Ltmp7, $2  }
0xbe: {  	_ =	sdelay $0x2  }
0xbf: {  	v13 =	vadd.s32 v13, v14;
	v14 =	vld.idx.msk [tilespmem:v15+s17+$0x0], $0xffff  }
0xc0: {  	(v2sf) =	vpush v12, $0xF;
	_ =	sdelay $0x9  }
0xc1: {  	v13 =	vadd.s32 v13, v14  }
0xc2: {  	(xrf0) =	vadd.scan.msk.s32 $0xffff, v13;
	_ =	sdelay $0x2  }
0xc3: {  	s2 =	simm.s32 $0x0  }
0xc4: {  	v14 =	vadd.s32 s2, v7;
	s4 =	spop (v2sf)  }
0xc5: {  	s0 =	sadd.s32 s0, s4  }
0xc6: {  	v12, _, _ =	vpop (xrf0);
	v13 =	vsub.s32 s0, v13  }
0xc7: {  	v13 =	vadd.s32 v12, v13  }
0xc8: {  	[tilespmem:$0x6440] =	vst v13  }
0xc9: {  	s2 =	simm.s32 $0x1;
	v13 =	vimm.s32 $0x0;
	v14 =	vld.idx.msk [tilespmem:v14+s17+$0x0], $0xffff  }
.LBB2_14:
0xca: {  	v15 =	vadd.s32 s2, v7;
	p0 =	sne.s32 s2, $0x31;
	s2 =	sadd.s32 $0x1, s2  }
.Ltmp8:
0xcb: {  	(pc) =	sbr.rel @p0 .LBB2_14-.Ltmp8, $2  }
0xcc: {  	_ =	sdelay $0x2  }
0xcd: {  	v13 =	vadd.s32 v13, v14;
	v14 =	vld.idx.msk [tilespmem:v15+s17+$0x0], $0xffff  }
0xce: {  	(v2sf) =	vpush v12, $0xF;
	_ =	sdelay $0x9  }
0xcf: {  	v13 =	vadd.s32 v13, v14  }
0xd0: {  	(xrf0) =	vadd.scan.msk.s32 $0xffff, v13;
	_ =	sdelay $0x2  }
0xd1: {  	s2 =	simm.s32 $0x0  }
0xd2: {  	v14 =	vadd.s32 s2, v8;
	s4 =	spop (v2sf)  }
0xd3: {  	s0 =	sadd.s32 s0, s4  }
0xd4: {  	v12, _, _ =	vpop (xrf0);
	v13 =	vsub.s32 s0, v13  }
0xd5: {  	v13 =	vadd.s32 v12, v13  }
0xd6: {  	[tilespmem:$0x6450] =	vst v13  }
0xd7: {  	s2 =	simm.s32 $0x1;
	v13 =	vimm.s32 $0x0;
	v14 =	vld.idx.msk [tilespmem:v14+s17+$0x0], $0xffff  }
.LBB2_16:
0xd8: {  	v15 =	vadd.s32 s2, v8;
	p0 =	sne.s32 s2, $0x31;
	s2 =	sadd.s32 $0x1, s2  }
.Ltmp9:
0xd9: {  	(pc) =	sbr.rel @p0 .LBB2_16-.Ltmp9, $2  }
0xda: {  	_ =	sdelay $0x2  }
0xdb: {  	v13 =	vadd.s32 v13, v14;
	v14 =	vld.idx.msk [tilespmem:v15+s17+$0x0], $0xffff  }
0xdc: {  	(v2sf) =	vpush v12, $0xF;
	_ =	sdelay $0x9  }
0xdd: {  	v13 =	vadd.s32 v13, v14  }
0xde: {  	(xrf0) =	vadd.scan.msk.s32 $0xffff, v13;
	_ =	sdelay $0x2  }
0xdf: {  	s2 =	simm.s32 $0x0  }
0xe0: {  	v14 =	vadd.s32 s2, v9;
	s4 =	spop (v2sf)  }
0xe1: {  	s0 =	sadd.s32 s0, s4  }
0xe2: {  	v12, _, _ =	vpop (xrf0);
	v13 =	vsub.s32 s0, v13  }
0xe3: {  	v13 =	vadd.s32 v12, v13  }
0xe4: {  	[tilespmem:$0x6460] =	vst v13  }
0xe5: {  	s2 =	simm.s32 $0x1;
	v13 =	vimm.s32 $0x0;
	v14 =	vld.idx.msk [tilespmem:v14+s17+$0x0], $0xffff  }
.LBB2_18:
0xe6: {  	v15 =	vadd.s32 s2, v9;
	p0 =	sne.s32 s2, $0x31;
	s2 =	sadd.s32 $0x1, s2  }
.Ltmp10:
0xe7: {  	(pc) =	sbr.rel @p0 .LBB2_18-.Ltmp10, $2  }
0xe8: {  	_ =	sdelay $0x2  }
0xe9: {  	v13 =	vadd.s32 v13, v14;
	v14 =	vld.idx.msk [tilespmem:v15+s17+$0x0], $0xffff  }
0xea: {  	_ =	sdelay $0x3  }
0xeb: {  	v13 =	vadd.s32 v13, v14  }
0xec: {  	(xrf0) =	vadd.scan.msk.s32 $0xffff, v13;
	_ =	sdelay $0x4  }
0xed: {  	(v2sf) =	vpush v12, $0xF  }
0xee: {  	v62, _, _ =	vpop (xrf0)  }
0xef: {  	(v2sf) =	vpush v62, $0xF;
	_ =	sdelay $0xc  }
0xf0: {  	s2 =	spop (v2sf)  }
0xf1: {  	s0 =	sadd.s32 s0, s2  }
0xf2: {  	v13 =	vsub.s32 s0, v13;
	s31 =	spop (v2sf)  }
0xf3: {  	v12 =	vadd.s32 v62, v13;
	s0 =	sadd.s32 s0, s31  }
0xf4: {  	[tilespmem:$0x6470] =	vst v12;
	v63 =	vmov s0  }
0xf5: {  	s4 =	simm.s32 $0x200;
	s2 =	simm.s32 $0x0;
	s0 =	simm.s32 $0x0;
	[tilespmem:$0x6480] =	vst v63  }
.LBB2_20:
0xf6: {  	p0 =	sne.s32 s4, $0x7E00;
	[tilespmem:s0+$0x1A570] =	vst v10  }
0xf7: {  	[tilespmem:s0+$0x1A500] =	vst v10  }
0xf8: {  	[tilespmem:s0+$0x1A510] =	vst v10  }
.Ltmp11:
0xf9: {  	[tilespmem:s0+$0x1A520] =	vst v10;
	(pc) =	sbr.rel @p0 .LBB2_20-.Ltmp11, $4  }
0xfa: {  	[tilespmem:s0+$0x1A530] =	vst v10  }
0xfb: {  	[tilespmem:s0+$0x1A540] =	vst v10  }
0xfc: {  	[tilespmem:s0+$0x1A550] =	vst v10  }
0xfd: {  	[tilespmem:s0+$0x1A560] =	vst v10;
	s0 =	sshra.s32 s4, $0x2;
	s4 =	sadd.s32 $0x200, s4  }
0xfe: {  	[tilespmem:s0+$0x1A570] =	vst v10  }
0xff: {  	[tilespmem:s0+$0x1A500] =	vst v10  }
0x100: {  	[tilespmem:s0+$0x1A510] =	vst v10  }
0x101: {  	[tilespmem:s0+$0x1A520] =	vst v10;
	v12 =	vadd.s32 s2, v1  }
0x102: {  	[tilespmem:s0+$0x1A530] =	vst v10  }
0x103: {  	[tilespmem:s0+$0x1A540] =	vst v10  }
0x104: {  	[tilespmem:s0+$0x1A550] =	vst v10  }
0x105: {  	[tilespmem:s0+$0x1A560] =	vst v10  }
0x106: {  	v13 =	vld.idx.msk [tilespmem:v12+s15+$0x0], $0xffff;
	_ =	sdelay $0x4  }
0x107: {  	v14 =	vshll.u32 v13, $0x4  }
0x108: {  	v13 =	vand.u32 $0x7F, v13;
	v14 =	vand.u32 $0xFFFFF800, v14  }
0x109: {  	v14 =	vor.u32 v14, v13;
	v13 =	vld.idx.msk [tilespmem:v12+s17+$0x0], $0xffff;
	_ =	sdelay $0x1  }
0x10a: {  	s31 =	simm.s32 $0x1;
	v14 =	vor.u32 v11, v14  }
0x10b: {  	s0 =	simm.s32 $0x2;
	v12 =	vadd.s32 s31, v1  }
.LBB2_22:
0x10c: {  	p0 =	sne.s32 s0, $0x31  }
0x10d: {  	v13 =	vcvt.s32.f32 v13;
	_ =	sdelay $0x1  }
0x10e: {  	[tilespmem:v14+s18+$0x0] =	vst.idx.add.f32.msk $0xffff, v13  }
0x10f: {  	v14 =	vld.idx.msk [tilespmem:v12+s15+$0x0], $0xffff;
	_ =	sdelay $0x5  }
.Ltmp12:
0x110: {  	v13 =	vld.idx.msk [tilespmem:v12+s17+$0x0], $0xffff;
	v12 =	vshll.u32 v14, $0x4;
	(pc) =	sbr.rel @p0 .LBB2_22-.Ltmp12, $4  }
0x111: {  	v14 =	vand.u32 $0x7F, v14;
	v12 =	vand.u32 $0xFFFFF800, v12  }
0x112: {  	v12 =	vor.u32 v12, v14  }
0x113: {  	v14 =	vor.u32 v11, v12  }
0x114: {  	v12 =	vadd.s32 s0, v1;
	s0 =	sadd.s32 $0x1, s0  }
0x115: {  	_ =	sdelay $0x1  }
0x116: {  	v13 =	vcvt.s32.f32 v13;
	_ =	sdelay $0x1  }
0x117: {  	[tilespmem:v14+s18+$0x0] =	vst.idx.add.f32.msk $0xffff, v13  }
0x118: {  	v13 =	vld.idx.msk [tilespmem:v12+s15+$0x0], $0xffff;
	_ =	sdelay $0x4  }
0x119: {  	v62 =	vshll.u32 v13, $0x4  }
0x11a: {  	v63 =	vld.idx.msk [tilespmem:v12+s17+$0x0], $0xffff;
	v13 =	vand.u32 $0x7F, v13;
	v14 =	vand.u32 $0xFFFFF800, v62  }
0x11b: {  	v13 =	vor.u32 v14, v13  }
0x11c: {  	v13 =	vor.u32 v11, v13;
	_ =	sdelay $0x2  }
0x11d: {  	v12 =	vcvt.s32.f32 v63;
	_ =	sdelay $0x1  }
0x11e: {  	s0 =	simm.s32 $0x0;
	s2 =	rddreg [dreg:$0x6];
	[tilespmem:v13+s18+$0x0] =	vst.idx.add.f32.msk $0xffff, v12  }
0x11f: {  	[hbm4b:s2+s0] =	stream.linear.scatter [tilespmem:s18], [sflag:$0x5], $0x800, $0x38;
	[tilespmem:$0x1E500] =	vst v63  }
0x120: {  	s21 =	rddreg [dreg:$0x9]  }
0x121: {  	[hbm4b:s21+s0] =	stream.linear.scatter [tilespmem:s9], [sflag:$0x5], $0x800, $0x38;
	[tilespmem:$0x1E500] =	vst v63  }
0x122: {  	s30 =	rddreg [dreg:$0xa]  }
0x123: {  	[hbm4b:s30+s0] =	stream.linear.scatter [tilespmem:s10], [sflag:$0x5], $0x800, $0x38;
	[tilespmem:$0x1E500] =	vst v63  }
0x124: {  	s31 =	rddreg [dreg:$0xb];
	s4 =	simm.s32 $0x200;
	s2 =	simm.s32 $0x0  }
0x125: {  	[hbm4b:s31+s0] =	stream.linear.scatter [tilespmem:s11], [sflag:$0x5], $0x800, $0x38;
	[tilespmem:$0x1E500] =	vst v63  }
.LBB2_24:
0x126: {  	p0 =	sne.s32 s4, $0x7E00;
	[tilespmem:s2+$0x1C570] =	vst v10  }
0x127: {  	[tilespmem:s2+$0x1C500] =	vst v10  }
0x128: {  	[tilespmem:s2+$0x1C510] =	vst v10  }
.Ltmp13:
0x129: {  	[tilespmem:s2+$0x1C520] =	vst v10;
	(pc) =	sbr.rel @p0 .LBB2_24-.Ltmp13, $4  }
0x12a: {  	[tilespmem:s2+$0x1C530] =	vst v10  }
0x12b: {  	[tilespmem:s2+$0x1C540] =	vst v10  }
0x12c: {  	[tilespmem:s2+$0x1C550] =	vst v10  }
0x12d: {  	[tilespmem:s2+$0x1C560] =	vst v10;
	s2 =	sshra.s32 s4, $0x2;
	s4 =	sadd.s32 $0x200, s4  }
0x12e: {  	[tilespmem:s2+$0x1C570] =	vst v10  }
0x12f: {  	[tilespmem:s2+$0x1C500] =	vst v10  }
0x130: {  	[tilespmem:s2+$0x1C510] =	vst v10  }
0x131: {  	[tilespmem:s2+$0x1C520] =	vst v10;
	v12 =	vadd.s32 s0, v3  }
0x132: {  	[tilespmem:s2+$0x1C530] =	vst v10  }
0x133: {  	[tilespmem:s2+$0x1C540] =	vst v10  }
0x134: {  	[tilespmem:s2+$0x1C550] =	vst v10  }
0x135: {  	[tilespmem:s2+$0x1C560] =	vst v10  }
0x136: {  	v13 =	vld.idx.msk [tilespmem:v12+s15+$0x0], $0xffff;
	_ =	sdelay $0x4  }
0x137: {  	v14 =	vshll.u32 v13, $0x4  }
0x138: {  	v13 =	vand.u32 $0x7F, v13;
	v14 =	vand.u32 $0xFFFFF800, v14  }
0x139: {  	v14 =	vor.u32 v14, v13;
	v13 =	vld.idx.msk [tilespmem:v12+s17+$0x0], $0xffff;
	_ =	sdelay $0x1  }
0x13a: {  	s31 =	simm.s32 $0x1;
	v14 =	vor.u32 v11, v14  }
0x13b: {  	s0 =	simm.s32 $0x2;
	v12 =	vadd.s32 s31, v3  }
.LBB2_26:
0x13c: {  	p0 =	sne.s32 s0, $0x31  }
0x13d: {  	v13 =	vcvt.s32.f32 v13;
	_ =	sdelay $0x1  }
0x13e: {  	[tilespmem:v14+s22+$0x0] =	vst.idx.add.f32.msk $0xffff, v13  }
0x13f: {  	v14 =	vld.idx.msk [tilespmem:v12+s15+$0x0], $0xffff;
	_ =	sdelay $0x5  }
.Ltmp14:
0x140: {  	v13 =	vld.idx.msk [tilespmem:v12+s17+$0x0], $0xffff;
	v12 =	vshll.u32 v14, $0x4;
	(pc) =	sbr.rel @p0 .LBB2_26-.Ltmp14, $4  }
0x141: {  	v14 =	vand.u32 $0x7F, v14;
	v12 =	vand.u32 $0xFFFFF800, v12  }
0x142: {  	v12 =	vor.u32 v12, v14  }
0x143: {  	v14 =	vor.u32 v11, v12  }
0x144: {  	v12 =	vadd.s32 s0, v3;
	s0 =	sadd.s32 $0x1, s0  }
0x145: {  	_ =	sdelay $0x1  }
0x146: {  	v13 =	vcvt.s32.f32 v13;
	_ =	sdelay $0x1  }
0x147: {  	[tilespmem:v14+s22+$0x0] =	vst.idx.add.f32.msk $0xffff, v13  }
0x148: {  	v13 =	vld.idx.msk [tilespmem:v12+s15+$0x0], $0xffff;
	_ =	sdelay $0x4  }
0x149: {  	v62 =	vshll.u32 v13, $0x4  }
0x14a: {  	v63 =	vld.idx.msk [tilespmem:v12+s17+$0x0], $0xffff;
	v13 =	vand.u32 $0x7F, v13;
	v14 =	vand.u32 $0xFFFFF800, v62  }
0x14b: {  	v13 =	vor.u32 v14, v13  }
0x14c: {  	v13 =	vor.u32 v11, v13;
	_ =	sdelay $0x2  }
0x14d: {  	v12 =	vcvt.s32.f32 v63;
	_ =	sdelay $0x1  }
0x14e: {  	s0 =	simm.s32 $0x0;
	s2 =	rddreg [dreg:$0xc];
	[tilespmem:v13+s22+$0x0] =	vst.idx.add.f32.msk $0xffff, v12  }
0x14f: {  	[hbm4b:s2+s0] =	stream.linear.scatter [tilespmem:s22], [sflag:$0x5], $0x800, $0x38;
	[tilespmem:$0x1E500] =	vst v63  }
0x150: {  	s21 =	rddreg [dreg:$0xd]  }
0x151: {  	[hbm4b:s21+s0] =	stream.linear.scatter [tilespmem:s23], [sflag:$0x5], $0x800, $0x38;
	[tilespmem:$0x1E500] =	vst v63  }
0x152: {  	s30 =	rddreg [dreg:$0xe]  }
0x153: {  	[hbm4b:s30+s0] =	stream.linear.scatter [tilespmem:s24], [sflag:$0x5], $0x800, $0x38;
	[tilespmem:$0x1E500] =	vst v63  }
0x154: {  	s31 =	rddreg [dreg:$0xf]  }
0x155: {  	[hbm4b:s31+s0] =	stream.linear.scatter [tilespmem:s25], [sflag:$0x5], $0x800, $0x38;
	[tilespmem:$0x1E500] =	vst v63  }
0x156: {  	_ =	swait.ge [sflag:s26], $0x800  }
0x157: {  	[sflag:s26] =	ssyncset.done $0x0  }
0x158: {  	[sflag:s26] =	ssyncadd.s32 $0xFFFFF800  }
0x159: {  	_ =	swait.ge [sflag:s26], $0x800  }
0x15a: {  	[sflag:s26] =	ssyncset.done $0x0  }
0x15b: {  	[sflag:s26] =	ssyncadd.s32 $0xFFFFF800  }
0x15c: {  	_ =	swait.ge [sflag:s26], $0x800  }
0x15d: {  	[sflag:s26] =	ssyncset.done $0x0  }
0x15e: {  	[sflag:s26] =	ssyncadd.s32 $0xFFFFF800  }
0x15f: {  	_ =	swait.ge [sflag:s26], $0x800  }
0x160: {  	[sflag:s26] =	ssyncset.done $0x0  }
0x161: {  	s4 =	simm.s32 $0x200;
	s2 =	simm.s32 $0x0;
	[sflag:s26] =	ssyncadd.s32 $0xFFFFF800  }
.LBB2_28:
0x162: {  	p0 =	sne.s32 s4, $0x7E00;
	[tilespmem:s2+$0x1A570] =	vst v10  }
0x163: {  	[tilespmem:s2+$0x1A500] =	vst v10  }
0x164: {  	[tilespmem:s2+$0x1A510] =	vst v10  }
.Ltmp15:
0x165: {  	[tilespmem:s2+$0x1A520] =	vst v10;
	(pc) =	sbr.rel @p0 .LBB2_28-.Ltmp15, $4  }
0x166: {  	[tilespmem:s2+$0x1A530] =	vst v10  }
0x167: {  	[tilespmem:s2+$0x1A540] =	vst v10  }
0x168: {  	[tilespmem:s2+$0x1A550] =	vst v10  }
0x169: {  	[tilespmem:s2+$0x1A560] =	vst v10;
	s2 =	sshra.s32 s4, $0x2;
	s4 =	sadd.s32 $0x200, s4  }
0x16a: {  	[tilespmem:s2+$0x1A570] =	vst v10  }
0x16b: {  	[tilespmem:s2+$0x1A500] =	vst v10  }
0x16c: {  	[tilespmem:s2+$0x1A510] =	vst v10  }
0x16d: {  	[tilespmem:s2+$0x1A520] =	vst v10;
	v12 =	vadd.s32 s0, v4  }
0x16e: {  	[tilespmem:s2+$0x1A530] =	vst v10  }
0x16f: {  	[tilespmem:s2+$0x1A540] =	vst v10  }
0x170: {  	[tilespmem:s2+$0x1A550] =	vst v10  }
0x171: {  	[tilespmem:s2+$0x1A560] =	vst v10  }
0x172: {  	v13 =	vld.idx.msk [tilespmem:v12+s15+$0x0], $0xffff;
	_ =	sdelay $0x4  }
0x173: {  	v14 =	vshll.u32 v13, $0x4  }
0x174: {  	v13 =	vand.u32 $0x7F, v13;
	v14 =	vand.u32 $0xFFFFF800, v14  }
0x175: {  	v14 =	vor.u32 v14, v13;
	v13 =	vld.idx.msk [tilespmem:v12+s17+$0x0], $0xffff;
	_ =	sdelay $0x1  }
0x176: {  	s31 =	simm.s32 $0x1;
	v14 =	vor.u32 v11, v14  }
0x177: {  	s0 =	simm.s32 $0x2;
	v12 =	vadd.s32 s31, v4  }
.LBB2_30:
0x178: {  	p0 =	sne.s32 s0, $0x31  }
0x179: {  	v13 =	vcvt.s32.f32 v13;
	_ =	sdelay $0x1  }
0x17a: {  	[tilespmem:v14+s18+$0x0] =	vst.idx.add.f32.msk $0xffff, v13  }
0x17b: {  	v14 =	vld.idx.msk [tilespmem:v12+s15+$0x0], $0xffff;
	_ =	sdelay $0x5  }
.Ltmp16:
0x17c: {  	v13 =	vld.idx.msk [tilespmem:v12+s17+$0x0], $0xffff;
	v12 =	vshll.u32 v14, $0x4;
	(pc) =	sbr.rel @p0 .LBB2_30-.Ltmp16, $4  }
0x17d: {  	v14 =	vand.u32 $0x7F, v14;
	v12 =	vand.u32 $0xFFFFF800, v12  }
0x17e: {  	v12 =	vor.u32 v12, v14  }
0x17f: {  	v14 =	vor.u32 v11, v12  }
0x180: {  	v12 =	vadd.s32 s0, v4;
	s0 =	sadd.s32 $0x1, s0  }
0x181: {  	_ =	sdelay $0x1  }
0x182: {  	v13 =	vcvt.s32.f32 v13;
	_ =	sdelay $0x1  }
0x183: {  	[tilespmem:v14+s18+$0x0] =	vst.idx.add.f32.msk $0xffff, v13  }
0x184: {  	v13 =	vld.idx.msk [tilespmem:v12+s15+$0x0], $0xffff;
	_ =	sdelay $0x4  }
0x185: {  	v62 =	vshll.u32 v13, $0x4  }
0x186: {  	v63 =	vld.idx.msk [tilespmem:v12+s17+$0x0], $0xffff;
	v13 =	vand.u32 $0x7F, v13;
	v14 =	vand.u32 $0xFFFFF800, v62  }
0x187: {  	v13 =	vor.u32 v14, v13  }
0x188: {  	v13 =	vor.u32 v11, v13;
	_ =	sdelay $0x2  }
0x189: {  	v12 =	vcvt.s32.f32 v63;
	_ =	sdelay $0x1  }
0x18a: {  	s0 =	simm.s32 $0x0;
	s2 =	rddreg [dreg:$0x10];
	[tilespmem:v13+s18+$0x0] =	vst.idx.add.f32.msk $0xffff, v12  }
0x18b: {  	[hbm4b:s2+s0] =	stream.linear.scatter [tilespmem:s18], [sflag:$0x5], $0x800, $0x38;
	[tilespmem:$0x1E500] =	vst v63  }
0x18c: {  	s21 =	rddreg [dreg:$0x11]  }
0x18d: {  	[hbm4b:s21+s0] =	stream.linear.scatter [tilespmem:s9], [sflag:$0x5], $0x800, $0x38;
	[tilespmem:$0x1E500] =	vst v63  }
0x18e: {  	s30 =	rddreg [dreg:$0x12]  }
0x18f: {  	[hbm4b:s30+s0] =	stream.linear.scatter [tilespmem:s10], [sflag:$0x5], $0x800, $0x38;
	[tilespmem:$0x1E500] =	vst v63  }
0x190: {  	s31 =	rddreg [dreg:$0x13]  }
0x191: {  	[hbm4b:s31+s0] =	stream.linear.scatter [tilespmem:s11], [sflag:$0x5], $0x800, $0x38;
	[tilespmem:$0x1E500] =	vst v63  }
0x192: {  	_ =	swait.ge [sflag:s26], $0x800  }
0x193: {  	[sflag:s26] =	ssyncset.done $0x0  }
0x194: {  	[sflag:s26] =	ssyncadd.s32 $0xFFFFF800  }
0x195: {  	_ =	swait.ge [sflag:s26], $0x800  }
0x196: {  	[sflag:s26] =	ssyncset.done $0x0  }
0x197: {  	[sflag:s26] =	ssyncadd.s32 $0xFFFFF800  }
0x198: {  	_ =	swait.ge [sflag:s26], $0x800  }
0x199: {  	[sflag:s26] =	ssyncset.done $0x0  }
0x19a: {  	[sflag:s26] =	ssyncadd.s32 $0xFFFFF800  }
0x19b: {  	_ =	swait.ge [sflag:s26], $0x800  }
0x19c: {  	[sflag:s26] =	ssyncset.done $0x0  }
0x19d: {  	s4 =	simm.s32 $0x200;
	s2 =	simm.s32 $0x0;
	[sflag:s26] =	ssyncadd.s32 $0xFFFFF800  }
.LBB2_32:
0x19e: {  	p0 =	sne.s32 s4, $0x7E00;
	[tilespmem:s2+$0x1C570] =	vst v10  }
0x19f: {  	[tilespmem:s2+$0x1C500] =	vst v10  }
0x1a0: {  	[tilespmem:s2+$0x1C510] =	vst v10  }
.Ltmp17:
0x1a1: {  	[tilespmem:s2+$0x1C520] =	vst v10;
	(pc) =	sbr.rel @p0 .LBB2_32-.Ltmp17, $4  }
0x1a2: {  	[tilespmem:s2+$0x1C530] =	vst v10  }
0x1a3: {  	[tilespmem:s2+$0x1C540] =	vst v10  }
0x1a4: {  	[tilespmem:s2+$0x1C550] =	vst v10  }
0x1a5: {  	[tilespmem:s2+$0x1C560] =	vst v10;
	s2 =	sshra.s32 s4, $0x2;
	s4 =	sadd.s32 $0x200, s4  }
0x1a6: {  	[tilespmem:s2+$0x1C570] =	vst v10  }
0x1a7: {  	[tilespmem:s2+$0x1C500] =	vst v10  }
0x1a8: {  	[tilespmem:s2+$0x1C510] =	vst v10  }
0x1a9: {  	[tilespmem:s2+$0x1C520] =	vst v10;
	v12 =	vadd.s32 s0, v5  }
0x1aa: {  	[tilespmem:s2+$0x1C530] =	vst v10  }
0x1ab: {  	[tilespmem:s2+$0x1C540] =	vst v10  }
0x1ac: {  	[tilespmem:s2+$0x1C550] =	vst v10  }
0x1ad: {  	[tilespmem:s2+$0x1C560] =	vst v10  }
0x1ae: {  	v13 =	vld.idx.msk [tilespmem:v12+s15+$0x0], $0xffff;
	_ =	sdelay $0x4  }
0x1af: {  	v14 =	vshll.u32 v13, $0x4  }
0x1b0: {  	v13 =	vand.u32 $0x7F, v13;
	v14 =	vand.u32 $0xFFFFF800, v14  }
0x1b1: {  	v14 =	vor.u32 v14, v13;
	v13 =	vld.idx.msk [tilespmem:v12+s17+$0x0], $0xffff;
	_ =	sdelay $0x1  }
0x1b2: {  	s31 =	simm.s32 $0x1;
	v14 =	vor.u32 v11, v14  }
0x1b3: {  	s0 =	simm.s32 $0x2;
	v12 =	vadd.s32 s31, v5  }
.LBB2_34:
0x1b4: {  	p0 =	sne.s32 s0, $0x31  }
0x1b5: {  	v13 =	vcvt.s32.f32 v13;
	_ =	sdelay $0x1  }
0x1b6: {  	[tilespmem:v14+s22+$0x0] =	vst.idx.add.f32.msk $0xffff, v13  }
0x1b7: {  	v14 =	vld.idx.msk [tilespmem:v12+s15+$0x0], $0xffff;
	_ =	sdelay $0x5  }
.Ltmp18:
0x1b8: {  	v13 =	vld.idx.msk [tilespmem:v12+s17+$0x0], $0xffff;
	v12 =	vshll.u32 v14, $0x4;
	(pc) =	sbr.rel @p0 .LBB2_34-.Ltmp18, $4  }
0x1b9: {  	v14 =	vand.u32 $0x7F, v14;
	v12 =	vand.u32 $0xFFFFF800, v12  }
0x1ba: {  	v12 =	vor.u32 v12, v14  }
0x1bb: {  	v14 =	vor.u32 v11, v12  }
0x1bc: {  	v12 =	vadd.s32 s0, v5;
	s0 =	sadd.s32 $0x1, s0  }
0x1bd: {  	_ =	sdelay $0x1  }
0x1be: {  	v13 =	vcvt.s32.f32 v13;
	_ =	sdelay $0x1  }
0x1bf: {  	[tilespmem:v14+s22+$0x0] =	vst.idx.add.f32.msk $0xffff, v13  }
0x1c0: {  	v13 =	vld.idx.msk [tilespmem:v12+s15+$0x0], $0xffff;
	_ =	sdelay $0x4  }
0x1c1: {  	v62 =	vshll.u32 v13, $0x4  }
0x1c2: {  	v63 =	vld.idx.msk [tilespmem:v12+s17+$0x0], $0xffff;
	v13 =	vand.u32 $0x7F, v13;
	v14 =	vand.u32 $0xFFFFF800, v62  }
0x1c3: {  	v13 =	vor.u32 v14, v13  }
0x1c4: {  	v13 =	vor.u32 v11, v13;
	_ =	sdelay $0x2  }
0x1c5: {  	v12 =	vcvt.s32.f32 v63;
	_ =	sdelay $0x1  }
0x1c6: {  	s0 =	simm.s32 $0x0;
	s2 =	rddreg [dreg:$0x14];
	[tilespmem:v13+s22+$0x0] =	vst.idx.add.f32.msk $0xffff, v12  }
0x1c7: {  	[hbm4b:s2+s0] =	stream.linear.scatter [tilespmem:s22], [sflag:$0x5], $0x800, $0x38;
	[tilespmem:$0x1E500] =	vst v63  }
0x1c8: {  	s21 =	rddreg [dreg:$0x15]  }
0x1c9: {  	[hbm4b:s21+s0] =	stream.linear.scatter [tilespmem:s23], [sflag:$0x5], $0x800, $0x38;
	[tilespmem:$0x1E500] =	vst v63  }
0x1ca: {  	s30 =	rddreg [dreg:$0x16]  }
0x1cb: {  	[hbm4b:s30+s0] =	stream.linear.scatter [tilespmem:s24], [sflag:$0x5], $0x800, $0x38;
	[tilespmem:$0x1E500] =	vst v63  }
0x1cc: {  	s31 =	rddreg [dreg:$0x17]  }
0x1cd: {  	[hbm4b:s31+s0] =	stream.linear.scatter [tilespmem:s25], [sflag:$0x5], $0x800, $0x38;
	[tilespmem:$0x1E500] =	vst v63  }
0x1ce: {  	_ =	swait.ge [sflag:s26], $0x800  }
0x1cf: {  	[sflag:s26] =	ssyncset.done $0x0  }
0x1d0: {  	[sflag:s26] =	ssyncadd.s32 $0xFFFFF800  }
0x1d1: {  	_ =	swait.ge [sflag:s26], $0x800  }
0x1d2: {  	[sflag:s26] =	ssyncset.done $0x0  }
0x1d3: {  	[sflag:s26] =	ssyncadd.s32 $0xFFFFF800  }
0x1d4: {  	_ =	swait.ge [sflag:s26], $0x800  }
0x1d5: {  	[sflag:s26] =	ssyncset.done $0x0  }
0x1d6: {  	[sflag:s26] =	ssyncadd.s32 $0xFFFFF800  }
0x1d7: {  	_ =	swait.ge [sflag:s26], $0x800  }
0x1d8: {  	[sflag:s26] =	ssyncset.done $0x0  }
0x1d9: {  	s4 =	simm.s32 $0x200;
	s2 =	simm.s32 $0x0;
	[sflag:s26] =	ssyncadd.s32 $0xFFFFF800  }
.LBB2_36:
0x1da: {  	p0 =	sne.s32 s4, $0x7E00;
	[tilespmem:s2+$0x1A570] =	vst v10  }
0x1db: {  	[tilespmem:s2+$0x1A500] =	vst v10  }
0x1dc: {  	[tilespmem:s2+$0x1A510] =	vst v10  }
.Ltmp19:
0x1dd: {  	[tilespmem:s2+$0x1A520] =	vst v10;
	(pc) =	sbr.rel @p0 .LBB2_36-.Ltmp19, $4  }
0x1de: {  	[tilespmem:s2+$0x1A530] =	vst v10  }
0x1df: {  	[tilespmem:s2+$0x1A540] =	vst v10  }
0x1e0: {  	[tilespmem:s2+$0x1A550] =	vst v10  }
0x1e1: {  	[tilespmem:s2+$0x1A560] =	vst v10;
	s2 =	sshra.s32 s4, $0x2;
	s4 =	sadd.s32 $0x200, s4  }
0x1e2: {  	[tilespmem:s2+$0x1A570] =	vst v10  }
0x1e3: {  	[tilespmem:s2+$0x1A500] =	vst v10  }
0x1e4: {  	[tilespmem:s2+$0x1A510] =	vst v10  }
0x1e5: {  	[tilespmem:s2+$0x1A520] =	vst v10;
	v12 =	vadd.s32 s0, v6  }
0x1e6: {  	[tilespmem:s2+$0x1A530] =	vst v10  }
0x1e7: {  	[tilespmem:s2+$0x1A540] =	vst v10  }
0x1e8: {  	[tilespmem:s2+$0x1A550] =	vst v10  }
0x1e9: {  	[tilespmem:s2+$0x1A560] =	vst v10  }
0x1ea: {  	v13 =	vld.idx.msk [tilespmem:v12+s15+$0x0], $0xffff;
	_ =	sdelay $0x4  }
0x1eb: {  	v14 =	vshll.u32 v13, $0x4  }
0x1ec: {  	v13 =	vand.u32 $0x7F, v13;
	v14 =	vand.u32 $0xFFFFF800, v14  }
0x1ed: {  	v14 =	vor.u32 v14, v13;
	v13 =	vld.idx.msk [tilespmem:v12+s17+$0x0], $0xffff;
	_ =	sdelay $0x1  }
0x1ee: {  	s31 =	simm.s32 $0x1;
	v14 =	vor.u32 v11, v14  }
0x1ef: {  	s0 =	simm.s32 $0x2;
	v12 =	vadd.s32 s31, v6  }
.LBB2_38:
0x1f0: {  	p0 =	sne.s32 s0, $0x31  }
0x1f1: {  	v13 =	vcvt.s32.f32 v13;
	_ =	sdelay $0x1  }
0x1f2: {  	[tilespmem:v14+s18+$0x0] =	vst.idx.add.f32.msk $0xffff, v13  }
0x1f3: {  	v14 =	vld.idx.msk [tilespmem:v12+s15+$0x0], $0xffff;
	_ =	sdelay $0x5  }
.Ltmp20:
0x1f4: {  	v13 =	vld.idx.msk [tilespmem:v12+s17+$0x0], $0xffff;
	v12 =	vshll.u32 v14, $0x4;
	(pc) =	sbr.rel @p0 .LBB2_38-.Ltmp20, $4  }
0x1f5: {  	v14 =	vand.u32 $0x7F, v14;
	v12 =	vand.u32 $0xFFFFF800, v12  }
0x1f6: {  	v12 =	vor.u32 v12, v14  }
0x1f7: {  	v14 =	vor.u32 v11, v12  }
0x1f8: {  	v12 =	vadd.s32 s0, v6;
	s0 =	sadd.s32 $0x1, s0  }
0x1f9: {  	_ =	sdelay $0x1  }
0x1fa: {  	v13 =	vcvt.s32.f32 v13;
	_ =	sdelay $0x1  }
0x1fb: {  	[tilespmem:v14+s18+$0x0] =	vst.idx.add.f32.msk $0xffff, v13  }
0x1fc: {  	v13 =	vld.idx.msk [tilespmem:v12+s15+$0x0], $0xffff;
	_ =	sdelay $0x4  }
0x1fd: {  	v62 =	vshll.u32 v13, $0x4  }
0x1fe: {  	v63 =	vld.idx.msk [tilespmem:v12+s17+$0x0], $0xffff;
	v13 =	vand.u32 $0x7F, v13;
	v14 =	vand.u32 $0xFFFFF800, v62  }
0x1ff: {  	v13 =	vor.u32 v14, v13  }
0x200: {  	v13 =	vor.u32 v11, v13;
	_ =	sdelay $0x2  }
0x201: {  	v12 =	vcvt.s32.f32 v63;
	_ =	sdelay $0x1  }
0x202: {  	s0 =	simm.s32 $0x0;
	s2 =	rddreg [dreg:$0x19];
	[tilespmem:v13+s18+$0x0] =	vst.idx.add.f32.msk $0xffff, v12  }
0x203: {  	[hbm4b:s2+s0] =	stream.linear.scatter [tilespmem:s18], [sflag:$0x5], $0x800, $0x38;
	[tilespmem:$0x1E500] =	vst v63  }
0x204: {  	s21 =	rddreg [dreg:$0x1b]  }
0x205: {  	[hbm4b:s21+s0] =	stream.linear.scatter [tilespmem:s9], [sflag:$0x5], $0x800, $0x38;
	[tilespmem:$0x1E500] =	vst v63  }
0x206: {  	s30 =	rddreg [dreg:$0x1c]  }
0x207: {  	[hbm4b:s30+s0] =	stream.linear.scatter [tilespmem:s10], [sflag:$0x5], $0x800, $0x38;
	[tilespmem:$0x1E500] =	vst v63  }
0x208: {  	s31 =	rddreg [dreg:$0x1d]  }
0x209: {  	[hbm4b:s31+s0] =	stream.linear.scatter [tilespmem:s11], [sflag:$0x5], $0x800, $0x38;
	[tilespmem:$0x1E500] =	vst v63  }
0x20a: {  	_ =	swait.ge [sflag:s26], $0x800  }
0x20b: {  	[sflag:s26] =	ssyncset.done $0x0  }
0x20c: {  	[sflag:s26] =	ssyncadd.s32 $0xFFFFF800  }
0x20d: {  	_ =	swait.ge [sflag:s26], $0x800  }
0x20e: {  	[sflag:s26] =	ssyncset.done $0x0  }
0x20f: {  	[sflag:s26] =	ssyncadd.s32 $0xFFFFF800  }
0x210: {  	_ =	swait.ge [sflag:s26], $0x800  }
0x211: {  	[sflag:s26] =	ssyncset.done $0x0  }
0x212: {  	[sflag:s26] =	ssyncadd.s32 $0xFFFFF800  }
0x213: {  	_ =	swait.ge [sflag:s26], $0x800  }
0x214: {  	[sflag:s26] =	ssyncset.done $0x0  }
0x215: {  	s4 =	simm.s32 $0x200;
	s2 =	simm.s32 $0x0;
	[sflag:s26] =	ssyncadd.s32 $0xFFFFF800  }
.LBB2_40:
0x216: {  	p0 =	sne.s32 s4, $0x7E00;
	[tilespmem:s2+$0x1C570] =	vst v10  }
0x217: {  	[tilespmem:s2+$0x1C500] =	vst v10  }
0x218: {  	[tilespmem:s2+$0x1C510] =	vst v10  }
.Ltmp21:
0x219: {  	[tilespmem:s2+$0x1C520] =	vst v10;
	(pc) =	sbr.rel @p0 .LBB2_40-.Ltmp21, $4  }
0x21a: {  	[tilespmem:s2+$0x1C530] =	vst v10  }
0x21b: {  	[tilespmem:s2+$0x1C540] =	vst v10  }
0x21c: {  	[tilespmem:s2+$0x1C550] =	vst v10  }
0x21d: {  	[tilespmem:s2+$0x1C560] =	vst v10;
	s2 =	sshra.s32 s4, $0x2;
	s4 =	sadd.s32 $0x200, s4  }
0x21e: {  	[tilespmem:s2+$0x1C570] =	vst v10  }
0x21f: {  	[tilespmem:s2+$0x1C500] =	vst v10  }
0x220: {  	[tilespmem:s2+$0x1C510] =	vst v10  }
0x221: {  	[tilespmem:s2+$0x1C520] =	vst v10;
	v12 =	vadd.s32 s0, v7  }
0x222: {  	[tilespmem:s2+$0x1C530] =	vst v10  }
0x223: {  	[tilespmem:s2+$0x1C540] =	vst v10  }
0x224: {  	[tilespmem:s2+$0x1C550] =	vst v10  }
0x225: {  	[tilespmem:s2+$0x1C560] =	vst v10  }
0x226: {  	v13 =	vld.idx.msk [tilespmem:v12+s15+$0x0], $0xffff;
	_ =	sdelay $0x4  }
0x227: {  	v14 =	vshll.u32 v13, $0x4  }
0x228: {  	v13 =	vand.u32 $0x7F, v13;
	v14 =	vand.u32 $0xFFFFF800, v14  }
0x229: {  	v14 =	vor.u32 v14, v13;
	v13 =	vld.idx.msk [tilespmem:v12+s17+$0x0], $0xffff;
	_ =	sdelay $0x1  }
0x22a: {  	s31 =	simm.s32 $0x1;
	v14 =	vor.u32 v11, v14  }
0x22b: {  	s0 =	simm.s32 $0x2;
	v12 =	vadd.s32 s31, v7  }
.LBB2_42:
0x22c: {  	p0 =	sne.s32 s0, $0x31  }
0x22d: {  	v13 =	vcvt.s32.f32 v13;
	_ =	sdelay $0x1  }
0x22e: {  	[tilespmem:v14+s22+$0x0] =	vst.idx.add.f32.msk $0xffff, v13  }
0x22f: {  	v14 =	vld.idx.msk [tilespmem:v12+s15+$0x0], $0xffff;
	_ =	sdelay $0x5  }
.Ltmp22:
0x230: {  	v13 =	vld.idx.msk [tilespmem:v12+s17+$0x0], $0xffff;
	v12 =	vshll.u32 v14, $0x4;
	(pc) =	sbr.rel @p0 .LBB2_42-.Ltmp22, $4  }
0x231: {  	v14 =	vand.u32 $0x7F, v14;
	v12 =	vand.u32 $0xFFFFF800, v12  }
0x232: {  	v12 =	vor.u32 v12, v14  }
0x233: {  	v14 =	vor.u32 v11, v12  }
0x234: {  	v12 =	vadd.s32 s0, v7;
	s0 =	sadd.s32 $0x1, s0  }
0x235: {  	_ =	sdelay $0x1  }
0x236: {  	v13 =	vcvt.s32.f32 v13;
	_ =	sdelay $0x1  }
0x237: {  	[tilespmem:v14+s22+$0x0] =	vst.idx.add.f32.msk $0xffff, v13  }
0x238: {  	v13 =	vld.idx.msk [tilespmem:v12+s15+$0x0], $0xffff;
	_ =	sdelay $0x4  }
0x239: {  	v62 =	vshll.u32 v13, $0x4  }
0x23a: {  	v63 =	vld.idx.msk [tilespmem:v12+s17+$0x0], $0xffff;
	v13 =	vand.u32 $0x7F, v13;
	v14 =	vand.u32 $0xFFFFF800, v62  }
0x23b: {  	v13 =	vor.u32 v14, v13  }
0x23c: {  	v13 =	vor.u32 v11, v13;
	_ =	sdelay $0x2  }
0x23d: {  	v12 =	vcvt.s32.f32 v63  }
0x23e: {  	s2 =	rddreg [dreg:$0x1e]  }
0x23f: {  	s0 =	simm.s32 $0x0;
	s21 =	rddreg [dreg:$0x1f];
	[tilespmem:v13+s22+$0x0] =	vst.idx.add.f32.msk $0xffff, v12  }
0x240: {  	[hbm4b:s2+s0] =	stream.linear.scatter [tilespmem:s22], [sflag:$0x5], $0x800, $0x38;
	[tilespmem:$0x1E500] =	vst v63  }
0x241: {  	s30 =	sld [smem:$0x7F4]  }
0x242: {  	[hbm4b:s21+s0] =	stream.linear.scatter [tilespmem:s23], [sflag:$0x5], $0x800, $0x38;
	[tilespmem:$0x1E500] =	vst v63  }
0x243: {  	s31 =	sld [smem:$0x7F5]  }
0x244: {  	[hbm4b:s30+s0] =	stream.linear.scatter [tilespmem:s24], [sflag:$0x5], $0x800, $0x38;
	[tilespmem:$0x1E500] =	vst v63  }
0x245: {  	_ = 	snop  }
0x246: {  	[hbm4b:s31+s0] =	stream.linear.scatter [tilespmem:s25], [sflag:$0x5], $0x800, $0x38;
	[tilespmem:$0x1E500] =	vst v63  }
0x247: {  	_ =	swait.ge [sflag:s26], $0x800  }
0x248: {  	[sflag:s26] =	ssyncset.done $0x0  }
0x249: {  	[sflag:s26] =	ssyncadd.s32 $0xFFFFF800  }
0x24a: {  	_ =	swait.ge [sflag:s26], $0x800  }
0x24b: {  	[sflag:s26] =	ssyncset.done $0x0  }
0x24c: {  	[sflag:s26] =	ssyncadd.s32 $0xFFFFF800  }
0x24d: {  	_ =	swait.ge [sflag:s26], $0x800  }
0x24e: {  	[sflag:s26] =	ssyncset.done $0x0  }
0x24f: {  	[sflag:s26] =	ssyncadd.s32 $0xFFFFF800  }
0x250: {  	_ =	swait.ge [sflag:s26], $0x800  }
0x251: {  	[sflag:s26] =	ssyncset.done $0x0  }
0x252: {  	s4 =	simm.s32 $0x200;
	s2 =	simm.s32 $0x0;
	[sflag:s26] =	ssyncadd.s32 $0xFFFFF800  }
.LBB2_44:
0x253: {  	p0 =	sne.s32 s4, $0x7E00;
	[tilespmem:s2+$0x1A570] =	vst v10  }
0x254: {  	[tilespmem:s2+$0x1A500] =	vst v10  }
0x255: {  	[tilespmem:s2+$0x1A510] =	vst v10  }
.Ltmp23:
0x256: {  	[tilespmem:s2+$0x1A520] =	vst v10;
	(pc) =	sbr.rel @p0 .LBB2_44-.Ltmp23, $4  }
0x257: {  	[tilespmem:s2+$0x1A530] =	vst v10  }
0x258: {  	[tilespmem:s2+$0x1A540] =	vst v10  }
0x259: {  	[tilespmem:s2+$0x1A550] =	vst v10  }
0x25a: {  	[tilespmem:s2+$0x1A560] =	vst v10;
	s2 =	sshra.s32 s4, $0x2;
	s4 =	sadd.s32 $0x200, s4  }
0x25b: {  	[tilespmem:s2+$0x1A570] =	vst v10  }
0x25c: {  	[tilespmem:s2+$0x1A500] =	vst v10  }
0x25d: {  	[tilespmem:s2+$0x1A510] =	vst v10  }
0x25e: {  	[tilespmem:s2+$0x1A520] =	vst v10;
	v12 =	vadd.s32 s0, v8  }
0x25f: {  	[tilespmem:s2+$0x1A530] =	vst v10  }
0x260: {  	[tilespmem:s2+$0x1A540] =	vst v10  }
0x261: {  	[tilespmem:s2+$0x1A550] =	vst v10  }
0x262: {  	[tilespmem:s2+$0x1A560] =	vst v10  }
0x263: {  	v13 =	vld.idx.msk [tilespmem:v12+s15+$0x0], $0xffff;
	_ =	sdelay $0x4  }
0x264: {  	v14 =	vshll.u32 v13, $0x4  }
0x265: {  	v13 =	vand.u32 $0x7F, v13;
	v14 =	vand.u32 $0xFFFFF800, v14  }
0x266: {  	v14 =	vor.u32 v14, v13;
	v13 =	vld.idx.msk [tilespmem:v12+s17+$0x0], $0xffff;
	_ =	sdelay $0x1  }
0x267: {  	s31 =	simm.s32 $0x1;
	v14 =	vor.u32 v11, v14  }
0x268: {  	s0 =	simm.s32 $0x2;
	v12 =	vadd.s32 s31, v8  }
.LBB2_46:
0x269: {  	p0 =	sne.s32 s0, $0x31  }
0x26a: {  	v13 =	vcvt.s32.f32 v13;
	_ =	sdelay $0x1  }
0x26b: {  	[tilespmem:v14+s18+$0x0] =	vst.idx.add.f32.msk $0xffff, v13  }
0x26c: {  	v14 =	vld.idx.msk [tilespmem:v12+s15+$0x0], $0xffff;
	_ =	sdelay $0x5  }
.Ltmp24:
0x26d: {  	v13 =	vld.idx.msk [tilespmem:v12+s17+$0x0], $0xffff;
	v12 =	vshll.u32 v14, $0x4;
	(pc) =	sbr.rel @p0 .LBB2_46-.Ltmp24, $4  }
0x26e: {  	v14 =	vand.u32 $0x7F, v14;
	v12 =	vand.u32 $0xFFFFF800, v12  }
0x26f: {  	v12 =	vor.u32 v12, v14  }
0x270: {  	v14 =	vor.u32 v11, v12  }
0x271: {  	v12 =	vadd.s32 s0, v8;
	s0 =	sadd.s32 $0x1, s0  }
0x272: {  	_ =	sdelay $0x1  }
0x273: {  	v13 =	vcvt.s32.f32 v13;
	_ =	sdelay $0x1  }
0x274: {  	[tilespmem:v14+s18+$0x0] =	vst.idx.add.f32.msk $0xffff, v13  }
0x275: {  	v13 =	vld.idx.msk [tilespmem:v12+s15+$0x0], $0xffff;
	_ =	sdelay $0x4  }
0x276: {  	v62 =	vshll.u32 v13, $0x4  }
0x277: {  	v63 =	vld.idx.msk [tilespmem:v12+s17+$0x0], $0xffff;
	v13 =	vand.u32 $0x7F, v13;
	v14 =	vand.u32 $0xFFFFF800, v62  }
0x278: {  	v13 =	vor.u32 v14, v13  }
0x279: {  	v13 =	vor.u32 v11, v13;
	_ =	sdelay $0x2  }
0x27a: {  	s2 =	sld [smem:$0x7F6];
	v12 =	vcvt.s32.f32 v63;
	_ =	sdelay $0x1  }
0x27b: {  	s0 =	simm.s32 $0x0;
	s21 =	sld [smem:$0x7F7];
	[tilespmem:v13+s18+$0x0] =	vst.idx.add.f32.msk $0xffff, v12  }
0x27c: {  	[hbm4b:s2+s0] =	stream.linear.scatter [tilespmem:s18], [sflag:$0x5], $0x800, $0x38;
	[tilespmem:$0x1E500] =	vst v63  }
0x27d: {  	s30 =	sld [smem:$0x7F8]  }
0x27e: {  	[hbm4b:s21+s0] =	stream.linear.scatter [tilespmem:s9], [sflag:$0x5], $0x800, $0x38;
	[tilespmem:$0x1E500] =	vst v63  }
0x27f: {  	s31 =	sld [smem:$0x7F9]  }
0x280: {  	[hbm4b:s30+s0] =	stream.linear.scatter [tilespmem:s10], [sflag:$0x5], $0x800, $0x38;
	[tilespmem:$0x1E500] =	vst v63  }
0x281: {  	_ = 	snop  }
0x282: {  	[hbm4b:s31+s0] =	stream.linear.scatter [tilespmem:s11], [sflag:$0x5], $0x800, $0x38;
	[tilespmem:$0x1E500] =	vst v63  }
0x283: {  	_ =	swait.ge [sflag:s26], $0x800  }
0x284: {  	[sflag:s26] =	ssyncset.done $0x0  }
0x285: {  	[sflag:s26] =	ssyncadd.s32 $0xFFFFF800  }
0x286: {  	_ =	swait.ge [sflag:s26], $0x800  }
0x287: {  	[sflag:s26] =	ssyncset.done $0x0  }
0x288: {  	[sflag:s26] =	ssyncadd.s32 $0xFFFFF800  }
0x289: {  	_ =	swait.ge [sflag:s26], $0x800  }
0x28a: {  	[sflag:s26] =	ssyncset.done $0x0  }
0x28b: {  	[sflag:s26] =	ssyncadd.s32 $0xFFFFF800  }
0x28c: {  	_ =	swait.ge [sflag:s26], $0x800  }
0x28d: {  	[sflag:s26] =	ssyncset.done $0x0  }
0x28e: {  	s4 =	simm.s32 $0x200;
	s2 =	simm.s32 $0x0;
	[sflag:s26] =	ssyncadd.s32 $0xFFFFF800  }
.LBB2_48:
0x28f: {  	p0 =	sne.s32 s4, $0x7E00;
	[tilespmem:s2+$0x1C570] =	vst v10  }
0x290: {  	[tilespmem:s2+$0x1C500] =	vst v10  }
0x291: {  	[tilespmem:s2+$0x1C510] =	vst v10  }
.Ltmp25:
0x292: {  	[tilespmem:s2+$0x1C520] =	vst v10;
	(pc) =	sbr.rel @p0 .LBB2_48-.Ltmp25, $4  }
0x293: {  	[tilespmem:s2+$0x1C530] =	vst v10  }
0x294: {  	[tilespmem:s2+$0x1C540] =	vst v10  }
0x295: {  	[tilespmem:s2+$0x1C550] =	vst v10  }
0x296: {  	[tilespmem:s2+$0x1C560] =	vst v10;
	s2 =	sshra.s32 s4, $0x2;
	s4 =	sadd.s32 $0x200, s4  }
0x297: {  	[tilespmem:s2+$0x1C570] =	vst v10  }
0x298: {  	[tilespmem:s2+$0x1C500] =	vst v10  }
0x299: {  	[tilespmem:s2+$0x1C510] =	vst v10  }
0x29a: {  	[tilespmem:s2+$0x1C520] =	vst v10;
	v12 =	vadd.s32 s0, v9  }
0x29b: {  	[tilespmem:s2+$0x1C530] =	vst v10  }
0x29c: {  	[tilespmem:s2+$0x1C540] =	vst v10  }
0x29d: {  	[tilespmem:s2+$0x1C550] =	vst v10  }
0x29e: {  	[tilespmem:s2+$0x1C560] =	vst v10  }
0x29f: {  	v13 =	vld.idx.msk [tilespmem:v12+s15+$0x0], $0xffff;
	_ =	sdelay $0x4  }
0x2a0: {  	v14 =	vshll.u32 v13, $0x4  }
0x2a1: {  	v13 =	vand.u32 $0x7F, v13;
	v14 =	vand.u32 $0xFFFFF800, v14  }
0x2a2: {  	v14 =	vor.u32 v14, v13;
	v13 =	vld.idx.msk [tilespmem:v12+s17+$0x0], $0xffff;
	_ =	sdelay $0x1  }
0x2a3: {  	s31 =	simm.s32 $0x1;
	v14 =	vor.u32 v11, v14  }
0x2a4: {  	s0 =	simm.s32 $0x2;
	v12 =	vadd.s32 s31, v9  }
.LBB2_50:
0x2a5: {  	p0 =	sne.s32 s0, $0x31  }
0x2a6: {  	v13 =	vcvt.s32.f32 v13;
	_ =	sdelay $0x1  }
0x2a7: {  	[tilespmem:v14+s22+$0x0] =	vst.idx.add.f32.msk $0xffff, v13  }
0x2a8: {  	v14 =	vld.idx.msk [tilespmem:v12+s15+$0x0], $0xffff;
	_ =	sdelay $0x5  }
.Ltmp26:
0x2a9: {  	v13 =	vld.idx.msk [tilespmem:v12+s17+$0x0], $0xffff;
	v12 =	vshll.u32 v14, $0x4;
	(pc) =	sbr.rel @p0 .LBB2_50-.Ltmp26, $4  }
0x2aa: {  	v14 =	vand.u32 $0x7F, v14;
	v12 =	vand.u32 $0xFFFFF800, v12  }
0x2ab: {  	v12 =	vor.u32 v12, v14  }
0x2ac: {  	v14 =	vor.u32 v11, v12  }
0x2ad: {  	v12 =	vadd.s32 s0, v9;
	s0 =	sadd.s32 $0x1, s0  }
0x2ae: {  	_ =	sdelay $0x1  }
0x2af: {  	v13 =	vcvt.s32.f32 v13;
	_ =	sdelay $0x1  }
0x2b0: {  	[tilespmem:v14+s22+$0x0] =	vst.idx.add.f32.msk $0xffff, v13  }
0x2b1: {  	v13 =	vld.idx.msk [tilespmem:v12+s15+$0x0], $0xffff;
	_ =	sdelay $0x4  }
0x2b2: {  	v62 =	vshll.u32 v13, $0x4  }
0x2b3: {  	v63 =	vld.idx.msk [tilespmem:v12+s17+$0x0], $0xffff;
	v13 =	vand.u32 $0x7F, v13;
	v14 =	vand.u32 $0xFFFFF800, v62  }
0x2b4: {  	v13 =	vor.u32 v14, v13  }
0x2b5: {  	v13 =	vor.u32 v11, v13;
	_ =	sdelay $0x2  }
0x2b6: {  	s0 =	sld [smem:$0x7FA];
	v12 =	vcvt.s32.f32 v63;
	_ =	sdelay $0x1  }
0x2b7: {  	s10 =	simm.s32 $0x0;
	s21 =	sld [smem:$0x7FB];
	[tilespmem:v13+s22+$0x0] =	vst.idx.add.f32.msk $0xffff, v12  }
0x2b8: {  	[hbm4b:s0+s10] =	stream.linear.scatter [tilespmem:s22], [sflag:$0x5], $0x800, $0x38;
	[tilespmem:$0x1E500] =	vst v63  }
0x2b9: {  	s30 =	sld [smem:$0x7FC]  }
0x2ba: {  	[hbm4b:s21+s10] =	stream.linear.scatter [tilespmem:s23], [sflag:$0x5], $0x800, $0x38;
	[tilespmem:$0x1E500] =	vst v63  }
0x2bb: {  	s31 =	sld [smem:$0x7FD]  }
0x2bc: {  	[hbm4b:s30+s10] =	stream.linear.scatter [tilespmem:s24], [sflag:$0x5], $0x800, $0x38;
	[tilespmem:$0x1E500] =	vst v63  }
0x2bd: {  	_ = 	snop  }
0x2be: {  	[hbm4b:s31+s10] =	stream.linear.scatter [tilespmem:s25], [sflag:$0x5], $0x800, $0x38;
	[tilespmem:$0x1E500] =	vst v63  }
0x2bf: {  	_ =	swait.ge [sflag:s26], $0x800  }
0x2c0: {  	[sflag:s26] =	ssyncset.done $0x0  }
0x2c1: {  	[sflag:s26] =	ssyncadd.s32 $0xFFFFF800  }
0x2c2: {  	_ =	swait.ge [sflag:s26], $0x800  }
0x2c3: {  	[sflag:s26] =	ssyncset.done $0x0  }
0x2c4: {  	[sflag:s26] =	ssyncadd.s32 $0xFFFFF800  }
0x2c5: {  	_ =	swait.ge [sflag:s26], $0x800  }
0x2c6: {  	[sflag:s26] =	ssyncset.done $0x0  }
0x2c7: {  	[sflag:s26] =	ssyncadd.s32 $0xFFFFF800  }
0x2c8: {  	_ =	swait.ge [sflag:s26], $0x800  }
0x2c9: {  	[sflag:s26] =	ssyncset.done $0x0  }
0x2ca: {  	[sflag:s26] =	ssyncadd.s32 $0xFFFFF800  }
0x2cb: {  	_ =	swait.ge [sflag:s26], $0x800  }
0x2cc: {  	[sflag:s26] =	ssyncset.done $0x0  }
0x2cd: {  	[sflag:s26] =	ssyncadd.s32 $0xFFFFF800  }
0x2ce: {  	_ =	swait.ge [sflag:s26], $0x800  }
0x2cf: {  	[sflag:s26] =	ssyncset.done $0x0  }
0x2d0: {  	[sflag:s26] =	ssyncadd.s32 $0xFFFFF800  }
0x2d1: {  	_ =	swait.ge [sflag:s26], $0x800  }
0x2d2: {  	[sflag:s26] =	ssyncset.done $0x0  }
0x2d3: {  	[sflag:s26] =	ssyncadd.s32 $0xFFFFF800  }
0x2d4: {  	_ =	swait.ge [sflag:s26], $0x800  }
0x2d5: {  	[sflag:s26] =	ssyncset.done $0x0  }
0x2d6: {  	s2 =	simm.s32 $0x0;
	s0 =	simm.s32 $0x200;
	[sflag:s26] =	ssyncadd.s32 $0xFFFFF800  }
.LBB2_52:
0x2d7: {  	p0 =	sne.s32 s0, $0xFE00;
	[tilespmem:s2+$0x16570] =	vst v10  }
0x2d8: {  	[tilespmem:s2+$0x16500] =	vst v10  }
0x2d9: {  	[tilespmem:s2+$0x16510] =	vst v10  }
.Ltmp27:
0x2da: {  	[tilespmem:s2+$0x16520] =	vst v10;
	(pc) =	sbr.rel @p0 .LBB2_52-.Ltmp27, $4  }
0x2db: {  	[tilespmem:s2+$0x16530] =	vst v10  }
0x2dc: {  	[tilespmem:s2+$0x16540] =	vst v10  }
0x2dd: {  	[tilespmem:s2+$0x16550] =	vst v10  }
0x2de: {  	[tilespmem:s2+$0x16560] =	vst v10;
	s2 =	sshra.s32 s0, $0x2;
	s0 =	sadd.s32 $0x200, s0  }
0x2df: {  	[tilespmem:s2+$0x16570] =	vst v10  }
0x2e0: {  	[tilespmem:s2+$0x16500] =	vst v10  }
0x2e1: {  	[tilespmem:s2+$0x16510] =	vst v10  }
.Ltmp28:
0x2e2: {  	[tilespmem:s2+$0x16520] =	vst v10;
	(pc) =	sbr.rel .LBB2_54-.Ltmp28, $4  }
0x2e3: {  	[tilespmem:s2+$0x16530] =	vst v10  }
0x2e4: {  	[tilespmem:s2+$0x16540] =	vst v10;
	s4 =	simm.s32 $0x7FFF80  }
0x2e5: {  	[tilespmem:s2+$0x16550] =	vst v10;
	s0 =	simm.s32 $0x7FFF00;
	s6 =	simm.s32 $0x7FFE80  }
0x2e6: {  	[tilespmem:s2+$0x16560] =	vst v10;
	s7 =	simm.s32 $0x0;
	s2 =	simm.s32 $0x0;
	s8 =	simm.s32 $0x0  }
.LBB2_82:
0x2e7: {  	s9 =	sadd.s32 $0x380, s9  }
0x2e8: {  	s8 =	sadd.s32 $0x1, s8;
	p0 =	sge.s32 s9, s5  }
0x2e9: {  	s9 =	sadd.s32 @!p0 $0x4B00, s9;
	s11 =	simm.s32 @!p0 $0x80;
	s12 =	simm.s32 @!p0 $0x12500  }
0x2ea: {  	[tilespmem:s12], [sflag:$0x4] =	stream.indirect.gather @!p0 [hbm4b:s1+s11], $0x80, s9, s11, $0xb8;
	[tilespmem:$0x1E500] =	vst v63  }
0x2eb: {  	p0 =	sne.s32 s8, $0xC  }
.Ltmp29:
0x2ec: {  	_ = 	snop;
	(pc) =	sbr.rel @!p0 .LBB2_83-.Ltmp29, $3  }
0x2ed: {  	_ =	sdelay $0x1  }
0x2ee: {  	s7 =	sadd.s32 $0xFFFFFE00, s7  }
0x2ef: {  	s4 =	sadd.s32 $0xFFFFFE00, s4;
	s0 =	sadd.s32 $0xFFFFFE00, s0;
	s6 =	sadd.s32 $0xFFFFFE00, s6  }
.LBB2_54:
0x2f0: {  	s9 =	sshll.u32 s8, $0x9  }
0x2f1: {  	s12 =	sor.u32 $0x80, s9  }
0x2f2: {  	s11 =	smov.u32 s5;
	p1 =	slt.s32 s12, s5  }
0x2f3: {  	s11 =	smov.u32 @p1 s12  }
0x2f4: {  	p1 =	sge.s32 s10, s11  }
.Ltmp30:
0x2f5: {  	p0 =	sge.s32 s9, s5;
	(pc) =	sbr.rel @!p1 .LBB2_55-.Ltmp30, $4  }
0x2f6: {  	s13 =	simm.s32 @!p0 $0x1  }
0x2f7: {  	_ =	swait.ge @!p0 [sflag:s13], $0x4000  }
0x2f8: {  	[sflag:s13] =	ssyncset.done @!p0 $0x0  }
0x2f9: {  	[sflag:s13] =	ssyncadd.s32 @!p0 $0xFFFFC000  }
.LBB2_61:
0x2fa: {  	s11 =	sadd.s32 $0x200, s9  }
0x2fb: {  	p0 =	sge.s32 s11, s5  }
0x2fc: {  	s13 =	sadd.s32 @!p0 $0x4B00, s11;
	s19 =	simm.s32 @!p0 $0x80;
	s20 =	simm.s32 @!p0 $0x6500  }
0x2fd: {  	[tilespmem:s20], [sflag:$0x1] =	stream.indirect.gather @!p0 [hbm4b:s1+s19], $0x80, s13, s19, $0xb8;
	[tilespmem:$0x1E500] =	vst v63  }
0x2fe: {  	p0 =	sge.s32 s12, s5;
	s12 =	sor.u32 $0x100, s9  }
0x2ff: {  	s13 =	smov.u32 s5;
	p1 =	slt.s32 s12, s5  }
0x300: {  	s13 =	smov.u32 @p1 s12  }
0x301: {  	p1 =	sge.s32 s10, s13  }
.Ltmp31:
0x302: {  	_ = 	snop;
	(pc) =	sbr.rel @!p1 .LBB2_62-.Ltmp31, $4  }
0x303: {  	s19 =	simm.s32 @!p0 $0x2  }
0x304: {  	_ =	swait.ge @!p0 [sflag:s19], $0x4000  }
0x305: {  	[sflag:s19] =	ssyncset.done @!p0 $0x0  }
0x306: {  	[sflag:s19] =	ssyncadd.s32 @!p0 $0xFFFFC000  }
.LBB2_68:
0x307: {  	s13 =	sadd.s32 $0x280, s9  }
0x308: {  	p0 =	sge.s32 s13, s5  }
0x309: {  	s13 =	sadd.s32 @!p0 $0x4B00, s13;
	s19 =	simm.s32 @!p0 $0x80;
	s20 =	simm.s32 @!p0 $0xA500  }
0x30a: {  	[tilespmem:s20], [sflag:$0x2] =	stream.indirect.gather @!p0 [hbm4b:s1+s19], $0x80, s13, s19, $0xb8;
	[tilespmem:$0x1E500] =	vst v63  }
0x30b: {  	p0 =	sge.s32 s12, s5;
	s12 =	sor.u32 $0x180, s9  }
0x30c: {  	s30 =	smov.u32 s5;
	p1 =	slt.s32 s12, s5  }
0x30d: {  	s30 =	smov.u32 @p1 s12  }
0x30e: {  	p1 =	sge.s32 s10, s30  }
.Ltmp32:
0x30f: {  	_ = 	snop;
	(pc) =	sbr.rel @!p1 .LBB2_69-.Ltmp32, $4  }
0x310: {  	s13 =	simm.s32 @!p0 $0x3  }
0x311: {  	_ =	swait.ge @!p0 [sflag:s13], $0x4000  }
0x312: {  	[sflag:s13] =	ssyncset.done @!p0 $0x0  }
0x313: {  	[sflag:s13] =	ssyncadd.s32 @!p0 $0xFFFFC000  }
.LBB2_75:
0x314: {  	s13 =	sadd.s32 $0x300, s9  }
0x315: {  	p0 =	sge.s32 s13, s5  }
0x316: {  	s13 =	sadd.s32 @!p0 $0x4B00, s13;
	s19 =	simm.s32 @!p0 $0x80;
	s20 =	simm.s32 @!p0 $0xE500  }
0x317: {  	[tilespmem:s20], [sflag:$0x3] =	stream.indirect.gather @!p0 [hbm4b:s1+s19], $0x80, s13, s19, $0xb8;
	[tilespmem:$0x1E500] =	vst v63  }
0x318: {  	p1 =	slt.s32 s11, s5;
	p0 =	sge.s32 s12, s5;
	s12 =	smov.u32 s5  }
0x319: {  	s12 =	smov.u32 @p1 s11  }
0x31a: {  	p1 =	sge.s32 s10, s12  }
.Ltmp33:
0x31b: {  	_ = 	snop;
	(pc) =	sbr.rel @p1 .LBB2_82-.Ltmp33, $4  }
.Ltmp34:
0x31c: {  	s13 =	simm.s32 @!p0 $0x4;
	(pc) =	sbr.rel @!p1 .LBB2_76-.Ltmp34, $4  }
0x31d: {  	_ =	swait.ge @!p0 [sflag:s13], $0x4000  }
0x31e: {  	[sflag:s13] =	ssyncset.done @!p0 $0x0  }
0x31f: {  	[sflag:s13] =	ssyncadd.s32 @!p0 $0xFFFFC000  }
0x320: {  	_ = 	snop  }
.LBB2_56:
0x321: {  	v19 =	vimm.f32 $0.0e+00;
	v13 =	vimm.f32 $0.0e+00  }
0x322: {  	v14 =	vimm.f32 $0.0e+00;
	v15 =	vimm.f32 $0.0e+00;
	v16 =	vimm.f32 $0.0e+00  }
0x323: {  	v17 =	vimm.f32 $0.0e+00;
	v18 =	vimm.f32 $0.0e+00;
	v12 =	vimm.f32 $0.0e+00  }
.LBB2_60:
0x324: {  	s10 =	sshll.u32 s2, $0x9  }
0x325: {  	s10 =	sshra.s32 s10, $0x2  }
0x326: {  	v20 =	vld [tilespmem:s10+$0x16500]  }
0x327: {  	v21 =	vld [tilespmem:s10+$0x16510]  }
0x328: {  	v22 =	vld [tilespmem:s10+$0x16520]  }
0x329: {  	v23 =	vld [tilespmem:s10+$0x16530]  }
0x32a: {  	v24 =	vld [tilespmem:s10+$0x16540]  }
0x32b: {  	v57 =	vld [tilespmem:s10+$0x16550];
	v19 =	vadd.f32 v20, v19  }
0x32c: {  	v58 =	vld [tilespmem:s10+$0x16560];
	v13 =	vadd.f32 v21, v13  }
0x32d: {  	v59 =	vld [tilespmem:s10+$0x16570];
	v14 =	vadd.f32 v22, v14;
	[tilespmem:s10+$0x16500] =	vst v19  }
0x32e: {  	v60 =	vadd.f32 v23, v15;
	[tilespmem:s10+$0x16510] =	vst v13  }
0x32f: {  	v61 =	vadd.f32 v24, v16;
	[tilespmem:s10+$0x16520] =	vst v14  }
.Ltmp35:
0x330: {  	v62 =	vadd.f32 v57, v17;
	[tilespmem:s10+$0x16530] =	vst v60;
	(pc) =	sbr.rel @!p0 .LBB2_61-.Ltmp35, $4  }
0x331: {  	v63 =	vadd.f32 v58, v18;
	[tilespmem:s10+$0x16540] =	vst v61  }
0x332: {  	p1 =	sgt.s32 s13, s11;
	v12 =	vadd.f32 v59, v12;
	[tilespmem:s10+$0x16550] =	vst v62  }
0x333: {  	s30 =	smov.u32 @p1 s2;
	[tilespmem:s10+$0x16560] =	vst v63  }
0x334: {  	s2 =	smov.u32 s30;
	[tilespmem:s10+$0x16570] =	vst v12;
	s10 =	smov.u32 s31  }
.LBB2_55:
0x335: {  	s30 =	sadd.s32 $0x1, s2  }
0x336: {  	v12 =	vmov s30;
	_ =	sdelay $0x4  }
0x337: {  	v12 =	vld.idx.msk [tilespmem:v12+s28+$0x0], $0xffff;
	_ =	sdelay $0x4  }
0x338: {  	v12 =	vnsel vm0, $0x0, v12  }
0x339: {  	(xrf0) =	vadd.scan.msk.s32 $0xffff, v12;
	_ =	sdelay $0x5  }
0x33a: {  	v12, _, _ =	vpop (xrf0)  }
0x33b: {  	(v2sf) =	vpush v12, $0xF;
	_ =	sdelay $0xe  }
0x33c: {  	s13 =	spop (v2sf)  }
0x33d: {  	s31 =	smov.u32 s11;
	p0 =	slt.s32 s13, s11  }
0x33e: {  	s31 =	smov.u32 @p0 s13  }
0x33f: {  	s19 =	ssub.s32 s31, s10  }
0x340: {  	p1 =	slt.s32 s19, $0x1  }
.Ltmp36:
0x341: {  	_ = 	snop;
	(pc) =	sbr.rel @p1 .LBB2_56-.Ltmp36, $1  }
0x342: {  	_ =	sdelay $0x3  }
0x343: {  	s10 =	sadd.s32 s10, s7  }
0x344: {  	s10 =	sshll.u32 s10, $0x9  }
0x345: {  	s10 =	sshra.s32 s10, $0x2  }
0x346: {  	s20 =	sadd.s32 $0x6540, s10  }
0x347: {  	v12 =	vld [tilespmem:s20+$0x30]  }
0x348: {  	v13 =	vld [tilespmem:s20+$0xFFFFFFD0]  }
0x349: {  	p1 =	sgt.s32 s19, $0x1;
	v14 =	vld [tilespmem:s20+$0xFFFFFFE0]  }
.Ltmp37:
0x34a: {  	v17 =	vld [tilespmem:s20+$0xFFFFFFF0];
	(pc) =	sbr.rel @!p1 .LBB2_59-.Ltmp37, $4  }
0x34b: {  	v18 =	vld [tilespmem:s20+$0x0]  }
0x34c: {  	v15 =	vimm.f32 $0.0e+00;
	v16 =	vimm.f32 $0.0e+00;
	v19 =	vld [tilespmem:s20+$0x10]  }
0x34d: {  	v20 =	vimm.f32 $0.0e+00;
	v21 =	vimm.f32 $0.0e+00;
	v23 =	vld [tilespmem:s20+$0x20];
	v12 =	vadd.f32 v12, v15  }
0x34e: {  	v22 =	vimm.f32 $0.0e+00;
	s10 =	simm.s32 $0x1;
	v24 =	vld [tilespmem:s20+$0xFFFFFFC0];
	s20 =	sadd.s32 $0x80, s20;
	v13 =	vadd.f32 v13, v15;
	v14 =	vadd.f32 v14, v15  }
.LBB2_58:
0x34f: {  	v25 =	vld [tilespmem:s20+$0x30];
	s10 =	sadd.s32 $0x1, s10;
	v15 =	vadd.f32 v17, v15  }
0x350: {  	v26 =	vld [tilespmem:s20+$0xFFFFFFD0];
	p1 =	slt.s32 s10, s19;
	v16 =	vadd.f32 v18, v16  }
0x351: {  	v27 =	vld [tilespmem:s20+$0xFFFFFFE0];
	v20 =	vadd.f32 v19, v20  }
.Ltmp38:
0x352: {  	v17 =	vld [tilespmem:s20+$0xFFFFFFF0];
	v21 =	vadd.f32 v23, v21;
	(pc) =	sbr.rel @p1 .LBB2_58-.Ltmp38, $4  }
0x353: {  	v18 =	vld [tilespmem:s20+$0x0];
	v22 =	vadd.f32 v24, v22  }
0x354: {  	v19 =	vld [tilespmem:s20+$0x10];
	v12 =	vadd.f32 v25, v12  }
0x355: {  	v13 =	vadd.f32 v26, v13;
	v23 =	vld [tilespmem:s20+$0x20]  }
0x356: {  	v24 =	vld [tilespmem:s20+$0xFFFFFFC0];
	v14 =	vadd.f32 v27, v14;
	s20 =	sadd.s32 $0x80, s20  }
.LBB2_59:
.Ltmp39:
0x357: {  	_ = 	snop;
	(pc) =	sbr.rel .LBB2_60-.Ltmp39, $4  }
0x358: {  	_ = 	snop  }
0x359: {  	v15 =	vadd.f32 v17, v15  }
0x35a: {  	v16 =	vadd.f32 v18, v16;
	v17 =	vadd.f32 v19, v20  }
0x35b: {  	v18 =	vadd.f32 v23, v21;
	v19 =	vadd.f32 v24, v22  }
.LBB2_63:
0x35c: {  	v19 =	vimm.f32 $0.0e+00;
	v13 =	vimm.f32 $0.0e+00  }
0x35d: {  	v14 =	vimm.f32 $0.0e+00;
	v15 =	vimm.f32 $0.0e+00;
	v16 =	vimm.f32 $0.0e+00  }
0x35e: {  	v17 =	vimm.f32 $0.0e+00;
	v18 =	vimm.f32 $0.0e+00;
	v12 =	vimm.f32 $0.0e+00  }
.LBB2_67:
0x35f: {  	s10 =	sshll.u32 s2, $0x9  }
0x360: {  	s10 =	sshra.s32 s10, $0x2  }
0x361: {  	v20 =	vld [tilespmem:s10+$0x16500]  }
0x362: {  	v21 =	vld [tilespmem:s10+$0x16510]  }
0x363: {  	v22 =	vld [tilespmem:s10+$0x16520]  }
0x364: {  	v23 =	vld [tilespmem:s10+$0x16530]  }
0x365: {  	v24 =	vld [tilespmem:s10+$0x16540]  }
0x366: {  	v57 =	vld [tilespmem:s10+$0x16550];
	v19 =	vadd.f32 v20, v19  }
0x367: {  	v58 =	vld [tilespmem:s10+$0x16560];
	v13 =	vadd.f32 v21, v13  }
0x368: {  	v59 =	vld [tilespmem:s10+$0x16570];
	v14 =	vadd.f32 v22, v14;
	[tilespmem:s10+$0x16500] =	vst v19  }
0x369: {  	v60 =	vadd.f32 v23, v15;
	[tilespmem:s10+$0x16510] =	vst v13  }
0x36a: {  	v61 =	vadd.f32 v24, v16;
	[tilespmem:s10+$0x16520] =	vst v14  }
.Ltmp40:
0x36b: {  	v62 =	vadd.f32 v57, v17;
	[tilespmem:s10+$0x16530] =	vst v60;
	(pc) =	sbr.rel @!p0 .LBB2_68-.Ltmp40, $4  }
0x36c: {  	v63 =	vadd.f32 v58, v18;
	[tilespmem:s10+$0x16540] =	vst v61  }
0x36d: {  	p1 =	sgt.s32 s19, s13;
	v12 =	vadd.f32 v59, v12;
	[tilespmem:s10+$0x16550] =	vst v62  }
0x36e: {  	s31 =	smov.u32 @p1 s2;
	[tilespmem:s10+$0x16560] =	vst v63  }
0x36f: {  	s2 =	smov.u32 s31;
	[tilespmem:s10+$0x16570] =	vst v12;
	s10 =	smov.u32 s30  }
.LBB2_62:
0x370: {  	s31 =	sadd.s32 $0x1, s2  }
0x371: {  	v12 =	vmov s31;
	_ =	sdelay $0x4  }
0x372: {  	v12 =	vld.idx.msk [tilespmem:v12+s28+$0x0], $0xffff;
	_ =	sdelay $0x4  }
0x373: {  	v12 =	vnsel vm0, $0x0, v12  }
0x374: {  	(xrf0) =	vadd.scan.msk.s32 $0xffff, v12;
	_ =	sdelay $0x5  }
0x375: {  	v12, _, _ =	vpop (xrf0)  }
0x376: {  	(v2sf) =	vpush v12, $0xF;
	_ =	sdelay $0xe  }
0x377: {  	s19 =	spop (v2sf)  }
0x378: {  	s30 =	smov.u32 s13;
	p0 =	slt.s32 s19, s13  }
0x379: {  	s30 =	smov.u32 @p0 s19  }
0x37a: {  	s20 =	ssub.s32 s30, s10  }
0x37b: {  	p1 =	slt.s32 s20, $0x1  }
.Ltmp41:
0x37c: {  	_ = 	snop;
	(pc) =	sbr.rel @p1 .LBB2_63-.Ltmp41, $1  }
0x37d: {  	_ =	sdelay $0x3  }
0x37e: {  	s10 =	sadd.s32 s10, s4  }
0x37f: {  	s10 =	sshll.u32 s10, $0x9  }
0x380: {  	s10 =	sshra.s32 s10, $0x2  }
0x381: {  	s21 =	sadd.s32 $0xA540, s10  }
0x382: {  	v12 =	vld [tilespmem:s21+$0x30]  }
0x383: {  	v13 =	vld [tilespmem:s21+$0xFFFFFFD0]  }
0x384: {  	p1 =	sgt.s32 s20, $0x1;
	v14 =	vld [tilespmem:s21+$0xFFFFFFE0]  }
.Ltmp42:
0x385: {  	v17 =	vld [tilespmem:s21+$0xFFFFFFF0];
	(pc) =	sbr.rel @!p1 .LBB2_66-.Ltmp42, $4  }
0x386: {  	v18 =	vld [tilespmem:s21+$0x0]  }
0x387: {  	v15 =	vimm.f32 $0.0e+00;
	v16 =	vimm.f32 $0.0e+00;
	v19 =	vld [tilespmem:s21+$0x10]  }
0x388: {  	v20 =	vimm.f32 $0.0e+00;
	v21 =	vimm.f32 $0.0e+00;
	v23 =	vld [tilespmem:s21+$0x20];
	v12 =	vadd.f32 v12, v15  }
0x389: {  	v22 =	vimm.f32 $0.0e+00;
	s10 =	simm.s32 $0x1;
	v24 =	vld [tilespmem:s21+$0xFFFFFFC0];
	s21 =	sadd.s32 $0x80, s21;
	v13 =	vadd.f32 v13, v15;
	v14 =	vadd.f32 v14, v15  }
.LBB2_65:
0x38a: {  	v25 =	vld [tilespmem:s21+$0x30];
	s10 =	sadd.s32 $0x1, s10;
	v15 =	vadd.f32 v17, v15  }
0x38b: {  	v26 =	vld [tilespmem:s21+$0xFFFFFFD0];
	p1 =	slt.s32 s10, s20;
	v16 =	vadd.f32 v18, v16  }
0x38c: {  	v27 =	vld [tilespmem:s21+$0xFFFFFFE0];
	v20 =	vadd.f32 v19, v20  }
.Ltmp43:
0x38d: {  	v17 =	vld [tilespmem:s21+$0xFFFFFFF0];
	v21 =	vadd.f32 v23, v21;
	(pc) =	sbr.rel @p1 .LBB2_65-.Ltmp43, $4  }
0x38e: {  	v18 =	vld [tilespmem:s21+$0x0];
	v22 =	vadd.f32 v24, v22  }
0x38f: {  	v19 =	vld [tilespmem:s21+$0x10];
	v12 =	vadd.f32 v25, v12  }
0x390: {  	v13 =	vadd.f32 v26, v13;
	v23 =	vld [tilespmem:s21+$0x20]  }
0x391: {  	v24 =	vld [tilespmem:s21+$0xFFFFFFC0];
	v14 =	vadd.f32 v27, v14;
	s21 =	sadd.s32 $0x80, s21  }
.LBB2_66:
.Ltmp44:
0x392: {  	_ = 	snop;
	(pc) =	sbr.rel .LBB2_67-.Ltmp44, $4  }
0x393: {  	_ = 	snop  }
0x394: {  	v15 =	vadd.f32 v17, v15  }
0x395: {  	v16 =	vadd.f32 v18, v16;
	v17 =	vadd.f32 v19, v20  }
0x396: {  	v18 =	vadd.f32 v23, v21;
	v19 =	vadd.f32 v24, v22  }
.LBB2_70:
0x397: {  	v19 =	vimm.f32 $0.0e+00;
	v13 =	vimm.f32 $0.0e+00  }
0x398: {  	v14 =	vimm.f32 $0.0e+00;
	v15 =	vimm.f32 $0.0e+00;
	v16 =	vimm.f32 $0.0e+00  }
0x399: {  	v17 =	vimm.f32 $0.0e+00;
	v18 =	vimm.f32 $0.0e+00;
	v12 =	vimm.f32 $0.0e+00  }
.LBB2_74:
0x39a: {  	s10 =	sshll.u32 s2, $0x9  }
0x39b: {  	s10 =	sshra.s32 s10, $0x2  }
0x39c: {  	v20 =	vld [tilespmem:s10+$0x16500]  }
0x39d: {  	v21 =	vld [tilespmem:s10+$0x16510]  }
0x39e: {  	v22 =	vld [tilespmem:s10+$0x16520]  }
0x39f: {  	v23 =	vld [tilespmem:s10+$0x16530]  }
0x3a0: {  	v24 =	vld [tilespmem:s10+$0x16540]  }
0x3a1: {  	v57 =	vld [tilespmem:s10+$0x16550];
	v19 =	vadd.f32 v20, v19  }
0x3a2: {  	v58 =	vld [tilespmem:s10+$0x16560];
	v13 =	vadd.f32 v21, v13  }
0x3a3: {  	v59 =	vld [tilespmem:s10+$0x16570];
	v14 =	vadd.f32 v22, v14;
	[tilespmem:s10+$0x16500] =	vst v19  }
0x3a4: {  	v60 =	vadd.f32 v23, v15;
	[tilespmem:s10+$0x16510] =	vst v13  }
0x3a5: {  	v61 =	vadd.f32 v24, v16;
	[tilespmem:s10+$0x16520] =	vst v14  }
.Ltmp45:
0x3a6: {  	v62 =	vadd.f32 v57, v17;
	[tilespmem:s10+$0x16530] =	vst v60;
	(pc) =	sbr.rel @!p0 .LBB2_75-.Ltmp45, $4  }
0x3a7: {  	v63 =	vadd.f32 v58, v18;
	[tilespmem:s10+$0x16540] =	vst v61  }
0x3a8: {  	p1 =	sgt.s32 s19, s30;
	v12 =	vadd.f32 v59, v12;
	[tilespmem:s10+$0x16550] =	vst v62  }
0x3a9: {  	s31 =	smov.u32 @p1 s2;
	[tilespmem:s10+$0x16560] =	vst v63  }
0x3aa: {  	s2 =	smov.u32 s31;
	[tilespmem:s10+$0x16570] =	vst v12;
	s10 =	smov.u32 s13  }
.LBB2_69:
0x3ab: {  	s31 =	sadd.s32 $0x1, s2  }
0x3ac: {  	v12 =	vmov s31;
	_ =	sdelay $0x4  }
0x3ad: {  	v12 =	vld.idx.msk [tilespmem:v12+s28+$0x0], $0xffff;
	_ =	sdelay $0x4  }
0x3ae: {  	v12 =	vnsel vm0, $0x0, v12  }
0x3af: {  	(xrf0) =	vadd.scan.msk.s32 $0xffff, v12;
	_ =	sdelay $0x5  }
0x3b0: {  	v12, _, _ =	vpop (xrf0)  }
0x3b1: {  	(v2sf) =	vpush v12, $0xF;
	_ =	sdelay $0xe  }
0x3b2: {  	s19 =	spop (v2sf)  }
0x3b3: {  	s13 =	smov.u32 s30;
	p0 =	slt.s32 s19, s30  }
0x3b4: {  	s13 =	smov.u32 @p0 s19  }
0x3b5: {  	s20 =	ssub.s32 s13, s10  }
0x3b6: {  	p1 =	slt.s32 s20, $0x1  }
.Ltmp46:
0x3b7: {  	_ = 	snop;
	(pc) =	sbr.rel @p1 .LBB2_70-.Ltmp46, $1  }
0x3b8: {  	_ =	sdelay $0x3  }
0x3b9: {  	s10 =	sadd.s32 s10, s0  }
0x3ba: {  	s10 =	sshll.u32 s10, $0x9  }
0x3bb: {  	s10 =	sshra.s32 s10, $0x2  }
0x3bc: {  	s21 =	sadd.s32 $0xE540, s10  }
0x3bd: {  	v12 =	vld [tilespmem:s21+$0x30]  }
0x3be: {  	v13 =	vld [tilespmem:s21+$0xFFFFFFD0]  }
0x3bf: {  	p1 =	sgt.s32 s20, $0x1;
	v14 =	vld [tilespmem:s21+$0xFFFFFFE0]  }
.Ltmp47:
0x3c0: {  	v17 =	vld [tilespmem:s21+$0xFFFFFFF0];
	(pc) =	sbr.rel @!p1 .LBB2_73-.Ltmp47, $4  }
0x3c1: {  	v18 =	vld [tilespmem:s21+$0x0]  }
0x3c2: {  	v15 =	vimm.f32 $0.0e+00;
	v16 =	vimm.f32 $0.0e+00;
	v19 =	vld [tilespmem:s21+$0x10]  }
0x3c3: {  	v20 =	vimm.f32 $0.0e+00;
	v21 =	vimm.f32 $0.0e+00;
	v23 =	vld [tilespmem:s21+$0x20];
	v12 =	vadd.f32 v12, v15  }
0x3c4: {  	v22 =	vimm.f32 $0.0e+00;
	s10 =	simm.s32 $0x1;
	v24 =	vld [tilespmem:s21+$0xFFFFFFC0];
	s21 =	sadd.s32 $0x80, s21;
	v13 =	vadd.f32 v13, v15;
	v14 =	vadd.f32 v14, v15  }
.LBB2_72:
0x3c5: {  	v25 =	vld [tilespmem:s21+$0x30];
	s10 =	sadd.s32 $0x1, s10;
	v15 =	vadd.f32 v17, v15  }
0x3c6: {  	v26 =	vld [tilespmem:s21+$0xFFFFFFD0];
	p1 =	slt.s32 s10, s20;
	v16 =	vadd.f32 v18, v16  }
0x3c7: {  	v27 =	vld [tilespmem:s21+$0xFFFFFFE0];
	v20 =	vadd.f32 v19, v20  }
.Ltmp48:
0x3c8: {  	v17 =	vld [tilespmem:s21+$0xFFFFFFF0];
	v21 =	vadd.f32 v23, v21;
	(pc) =	sbr.rel @p1 .LBB2_72-.Ltmp48, $4  }
0x3c9: {  	v18 =	vld [tilespmem:s21+$0x0];
	v22 =	vadd.f32 v24, v22  }
0x3ca: {  	v19 =	vld [tilespmem:s21+$0x10];
	v12 =	vadd.f32 v25, v12  }
0x3cb: {  	v13 =	vadd.f32 v26, v13;
	v23 =	vld [tilespmem:s21+$0x20]  }
0x3cc: {  	v24 =	vld [tilespmem:s21+$0xFFFFFFC0];
	v14 =	vadd.f32 v27, v14;
	s21 =	sadd.s32 $0x80, s21  }
.LBB2_73:
.Ltmp49:
0x3cd: {  	_ = 	snop;
	(pc) =	sbr.rel .LBB2_74-.Ltmp49, $4  }
0x3ce: {  	_ = 	snop  }
0x3cf: {  	v15 =	vadd.f32 v17, v15  }
0x3d0: {  	v16 =	vadd.f32 v18, v16;
	v17 =	vadd.f32 v19, v20  }
0x3d1: {  	v18 =	vadd.f32 v23, v21;
	v19 =	vadd.f32 v24, v22  }
.LBB2_77:
0x3d2: {  	v19 =	vimm.f32 $0.0e+00;
	v13 =	vimm.f32 $0.0e+00  }
0x3d3: {  	v14 =	vimm.f32 $0.0e+00;
	v15 =	vimm.f32 $0.0e+00;
	v16 =	vimm.f32 $0.0e+00  }
0x3d4: {  	v17 =	vimm.f32 $0.0e+00;
	v18 =	vimm.f32 $0.0e+00;
	v12 =	vimm.f32 $0.0e+00  }
.LBB2_81:
0x3d5: {  	s10 =	sshll.u32 s2, $0x9  }
0x3d6: {  	s10 =	sshra.s32 s10, $0x2  }
0x3d7: {  	v20 =	vld [tilespmem:s10+$0x16500]  }
0x3d8: {  	v21 =	vld [tilespmem:s10+$0x16510]  }
0x3d9: {  	v22 =	vld [tilespmem:s10+$0x16520]  }
0x3da: {  	v23 =	vld [tilespmem:s10+$0x16530]  }
0x3db: {  	v24 =	vld [tilespmem:s10+$0x16540]  }
0x3dc: {  	v57 =	vld [tilespmem:s10+$0x16550];
	v19 =	vadd.f32 v20, v19  }
0x3dd: {  	v58 =	vld [tilespmem:s10+$0x16560];
	v13 =	vadd.f32 v21, v13  }
0x3de: {  	v59 =	vld [tilespmem:s10+$0x16570];
	v14 =	vadd.f32 v22, v14;
	[tilespmem:s10+$0x16500] =	vst v19  }
0x3df: {  	v60 =	vadd.f32 v23, v15;
	[tilespmem:s10+$0x16510] =	vst v13  }
0x3e0: {  	v61 =	vadd.f32 v24, v16;
	[tilespmem:s10+$0x16520] =	vst v14  }
.Ltmp50:
0x3e1: {  	v62 =	vadd.f32 v57, v17;
	[tilespmem:s10+$0x16530] =	vst v60;
	(pc) =	sbr.rel @!p0 .LBB2_82-.Ltmp50, $4  }
0x3e2: {  	v63 =	vadd.f32 v58, v18;
	[tilespmem:s10+$0x16540] =	vst v61  }
0x3e3: {  	p1 =	sgt.s32 s19, s12;
	v12 =	vadd.f32 v59, v12;
	[tilespmem:s10+$0x16550] =	vst v62  }
0x3e4: {  	s11 =	smov.u32 @p1 s2;
	[tilespmem:s10+$0x16560] =	vst v63  }
0x3e5: {  	s2 =	smov.u32 s11;
	[tilespmem:s10+$0x16570] =	vst v12;
	s10 =	smov.u32 s13  }
.LBB2_76:
0x3e6: {  	s11 =	sadd.s32 $0x1, s2  }
0x3e7: {  	v12 =	vmov s11;
	_ =	sdelay $0x4  }
0x3e8: {  	v12 =	vld.idx.msk [tilespmem:v12+s28+$0x0], $0xffff;
	_ =	sdelay $0x4  }
0x3e9: {  	v12 =	vnsel vm0, $0x0, v12  }
0x3ea: {  	(xrf0) =	vadd.scan.msk.s32 $0xffff, v12;
	_ =	sdelay $0x5  }
0x3eb: {  	v12, _, _ =	vpop (xrf0)  }
0x3ec: {  	(v2sf) =	vpush v12, $0xF;
	_ =	sdelay $0xe  }
0x3ed: {  	s19 =	spop (v2sf)  }
0x3ee: {  	s13 =	smov.u32 s12;
	p0 =	slt.s32 s19, s12  }
0x3ef: {  	s13 =	smov.u32 @p0 s19  }
0x3f0: {  	s20 =	ssub.s32 s13, s10  }
0x3f1: {  	p1 =	slt.s32 s20, $0x1  }
.Ltmp51:
0x3f2: {  	_ = 	snop;
	(pc) =	sbr.rel @p1 .LBB2_77-.Ltmp51, $1  }
0x3f3: {  	_ =	sdelay $0x3  }
0x3f4: {  	s10 =	sadd.s32 s10, s6  }
0x3f5: {  	s10 =	sshll.u32 s10, $0x9  }
0x3f6: {  	s10 =	sshra.s32 s10, $0x2  }
0x3f7: {  	s21 =	sadd.s32 $0x12540, s10  }
0x3f8: {  	v12 =	vld [tilespmem:s21+$0x30]  }
0x3f9: {  	v13 =	vld [tilespmem:s21+$0xFFFFFFD0]  }
0x3fa: {  	p1 =	sgt.s32 s20, $0x1;
	v14 =	vld [tilespmem:s21+$0xFFFFFFE0]  }
.Ltmp52:
0x3fb: {  	v17 =	vld [tilespmem:s21+$0xFFFFFFF0];
	(pc) =	sbr.rel @!p1 .LBB2_80-.Ltmp52, $4  }
0x3fc: {  	v18 =	vld [tilespmem:s21+$0x0]  }
0x3fd: {  	v15 =	vimm.f32 $0.0e+00;
	v16 =	vimm.f32 $0.0e+00;
	v19 =	vld [tilespmem:s21+$0x10]  }
0x3fe: {  	v20 =	vimm.f32 $0.0e+00;
	v21 =	vimm.f32 $0.0e+00;
	v23 =	vld [tilespmem:s21+$0x20];
	v12 =	vadd.f32 v12, v15  }
0x3ff: {  	v22 =	vimm.f32 $0.0e+00;
	s10 =	simm.s32 $0x1;
	v24 =	vld [tilespmem:s21+$0xFFFFFFC0];
	s21 =	sadd.s32 $0x80, s21;
	v13 =	vadd.f32 v13, v15;
	v14 =	vadd.f32 v14, v15  }
.LBB2_79:
0x400: {  	v25 =	vld [tilespmem:s21+$0x30];
	s10 =	sadd.s32 $0x1, s10;
	v15 =	vadd.f32 v17, v15  }
0x401: {  	v26 =	vld [tilespmem:s21+$0xFFFFFFD0];
	p1 =	slt.s32 s10, s20;
	v16 =	vadd.f32 v18, v16  }
0x402: {  	v27 =	vld [tilespmem:s21+$0xFFFFFFE0];
	v20 =	vadd.f32 v19, v20  }
.Ltmp53:
0x403: {  	v17 =	vld [tilespmem:s21+$0xFFFFFFF0];
	v21 =	vadd.f32 v23, v21;
	(pc) =	sbr.rel @p1 .LBB2_79-.Ltmp53, $4  }
0x404: {  	v18 =	vld [tilespmem:s21+$0x0];
	v22 =	vadd.f32 v24, v22  }
0x405: {  	v19 =	vld [tilespmem:s21+$0x10];
	v12 =	vadd.f32 v25, v12  }
0x406: {  	v13 =	vadd.f32 v26, v13;
	v23 =	vld [tilespmem:s21+$0x20]  }
0x407: {  	v24 =	vld [tilespmem:s21+$0xFFFFFFC0];
	v14 =	vadd.f32 v27, v14;
	s21 =	sadd.s32 $0x80, s21  }
.LBB2_80:
.Ltmp54:
0x408: {  	_ = 	snop;
	(pc) =	sbr.rel .LBB2_81-.Ltmp54, $4  }
0x409: {  	_ = 	snop  }
0x40a: {  	v15 =	vadd.f32 v17, v15  }
0x40b: {  	v16 =	vadd.f32 v18, v16;
	v17 =	vadd.f32 v19, v20  }
0x40c: {  	v18 =	vadd.f32 v23, v21;
	v19 =	vadd.f32 v24, v22  }
.LBB2_83:
0x40d: {  	p1 =	slt.s32 s5, $0x1880;
	s0 =	smov.u32 s5  }
0x40e: {  	s0 =	simm.s32 @!p1 $0x1880  }
0x40f: {  	p1 =	sge.s32 s10, s0  }
.Ltmp55:
0x410: {  	p0 =	slt.s32 s5, $0x1801;
	(pc) =	sbr.rel @!p1 .LBB2_84-.Ltmp55, $4  }
0x411: {  	s4 =	simm.s32 @!p0 $0x1  }
0x412: {  	_ =	swait.ge @!p0 [sflag:s4], $0x4000  }
0x413: {  	[sflag:s4] =	ssyncset.done @!p0 $0x0  }
0x414: {  	s11 =	simm.s32 $0x1BD00;
	[sflag:s4] =	ssyncadd.s32 @!p0 $0xFFFFC000  }
.LBB2_93:
0x415: {  	p1 =	slt.s32 s5, $0x1900  }
0x416: {  	p0 =	slt.s32 s5, $0x1881;
	s5 =	simm.s32 @!p1 $0x1900  }
0x417: {  	p1 =	sge.s32 s10, s5  }
.Ltmp56:
0x418: {  	_ = 	snop;
	(pc) =	sbr.rel @p1 .LBB2_103-.Ltmp56, $4  }
.Ltmp57:
0x419: {  	s0 =	simm.s32 @!p0 $0x2;
	(pc) =	sbr.rel @!p1 .LBB2_94-.Ltmp57, $4  }
0x41a: {  	_ =	swait.ge @!p0 [sflag:s0], $0x4000  }
0x41b: {  	[sflag:s0] =	ssyncset.done @!p0 $0x0  }
0x41c: {  	s9 =	simm.s32 $0x1AD00;
	[sflag:s0] =	ssyncadd.s32 @!p0 $0xFFFFC000  }
0x41d: {  	_ = 	snop  }
.LBB2_85:
0x41e: {  	v19 =	vimm.f32 $0.0e+00;
	v18 =	vimm.f32 $0.0e+00  }
0x41f: {  	v15 =	vimm.f32 $0.0e+00;
	v14 =	vimm.f32 $0.0e+00;
	v12 =	vimm.f32 $0.0e+00  }
0x420: {  	v16 =	vimm.f32 $0.0e+00;
	v17 =	vimm.f32 $0.0e+00;
	v13 =	vimm.f32 $0.0e+00  }
.LBB2_92:
0x421: {  	s4 =	sshll.u32 s2, $0x9  }
0x422: {  	s4 =	sshra.s32 s4, $0x2  }
0x423: {  	v20 =	vld [tilespmem:s4+$0x16500]  }
0x424: {  	v21 =	vld [tilespmem:s4+$0x16510]  }
0x425: {  	v22 =	vld [tilespmem:s4+$0x16520]  }
0x426: {  	v23 =	vld [tilespmem:s4+$0x16530]  }
0x427: {  	v24 =	vld [tilespmem:s4+$0x16540]  }
0x428: {  	v59 =	vld [tilespmem:s4+$0x16550];
	v19 =	vadd.f32 v20, v19  }
0x429: {  	v60 =	vld [tilespmem:s4+$0x16560];
	v18 =	vadd.f32 v21, v18  }
0x42a: {  	v61 =	vld [tilespmem:s4+$0x16570];
	v15 =	vadd.f32 v22, v15;
	[tilespmem:s4+$0x16500] =	vst v19  }
0x42b: {  	v14 =	vadd.f32 v23, v14;
	[tilespmem:s4+$0x16510] =	vst v18  }
0x42c: {  	v12 =	vadd.f32 v24, v12;
	[tilespmem:s4+$0x16520] =	vst v15  }
.Ltmp58:
0x42d: {  	v62 =	vadd.f32 v59, v16;
	[tilespmem:s4+$0x16530] =	vst v14;
	(pc) =	sbr.rel @!p0 .LBB2_93-.Ltmp58, $4  }
0x42e: {  	v63 =	vadd.f32 v60, v17;
	[tilespmem:s4+$0x16540] =	vst v12  }
0x42f: {  	p1 =	sgt.s32 s7, s0;
	v13 =	vadd.f32 v61, v13;
	[tilespmem:s4+$0x16550] =	vst v62  }
0x430: {  	s8 =	smov.u32 @p1 s2;
	[tilespmem:s4+$0x16560] =	vst v63  }
0x431: {  	s10 =	smov.u32 s6;
	s2 =	smov.u32 s8;
	[tilespmem:s4+$0x16570] =	vst v13  }
.LBB2_84:
0x432: {  	s8 =	sadd.s32 $0x1, s2  }
0x433: {  	v12 =	vmov s8;
	_ =	sdelay $0x4  }
0x434: {  	v12 =	vld.idx.msk [tilespmem:v12+s28+$0x0], $0xffff;
	_ =	sdelay $0x4  }
0x435: {  	v12 =	vnsel vm0, $0x0, v12  }
0x436: {  	(xrf0) =	vadd.scan.msk.s32 $0xffff, v12;
	_ =	sdelay $0x5  }
0x437: {  	v12, _, _ =	vpop (xrf0)  }
0x438: {  	(v2sf) =	vpush v12, $0xF;
	_ =	sdelay $0xe  }
0x439: {  	s7 =	spop (v2sf)  }
0x43a: {  	s6 =	smov.u32 s0;
	p0 =	slt.s32 s7, s0  }
0x43b: {  	s6 =	smov.u32 @p0 s7  }
0x43c: {  	s9 =	ssub.s32 s6, s10  }
0x43d: {  	p1 =	slt.s32 s9, $0x1  }
.Ltmp59:
0x43e: {  	_ = 	snop;
	(pc) =	sbr.rel @p1 .LBB2_85-.Ltmp59, $1  }
0x43f: {  	_ =	sdelay $0x3  }
0x440: {  	p2 =	sne.s32 s9, $0x1  }
.Ltmp60:
0x441: {  	_ = 	snop;
	(pc) =	sbr.rel @!p2 .LBB2_87-.Ltmp60, $4  }
0x442: {  	s4 =	sshll.u32 s10, $0x9  }
0x443: {  	s4 =	sshra.s32 s4, $0x2  }
0x444: {  	s4 =	sadd.s32 $0xFFF46500, s4  }
0x445: {  	v12 =	vimm.f32 $0.0e+00;
	s9 =	sadd.s32 $0xFFFFFFFF, s9;
	p1 =	por $0x0, $0x0;
	v14 =	vld [tilespmem:s4+$0x70]  }
0x446: {  	v15 =	vld [tilespmem:s4+$0x10]  }
0x447: {  	v16 =	vld [tilespmem:s4+$0x20]  }
0x448: {  	v17 =	vld [tilespmem:s4+$0x30];
	p2 =	sne.s32 s9, $0x1  }
.Ltmp61:
0x449: {  	v19 =	vld [tilespmem:s4+$0x40];
	(pc) =	sbr.rel @!p2 .LBB2_89-.Ltmp61, $4  }
0x44a: {  	v20 =	vld [tilespmem:s4+$0x50]  }
0x44b: {  	v21 =	vld [tilespmem:s4+$0x60];
	v18 =	vimm.f32 $0.0e+00;
	v22 =	vimm.f32 $0.0e+00  }
0x44c: {  	v23 =	vld [tilespmem:s4+$0x0];
	s4 =	sadd.s32 $0x80, s4;
	v24 =	vimm.f32 $0.0e+00;
	v13 =	vadd.f32 v14, v12;
	v15 =	vadd.f32 v15, v12  }
0x44d: {  	s9 =	sadd.s32 $0xFFFFFFFF, s9;
	p1 =	por $0x1, $0x1;
	v25 =	vimm.f32 $0.0e+00;
	v14 =	vld [tilespmem:s4+$0x70];
	v16 =	vadd.f32 v16, v12;
	v17 =	vadd.f32 v17, v12  }
.LBB2_90:
0x44e: {  	p2 =	sne.s32 s9, $0x1;
	v26 =	vld [tilespmem:s4+$0x10];
	v18 =	vadd.f32 v19, v18  }
0x44f: {  	v27 =	vld [tilespmem:s4+$0x20];
	v22 =	vadd.f32 v20, v22  }
0x450: {  	v28 =	vld [tilespmem:s4+$0x30];
	v24 =	vadd.f32 v21, v24  }
.Ltmp62:
0x451: {  	v19 =	vld [tilespmem:s4+$0x40];
	v25 =	vadd.f32 v23, v25;
	(pc) =	sbr.rel @p2 .LBB2_90-.Ltmp62, $4  }
0x452: {  	v20 =	vld [tilespmem:s4+$0x50];
	v13 =	vadd.f32 v14, v13  }
0x453: {  	v15 =	vadd.f32 v26, v15;
	v21 =	vld [tilespmem:s4+$0x60]  }
0x454: {  	v23 =	vld [tilespmem:s4+$0x0];
	v16 =	vadd.f32 v27, v16;
	s4 =	sadd.s32 $0x80, s4  }
0x455: {  	s9 =	sadd.s32 $0xFFFFFFFF, s9;
	v14 =	vld [tilespmem:s4+$0x70];
	v17 =	vadd.f32 v28, v17  }
.LBB2_91:
0x456: {  	v26 =	vld [tilespmem:s4+$0x10]  }
0x457: {  	v27 =	vld [tilespmem:s4+$0x20]  }
0x458: {  	v28 =	vld [tilespmem:s4+$0x30]  }
0x459: {  	v29 =	vld [tilespmem:s4+$0x40]  }
0x45a: {  	v30 =	vld [tilespmem:s4+$0x50]  }
0x45b: {  	v19 =	vadd.f32 @p1 v19, v18;
	v62 =	vld [tilespmem:s4+$0x60];
	v20 =	vadd.f32 @p1 v20, v22  }
0x45c: {  	v63 =	vld [tilespmem:s4+$0x0];
	v21 =	vadd.f32 @p1 v21, v24;
	v23 =	vadd.f32 @p1 v23, v25  }
.Ltmp63:
0x45d: {  	v13 =	vadd.f32 v14, v13;
	v18 =	vadd.f32 v26, v15;
	(pc) =	sbr.rel .LBB2_92-.Ltmp63, $4  }
0x45e: {  	v15 =	vadd.f32 v27, v16;
	v14 =	vadd.f32 v28, v17  }
0x45f: {  	v16 =	vpsel p1, v19, v12;
	v17 =	vpsel p1, v20, v12;
	v19 =	vpsel p1, v21, v12  }
0x460: {  	v20 =	vpsel p1, v23, v12;
	v12 =	vadd.f32 v29, v16;
	v16 =	vadd.f32 v30, v17  }
0x461: {  	v17 =	vadd.f32 v62, v19;
	v19 =	vadd.f32 v63, v20  }
.LBB2_87:
.Ltmp64:
0x462: {  	(pc) =	sbr.rel .LBB2_91-.Ltmp64, $4  }
0x463: {  	_ = 	snop  }
0x464: {  	v18 =	vimm.f32 $0.0e+00;
	v22 =	vimm.f32 $0.0e+00  }
0x465: {  	v24 =	vimm.f32 $0.0e+00;
	v25 =	vimm.f32 $0.0e+00;
	v13 =	vimm.f32 $0.0e+00  }
0x466: {  	v15 =	vimm.f32 $0.0e+00;
	v16 =	vimm.f32 $0.0e+00;
	v17 =	vimm.f32 $0.0e+00  }
.LBB2_89:
.Ltmp65:
0x467: {  	(pc) =	sbr.rel .LBB2_91-.Ltmp65, $3  }
0x468: {  	_ =	sdelay $0x1  }
0x469: {  	v18 =	vimm.f32 $0.0e+00  }
0x46a: {  	v22 =	vimm.f32 $0.0e+00;
	v24 =	vimm.f32 $0.0e+00;
	v25 =	vimm.f32 $0.0e+00  }
.LBB2_95:
0x46b: {  	v19 =	vimm.f32 $0.0e+00;
	v18 =	vimm.f32 $0.0e+00  }
0x46c: {  	v15 =	vimm.f32 $0.0e+00;
	v14 =	vimm.f32 $0.0e+00;
	v12 =	vimm.f32 $0.0e+00  }
0x46d: {  	v16 =	vimm.f32 $0.0e+00;
	v17 =	vimm.f32 $0.0e+00;
	v13 =	vimm.f32 $0.0e+00  }
.LBB2_102:
0x46e: {  	s4 =	sshll.u32 s2, $0x9  }
0x46f: {  	s4 =	sshra.s32 s4, $0x2  }
0x470: {  	v20 =	vld [tilespmem:s4+$0x16500]  }
0x471: {  	v21 =	vld [tilespmem:s4+$0x16510]  }
0x472: {  	v22 =	vld [tilespmem:s4+$0x16520]  }
0x473: {  	v23 =	vld [tilespmem:s4+$0x16530]  }
0x474: {  	v24 =	vld [tilespmem:s4+$0x16540]  }
0x475: {  	v59 =	vld [tilespmem:s4+$0x16550];
	v19 =	vadd.f32 v20, v19  }
0x476: {  	v60 =	vld [tilespmem:s4+$0x16560];
	v18 =	vadd.f32 v21, v18  }
0x477: {  	v61 =	vld [tilespmem:s4+$0x16570];
	v15 =	vadd.f32 v22, v15;
	[tilespmem:s4+$0x16500] =	vst v19  }
0x478: {  	v14 =	vadd.f32 v23, v14;
	[tilespmem:s4+$0x16510] =	vst v18  }
0x479: {  	v12 =	vadd.f32 v24, v12;
	[tilespmem:s4+$0x16520] =	vst v15  }
.Ltmp66:
0x47a: {  	v62 =	vadd.f32 v59, v16;
	[tilespmem:s4+$0x16530] =	vst v14;
	(pc) =	sbr.rel @!p0 .LBB2_103-.Ltmp66, $4  }
0x47b: {  	v63 =	vadd.f32 v60, v17;
	[tilespmem:s4+$0x16540] =	vst v12  }
0x47c: {  	p1 =	sgt.s32 s6, s5;
	v13 =	vadd.f32 v61, v13;
	[tilespmem:s4+$0x16550] =	vst v62  }
0x47d: {  	s0 =	smov.u32 @p1 s2;
	[tilespmem:s4+$0x16560] =	vst v63  }
0x47e: {  	s10 =	smov.u32 s7;
	s2 =	smov.u32 s0;
	[tilespmem:s4+$0x16570] =	vst v13  }
.LBB2_94:
0x47f: {  	s0 =	sadd.s32 $0x1, s2  }
0x480: {  	v12 =	vmov s0;
	_ =	sdelay $0x4  }
0x481: {  	v12 =	vld.idx.msk [tilespmem:v12+s28+$0x0], $0xffff;
	_ =	sdelay $0x4  }
0x482: {  	v12 =	vnsel vm0, $0x0, v12  }
0x483: {  	(xrf0) =	vadd.scan.msk.s32 $0xffff, v12;
	_ =	sdelay $0x5  }
0x484: {  	v12, _, _ =	vpop (xrf0)  }
0x485: {  	(v2sf) =	vpush v12, $0xF;
	_ =	sdelay $0xe  }
0x486: {  	s6 =	spop (v2sf)  }
0x487: {  	s7 =	smov.u32 s5;
	p0 =	slt.s32 s6, s5  }
0x488: {  	s7 =	smov.u32 @p0 s6  }
0x489: {  	s8 =	ssub.s32 s7, s10  }
0x48a: {  	p1 =	slt.s32 s8, $0x1  }
.Ltmp67:
0x48b: {  	_ = 	snop;
	(pc) =	sbr.rel @p1 .LBB2_95-.Ltmp67, $1  }
0x48c: {  	_ =	sdelay $0x3  }
0x48d: {  	p2 =	sne.s32 s8, $0x1  }
.Ltmp68:
0x48e: {  	_ = 	snop;
	(pc) =	sbr.rel @!p2 .LBB2_97-.Ltmp68, $4  }
0x48f: {  	s4 =	sshll.u32 s10, $0x9  }
0x490: {  	s4 =	sshra.s32 s4, $0x2  }
0x491: {  	s4 =	sadd.s32 $0xFFF46500, s4  }
0x492: {  	v12 =	vimm.f32 $0.0e+00;
	s8 =	sadd.s32 $0xFFFFFFFF, s8;
	p1 =	por $0x0, $0x0;
	v14 =	vld [tilespmem:s4+$0x70]  }
0x493: {  	v15 =	vld [tilespmem:s4+$0x10]  }
0x494: {  	v16 =	vld [tilespmem:s4+$0x20]  }
0x495: {  	v17 =	vld [tilespmem:s4+$0x30];
	p2 =	sne.s32 s8, $0x1  }
.Ltmp69:
0x496: {  	v19 =	vld [tilespmem:s4+$0x40];
	(pc) =	sbr.rel @!p2 .LBB2_99-.Ltmp69, $4  }
0x497: {  	v20 =	vld [tilespmem:s4+$0x50]  }
0x498: {  	v21 =	vld [tilespmem:s4+$0x60];
	v18 =	vimm.f32 $0.0e+00;
	v22 =	vimm.f32 $0.0e+00  }
0x499: {  	v23 =	vld [tilespmem:s4+$0x0];
	s4 =	sadd.s32 $0x80, s4;
	v24 =	vimm.f32 $0.0e+00;
	v13 =	vadd.f32 v14, v12;
	v15 =	vadd.f32 v15, v12  }
0x49a: {  	s8 =	sadd.s32 $0xFFFFFFFF, s8;
	p1 =	por $0x1, $0x1;
	v25 =	vimm.f32 $0.0e+00;
	v14 =	vld [tilespmem:s4+$0x70];
	v16 =	vadd.f32 v16, v12;
	v17 =	vadd.f32 v17, v12  }
.LBB2_100:
0x49b: {  	p2 =	sne.s32 s8, $0x1;
	v26 =	vld [tilespmem:s4+$0x10];
	v18 =	vadd.f32 v19, v18  }
0x49c: {  	v27 =	vld [tilespmem:s4+$0x20];
	v22 =	vadd.f32 v20, v22  }
0x49d: {  	v28 =	vld [tilespmem:s4+$0x30];
	v24 =	vadd.f32 v21, v24  }
.Ltmp70:
0x49e: {  	v19 =	vld [tilespmem:s4+$0x40];
	v25 =	vadd.f32 v23, v25;
	(pc) =	sbr.rel @p2 .LBB2_100-.Ltmp70, $4  }
0x49f: {  	v20 =	vld [tilespmem:s4+$0x50];
	v13 =	vadd.f32 v14, v13  }
0x4a0: {  	v15 =	vadd.f32 v26, v15;
	v21 =	vld [tilespmem:s4+$0x60]  }
0x4a1: {  	v23 =	vld [tilespmem:s4+$0x0];
	v16 =	vadd.f32 v27, v16;
	s4 =	sadd.s32 $0x80, s4  }
0x4a2: {  	s8 =	sadd.s32 $0xFFFFFFFF, s8;
	v14 =	vld [tilespmem:s4+$0x70];
	v17 =	vadd.f32 v28, v17  }
.LBB2_101:
0x4a3: {  	v26 =	vld [tilespmem:s4+$0x10]  }
0x4a4: {  	v27 =	vld [tilespmem:s4+$0x20]  }
0x4a5: {  	v28 =	vld [tilespmem:s4+$0x30]  }
0x4a6: {  	v29 =	vld [tilespmem:s4+$0x40]  }
0x4a7: {  	v30 =	vld [tilespmem:s4+$0x50]  }
0x4a8: {  	v19 =	vadd.f32 @p1 v19, v18;
	v62 =	vld [tilespmem:s4+$0x60];
	v20 =	vadd.f32 @p1 v20, v22  }
0x4a9: {  	v63 =	vld [tilespmem:s4+$0x0];
	v21 =	vadd.f32 @p1 v21, v24;
	v23 =	vadd.f32 @p1 v23, v25  }
.Ltmp71:
0x4aa: {  	v13 =	vadd.f32 v14, v13;
	v18 =	vadd.f32 v26, v15;
	(pc) =	sbr.rel .LBB2_102-.Ltmp71, $4  }
0x4ab: {  	v15 =	vadd.f32 v27, v16;
	v14 =	vadd.f32 v28, v17  }
0x4ac: {  	v16 =	vpsel p1, v19, v12;
	v17 =	vpsel p1, v20, v12;
	v19 =	vpsel p1, v21, v12  }
0x4ad: {  	v20 =	vpsel p1, v23, v12;
	v12 =	vadd.f32 v29, v16;
	v16 =	vadd.f32 v30, v17  }
0x4ae: {  	v17 =	vadd.f32 v62, v19;
	v19 =	vadd.f32 v63, v20  }
.LBB2_97:
.Ltmp72:
0x4af: {  	(pc) =	sbr.rel .LBB2_101-.Ltmp72, $4  }
0x4b0: {  	_ = 	snop  }
0x4b1: {  	v18 =	vimm.f32 $0.0e+00;
	v22 =	vimm.f32 $0.0e+00  }
0x4b2: {  	v24 =	vimm.f32 $0.0e+00;
	v25 =	vimm.f32 $0.0e+00;
	v13 =	vimm.f32 $0.0e+00  }
0x4b3: {  	v15 =	vimm.f32 $0.0e+00;
	v16 =	vimm.f32 $0.0e+00;
	v17 =	vimm.f32 $0.0e+00  }
.LBB2_99:
.Ltmp73:
0x4b4: {  	(pc) =	sbr.rel .LBB2_101-.Ltmp73, $3  }
0x4b5: {  	_ =	sdelay $0x1  }
0x4b6: {  	v18 =	vimm.f32 $0.0e+00  }
0x4b7: {  	v22 =	vimm.f32 $0.0e+00;
	v24 =	vimm.f32 $0.0e+00;
	v25 =	vimm.f32 $0.0e+00  }
.LBB2_104:
0x4b8: {  	_ =	sfence.sel $0x180000  }
0x4b9: {  	[bflag:$0x0] =	sbarrier.arrive $0xFFFF  }
0x4ba: {  	_ =	strace $0x90000047  }
0x4bb: {  	s0 =	stileid.u32;
	[bflag:$0x2] =	sbarrier.arrive $0xFFFF  }
0x4bc: {  	p0 =	sne.s32 s0, $0x0;
	s0 =	rddreg [dreg:$0x4]  }
0x4bd: {  	s0 =	sadd.s32 @!p0 $0x100000, s0  }
0x4be: {  	[sflag:s0] =	ssyncadd.tile.s32 @!p0 $0x1;
	_ =	shalt  }
.Lfunc_end2:
_tile_overlayer_lowered:
.L_overlay_start_2:
0x4bf: {  	(tag) =	ssettag $0x2  }
0x4c0: {  	s0 =	rddreg [dreg:$0x0];
	s2 =	stileid.u32  }
0x4c1: {  	s1 =	rddreg [dreg:$0x1];
	p0 =	sne.s32 s2, $0x0  }
0x4c2: {  	s3 =	rddreg [dreg:$0x2];
	[bflag:$0x3] =	sbarrier.arrive $0xFFFF;
	s2 =	simm.s32 @!p0 $0x1C06  }
0x4c3: {  	[timem:s3], [sflag:s2] =	dma.local @!p0 [hbm:s0], s1  }
0x4c4: {  	s0 =	simm.s32 @!p0 $0x6  }
0x4c5: {  	_ =	swait.ge @!p0 [sflag:s0], s1  }
0x4c6: {  	s1 =	ssub.s32 @!p0 $0x0, s1;
	[sflag:s0] =	ssyncset.done @!p0 $0x0  }
0x4c7: {  	[sflag:s0] =	ssyncadd.s32 @!p0 s1  }
0x4c8: {  	[bflag:$0x3] =	sbarrier.arrive $0xFFFF  }
0x4c9: {  	_ =	shalt  }

</sc_bundles>
